<compile_context>
chip_gen: v7x
topology: tpu7x:2x2x1
jax: 0.10.2.dev20260603
libtpu: 0.0.44.dev20260713+nightly
codegen_flags: <defaults>
</compile_context>

<pallas_src>
import functools

import jax
import jax.numpy as jnp
from jax import lax
from jax.experimental import pallas as pl
from jax.experimental.pallas import tpu as pltpu
from jax.experimental.pallas import tpu_sc as plsc

N = 10000
E = 320000
D = 128
G = 64
H_MLP = 64
D_OUT = 64

NC, NS, L = 2, 16, 16
NW = NC * NS
CHUNK = 128
EPW = 10240
EPAD = NW * EPW
NCH = EPW // CHUNK
NPAD = 10240
RPT = NPAD // NS
NBUF = 2

_sc_mesh = plsc.VectorSubcoreMesh(
    core_axis_name="c", subcore_axis_name="s", num_cores=NC, num_subcores=NS)


@functools.partial(
    pl.kernel,
    out_type=jax.ShapeDtypeStruct((NC, NPAD), jnp.float32),
    mesh=_sc_mesh,
    scratch_types=[
        pltpu.VMEM((NCH, CHUNK), jnp.int32),
        pltpu.VMEM((CHUNK,), jnp.float32),
        pltpu.VMEM((RPT,), jnp.float32),
        pltpu.VMEM_SHARED((NPAD,), jnp.float32),
    ],
)
def _deg_kernel(dst_hbm, zeros_hbm, out_hbm, idx_v, ones_v, buf_v, hist_sh):
    c = lax.axis_index("c")
    s = lax.axis_index("s")
    w = c * NS + s
    for k in range(CHUNK // L):
        ones_v[pl.ds(k * L, L)] = jnp.ones((L,), jnp.float32)
    pltpu.sync_copy(zeros_hbm, buf_v)
    pltpu.sync_copy(buf_v, hist_sh.at[pl.ds(s * RPT, RPT)])
    pltpu.sync_copy(dst_hbm.at[pl.ds(w * NCH, NCH)], idx_v)
    plsc.subcore_barrier()

    @pl.loop(0, NCH)
    def _(j):
        pltpu.sync_copy(ones_v, hist_sh.at[idx_v.at[j]], add=True)

    plsc.subcore_barrier()
    pltpu.sync_copy(hist_sh.at[pl.ds(s * RPT, RPT)], buf_v)
    pltpu.sync_copy(buf_v, out_hbm.at[c].at[pl.ds(s * RPT, RPT)])


RB = 1000


def _mm_body(x_ref, w_ref, hist_ref, h2_ref, dinv_ref):
    deg = hist_ref[0] + hist_ref[1] + 1.0
    dinv = lax.rsqrt(deg)
    h = jnp.dot(x_ref[...], w_ref[...], preferred_element_type=jnp.float32,
                precision=lax.Precision.HIGHEST)
    h2_ref[...] = h * dinv
    dinv_ref[...] = dinv


_mm_call = pl.pallas_call(
    _mm_body,
    grid=(N // RB,),
    in_specs=[
        pl.BlockSpec((RB, D), lambda i: (i, 0)),
        pl.BlockSpec((D, D), lambda i: (0, 0)),
        pl.BlockSpec((NC, RB, 1), lambda i: (0, i, 0)),
    ],
    out_specs=[
        pl.BlockSpec((RB, D), lambda i: (i, 0)),
        pl.BlockSpec((RB, 1), lambda i: (i, 0)),
    ],
    out_shape=[
        jax.ShapeDtypeStruct((N, D), jnp.float32),
        jax.ShapeDtypeStruct((N, 1), jnp.float32),
    ],
)


NCH0 = 120
NCH1 = 40
STAGE = 40


@functools.partial(
    pl.kernel,
    out_type=jax.ShapeDtypeStruct((NC, NPAD, D), jnp.float32),
    mesh=_sc_mesh,
    scratch_types=[
        pltpu.VMEM((STAGE, CHUNK), jnp.int32),
        pltpu.VMEM((STAGE, CHUNK), jnp.int32),
        pltpu.VMEM((NBUF, CHUNK, D), jnp.float32),
        pltpu.SemaphoreType.DMA,
        pltpu.SemaphoreType.DMA,
        pltpu.VMEM_SHARED((NPAD, D), jnp.float32),
    ],
)
def _agg_kernel(h2_hbm, src_hbm, dst_hbm, zeros_hbm, out_hbm,
                sidx_v, didx_v, bufs_v, sem0, sem1, acc_sh):
    c = lax.axis_index("c")
    s = lax.axis_index("s")
    sems = [sem0, sem1]
    pltpu.sync_copy(zeros_hbm, bufs_v.at[0])
    for k in range(RPT // CHUNK):
        pltpu.sync_copy(bufs_v.at[0], acc_sh.at[pl.ds(s * RPT + k * CHUNK, CHUNK)])

    def run_edges(row0, nch):
        for st in range(nch // STAGE):
            r0 = row0 + st * STAGE
            pltpu.sync_copy(src_hbm.at[pl.ds(r0, STAGE)], sidx_v)
            pltpu.sync_copy(dst_hbm.at[pl.ds(r0, STAGE)], didx_v)

            @pl.loop(0, STAGE // NBUF)
            def _(g):
                base = g * NBUF
                cps = [pltpu.async_copy(h2_hbm.at[sidx_v.at[base + b]],
                                        bufs_v.at[b], sems[b])
                       for b in range(NBUF)]
                for b in range(NBUF):
                    cps[b].wait()
                    pltpu.sync_copy(bufs_v.at[b], acc_sh.at[didx_v.at[base + b]],
                                    add=True)

    plsc.subcore_barrier()

    @pl.when(c == 0)
    def _():
        run_edges(s * NCH0, NCH0)

    @pl.when(c == 1)
    def _():
        run_edges(NS * NCH0 + s * NCH1, NCH1)

    plsc.subcore_barrier()
    for k in range(RPT // CHUNK):
        r = s * RPT + k * CHUNK
        pltpu.sync_copy(acc_sh.at[pl.ds(r, CHUNK)], bufs_v.at[0])
        pltpu.sync_copy(bufs_v.at[0], out_hbm.at[c].at[pl.ds(r, CHUNK)])


def _dot(a, b):
    return jnp.dot(a, b, preferred_element_type=jnp.float32,
                   precision=lax.Precision.HIGHEST)


WIN = 400


def _head_body(p_ref, h2_ref, dinv_ref, bg_ref, bcol_ref, brow_ref, bnds_ref,
               ew1_ref, eb1_ref, ew2_ref, eb2_ref, ew3_ref, eb3_ref,
               dw1_ref, db1_ref, dw2_ref, db2_ref, dw3_ref, db3_ref,
               eps_ref, mu_ref, std_ref, y_ref, gmax_scr):
    agg = p_ref[0, :N, :] + p_ref[1, :N, :]
    nx = jnp.maximum((agg + h2_ref[...]) * dinv_ref[...] + bg_ref[...], 0.0)
    iota_g = lax.broadcasted_iota(jnp.int32, (G, N), 0)
    oh = (brow_ref[...] == iota_g).astype(jnp.float32)
    gsum = _dot(oh, nx)
    cnt = jnp.sum(oh, axis=1, keepdims=True)
    gmean = gsum / jnp.maximum(cnt, 1.0)
    bcol = bcol_ref[...]
    gmax_scr[...] = jnp.zeros((G, D), jnp.float32)
    for w in range(N // WIN):
        blk = nx[w * WIN:(w + 1) * WIN, :]
        bblk = bcol[w * WIN:(w + 1) * WIN, :]

        def body(g, carry, blk=blk, bblk=bblk):
            m = jnp.where(bblk == g, blk, 0.0)
            row = jnp.max(m, axis=0, keepdims=True)
            gmax_scr[pl.ds(g, 1), :] = jnp.maximum(gmax_scr[pl.ds(g, 1), :], row)
            return carry

        lax.fori_loop(bnds_ref[w, 0], bnds_ref[w, 1] + 1, body, 0)
    gmax = gmax_scr[...]
    gx = jnp.concatenate([gmean, gmax], axis=1)

    def elu(v):
        return jnp.where(v > 0, v, jnp.exp(v) - 1.0)

    h1 = elu(_dot(gx, ew1_ref[...]) + eb1_ref[...])
    h2m = jnp.tanh(_dot(h1, ew2_ref[...]) + eb2_ref[...])
    enc = _dot(h2m, ew3_ref[...]) + eb3_ref[...]
    mu = enc[:, :D_OUT]
    logvar = enc[:, D_OUT:]
    softplus = jnp.maximum(logvar, 0.0) + jnp.log1p(jnp.exp(-jnp.abs(logvar)))
    std = 1e-6 + softplus
    z = mu + eps_ref[...] * std
    d1 = jnp.tanh(_dot(z, dw1_ref[...]) + db1_ref[...])
    d2 = elu(_dot(d1, dw2_ref[...]) + db2_ref[...])
    y = 1.0 / (1.0 + jnp.exp(-(_dot(d2, dw3_ref[...]) + db3_ref[...])))
    mu_ref[...] = mu
    std_ref[...] = std
    y_ref[...] = jnp.clip(y, 1e-8, 1.0 - 1e-8)


_head_call = pl.pallas_call(
    _head_body,
    in_specs=([pl.BlockSpec(memory_space=pltpu.MemorySpace.VMEM)] * 6
              + [pl.BlockSpec(memory_space=pltpu.MemorySpace.SMEM)]
              + [pl.BlockSpec(memory_space=pltpu.MemorySpace.VMEM)] * 13),
    out_shape=[
        jax.ShapeDtypeStruct((G, D_OUT), jnp.float32),
        jax.ShapeDtypeStruct((G, D_OUT), jnp.float32),
        jax.ShapeDtypeStruct((G, D), jnp.float32),
    ],
    scratch_shapes=[pltpu.VMEM((G, D), jnp.float32)],
)


def kernel(x, edge_index, batch, W_gcn, b_gcn, enc_W1, enc_b1, enc_W2, enc_b2,
           enc_W3, enc_b3, dec_W1, dec_b1, dec_W2, dec_b2, dec_W3, dec_b3):
    pad = EPAD - E
    src_p = jnp.concatenate(
        [edge_index[0], jnp.zeros((pad,), jnp.int32)]).reshape(EPAD // CHUNK, CHUNK)
    pad_dst = N + (jnp.arange(pad, dtype=jnp.int32) % (NPAD - N))
    dst_p = jnp.concatenate([edge_index[1], pad_dst]).reshape(EPAD // CHUNK, CHUNK)
    zeros1 = jnp.zeros((RPT,), jnp.float32)
    zeros2 = jnp.zeros((CHUNK, D), jnp.float32)

    hist = _deg_kernel(dst_p, zeros1)
    h2, dinv = _mm_call(x, W_gcn, hist.reshape(NC, NPAD, 1))
    p = _agg_kernel(h2, src_p, dst_p, zeros2)

    eps = jax.random.normal(jax.random.key(42), (G, D_OUT), dtype=jnp.float32)
    bnds = jnp.stack([batch[0::WIN], batch[WIN - 1::WIN]], axis=1)
    mu, std, y = _head_call(
        p, h2, dinv, b_gcn.reshape(1, D), batch.reshape(N, 1), batch.reshape(1, N),
        bnds,
        enc_W1, enc_b1.reshape(1, H_MLP), enc_W2, enc_b2.reshape(1, H_MLP),
        enc_W3, enc_b3.reshape(1, 2 * D_OUT), dec_W1, dec_b1.reshape(1, H_MLP),
        dec_W2, dec_b2.reshape(1, H_MLP), dec_W3, dec_b3.reshape(1, D), eps)
    return (mu, std, y)

# --- scband reference (transcript-rebuilt; emitter-appended) ---
"""Pipeline reference for scband-fd-vae-18348100289076 (READ-ONLY COPY).

The authoritative reference and input builder live on the scoring server;
editing this copy changes nothing except your own understanding.
"""

import jax, jax.numpy as jnp
import numpy as np

N = 10000
E = 320000
D_IN = 128
D_H = 128
H_MLP = 64
D_OUT = 64
G = 64

def _xavier(k, shape):
    fan_in, fan_out = shape[0], shape[1]
    lim = (6.0 / (fan_in + fan_out)) ** 0.5
    return jax.random.uniform(k, shape, jnp.float32, -lim, lim)

def setup_inputs(seed: int = 0):
    key = jax.random.key(seed)
    ks = jax.random.split(key, 16)
    x = jax.random.normal(ks[0], (N, D_IN), dtype=jnp.float32)
    edge_index = jax.random.randint(ks[1], (2, E), 0, N, dtype=jnp.int32)
    batch = jnp.sort(jax.random.randint(ks[2], (N,), 0, G, dtype=jnp.int32))
    params = {
        'W_gcn': _xavier(ks[3], (D_IN, D_H)),
        'b_gcn': jnp.zeros((D_H,), jnp.float32),
        'enc_W1': _xavier(ks[4], (2 * D_H, H_MLP)), 'enc_b1': jnp.zeros((H_MLP,), jnp.float32),
        'enc_W2': _xavier(ks[5], (H_MLP, H_MLP)), 'enc_b2': jnp.zeros((H_MLP,), jnp.float32),
        'enc_W3': _xavier(ks[6], (H_MLP, 2 * D_OUT)), 'enc_b3': jnp.zeros((2 * D_OUT,), jnp.float32),
        'dec_W1': _xavier(ks[7], (D_OUT, H_MLP)), 'dec_b1': jnp.zeros((H_MLP,), jnp.float32),
        'dec_W2': _xavier(ks[8], (H_MLP, H_MLP)), 'dec_b2': jnp.zeros((H_MLP,), jnp.float32),
        'dec_W3': _xavier(ks[9], (H_MLP, D_H)), 'dec_b3': jnp.zeros((D_H,), jnp.float32),
    }
    return {'x': x, 'edge_index': edge_index, 'batch': batch, **params}

def reference(x, edge_index, batch, W_gcn, b_gcn, enc_W1, enc_b1, enc_W2, enc_b2, enc_W3, enc_b3, dec_W1, dec_b1, dec_W2, dec_b2, dec_W3, dec_b3):
    # --- GCNConv (sym-normalized, self loops) ---
    sl = jnp.arange(N, dtype=edge_index.dtype)
    src = jnp.concatenate([edge_index[0], sl])
    dst = jnp.concatenate([edge_index[1], sl])
    deg = jax.ops.segment_sum(jnp.ones_like(src, dtype=jnp.float32), dst, num_segments=N)
    dinv = jnp.where(deg > 0, deg ** -0.5, 0.0)
    norm = dinv[src] * dinv[dst]
    h = x @ W_gcn
    out = jax.ops.segment_sum(h[src] * norm[:, None], dst, num_segments=N) + b_gcn
    node_x = jax.nn.relu(out)  # dropout treated as identity (deterministic reference)
    # --- global mean / max pool over graphs (JK='last', num_layers=1) ---
    cnt = jnp.maximum(jax.ops.segment_sum(jnp.ones((N,), jnp.float32), batch, num_segments=G), 1.0)
    gmean = jax.ops.segment_sum(node_x, batch, num_segments=G) / cnt[:, None]
    gmax = jax.ops.segment_max(node_x, batch, num_segments=G)
    gmax = jnp.where(jnp.isfinite(gmax), gmax, 0.0)
    graph_x = jnp.concatenate([gmean, gmax], axis=1)
    # --- gaussian MLP encoder ---
    h1 = jax.nn.elu(graph_x @ enc_W1 + enc_b1)
    h2 = jnp.tanh(h1 @ enc_W2 + enc_b2)
    enc_out = h2 @ enc_W3 + enc_b3
    mu = enc_out[:, :D_OUT]
    logvar = enc_out[:, D_OUT:]
    stddev = 1e-6 + jax.nn.softplus(logvar)
    eps = jax.random.normal(jax.random.key(42), mu.shape, dtype=jnp.float32)
    z = mu + eps * stddev
    # --- bernoulli MLP decoder ---
    d1 = jnp.tanh(z @ dec_W1 + dec_b1)
    d2 = jax.nn.elu(d1 @ dec_W2 + dec_b2)
    y = jax.nn.sigmoid(d2 @ dec_W3 + dec_b3)
    y = jnp.clip(y, 1e-8, 1 - 1e-8)
    return (mu, stddev, y)

if __name__ == "__main__":
    import jax
    _d = setup_inputs()
    print(jax.jit(kernel)(*tuple(_d.values())))

</pallas_src>

<mosaic_0001>
#map = affine_map<(d0, d1) -> (0, 0)>
#map1 = affine_map<(d0, d1) -> (0, 0, 0)>
module attributes {stable_mosaic.version = 14 : i64} {
  func.func @_agg_kernel(%arg0: i32, %arg1: i32, %arg2: memref<10000x128xf32, #tpu.memory_space<hbm>>, %arg3: memref<2560x128xi32, #tpu.memory_space<hbm>>, %arg4: memref<2560x128xi32, #tpu.memory_space<hbm>>, %arg5: memref<128x128xf32, #tpu.memory_space<hbm>>, %arg6: memref<2x10240x128xf32, #tpu.memory_space<hbm>>, %arg7: memref<40x128xi32, #tpu.memory_space<vmem>>, %arg8: memref<40x128xi32, #tpu.memory_space<vmem>>, %arg9: memref<2x128x128xf32, #tpu.memory_space<vmem>>, %arg10: memref<!tpu.dma_semaphore, #tpu.memory_space<semaphore_mem>>, %arg11: memref<!tpu.dma_semaphore, #tpu.memory_space<semaphore_mem>>, %arg12: memref<10240x128xf32, #tpu.memory_space<vmem_shared>>) attributes {dimension_semantics = [#tpu.dimension_semantics<core_parallel>, #tpu.dimension_semantics<subcore_parallel>], iteration_bounds = array<i64: 2, 16>, scalar_prefetch = 0 : i64, scratch_operands = 6 : i64, tpu.core_type = #tpu.core_type<sc_vector_subcore>, window_params = [{transform_indices = #map}, {transform_indices = #map}, {transform_indices = #map}, {transform_indices = #map}, {transform_indices = #map1}]} {
    %run_scoped3A = arith.constant 0 : i32
    "tpu.region"() ({
      %run_scoped3A_61 = tpu.sem_alloc : memref<!tpu.dma_semaphore, #tpu.memory_space<semaphore_mem>>
      %dma_start3A = arith.constant 0 : i32
      %dma_start3A_62 = arith.constant 0 : i32
      %dma_start3A_63 = tpu.memref_slice %arg9[%run_scoped3A, %dma_start3A, %dma_start3A_62] : memref<2x128x128xf32, #tpu.memory_space<vmem>> -> memref<1x128x128xf32, #tpu.memory_space<vmem>>
      %dma_start3A_64 = tpu.memref_squeeze %dma_start3A_63 : memref<1x128x128xf32, #tpu.memory_space<vmem>> -> memref<128x128xf32, #tpu.memory_space<vmem>>
      %dma_start3A_65 = arith.constant 0 : i32
      %dma_start3A_66 = arith.constant 0 : i32
      %dma_start3A_67 = tpu.memref_slice %arg9[%run_scoped3A, %dma_start3A_65, %dma_start3A_66] : memref<2x128x128xf32, #tpu.memory_space<vmem>> -> memref<1x128x128xf32, #tpu.memory_space<vmem>>
      %dma_start3A_68 = tpu.memref_squeeze %dma_start3A_67 : memref<1x128x128xf32, #tpu.memory_space<vmem>> -> memref<128x128xf32, #tpu.memory_space<vmem>>
      tpu.enqueue_dma source(%arg5 : memref<128x128xf32, #tpu.memory_space<hbm>>) target(%dma_start3A_68 : memref<128x128xf32, #tpu.memory_space<vmem>>) target_semaphore(%run_scoped3A_61 : memref<!tpu.dma_semaphore, #tpu.memory_space<semaphore_mem>>)
      %dma_wait3A = arith.constant 0 : i32
      %dma_wait3A_69 = arith.constant 0 : i32
      %dma_wait3A_70 = tpu.memref_slice %arg9[%run_scoped3A, %dma_wait3A, %dma_wait3A_69] : memref<2x128x128xf32, #tpu.memory_space<vmem>> -> memref<1x128x128xf32, #tpu.memory_space<vmem>>
      %dma_wait3A_71 = tpu.memref_squeeze %dma_wait3A_70 : memref<1x128x128xf32, #tpu.memory_space<vmem>> -> memref<128x128xf32, #tpu.memory_space<vmem>>
      %dma_wait3A_72 = arith.constant 0 : i32
      %dma_wait3A_73 = arith.constant 0 : i32
      %dma_wait3A_74 = tpu.memref_slice %arg9[%run_scoped3A, %dma_wait3A_72, %dma_wait3A_73] : memref<2x128x128xf32, #tpu.memory_space<vmem>> -> memref<1x128x128xf32, #tpu.memory_space<vmem>>
      %dma_wait3A_75 = tpu.memref_squeeze %dma_wait3A_74 : memref<1x128x128xf32, #tpu.memory_space<vmem>> -> memref<128x128xf32, #tpu.memory_space<vmem>>
      tpu.wait_dma2 semaphore(%run_scoped3A_61 : memref<!tpu.dma_semaphore, #tpu.memory_space<semaphore_mem>>) src(%arg5 : memref<128x128xf32, #tpu.memory_space<hbm>>) dst(%dma_wait3A_75 : memref<128x128xf32, #tpu.memory_space<vmem>>)
      tpu.yield
    }) : () -> ()
    %mul3A = arith.constant 640 : i32
    %mul3A_0 = arith.muli %arg1, %mul3A : i32
    %add3A = arith.constant 0 : i32
    %add3A_1 = arith.addi %mul3A_0, %add3A : i32
    %run_scoped3A_2 = arith.constant 0 : i32
    "tpu.region"() ({
      %run_scoped3A_61 = tpu.sem_alloc : memref<!tpu.dma_semaphore, #tpu.memory_space<semaphore_mem>>
      %dma_start3A = arith.constant 0 : i32
      %dma_start3A_62 = arith.constant 0 : i32
      %dma_start3A_63 = tpu.memref_slice %arg9[%run_scoped3A_2, %dma_start3A, %dma_start3A_62] : memref<2x128x128xf32, #tpu.memory_space<vmem>> -> memref<1x128x128xf32, #tpu.memory_space<vmem>>
      %dma_start3A_64 = tpu.memref_squeeze %dma_start3A_63 : memref<1x128x128xf32, #tpu.memory_space<vmem>> -> memref<128x128xf32, #tpu.memory_space<vmem>>
      %dma_start3A_65 = arith.constant 0 : i32
      %dma_start3A_66 = tpu.memref_slice %arg12[%add3A_1, %dma_start3A_65] : memref<10240x128xf32, #tpu.memory_space<vmem_shared>> -> memref<128x128xf32, #tpu.memory_space<vmem_shared>>
      %dma_start3A_67 = arith.constant 0 : i32
      %dma_start3A_68 = tpu.memref_slice %arg12[%add3A_1, %dma_start3A_67] : memref<10240x128xf32, #tpu.memory_space<vmem_shared>> -> memref<128x128xf32, #tpu.memory_space<vmem_shared>>
      %dma_start3A_69 = arith.constant 0 : i32
      %dma_start3A_70 = arith.constant 0 : i32
      %dma_start3A_71 = tpu.memref_slice %arg9[%run_scoped3A_2, %dma_start3A_69, %dma_start3A_70] : memref<2x128x128xf32, #tpu.memory_space<vmem>> -> memref<1x128x128xf32, #tpu.memory_space<vmem>>
      %dma_start3A_72 = tpu.memref_squeeze %dma_start3A_71 : memref<1x128x128xf32, #tpu.memory_space<vmem>> -> memref<128x128xf32, #tpu.memory_space<vmem>>
      tpu.enqueue_dma source(%dma_start3A_72 : memref<128x128xf32, #tpu.memory_space<vmem>>) target(%dma_start3A_68 : memref<128x128xf32, #tpu.memory_space<vmem_shared>>) target_semaphore(%run_scoped3A_61 : memref<!tpu.dma_semaphore, #tpu.memory_space<semaphore_mem>>)
      %dma_wait3A = arith.constant 0 : i32
      %dma_wait3A_73 = arith.constant 0 : i32
      %dma_wait3A_74 = tpu.memref_slice %arg9[%run_scoped3A_2, %dma_wait3A, %dma_wait3A_73] : memref<2x128x128xf32, #tpu.memory_space<vmem>> -> memref<1x128x128xf32, #tpu.memory_space<vmem>>
      %dma_wait3A_75 = tpu.memref_squeeze %dma_wait3A_74 : memref<1x128x128xf32, #tpu.memory_space<vmem>> -> memref<128x128xf32, #tpu.memory_space<vmem>>
      %dma_wait3A_76 = arith.constant 0 : i32
      %dma_wait3A_77 = tpu.memref_slice %arg12[%add3A_1, %dma_wait3A_76] : memref<10240x128xf32, #tpu.memory_space<vmem_shared>> -> memref<128x128xf32, #tpu.memory_space<vmem_shared>>
      %dma_wait3A_78 = arith.constant 0 : i32
      %dma_wait3A_79 = tpu.memref_slice %arg12[%add3A_1, %dma_wait3A_78] : memref<10240x128xf32, #tpu.memory_space<vmem_shared>> -> memref<128x128xf32, #tpu.memory_space<vmem_shared>>
      %dma_wait3A_80 = arith.constant 0 : i32
      %dma_wait3A_81 = arith.constant 0 : i32
      %dma_wait3A_82 = tpu.memref_slice %arg9[%run_scoped3A_2, %dma_wait3A_80, %dma_wait3A_81] : memref<2x128x128xf32, #tpu.memory_space<vmem>> -> memref<1x128x128xf32, #tpu.memory_space<vmem>>
      %dma_wait3A_83 = tpu.memref_squeeze %dma_wait3A_82 : memref<1x128x128xf32, #tpu.memory_space<vmem>> -> memref<128x128xf32, #tpu.memory_space<vmem>>
      tpu.wait_dma2 semaphore(%run_scoped3A_61 : memref<!tpu.dma_semaphore, #tpu.memory_space<semaphore_mem>>) src(%dma_wait3A_83 : memref<128x128xf32, #tpu.memory_space<vmem>>) dst(%dma_wait3A_79 : memref<128x128xf32, #tpu.memory_space<vmem_shared>>)
      tpu.yield
    }) : () -> ()
    %mul3A_3 = arith.constant 640 : i32
    %mul3A_4 = arith.muli %arg1, %mul3A_3 : i32
    %add3A_5 = arith.constant 128 : i32
    %add3A_6 = arith.addi %mul3A_4, %add3A_5 : i32
    %run_scoped3A_7 = arith.constant 0 : i32
    "tpu.region"() ({
      %run_scoped3A_61 = tpu.sem_alloc : memref<!tpu.dma_semaphore, #tpu.memory_space<semaphore_mem>>
      %dma_start3A = arith.constant 0 : i32
      %dma_start3A_62 = arith.constant 0 : i32
      %dma_start3A_63 = tpu.memref_slice %arg9[%run_scoped3A_7, %dma_start3A, %dma_start3A_62] : memref<2x128x128xf32, #tpu.memory_space<vmem>> -> memref<1x128x128xf32, #tpu.memory_space<vmem>>
      %dma_start3A_64 = tpu.memref_squeeze %dma_start3A_63 : memref<1x128x128xf32, #tpu.memory_space<vmem>> -> memref<128x128xf32, #tpu.memory_space<vmem>>
      %dma_start3A_65 = arith.constant 0 : i32
      %dma_start3A_66 = tpu.memref_slice %arg12[%add3A_6, %dma_start3A_65] : memref<10240x128xf32, #tpu.memory_space<vmem_shared>> -> memref<128x128xf32, #tpu.memory_space<vmem_shared>>
      %dma_start3A_67 = arith.constant 0 : i32
      %dma_start3A_68 = tpu.memref_slice %arg12[%add3A_6, %dma_start3A_67] : memref<10240x128xf32, #tpu.memory_space<vmem_shared>> -> memref<128x128xf32, #tpu.memory_space<vmem_shared>>
      %dma_start3A_69 = arith.constant 0 : i32
      %dma_start3A_70 = arith.constant 0 : i32
      %dma_start3A_71 = tpu.memref_slice %arg9[%run_scoped3A_7, %dma_start3A_69, %dma_start3A_70] : memref<2x128x128xf32, #tpu.memory_space<vmem>> -> memref<1x128x128xf32, #tpu.memory_space<vmem>>
      %dma_start3A_72 = tpu.memref_squeeze %dma_start3A_71 : memref<1x128x128xf32, #tpu.memory_space<vmem>> -> memref<128x128xf32, #tpu.memory_space<vmem>>
      tpu.enqueue_dma source(%dma_start3A_72 : memref<128x128xf32, #tpu.memory_space<vmem>>) target(%dma_start3A_68 : memref<128x128xf32, #tpu.memory_space<vmem_shared>>) target_semaphore(%run_scoped3A_61 : memref<!tpu.dma_semaphore, #tpu.memory_space<semaphore_mem>>)
      %dma_wait3A = arith.constant 0 : i32
      %dma_wait3A_73 = arith.constant 0 : i32
      %dma_wait3A_74 = tpu.memref_slice %arg9[%run_scoped3A_7, %dma_wait3A, %dma_wait3A_73] : memref<2x128x128xf32, #tpu.memory_space<vmem>> -> memref<1x128x128xf32, #tpu.memory_space<vmem>>
      %dma_wait3A_75 = tpu.memref_squeeze %dma_wait3A_74 : memref<1x128x128xf32, #tpu.memory_space<vmem>> -> memref<128x128xf32, #tpu.memory_space<vmem>>
      %dma_wait3A_76 = arith.constant 0 : i32
      %dma_wait3A_77 = tpu.memref_slice %arg12[%add3A_6, %dma_wait3A_76] : memref<10240x128xf32, #tpu.memory_space<vmem_shared>> -> memref<128x128xf32, #tpu.memory_space<vmem_shared>>
      %dma_wait3A_78 = arith.constant 0 : i32
      %dma_wait3A_79 = tpu.memref_slice %arg12[%add3A_6, %dma_wait3A_78] : memref<10240x128xf32, #tpu.memory_space<vmem_shared>> -> memref<128x128xf32, #tpu.memory_space<vmem_shared>>
      %dma_wait3A_80 = arith.constant 0 : i32
      %dma_wait3A_81 = arith.constant 0 : i32
      %dma_wait3A_82 = tpu.memref_slice %arg9[%run_scoped3A_7, %dma_wait3A_80, %dma_wait3A_81] : memref<2x128x128xf32, #tpu.memory_space<vmem>> -> memref<1x128x128xf32, #tpu.memory_space<vmem>>
      %dma_wait3A_83 = tpu.memref_squeeze %dma_wait3A_82 : memref<1x128x128xf32, #tpu.memory_space<vmem>> -> memref<128x128xf32, #tpu.memory_space<vmem>>
      tpu.wait_dma2 semaphore(%run_scoped3A_61 : memref<!tpu.dma_semaphore, #tpu.memory_space<semaphore_mem>>) src(%dma_wait3A_83 : memref<128x128xf32, #tpu.memory_space<vmem>>) dst(%dma_wait3A_79 : memref<128x128xf32, #tpu.memory_space<vmem_shared>>)
      tpu.yield
    }) : () -> ()
    %mul3A_8 = arith.constant 640 : i32
    %mul3A_9 = arith.muli %arg1, %mul3A_8 : i32
    %add3A_10 = arith.constant 256 : i32
    %add3A_11 = arith.addi %mul3A_9, %add3A_10 : i32
    %run_scoped3A_12 = arith.constant 0 : i32
    "tpu.region"() ({
      %run_scoped3A_61 = tpu.sem_alloc : memref<!tpu.dma_semaphore, #tpu.memory_space<semaphore_mem>>
      %dma_start3A = arith.constant 0 : i32
      %dma_start3A_62 = arith.constant 0 : i32
      %dma_start3A_63 = tpu.memref_slice %arg9[%run_scoped3A_12, %dma_start3A, %dma_start3A_62] : memref<2x128x128xf32, #tpu.memory_space<vmem>> -> memref<1x128x128xf32, #tpu.memory_space<vmem>>
      %dma_start3A_64 = tpu.memref_squeeze %dma_start3A_63 : memref<1x128x128xf32, #tpu.memory_space<vmem>> -> memref<128x128xf32, #tpu.memory_space<vmem>>
      %dma_start3A_65 = arith.constant 0 : i32
      %dma_start3A_66 = tpu.memref_slice %arg12[%add3A_11, %dma_start3A_65] : memref<10240x128xf32, #tpu.memory_space<vmem_shared>> -> memref<128x128xf32, #tpu.memory_space<vmem_shared>>
      %dma_start3A_67 = arith.constant 0 : i32
      %dma_start3A_68 = tpu.memref_slice %arg12[%add3A_11, %dma_start3A_67] : memref<10240x128xf32, #tpu.memory_space<vmem_shared>> -> memref<128x128xf32, #tpu.memory_space<vmem_shared>>
      %dma_start3A_69 = arith.constant 0 : i32
      %dma_start3A_70 = arith.constant 0 : i32
      %dma_start3A_71 = tpu.memref_slice %arg9[%run_scoped3A_12, %dma_start3A_69, %dma_start3A_70] : memref<2x128x128xf32, #tpu.memory_space<vmem>> -> memref<1x128x128xf32, #tpu.memory_space<vmem>>
      %dma_start3A_72 = tpu.memref_squeeze %dma_start3A_71 : memref<1x128x128xf32, #tpu.memory_space<vmem>> -> memref<128x128xf32, #tpu.memory_space<vmem>>
      tpu.enqueue_dma source(%dma_start3A_72 : memref<128x128xf32, #tpu.memory_space<vmem>>) target(%dma_start3A_68 : memref<128x128xf32, #tpu.memory_space<vmem_shared>>) target_semaphore(%run_scoped3A_61 : memref<!tpu.dma_semaphore, #tpu.memory_space<semaphore_mem>>)
      %dma_wait3A = arith.constant 0 : i32
      %dma_wait3A_73 = arith.constant 0 : i32
      %dma_wait3A_74 = tpu.memref_slice %arg9[%run_scoped3A_12, %dma_wait3A, %dma_wait3A_73] : memref<2x128x128xf32, #tpu.memory_space<vmem>> -> memref<1x128x128xf32, #tpu.memory_space<vmem>>
      %dma_wait3A_75 = tpu.memref_squeeze %dma_wait3A_74 : memref<1x128x128xf32, #tpu.memory_space<vmem>> -> memref<128x128xf32, #tpu.memory_space<vmem>>
      %dma_wait3A_76 = arith.constant 0 : i32
      %dma_wait3A_77 = tpu.memref_slice %arg12[%add3A_11, %dma_wait3A_76] : memref<10240x128xf32, #tpu.memory_space<vmem_shared>> -> memref<128x128xf32, #tpu.memory_space<vmem_shared>>
      %dma_wait3A_78 = arith.constant 0 : i32
      %dma_wait3A_79 = tpu.memref_slice %arg12[%add3A_11, %dma_wait3A_78] : memref<10240x128xf32, #tpu.memory_space<vmem_shared>> -> memref<128x128xf32, #tpu.memory_space<vmem_shared>>
      %dma_wait3A_80 = arith.constant 0 : i32
      %dma_wait3A_81 = arith.constant 0 : i32
      %dma_wait3A_82 = tpu.memref_slice %arg9[%run_scoped3A_12, %dma_wait3A_80, %dma_wait3A_81] : memref<2x128x128xf32, #tpu.memory_space<vmem>> -> memref<1x128x128xf32, #tpu.memory_space<vmem>>
      %dma_wait3A_83 = tpu.memref_squeeze %dma_wait3A_82 : memref<1x128x128xf32, #tpu.memory_space<vmem>> -> memref<128x128xf32, #tpu.memory_space<vmem>>
      tpu.wait_dma2 semaphore(%run_scoped3A_61 : memref<!tpu.dma_semaphore, #tpu.memory_space<semaphore_mem>>) src(%dma_wait3A_83 : memref<128x128xf32, #tpu.memory_space<vmem>>) dst(%dma_wait3A_79 : memref<128x128xf32, #tpu.memory_space<vmem_shared>>)
      tpu.yield
    }) : () -> ()
    %mul3A_13 = arith.constant 640 : i32
    %mul3A_14 = arith.muli %arg1, %mul3A_13 : i32
    %add3A_15 = arith.constant 384 : i32
    %add3A_16 = arith.addi %mul3A_14, %add3A_15 : i32
    %run_scoped3A_17 = arith.constant 0 : i32
    "tpu.region"() ({
      %run_scoped3A_61 = tpu.sem_alloc : memref<!tpu.dma_semaphore, #tpu.memory_space<semaphore_mem>>
      %dma_start3A = arith.constant 0 : i32
      %dma_start3A_62 = arith.constant 0 : i32
      %dma_start3A_63 = tpu.memref_slice %arg9[%run_scoped3A_17, %dma_start3A, %dma_start3A_62] : memref<2x128x128xf32, #tpu.memory_space<vmem>> -> memref<1x128x128xf32, #tpu.memory_space<vmem>>
      %dma_start3A_64 = tpu.memref_squeeze %dma_start3A_63 : memref<1x128x128xf32, #tpu.memory_space<vmem>> -> memref<128x128xf32, #tpu.memory_space<vmem>>
      %dma_start3A_65 = arith.constant 0 : i32
      %dma_start3A_66 = tpu.memref_slice %arg12[%add3A_16, %dma_start3A_65] : memref<10240x128xf32, #tpu.memory_space<vmem_shared>> -> memref<128x128xf32, #tpu.memory_space<vmem_shared>>
      %dma_start3A_67 = arith.constant 0 : i32
      %dma_start3A_68 = tpu.memref_slice %arg12[%add3A_16, %dma_start3A_67] : memref<10240x128xf32, #tpu.memory_space<vmem_shared>> -> memref<128x128xf32, #tpu.memory_space<vmem_shared>>
      %dma_start3A_69 = arith.constant 0 : i32
      %dma_start3A_70 = arith.constant 0 : i32
      %dma_start3A_71 = tpu.memref_slice %arg9[%run_scoped3A_17, %dma_start3A_69, %dma_start3A_70] : memref<2x128x128xf32, #tpu.memory_space<vmem>> -> memref<1x128x128xf32, #tpu.memory_space<vmem>>
      %dma_start3A_72 = tpu.memref_squeeze %dma_start3A_71 : memref<1x128x128xf32, #tpu.memory_space<vmem>> -> memref<128x128xf32, #tpu.memory_space<vmem>>
      tpu.enqueue_dma source(%dma_start3A_72 : memref<128x128xf32, #tpu.memory_space<vmem>>) target(%dma_start3A_68 : memref<128x128xf32, #tpu.memory_space<vmem_shared>>) target_semaphore(%run_scoped3A_61 : memref<!tpu.dma_semaphore, #tpu.memory_space<semaphore_mem>>)
      %dma_wait3A = arith.constant 0 : i32
      %dma_wait3A_73 = arith.constant 0 : i32
      %dma_wait3A_74 = tpu.memref_slice %arg9[%run_scoped3A_17, %dma_wait3A, %dma_wait3A_73] : memref<2x128x128xf32, #tpu.memory_space<vmem>> -> memref<1x128x128xf32, #tpu.memory_space<vmem>>
      %dma_wait3A_75 = tpu.memref_squeeze %dma_wait3A_74 : memref<1x128x128xf32, #tpu.memory_space<vmem>> -> memref<128x128xf32, #tpu.memory_space<vmem>>
      %dma_wait3A_76 = arith.constant 0 : i32
      %dma_wait3A_77 = tpu.memref_slice %arg12[%add3A_16, %dma_wait3A_76] : memref<10240x128xf32, #tpu.memory_space<vmem_shared>> -> memref<128x128xf32, #tpu.memory_space<vmem_shared>>
      %dma_wait3A_78 = arith.constant 0 : i32
      %dma_wait3A_79 = tpu.memref_slice %arg12[%add3A_16, %dma_wait3A_78] : memref<10240x128xf32, #tpu.memory_space<vmem_shared>> -> memref<128x128xf32, #tpu.memory_space<vmem_shared>>
      %dma_wait3A_80 = arith.constant 0 : i32
      %dma_wait3A_81 = arith.constant 0 : i32
      %dma_wait3A_82 = tpu.memref_slice %arg9[%run_scoped3A_17, %dma_wait3A_80, %dma_wait3A_81] : memref<2x128x128xf32, #tpu.memory_space<vmem>> -> memref<1x128x128xf32, #tpu.memory_space<vmem>>
      %dma_wait3A_83 = tpu.memref_squeeze %dma_wait3A_82 : memref<1x128x128xf32, #tpu.memory_space<vmem>> -> memref<128x128xf32, #tpu.memory_space<vmem>>
      tpu.wait_dma2 semaphore(%run_scoped3A_61 : memref<!tpu.dma_semaphore, #tpu.memory_space<semaphore_mem>>) src(%dma_wait3A_83 : memref<128x128xf32, #tpu.memory_space<vmem>>) dst(%dma_wait3A_79 : memref<128x128xf32, #tpu.memory_space<vmem_shared>>)
      tpu.yield
    }) : () -> ()
    %mul3A_18 = arith.constant 640 : i32
    %mul3A_19 = arith.muli %arg1, %mul3A_18 : i32
    %add3A_20 = arith.constant 512 : i32
    %add3A_21 = arith.addi %mul3A_19, %add3A_20 : i32
    %run_scoped3A_22 = arith.constant 0 : i32
    "tpu.region"() ({
      %run_scoped3A_61 = tpu.sem_alloc : memref<!tpu.dma_semaphore, #tpu.memory_space<semaphore_mem>>
      %dma_start3A = arith.constant 0 : i32
      %dma_start3A_62 = arith.constant 0 : i32
      %dma_start3A_63 = tpu.memref_slice %arg9[%run_scoped3A_22, %dma_start3A, %dma_start3A_62] : memref<2x128x128xf32, #tpu.memory_space<vmem>> -> memref<1x128x128xf32, #tpu.memory_space<vmem>>
      %dma_start3A_64 = tpu.memref_squeeze %dma_start3A_63 : memref<1x128x128xf32, #tpu.memory_space<vmem>> -> memref<128x128xf32, #tpu.memory_space<vmem>>
      %dma_start3A_65 = arith.constant 0 : i32
      %dma_start3A_66 = tpu.memref_slice %arg12[%add3A_21, %dma_start3A_65] : memref<10240x128xf32, #tpu.memory_space<vmem_shared>> -> memref<128x128xf32, #tpu.memory_space<vmem_shared>>
      %dma_start3A_67 = arith.constant 0 : i32
      %dma_start3A_68 = tpu.memref_slice %arg12[%add3A_21, %dma_start3A_67] : memref<10240x128xf32, #tpu.memory_space<vmem_shared>> -> memref<128x128xf32, #tpu.memory_space<vmem_shared>>
      %dma_start3A_69 = arith.constant 0 : i32
      %dma_start3A_70 = arith.constant 0 : i32
      %dma_start3A_71 = tpu.memref_slice %arg9[%run_scoped3A_22, %dma_start3A_69, %dma_start3A_70] : memref<2x128x128xf32, #tpu.memory_space<vmem>> -> memref<1x128x128xf32, #tpu.memory_space<vmem>>
      %dma_start3A_72 = tpu.memref_squeeze %dma_start3A_71 : memref<1x128x128xf32, #tpu.memory_space<vmem>> -> memref<128x128xf32, #tpu.memory_space<vmem>>
      tpu.enqueue_dma source(%dma_start3A_72 : memref<128x128xf32, #tpu.memory_space<vmem>>) target(%dma_start3A_68 : memref<128x128xf32, #tpu.memory_space<vmem_shared>>) target_semaphore(%run_scoped3A_61 : memref<!tpu.dma_semaphore, #tpu.memory_space<semaphore_mem>>)
      %dma_wait3A = arith.constant 0 : i32
      %dma_wait3A_73 = arith.constant 0 : i32
      %dma_wait3A_74 = tpu.memref_slice %arg9[%run_scoped3A_22, %dma_wait3A, %dma_wait3A_73] : memref<2x128x128xf32, #tpu.memory_space<vmem>> -> memref<1x128x128xf32, #tpu.memory_space<vmem>>
      %dma_wait3A_75 = tpu.memref_squeeze %dma_wait3A_74 : memref<1x128x128xf32, #tpu.memory_space<vmem>> -> memref<128x128xf32, #tpu.memory_space<vmem>>
      %dma_wait3A_76 = arith.constant 0 : i32
      %dma_wait3A_77 = tpu.memref_slice %arg12[%add3A_21, %dma_wait3A_76] : memref<10240x128xf32, #tpu.memory_space<vmem_shared>> -> memref<128x128xf32, #tpu.memory_space<vmem_shared>>
      %dma_wait3A_78 = arith.constant 0 : i32
      %dma_wait3A_79 = tpu.memref_slice %arg12[%add3A_21, %dma_wait3A_78] : memref<10240x128xf32, #tpu.memory_space<vmem_shared>> -> memref<128x128xf32, #tpu.memory_space<vmem_shared>>
      %dma_wait3A_80 = arith.constant 0 : i32
      %dma_wait3A_81 = arith.constant 0 : i32
      %dma_wait3A_82 = tpu.memref_slice %arg9[%run_scoped3A_22, %dma_wait3A_80, %dma_wait3A_81] : memref<2x128x128xf32, #tpu.memory_space<vmem>> -> memref<1x128x128xf32, #tpu.memory_space<vmem>>
      %dma_wait3A_83 = tpu.memref_squeeze %dma_wait3A_82 : memref<1x128x128xf32, #tpu.memory_space<vmem>> -> memref<128x128xf32, #tpu.memory_space<vmem>>
      tpu.wait_dma2 semaphore(%run_scoped3A_61 : memref<!tpu.dma_semaphore, #tpu.memory_space<semaphore_mem>>) src(%dma_wait3A_83 : memref<128x128xf32, #tpu.memory_space<vmem>>) dst(%dma_wait3A_79 : memref<128x128xf32, #tpu.memory_space<vmem_shared>>)
      tpu.yield
    }) : () -> ()
    %barrier3A = arith.constant 0 : index
    tpu.barrier barrier_id(%barrier3A)
    %eq3A = arith.constant 0 : i32
    %eq3A_23 = arith.cmpi eq, %arg0, %eq3A : i32
    %convert_element_type3A = arith.extui %eq3A_23 : i1 to i32
    %cond3A = arith.constant 0 : i32
    %cond3A_24 = arith.cmpi ne, %convert_element_type3A, %cond3A : i32
    scf.if %cond3A_24 {
      %mul3A_61 = arith.constant 120 : i32
      %mul3A_62 = arith.muli %arg1, %mul3A_61 : i32
      %add3A_63 = arith.constant 0 : i32
      %add3A_64 = arith.addi %mul3A_62, %add3A_63 : i32
      "tpu.region"() ({
        %run_scoped3A_83 = tpu.sem_alloc : memref<!tpu.dma_semaphore, #tpu.memory_space<semaphore_mem>>
        %dma_start3A = arith.constant 0 : i32
        %dma_start3A_84 = tpu.memref_slice %arg3[%add3A_64, %dma_start3A] : memref<2560x128xi32, #tpu.memory_space<hbm>> -> memref<40x128xi32, #tpu.memory_space<hbm>>
        %dma_start3A_85 = arith.constant 0 : i32
        %dma_start3A_86 = tpu.memref_slice %arg3[%add3A_64, %dma_start3A_85] : memref<2560x128xi32, #tpu.memory_space<hbm>> -> memref<40x128xi32, #tpu.memory_space<hbm>>
        tpu.enqueue_dma source(%dma_start3A_86 : memref<40x128xi32, #tpu.memory_space<hbm>>) target(%arg7 : memref<40x128xi32, #tpu.memory_space<vmem>>) target_semaphore(%run_scoped3A_83 : memref<!tpu.dma_semaphore, #tpu.memory_space<semaphore_mem>>)
        %dma_wait3A = arith.constant 0 : i32
        %dma_wait3A_87 = tpu.memref_slice %arg3[%add3A_64, %dma_wait3A] : memref<2560x128xi32, #tpu.memory_space<hbm>> -> memref<40x128xi32, #tpu.memory_space<hbm>>
        %dma_wait3A_88 = arith.constant 0 : i32
        %dma_wait3A_89 = tpu.memref_slice %arg3[%add3A_64, %dma_wait3A_88] : memref<2560x128xi32, #tpu.memory_space<hbm>> -> memref<40x128xi32, #tpu.memory_space<hbm>>
        tpu.wait_dma2 semaphore(%run_scoped3A_83 : memref<!tpu.dma_semaphore, #tpu.memory_space<semaphore_mem>>) src(%dma_wait3A_89 : memref<40x128xi32, #tpu.memory_space<hbm>>) dst(%arg7 : memref<40x128xi32, #tpu.memory_space<vmem>>)
        tpu.yield
      }) : () -> ()
      "tpu.region"() ({
        %run_scoped3A_83 = tpu.sem_alloc : memref<!tpu.dma_semaphore, #tpu.memory_space<semaphore_mem>>
        %dma_start3A = arith.constant 0 : i32
        %dma_start3A_84 = tpu.memref_slice %arg4[%add3A_64, %dma_start3A] : memref<2560x128xi32, #tpu.memory_space<hbm>> -> memref<40x128xi32, #tpu.memory_space<hbm>>
        %dma_start3A_85 = arith.constant 0 : i32
        %dma_start3A_86 = tpu.memref_slice %arg4[%add3A_64, %dma_start3A_85] : memref<2560x128xi32, #tpu.memory_space<hbm>> -> memref<40x128xi32, #tpu.memory_space<hbm>>
        tpu.enqueue_dma source(%dma_start3A_86 : memref<40x128xi32, #tpu.memory_space<hbm>>) target(%arg8 : memref<40x128xi32, #tpu.memory_space<vmem>>) target_semaphore(%run_scoped3A_83 : memref<!tpu.dma_semaphore, #tpu.memory_space<semaphore_mem>>)
        %dma_wait3A = arith.constant 0 : i32
        %dma_wait3A_87 = tpu.memref_slice %arg4[%add3A_64, %dma_wait3A] : memref<2560x128xi32, #tpu.memory_space<hbm>> -> memref<40x128xi32, #tpu.memory_space<hbm>>
        %dma_wait3A_88 = arith.constant 0 : i32
        %dma_wait3A_89 = tpu.memref_slice %arg4[%add3A_64, %dma_wait3A_88] : memref<2560x128xi32, #tpu.memory_space<hbm>> -> memref<40x128xi32, #tpu.memory_space<hbm>>
        tpu.wait_dma2 semaphore(%run_scoped3A_83 : memref<!tpu.dma_semaphore, #tpu.memory_space<semaphore_mem>>) src(%dma_wait3A_89 : memref<40x128xi32, #tpu.memory_space<hbm>>) dst(%arg8 : memref<40x128xi32, #tpu.memory_space<vmem>>)
        tpu.yield
      }) : () -> ()
      %scan3A = arith.constant 0 : i32
      %scan3A_65 = arith.constant 20 : i32
      %scan3A_66 = arith.addi %scan3A, %scan3A_65 : i32
      %scan3A_67 = arith.constant 1 : i32
      scf.for %scan3A_83 = %scan3A to %scan3A_66 step %scan3A_67  : i32 {
        %mul3A_84 = arith.constant 1 : i32
        %mul3A_85 = arith.muli %scan3A_83, %mul3A_84 : i32
        %add3A_86 = arith.constant 0 : i32
        %add3A_87 = arith.addi %add3A_86, %mul3A_85 : i32
        %mul3A_88 = arith.constant 2 : i32
        %mul3A_89 = arith.muli %add3A_87, %mul3A_88 : i32
        %add3A_90 = arith.constant 0 : i32
        %add3A_91 = arith.addi %mul3A_89, %add3A_90 : i32
        %dma_start3A = arith.constant 0 : i32
        %dma_start3A_92 = arith.constant 0 : i32
        %dma_start3A_93 = arith.constant 0 : i32
        %dma_start3A_94 = tpu.memref_slice %arg9[%dma_start3A, %dma_start3A_92, %dma_start3A_93] : memref<2x128x128xf32, #tpu.memory_space<vmem>> -> memref<1x128x128xf32, #tpu.memory_space<vmem>>
        %dma_start3A_95 = tpu.memref_squeeze %dma_start3A_94 : memref<1x128x128xf32, #tpu.memory_space<vmem>> -> memref<128x128xf32, #tpu.memory_space<vmem>>
        %dma_start3A_96 = arith.constant 0 : i32
        %dma_start3A_97 = tpu.memref_slice %arg7[%add3A_91, %dma_start3A_96] : memref<40x128xi32, #tpu.memory_space<vmem>> -> memref<1x128xi32, #tpu.memory_space<vmem>>
        %dma_start3A_98 = tpu.memref_squeeze %dma_start3A_97 : memref<1x128xi32, #tpu.memory_space<vmem>> -> memref<128xi32, #tpu.memory_space<vmem>>
        %dma_start3A_99 = arith.constant 0 : i32
        %dma_start3A_100 = arith.constant 0 : i32
        %dma_start3A_101 = tpu.memref_slice %arg2[%dma_start3A_99, %dma_start3A_100] : memref<10000x128xf32, #tpu.memory_space<hbm>> -> memref<10000x128xf32, #tpu.memory_space<hbm>>
        tpu.enqueue_indirect_dma source(%dma_start3A_101 : memref<10000x128xf32, #tpu.memory_space<hbm>>) target(%dma_start3A_95 : memref<128x128xf32, #tpu.memory_space<vmem>>) offsets(%dma_start3A_98 : memref<128xi32, #tpu.memory_space<vmem>>) semaphore(%arg10 : memref<!tpu.dma_semaphore, #tpu.memory_space<semaphore_mem>>)
        %add3A_102 = arith.constant 1 : i32
        %add3A_103 = arith.addi %mul3A_89, %add3A_102 : i32
        %dma_start3A_104 = arith.constant 1 : i32
        %dma_start3A_105 = arith.constant 0 : i32
        %dma_start3A_106 = arith.constant 0 : i32
        %dma_start3A_107 = tpu.memref_slice %arg9[%dma_start3A_104, %dma_start3A_105, %dma_start3A_106] : memref<2x128x128xf32, #tpu.memory_space<vmem>> -> memref<1x128x128xf32, #tpu.memory_space<vmem>>
        %dma_start3A_108 = tpu.memref_squeeze %dma_start3A_107 : memref<1x128x128xf32, #tpu.memory_space<vmem>> -> memref<128x128xf32, #tpu.memory_space<vmem>>
        %dma_start3A_109 = arith.constant 0 : i32
        %dma_start3A_110 = tpu.memref_slice %arg7[%add3A_103, %dma_start3A_109] : memref<40x128xi32, #tpu.memory_space<vmem>> -> memref<1x128xi32, #tpu.memory_space<vmem>>
        %dma_start3A_111 = tpu.memref_squeeze %dma_start3A_110 : memref<1x128xi32, #tpu.memory_space<vmem>> -> memref<128xi32, #tpu.memory_space<vmem>>
        %dma_start3A_112 = arith.constant 0 : i32
        %dma_start3A_113 = arith.constant 0 : i32
        %dma_start3A_114 = tpu.memref_slice %arg2[%dma_start3A_112, %dma_start3A_113] : memref<10000x128xf32, #tpu.memory_space<hbm>> -> memref<10000x128xf32, #tpu.memory_space<hbm>>
        tpu.enqueue_indirect_dma source(%dma_start3A_114 : memref<10000x128xf32, #tpu.memory_space<hbm>>) target(%dma_start3A_108 : memref<128x128xf32, #tpu.memory_space<vmem>>) offsets(%dma_start3A_111 : memref<128xi32, #tpu.memory_space<vmem>>) semaphore(%arg11 : memref<!tpu.dma_semaphore, #tpu.memory_space<semaphore_mem>>)
        %dma_wait3A = arith.constant 0 : i32
        %dma_wait3A_115 = arith.constant 0 : i32
        %dma_wait3A_116 = arith.constant 0 : i32
        %dma_wait3A_117 = tpu.memref_slice %arg9[%dma_wait3A, %dma_wait3A_115, %dma_wait3A_116] : memref<2x128x128xf32, #tpu.memory_space<vmem>> -> memref<1x128x128xf32, #tpu.memory_space<vmem>>
        %dma_wait3A_118 = tpu.memref_squeeze %dma_wait3A_117 : memref<1x128x128xf32, #tpu.memory_space<vmem>> -> memref<128x128xf32, #tpu.memory_space<vmem>>
        %dma_wait3A_119 = arith.constant 0 : i32
        %dma_wait3A_120 = tpu.memref_slice %arg7[%add3A_91, %dma_wait3A_119] : memref<40x128xi32, #tpu.memory_space<vmem>> -> memref<1x128xi32, #tpu.memory_space<vmem>>
        %dma_wait3A_121 = tpu.memref_squeeze %dma_wait3A_120 : memref<1x128xi32, #tpu.memory_space<vmem>> -> memref<128xi32, #tpu.memory_space<vmem>>
        %dma_wait3A_122 = arith.constant 0 : i32
        %dma_wait3A_123 = arith.constant 0 : i32
        %dma_wait3A_124 = tpu.memref_slice %arg2[%dma_wait3A_122, %dma_wait3A_123] : memref<10000x128xf32, #tpu.memory_space<hbm>> -> memref<10000x128xf32, #tpu.memory_space<hbm>>
        tpu.wait_indirect_dma semaphore(%arg10 : memref<!tpu.dma_semaphore, #tpu.memory_space<semaphore_mem>>) src(%dma_wait3A_124 : memref<10000x128xf32, #tpu.memory_space<hbm>>) dst(%dma_wait3A_118 : memref<128x128xf32, #tpu.memory_space<vmem>>)
        %add3A_125 = arith.constant 0 : i32
        %add3A_126 = arith.addi %mul3A_89, %add3A_125 : i32
        %run_scoped3A_127 = arith.constant 0 : i32
        "tpu.region"() ({
          %run_scoped3A_142 = tpu.sem_alloc : memref<!tpu.dma_semaphore, #tpu.memory_space<semaphore_mem>>
          %dma_start3A_143 = arith.constant 0 : i32
          %dma_start3A_144 = arith.constant 0 : i32
          %dma_start3A_145 = tpu.memref_slice %arg9[%run_scoped3A_127, %dma_start3A_143, %dma_start3A_144] : memref<2x128x128xf32, #tpu.memory_space<vmem>> -> memref<1x128x128xf32, #tpu.memory_space<vmem>>
          %dma_start3A_146 = tpu.memref_squeeze %dma_start3A_145 : memref<1x128x128xf32, #tpu.memory_space<vmem>> -> memref<128x128xf32, #tpu.memory_space<vmem>>
          %dma_start3A_147 = arith.constant 0 : i32
          %dma_start3A_148 = tpu.memref_slice %arg8[%add3A_126, %dma_start3A_147] : memref<40x128xi32, #tpu.memory_space<vmem>> -> memref<1x128xi32, #tpu.memory_space<vmem>>
          %dma_start3A_149 = tpu.memref_squeeze %dma_start3A_148 : memref<1x128xi32, #tpu.memory_space<vmem>> -> memref<128xi32, #tpu.memory_space<vmem>>
          %dma_start3A_150 = arith.constant 0 : i32
          %dma_start3A_151 = arith.constant 0 : i32
          %dma_start3A_152 = tpu.memref_slice %arg12[%dma_start3A_150, %dma_start3A_151] : memref<10240x128xf32, #tpu.memory_space<vmem_shared>> -> memref<10240x128xf32, #tpu.memory_space<vmem_shared>>
          tpu.enqueue_indirect_dma source(%dma_start3A_146 : memref<128x128xf32, #tpu.memory_space<vmem>>) target(%dma_start3A_152 : memref<10240x128xf32, #tpu.memory_space<vmem_shared>>) offsets(%dma_start3A_149 : memref<128xi32, #tpu.memory_space<vmem>>) semaphore(%run_scoped3A_142 : memref<!tpu.dma_semaphore, #tpu.memory_space<semaphore_mem>>) {add = true}
          %dma_wait3A_153 = arith.constant 0 : i32
          %dma_wait3A_154 = arith.constant 0 : i32
          %dma_wait3A_155 = tpu.memref_slice %arg9[%run_scoped3A_127, %dma_wait3A_153, %dma_wait3A_154] : memref<2x128x128xf32, #tpu.memory_space<vmem>> -> memref<1x128x128xf32, #tpu.memory_space<vmem>>
          %dma_wait3A_156 = tpu.memref_squeeze %dma_wait3A_155 : memref<1x128x128xf32, #tpu.memory_space<vmem>> -> memref<128x128xf32, #tpu.memory_space<vmem>>
          %dma_wait3A_157 = arith.constant 0 : i32
          %dma_wait3A_158 = tpu.memref_slice %arg8[%add3A_126, %dma_wait3A_157] : memref<40x128xi32, #tpu.memory_space<vmem>> -> memref<1x128xi32, #tpu.memory_space<vmem>>
          %dma_wait3A_159 = tpu.memref_squeeze %dma_wait3A_158 : memref<1x128xi32, #tpu.memory_space<vmem>> -> memref<128xi32, #tpu.memory_space<vmem>>
          %dma_wait3A_160 = arith.constant 0 : i32
          %dma_wait3A_161 = arith.constant 0 : i32
          %dma_wait3A_162 = tpu.memref_slice %arg12[%dma_wait3A_160, %dma_wait3A_161] : memref<10240x128xf32, #tpu.memory_space<vmem_shared>> -> memref<10240x128xf32, #tpu.memory_space<vmem_shared>>
          tpu.wait_indirect_dma semaphore(%run_scoped3A_142 : memref<!tpu.dma_semaphore, #tpu.memory_space<semaphore_mem>>) src(%dma_wait3A_156 : memref<128x128xf32, #tpu.memory_space<vmem>>) dst(%dma_wait3A_162 : memref<10240x128xf32, #tpu.memory_space<vmem_shared>>)
          tpu.yield
        }) : () -> ()
        %dma_wait3A_128 = arith.constant 1 : i32
        %dma_wait3A_129 = arith.constant 0 : i32
        %dma_wait3A_130 = arith.constant 0 : i32
        %dma_wait3A_131 = tpu.memref_slice %arg9[%dma_wait3A_128, %dma_wait3A_129, %dma_wait3A_130] : memref<2x128x128xf32, #tpu.memory_space<vmem>> -> memref<1x128x128xf32, #tpu.memory_space<vmem>>
        %dma_wait3A_132 = tpu.memref_squeeze %dma_wait3A_131 : memref<1x128x128xf32, #tpu.memory_space<vmem>> -> memref<128x128xf32, #tpu.memory_space<vmem>>
        %dma_wait3A_133 = arith.constant 0 : i32
        %dma_wait3A_134 = tpu.memref_slice %arg7[%add3A_103, %dma_wait3A_133] : memref<40x128xi32, #tpu.memory_space<vmem>> -> memref<1x128xi32, #tpu.memory_space<vmem>>
        %dma_wait3A_135 = tpu.memref_squeeze %dma_wait3A_134 : memref<1x128xi32, #tpu.memory_space<vmem>> -> memref<128xi32, #tpu.memory_space<vmem>>
        %dma_wait3A_136 = arith.constant 0 : i32
        %dma_wait3A_137 = arith.constant 0 : i32
        %dma_wait3A_138 = tpu.memref_slice %arg2[%dma_wait3A_136, %dma_wait3A_137] : memref<10000x128xf32, #tpu.memory_space<hbm>> -> memref<10000x128xf32, #tpu.memory_space<hbm>>
        tpu.wait_indirect_dma semaphore(%arg11 : memref<!tpu.dma_semaphore, #tpu.memory_space<semaphore_mem>>) src(%dma_wait3A_138 : memref<10000x128xf32, #tpu.memory_space<hbm>>) dst(%dma_wait3A_132 : memref<128x128xf32, #tpu.memory_space<vmem>>)
        %add3A_139 = arith.constant 1 : i32
        %add3A_140 = arith.addi %mul3A_89, %add3A_139 : i32
        %run_scoped3A_141 = arith.constant 1 : i32
        "tpu.region"() ({
          %run_scoped3A_142 = tpu.sem_alloc : memref<!tpu.dma_semaphore, #tpu.memory_space<semaphore_mem>>
          %dma_start3A_143 = arith.constant 0 : i32
          %dma_start3A_144 = arith.constant 0 : i32
          %dma_start3A_145 = tpu.memref_slice %arg9[%run_scoped3A_141, %dma_start3A_143, %dma_start3A_144] : memref<2x128x128xf32, #tpu.memory_space<vmem>> -> memref<1x128x128xf32, #tpu.memory_space<vmem>>
          %dma_start3A_146 = tpu.memref_squeeze %dma_start3A_145 : memref<1x128x128xf32, #tpu.memory_space<vmem>> -> memref<128x128xf32, #tpu.memory_space<vmem>>
          %dma_start3A_147 = arith.constant 0 : i32
          %dma_start3A_148 = tpu.memref_slice %arg8[%add3A_140, %dma_start3A_147] : memref<40x128xi32, #tpu.memory_space<vmem>> -> memref<1x128xi32, #tpu.memory_space<vmem>>
          %dma_start3A_149 = tpu.memref_squeeze %dma_start3A_148 : memref<1x128xi32, #tpu.memory_space<vmem>> -> memref<128xi32, #tpu.memory_space<vmem>>
          %dma_start3A_150 = arith.constant 0 : i32
          %dma_start3A_151 = arith.constant 0 : i32
          %dma_start3A_152 = tpu.memref_slice %arg12[%dma_start3A_150, %dma_start3A_151] : memref<10240x128xf32, #tpu.memory_space<vmem_shared>> -> memref<10240x128xf32, #tpu.memory_space<vmem_shared>>
          tpu.enqueue_indirect_dma source(%dma_start3A_146 : memref<128x128xf32, #tpu.memory_space<vmem>>) target(%dma_start3A_152 : memref<10240x128xf32, #tpu.memory_space<vmem_shared>>) offsets(%dma_start3A_149 : memref<128xi32, #tpu.memory_space<vmem>>) semaphore(%run_scoped3A_142 : memref<!tpu.dma_semaphore, #tpu.memory_space<semaphore_mem>>) {add = true}
          %dma_wait3A_153 = arith.constant 0 : i32
          %dma_wait3A_154 = arith.constant 0 : i32
          %dma_wait3A_155 = tpu.memref_slice %arg9[%run_scoped3A_141, %dma_wait3A_153, %dma_wait3A_154] : memref<2x128x128xf32, #tpu.memory_space<vmem>> -> memref<1x128x128xf32, #tpu.memory_space<vmem>>
          %dma_wait3A_156 = tpu.memref_squeeze %dma_wait3A_155 : memref<1x128x128xf32, #tpu.memory_space<vmem>> -> memref<128x128xf32, #tpu.memory_space<vmem>>
          %dma_wait3A_157 = arith.constant 0 : i32
          %dma_wait3A_158 = tpu.memref_slice %arg8[%add3A_140, %dma_wait3A_157] : memref<40x128xi32, #tpu.memory_space<vmem>> -> memref<1x128xi32, #tpu.memory_space<vmem>>
          %dma_wait3A_159 = tpu.memref_squeeze %dma_wait3A_158 : memref<1x128xi32, #tpu.memory_space<vmem>> -> memref<128xi32, #tpu.memory_space<vmem>>
          %dma_wait3A_160 = arith.constant 0 : i32
          %dma_wait3A_161 = arith.constant 0 : i32
          %dma_wait3A_162 = tpu.memref_slice %arg12[%dma_wait3A_160, %dma_wait3A_161] : memref<10240x128xf32, #tpu.memory_space<vmem_shared>> -> memref<10240x128xf32, #tpu.memory_space<vmem_shared>>
          tpu.wait_indirect_dma semaphore(%run_scoped3A_142 : memref<!tpu.dma_semaphore, #tpu.memory_space<semaphore_mem>>) src(%dma_wait3A_156 : memref<128x128xf32, #tpu.memory_space<vmem>>) dst(%dma_wait3A_162 : memref<10240x128xf32, #tpu.memory_space<vmem_shared>>)
          tpu.yield
        }) : () -> ()
      }
      %scan3A_68 = arith.constant 20 : i32
      %add3A_69 = arith.constant 40 : i32
      %add3A_70 = arith.addi %mul3A_62, %add3A_69 : i32
      "tpu.region"() ({
        %run_scoped3A_83 = tpu.sem_alloc : memref<!tpu.dma_semaphore, #tpu.memory_space<semaphore_mem>>
        %dma_start3A = arith.constant 0 : i32
        %dma_start3A_84 = tpu.memref_slice %arg3[%add3A_70, %dma_start3A] : memref<2560x128xi32, #tpu.memory_space<hbm>> -> memref<40x128xi32, #tpu.memory_space<hbm>>
        %dma_start3A_85 = arith.constant 0 : i32
        %dma_start3A_86 = tpu.memref_slice %arg3[%add3A_70, %dma_start3A_85] : memref<2560x128xi32, #tpu.memory_space<hbm>> -> memref<40x128xi32, #tpu.memory_space<hbm>>
        tpu.enqueue_dma source(%dma_start3A_86 : memref<40x128xi32, #tpu.memory_space<hbm>>) target(%arg7 : memref<40x128xi32, #tpu.memory_space<vmem>>) target_semaphore(%run_scoped3A_83 : memref<!tpu.dma_semaphore, #tpu.memory_space<semaphore_mem>>)
        %dma_wait3A = arith.constant 0 : i32
        %dma_wait3A_87 = tpu.memref_slice %arg3[%add3A_70, %dma_wait3A] : memref<2560x128xi32, #tpu.memory_space<hbm>> -> memref<40x128xi32, #tpu.memory_space<hbm>>
        %dma_wait3A_88 = arith.constant 0 : i32
        %dma_wait3A_89 = tpu.memref_slice %arg3[%add3A_70, %dma_wait3A_88] : memref<2560x128xi32, #tpu.memory_space<hbm>> -> memref<40x128xi32, #tpu.memory_space<hbm>>
        tpu.wait_dma2 semaphore(%run_scoped3A_83 : memref<!tpu.dma_semaphore, #tpu.memory_space<semaphore_mem>>) src(%dma_wait3A_89 : memref<40x128xi32, #tpu.memory_space<hbm>>) dst(%arg7 : memref<40x128xi32, #tpu.memory_space<vmem>>)
        tpu.yield
      }) : () -> ()
      "tpu.region"() ({
        %run_scoped3A_83 = tpu.sem_alloc : memref<!tpu.dma_semaphore, #tpu.memory_space<semaphore_mem>>
        %dma_start3A = arith.constant 0 : i32
        %dma_start3A_84 = tpu.memref_slice %arg4[%add3A_70, %dma_start3A] : memref<2560x128xi32, #tpu.memory_space<hbm>> -> memref<40x128xi32, #tpu.memory_space<hbm>>
        %dma_start3A_85 = arith.constant 0 : i32
        %dma_start3A_86 = tpu.memref_slice %arg4[%add3A_70, %dma_start3A_85] : memref<2560x128xi32, #tpu.memory_space<hbm>> -> memref<40x128xi32, #tpu.memory_space<hbm>>
        tpu.enqueue_dma source(%dma_start3A_86 : memref<40x128xi32, #tpu.memory_space<hbm>>) target(%arg8 : memref<40x128xi32, #tpu.memory_space<vmem>>) target_semaphore(%run_scoped3A_83 : memref<!tpu.dma_semaphore, #tpu.memory_space<semaphore_mem>>)
        %dma_wait3A = arith.constant 0 : i32
        %dma_wait3A_87 = tpu.memref_slice %arg4[%add3A_70, %dma_wait3A] : memref<2560x128xi32, #tpu.memory_space<hbm>> -> memref<40x128xi32, #tpu.memory_space<hbm>>
        %dma_wait3A_88 = arith.constant 0 : i32
        %dma_wait3A_89 = tpu.memref_slice %arg4[%add3A_70, %dma_wait3A_88] : memref<2560x128xi32, #tpu.memory_space<hbm>> -> memref<40x128xi32, #tpu.memory_space<hbm>>
        tpu.wait_dma2 semaphore(%run_scoped3A_83 : memref<!tpu.dma_semaphore, #tpu.memory_space<semaphore_mem>>) src(%dma_wait3A_89 : memref<40x128xi32, #tpu.memory_space<hbm>>) dst(%arg8 : memref<40x128xi32, #tpu.memory_space<vmem>>)
        tpu.yield
      }) : () -> ()
      %scan3A_71 = arith.constant 0 : i32
      %scan3A_72 = arith.constant 20 : i32
      %scan3A_73 = arith.addi %scan3A_71, %scan3A_72 : i32
      %scan3A_74 = arith.constant 1 : i32
      scf.for %scan3A_83 = %scan3A_71 to %scan3A_73 step %scan3A_74  : i32 {
        %mul3A_84 = arith.constant 1 : i32
        %mul3A_85 = arith.muli %scan3A_83, %mul3A_84 : i32
        %add3A_86 = arith.constant 0 : i32
        %add3A_87 = arith.addi %add3A_86, %mul3A_85 : i32
        %mul3A_88 = arith.constant 2 : i32
        %mul3A_89 = arith.muli %add3A_87, %mul3A_88 : i32
        %add3A_90 = arith.constant 0 : i32
        %add3A_91 = arith.addi %mul3A_89, %add3A_90 : i32
        %dma_start3A = arith.constant 0 : i32
        %dma_start3A_92 = arith.constant 0 : i32
        %dma_start3A_93 = arith.constant 0 : i32
        %dma_start3A_94 = tpu.memref_slice %arg9[%dma_start3A, %dma_start3A_92, %dma_start3A_93] : memref<2x128x128xf32, #tpu.memory_space<vmem>> -> memref<1x128x128xf32, #tpu.memory_space<vmem>>
        %dma_start3A_95 = tpu.memref_squeeze %dma_start3A_94 : memref<1x128x128xf32, #tpu.memory_space<vmem>> -> memref<128x128xf32, #tpu.memory_space<vmem>>
        %dma_start3A_96 = arith.constant 0 : i32
        %dma_start3A_97 = tpu.memref_slice %arg7[%add3A_91, %dma_start3A_96] : memref<40x128xi32, #tpu.memory_space<vmem>> -> memref<1x128xi32, #tpu.memory_space<vmem>>
        %dma_start3A_98 = tpu.memref_squeeze %dma_start3A_97 : memref<1x128xi32, #tpu.memory_space<vmem>> -> memref<128xi32, #tpu.memory_space<vmem>>
        %dma_start3A_99 = arith.constant 0 : i32
        %dma_start3A_100 = arith.constant 0 : i32
        %dma_start3A_101 = tpu.memref_slice %arg2[%dma_start3A_99, %dma_start3A_100] : memref<10000x128xf32, #tpu.memory_space<hbm>> -> memref<10000x128xf32, #tpu.memory_space<hbm>>
        tpu.enqueue_indirect_dma source(%dma_start3A_101 : memref<10000x128xf32, #tpu.memory_space<hbm>>) target(%dma_start3A_95 : memref<128x128xf32, #tpu.memory_space<vmem>>) offsets(%dma_start3A_98 : memref<128xi32, #tpu.memory_space<vmem>>) semaphore(%arg10 : memref<!tpu.dma_semaphore, #tpu.memory_space<semaphore_mem>>)
        %add3A_102 = arith.constant 1 : i32
        %add3A_103 = arith.addi %mul3A_89, %add3A_102 : i32
        %dma_start3A_104 = arith.constant 1 : i32
        %dma_start3A_105 = arith.constant 0 : i32
        %dma_start3A_106 = arith.constant 0 : i32
        %dma_start3A_107 = tpu.memref_slice %arg9[%dma_start3A_104, %dma_start3A_105, %dma_start3A_106] : memref<2x128x128xf32, #tpu.memory_space<vmem>> -> memref<1x128x128xf32, #tpu.memory_space<vmem>>
        %dma_start3A_108 = tpu.memref_squeeze %dma_start3A_107 : memref<1x128x128xf32, #tpu.memory_space<vmem>> -> memref<128x128xf32, #tpu.memory_space<vmem>>
        %dma_start3A_109 = arith.constant 0 : i32
        %dma_start3A_110 = tpu.memref_slice %arg7[%add3A_103, %dma_start3A_109] : memref<40x128xi32, #tpu.memory_space<vmem>> -> memref<1x128xi32, #tpu.memory_space<vmem>>
        %dma_start3A_111 = tpu.memref_squeeze %dma_start3A_110 : memref<1x128xi32, #tpu.memory_space<vmem>> -> memref<128xi32, #tpu.memory_space<vmem>>
        %dma_start3A_112 = arith.constant 0 : i32
        %dma_start3A_113 = arith.constant 0 : i32
        %dma_start3A_114 = tpu.memref_slice %arg2[%dma_start3A_112, %dma_start3A_113] : memref<10000x128xf32, #tpu.memory_space<hbm>> -> memref<10000x128xf32, #tpu.memory_space<hbm>>
        tpu.enqueue_indirect_dma source(%dma_start3A_114 : memref<10000x128xf32, #tpu.memory_space<hbm>>) target(%dma_start3A_108 : memref<128x128xf32, #tpu.memory_space<vmem>>) offsets(%dma_start3A_111 : memref<128xi32, #tpu.memory_space<vmem>>) semaphore(%arg11 : memref<!tpu.dma_semaphore, #tpu.memory_space<semaphore_mem>>)
        %dma_wait3A = arith.constant 0 : i32
        %dma_wait3A_115 = arith.constant 0 : i32
        %dma_wait3A_116 = arith.constant 0 : i32
        %dma_wait3A_117 = tpu.memref_slice %arg9[%dma_wait3A, %dma_wait3A_115, %dma_wait3A_116] : memref<2x128x128xf32, #tpu.memory_space<vmem>> -> memref<1x128x128xf32, #tpu.memory_space<vmem>>
        %dma_wait3A_118 = tpu.memref_squeeze %dma_wait3A_117 : memref<1x128x128xf32, #tpu.memory_space<vmem>> -> memref<128x128xf32, #tpu.memory_space<vmem>>
        %dma_wait3A_119 = arith.constant 0 : i32
        %dma_wait3A_120 = tpu.memref_slice %arg7[%add3A_91, %dma_wait3A_119] : memref<40x128xi32, #tpu.memory_space<vmem>> -> memref<1x128xi32, #tpu.memory_space<vmem>>
        %dma_wait3A_121 = tpu.memref_squeeze %dma_wait3A_120 : memref<1x128xi32, #tpu.memory_space<vmem>> -> memref<128xi32, #tpu.memory_space<vmem>>
        %dma_wait3A_122 = arith.constant 0 : i32
        %dma_wait3A_123 = arith.constant 0 : i32
        %dma_wait3A_124 = tpu.memref_slice %arg2[%dma_wait3A_122, %dma_wait3A_123] : memref<10000x128xf32, #tpu.memory_space<hbm>> -> memref<10000x128xf32, #tpu.memory_space<hbm>>
        tpu.wait_indirect_dma semaphore(%arg10 : memref<!tpu.dma_semaphore, #tpu.memory_space<semaphore_mem>>) src(%dma_wait3A_124 : memref<10000x128xf32, #tpu.memory_space<hbm>>) dst(%dma_wait3A_118 : memref<128x128xf32, #tpu.memory_space<vmem>>)
        %add3A_125 = arith.constant 0 : i32
        %add3A_126 = arith.addi %mul3A_89, %add3A_125 : i32
        %run_scoped3A_127 = arith.constant 0 : i32
        "tpu.region"() ({
          %run_scoped3A_142 = tpu.sem_alloc : memref<!tpu.dma_semaphore, #tpu.memory_space<semaphore_mem>>
          %dma_start3A_143 = arith.constant 0 : i32
          %dma_start3A_144 = arith.constant 0 : i32
          %dma_start3A_145 = tpu.memref_slice %arg9[%run_scoped3A_127, %dma_start3A_143, %dma_start3A_144] : memref<2x128x128xf32, #tpu.memory_space<vmem>> -> memref<1x128x128xf32, #tpu.memory_space<vmem>>
          %dma_start3A_146 = tpu.memref_squeeze %dma_start3A_145 : memref<1x128x128xf32, #tpu.memory_space<vmem>> -> memref<128x128xf32, #tpu.memory_space<vmem>>
          %dma_start3A_147 = arith.constant 0 : i32
          %dma_start3A_148 = tpu.memref_slice %arg8[%add3A_126, %dma_start3A_147] : memref<40x128xi32, #tpu.memory_space<vmem>> -> memref<1x128xi32, #tpu.memory_space<vmem>>
          %dma_start3A_149 = tpu.memref_squeeze %dma_start3A_148 : memref<1x128xi32, #tpu.memory_space<vmem>> -> memref<128xi32, #tpu.memory_space<vmem>>
          %dma_start3A_150 = arith.constant 0 : i32
          %dma_start3A_151 = arith.constant 0 : i32
          %dma_start3A_152 = tpu.memref_slice %arg12[%dma_start3A_150, %dma_start3A_151] : memref<10240x128xf32, #tpu.memory_space<vmem_shared>> -> memref<10240x128xf32, #tpu.memory_space<vmem_shared>>
          tpu.enqueue_indirect_dma source(%dma_start3A_146 : memref<128x128xf32, #tpu.memory_space<vmem>>) target(%dma_start3A_152 : memref<10240x128xf32, #tpu.memory_space<vmem_shared>>) offsets(%dma_start3A_149 : memref<128xi32, #tpu.memory_space<vmem>>) semaphore(%run_scoped3A_142 : memref<!tpu.dma_semaphore, #tpu.memory_space<semaphore_mem>>) {add = true}
          %dma_wait3A_153 = arith.constant 0 : i32
          %dma_wait3A_154 = arith.constant 0 : i32
          %dma_wait3A_155 = tpu.memref_slice %arg9[%run_scoped3A_127, %dma_wait3A_153, %dma_wait3A_154] : memref<2x128x128xf32, #tpu.memory_space<vmem>> -> memref<1x128x128xf32, #tpu.memory_space<vmem>>
          %dma_wait3A_156 = tpu.memref_squeeze %dma_wait3A_155 : memref<1x128x128xf32, #tpu.memory_space<vmem>> -> memref<128x128xf32, #tpu.memory_space<vmem>>
          %dma_wait3A_157 = arith.constant 0 : i32
          %dma_wait3A_158 = tpu.memref_slice %arg8[%add3A_126, %dma_wait3A_157] : memref<40x128xi32, #tpu.memory_space<vmem>> -> memref<1x128xi32, #tpu.memory_space<vmem>>
          %dma_wait3A_159 = tpu.memref_squeeze %dma_wait3A_158 : memref<1x128xi32, #tpu.memory_space<vmem>> -> memref<128xi32, #tpu.memory_space<vmem>>
          %dma_wait3A_160 = arith.constant 0 : i32
          %dma_wait3A_161 = arith.constant 0 : i32
          %dma_wait3A_162 = tpu.memref_slice %arg12[%dma_wait3A_160, %dma_wait3A_161] : memref<10240x128xf32, #tpu.memory_space<vmem_shared>> -> memref<10240x128xf32, #tpu.memory_space<vmem_shared>>
          tpu.wait_indirect_dma semaphore(%run_scoped3A_142 : memref<!tpu.dma_semaphore, #tpu.memory_space<semaphore_mem>>) src(%dma_wait3A_156 : memref<128x128xf32, #tpu.memory_space<vmem>>) dst(%dma_wait3A_162 : memref<10240x128xf32, #tpu.memory_space<vmem_shared>>)
          tpu.yield
        }) : () -> ()
        %dma_wait3A_128 = arith.constant 1 : i32
        %dma_wait3A_129 = arith.constant 0 : i32
        %dma_wait3A_130 = arith.constant 0 : i32
        %dma_wait3A_131 = tpu.memref_slice %arg9[%dma_wait3A_128, %dma_wait3A_129, %dma_wait3A_130] : memref<2x128x128xf32, #tpu.memory_space<vmem>> -> memref<1x128x128xf32, #tpu.memory_space<vmem>>
        %dma_wait3A_132 = tpu.memref_squeeze %dma_wait3A_131 : memref<1x128x128xf32, #tpu.memory_space<vmem>> -> memref<128x128xf32, #tpu.memory_space<vmem>>
        %dma_wait3A_133 = arith.constant 0 : i32
        %dma_wait3A_134 = tpu.memref_slice %arg7[%add3A_103, %dma_wait3A_133] : memref<40x128xi32, #tpu.memory_space<vmem>> -> memref<1x128xi32, #tpu.memory_space<vmem>>
        %dma_wait3A_135 = tpu.memref_squeeze %dma_wait3A_134 : memref<1x128xi32, #tpu.memory_space<vmem>> -> memref<128xi32, #tpu.memory_space<vmem>>
        %dma_wait3A_136 = arith.constant 0 : i32
        %dma_wait3A_137 = arith.constant 0 : i32
        %dma_wait3A_138 = tpu.memref_slice %arg2[%dma_wait3A_136, %dma_wait3A_137] : memref<10000x128xf32, #tpu.memory_space<hbm>> -> memref<10000x128xf32, #tpu.memory_space<hbm>>
        tpu.wait_indirect_dma semaphore(%arg11 : memref<!tpu.dma_semaphore, #tpu.memory_space<semaphore_mem>>) src(%dma_wait3A_138 : memref<10000x128xf32, #tpu.memory_space<hbm>>) dst(%dma_wait3A_132 : memref<128x128xf32, #tpu.memory_space<vmem>>)
        %add3A_139 = arith.constant 1 : i32
        %add3A_140 = arith.addi %mul3A_89, %add3A_139 : i32
        %run_scoped3A_141 = arith.constant 1 : i32
        "tpu.region"() ({
          %run_scoped3A_142 = tpu.sem_alloc : memref<!tpu.dma_semaphore, #tpu.memory_space<semaphore_mem>>
          %dma_start3A_143 = arith.constant 0 : i32
          %dma_start3A_144 = arith.constant 0 : i32
          %dma_start3A_145 = tpu.memref_slice %arg9[%run_scoped3A_141, %dma_start3A_143, %dma_start3A_144] : memref<2x128x128xf32, #tpu.memory_space<vmem>> -> memref<1x128x128xf32, #tpu.memory_space<vmem>>
          %dma_start3A_146 = tpu.memref_squeeze %dma_start3A_145 : memref<1x128x128xf32, #tpu.memory_space<vmem>> -> memref<128x128xf32, #tpu.memory_space<vmem>>
          %dma_start3A_147 = arith.constant 0 : i32
          %dma_start3A_148 = tpu.memref_slice %arg8[%add3A_140, %dma_start3A_147] : memref<40x128xi32, #tpu.memory_space<vmem>> -> memref<1x128xi32, #tpu.memory_space<vmem>>
          %dma_start3A_149 = tpu.memref_squeeze %dma_start3A_148 : memref<1x128xi32, #tpu.memory_space<vmem>> -> memref<128xi32, #tpu.memory_space<vmem>>
          %dma_start3A_150 = arith.constant 0 : i32
          %dma_start3A_151 = arith.constant 0 : i32
          %dma_start3A_152 = tpu.memref_slice %arg12[%dma_start3A_150, %dma_start3A_151] : memref<10240x128xf32, #tpu.memory_space<vmem_shared>> -> memref<10240x128xf32, #tpu.memory_space<vmem_shared>>
          tpu.enqueue_indirect_dma source(%dma_start3A_146 : memref<128x128xf32, #tpu.memory_space<vmem>>) target(%dma_start3A_152 : memref<10240x128xf32, #tpu.memory_space<vmem_shared>>) offsets(%dma_start3A_149 : memref<128xi32, #tpu.memory_space<vmem>>) semaphore(%run_scoped3A_142 : memref<!tpu.dma_semaphore, #tpu.memory_space<semaphore_mem>>) {add = true}
          %dma_wait3A_153 = arith.constant 0 : i32
          %dma_wait3A_154 = arith.constant 0 : i32
          %dma_wait3A_155 = tpu.memref_slice %arg9[%run_scoped3A_141, %dma_wait3A_153, %dma_wait3A_154] : memref<2x128x128xf32, #tpu.memory_space<vmem>> -> memref<1x128x128xf32, #tpu.memory_space<vmem>>
          %dma_wait3A_156 = tpu.memref_squeeze %dma_wait3A_155 : memref<1x128x128xf32, #tpu.memory_space<vmem>> -> memref<128x128xf32, #tpu.memory_space<vmem>>
          %dma_wait3A_157 = arith.constant 0 : i32
          %dma_wait3A_158 = tpu.memref_slice %arg8[%add3A_140, %dma_wait3A_157] : memref<40x128xi32, #tpu.memory_space<vmem>> -> memref<1x128xi32, #tpu.memory_space<vmem>>
          %dma_wait3A_159 = tpu.memref_squeeze %dma_wait3A_158 : memref<1x128xi32, #tpu.memory_space<vmem>> -> memref<128xi32, #tpu.memory_space<vmem>>
          %dma_wait3A_160 = arith.constant 0 : i32
          %dma_wait3A_161 = arith.constant 0 : i32
          %dma_wait3A_162 = tpu.memref_slice %arg12[%dma_wait3A_160, %dma_wait3A_161] : memref<10240x128xf32, #tpu.memory_space<vmem_shared>> -> memref<10240x128xf32, #tpu.memory_space<vmem_shared>>
          tpu.wait_indirect_dma semaphore(%run_scoped3A_142 : memref<!tpu.dma_semaphore, #tpu.memory_space<semaphore_mem>>) src(%dma_wait3A_156 : memref<128x128xf32, #tpu.memory_space<vmem>>) dst(%dma_wait3A_162 : memref<10240x128xf32, #tpu.memory_space<vmem_shared>>)
          tpu.yield
        }) : () -> ()
      }
      %scan3A_75 = arith.constant 20 : i32
      %add3A_76 = arith.constant 80 : i32
      %add3A_77 = arith.addi %mul3A_62, %add3A_76 : i32
      "tpu.region"() ({
        %run_scoped3A_83 = tpu.sem_alloc : memref<!tpu.dma_semaphore, #tpu.memory_space<semaphore_mem>>
        %dma_start3A = arith.constant 0 : i32
        %dma_start3A_84 = tpu.memref_slice %arg3[%add3A_77, %dma_start3A] : memref<2560x128xi32, #tpu.memory_space<hbm>> -> memref<40x128xi32, #tpu.memory_space<hbm>>
        %dma_start3A_85 = arith.constant 0 : i32
        %dma_start3A_86 = tpu.memref_slice %arg3[%add3A_77, %dma_start3A_85] : memref<2560x128xi32, #tpu.memory_space<hbm>> -> memref<40x128xi32, #tpu.memory_space<hbm>>
        tpu.enqueue_dma source(%dma_start3A_86 : memref<40x128xi32, #tpu.memory_space<hbm>>) target(%arg7 : memref<40x128xi32, #tpu.memory_space<vmem>>) target_semaphore(%run_scoped3A_83 : memref<!tpu.dma_semaphore, #tpu.memory_space<semaphore_mem>>)
        %dma_wait3A = arith.constant 0 : i32
        %dma_wait3A_87 = tpu.memref_slice %arg3[%add3A_77, %dma_wait3A] : memref<2560x128xi32, #tpu.memory_space<hbm>> -> memref<40x128xi32, #tpu.memory_space<hbm>>
        %dma_wait3A_88 = arith.constant 0 : i32
        %dma_wait3A_89 = tpu.memref_slice %arg3[%add3A_77, %dma_wait3A_88] : memref<2560x128xi32, #tpu.memory_space<hbm>> -> memref<40x128xi32, #tpu.memory_space<hbm>>
        tpu.wait_dma2 semaphore(%run_scoped3A_83 : memref<!tpu.dma_semaphore, #tpu.memory_space<semaphore_mem>>) src(%dma_wait3A_89 : memref<40x128xi32, #tpu.memory_space<hbm>>) dst(%arg7 : memref<40x128xi32, #tpu.memory_space<vmem>>)
        tpu.yield
      }) : () -> ()
      "tpu.region"() ({
        %run_scoped3A_83 = tpu.sem_alloc : memref<!tpu.dma_semaphore, #tpu.memory_space<semaphore_mem>>
        %dma_start3A = arith.constant 0 : i32
        %dma_start3A_84 = tpu.memref_slice %arg4[%add3A_77, %dma_start3A] : memref<2560x128xi32, #tpu.memory_space<hbm>> -> memref<40x128xi32, #tpu.memory_space<hbm>>
        %dma_start3A_85 = arith.constant 0 : i32
        %dma_start3A_86 = tpu.memref_slice %arg4[%add3A_77, %dma_start3A_85] : memref<2560x128xi32, #tpu.memory_space<hbm>> -> memref<40x128xi32, #tpu.memory_space<hbm>>
        tpu.enqueue_dma source(%dma_start3A_86 : memref<40x128xi32, #tpu.memory_space<hbm>>) target(%arg8 : memref<40x128xi32, #tpu.memory_space<vmem>>) target_semaphore(%run_scoped3A_83 : memref<!tpu.dma_semaphore, #tpu.memory_space<semaphore_mem>>)
        %dma_wait3A = arith.constant 0 : i32
        %dma_wait3A_87 = tpu.memref_slice %arg4[%add3A_77, %dma_wait3A] : memref<2560x128xi32, #tpu.memory_space<hbm>> -> memref<40x128xi32, #tpu.memory_space<hbm>>
        %dma_wait3A_88 = arith.constant 0 : i32
        %dma_wait3A_89 = tpu.memref_slice %arg4[%add3A_77, %dma_wait3A_88] : memref<2560x128xi32, #tpu.memory_space<hbm>> -> memref<40x128xi32, #tpu.memory_space<hbm>>
        tpu.wait_dma2 semaphore(%run_scoped3A_83 : memref<!tpu.dma_semaphore, #tpu.memory_space<semaphore_mem>>) src(%dma_wait3A_89 : memref<40x128xi32, #tpu.memory_space<hbm>>) dst(%arg8 : memref<40x128xi32, #tpu.memory_space<vmem>>)
        tpu.yield
      }) : () -> ()
      %scan3A_78 = arith.constant 0 : i32
      %scan3A_79 = arith.constant 20 : i32
      %scan3A_80 = arith.addi %scan3A_78, %scan3A_79 : i32
      %scan3A_81 = arith.constant 1 : i32
      scf.for %scan3A_83 = %scan3A_78 to %scan3A_80 step %scan3A_81  : i32 {
        %mul3A_84 = arith.constant 1 : i32
        %mul3A_85 = arith.muli %scan3A_83, %mul3A_84 : i32
        %add3A_86 = arith.constant 0 : i32
        %add3A_87 = arith.addi %add3A_86, %mul3A_85 : i32
        %mul3A_88 = arith.constant 2 : i32
        %mul3A_89 = arith.muli %add3A_87, %mul3A_88 : i32
        %add3A_90 = arith.constant 0 : i32
        %add3A_91 = arith.addi %mul3A_89, %add3A_90 : i32
        %dma_start3A = arith.constant 0 : i32
        %dma_start3A_92 = arith.constant 0 : i32
        %dma_start3A_93 = arith.constant 0 : i32
        %dma_start3A_94 = tpu.memref_slice %arg9[%dma_start3A, %dma_start3A_92, %dma_start3A_93] : memref<2x128x128xf32, #tpu.memory_space<vmem>> -> memref<1x128x128xf32, #tpu.memory_space<vmem>>
        %dma_start3A_95 = tpu.memref_squeeze %dma_start3A_94 : memref<1x128x128xf32, #tpu.memory_space<vmem>> -> memref<128x128xf32, #tpu.memory_space<vmem>>
        %dma_start3A_96 = arith.constant 0 : i32
        %dma_start3A_97 = tpu.memref_slice %arg7[%add3A_91, %dma_start3A_96] : memref<40x128xi32, #tpu.memory_space<vmem>> -> memref<1x128xi32, #tpu.memory_space<vmem>>
        %dma_start3A_98 = tpu.memref_squeeze %dma_start3A_97 : memref<1x128xi32, #tpu.memory_space<vmem>> -> memref<128xi32, #tpu.memory_space<vmem>>
        %dma_start3A_99 = arith.constant 0 : i32
        %dma_start3A_100 = arith.constant 0 : i32
        %dma_start3A_101 = tpu.memref_slice %arg2[%dma_start3A_99, %dma_start3A_100] : memref<10000x128xf32, #tpu.memory_space<hbm>> -> memref<10000x128xf32, #tpu.memory_space<hbm>>
        tpu.enqueue_indirect_dma source(%dma_start3A_101 : memref<10000x128xf32, #tpu.memory_space<hbm>>) target(%dma_start3A_95 : memref<128x128xf32, #tpu.memory_space<vmem>>) offsets(%dma_start3A_98 : memref<128xi32, #tpu.memory_space<vmem>>) semaphore(%arg10 : memref<!tpu.dma_semaphore, #tpu.memory_space<semaphore_mem>>)
        %add3A_102 = arith.constant 1 : i32
        %add3A_103 = arith.addi %mul3A_89, %add3A_102 : i32
        %dma_start3A_104 = arith.constant 1 : i32
        %dma_start3A_105 = arith.constant 0 : i32
        %dma_start3A_106 = arith.constant 0 : i32
        %dma_start3A_107 = tpu.memref_slice %arg9[%dma_start3A_104, %dma_start3A_105, %dma_start3A_106] : memref<2x128x128xf32, #tpu.memory_space<vmem>> -> memref<1x128x128xf32, #tpu.memory_space<vmem>>
        %dma_start3A_108 = tpu.memref_squeeze %dma_start3A_107 : memref<1x128x128xf32, #tpu.memory_space<vmem>> -> memref<128x128xf32, #tpu.memory_space<vmem>>
        %dma_start3A_109 = arith.constant 0 : i32
        %dma_start3A_110 = tpu.memref_slice %arg7[%add3A_103, %dma_start3A_109] : memref<40x128xi32, #tpu.memory_space<vmem>> -> memref<1x128xi32, #tpu.memory_space<vmem>>
        %dma_start3A_111 = tpu.memref_squeeze %dma_start3A_110 : memref<1x128xi32, #tpu.memory_space<vmem>> -> memref<128xi32, #tpu.memory_space<vmem>>
        %dma_start3A_112 = arith.constant 0 : i32
        %dma_start3A_113 = arith.constant 0 : i32
        %dma_start3A_114 = tpu.memref_slice %arg2[%dma_start3A_112, %dma_start3A_113] : memref<10000x128xf32, #tpu.memory_space<hbm>> -> memref<10000x128xf32, #tpu.memory_space<hbm>>
        tpu.enqueue_indirect_dma source(%dma_start3A_114 : memref<10000x128xf32, #tpu.memory_space<hbm>>) target(%dma_start3A_108 : memref<128x128xf32, #tpu.memory_space<vmem>>) offsets(%dma_start3A_111 : memref<128xi32, #tpu.memory_space<vmem>>) semaphore(%arg11 : memref<!tpu.dma_semaphore, #tpu.memory_space<semaphore_mem>>)
        %dma_wait3A = arith.constant 0 : i32
        %dma_wait3A_115 = arith.constant 0 : i32
        %dma_wait3A_116 = arith.constant 0 : i32
        %dma_wait3A_117 = tpu.memref_slice %arg9[%dma_wait3A, %dma_wait3A_115, %dma_wait3A_116] : memref<2x128x128xf32, #tpu.memory_space<vmem>> -> memref<1x128x128xf32, #tpu.memory_space<vmem>>
        %dma_wait3A_118 = tpu.memref_squeeze %dma_wait3A_117 : memref<1x128x128xf32, #tpu.memory_space<vmem>> -> memref<128x128xf32, #tpu.memory_space<vmem>>
        %dma_wait3A_119 = arith.constant 0 : i32
        %dma_wait3A_120 = tpu.memref_slice %arg7[%add3A_91, %dma_wait3A_119] : memref<40x128xi32, #tpu.memory_space<vmem>> -> memref<1x128xi32, #tpu.memory_space<vmem>>
        %dma_wait3A_121 = tpu.memref_squeeze %dma_wait3A_120 : memref<1x128xi32, #tpu.memory_space<vmem>> -> memref<128xi32, #tpu.memory_space<vmem>>
        %dma_wait3A_122 = arith.constant 0 : i32
        %dma_wait3A_123 = arith.constant 0 : i32
        %dma_wait3A_124 = tpu.memref_slice %arg2[%dma_wait3A_122, %dma_wait3A_123] : memref<10000x128xf32, #tpu.memory_space<hbm>> -> memref<10000x128xf32, #tpu.memory_space<hbm>>
        tpu.wait_indirect_dma semaphore(%arg10 : memref<!tpu.dma_semaphore, #tpu.memory_space<semaphore_mem>>) src(%dma_wait3A_124 : memref<10000x128xf32, #tpu.memory_space<hbm>>) dst(%dma_wait3A_118 : memref<128x128xf32, #tpu.memory_space<vmem>>)
        %add3A_125 = arith.constant 0 : i32
        %add3A_126 = arith.addi %mul3A_89, %add3A_125 : i32
        %run_scoped3A_127 = arith.constant 0 : i32
        "tpu.region"() ({
          %run_scoped3A_142 = tpu.sem_alloc : memref<!tpu.dma_semaphore, #tpu.memory_space<semaphore_mem>>
          %dma_start3A_143 = arith.constant 0 : i32
          %dma_start3A_144 = arith.constant 0 : i32
          %dma_start3A_145 = tpu.memref_slice %arg9[%run_scoped3A_127, %dma_start3A_143, %dma_start3A_144] : memref<2x128x128xf32, #tpu.memory_space<vmem>> -> memref<1x128x128xf32, #tpu.memory_space<vmem>>
          %dma_start3A_146 = tpu.memref_squeeze %dma_start3A_145 : memref<1x128x128xf32, #tpu.memory_space<vmem>> -> memref<128x128xf32, #tpu.memory_space<vmem>>
          %dma_start3A_147 = arith.constant 0 : i32
          %dma_start3A_148 = tpu.memref_slice %arg8[%add3A_126, %dma_start3A_147] : memref<40x128xi32, #tpu.memory_space<vmem>> -> memref<1x128xi32, #tpu.memory_space<vmem>>
          %dma_start3A_149 = tpu.memref_squeeze %dma_start3A_148 : memref<1x128xi32, #tpu.memory_space<vmem>> -> memref<128xi32, #tpu.memory_space<vmem>>
          %dma_start3A_150 = arith.constant 0 : i32
          %dma_start3A_151 = arith.constant 0 : i32
          %dma_start3A_152 = tpu.memref_slice %arg12[%dma_start3A_150, %dma_start3A_151] : memref<10240x128xf32, #tpu.memory_space<vmem_shared>> -> memref<10240x128xf32, #tpu.memory_space<vmem_shared>>
          tpu.enqueue_indirect_dma source(%dma_start3A_146 : memref<128x128xf32, #tpu.memory_space<vmem>>) target(%dma_start3A_152 : memref<10240x128xf32, #tpu.memory_space<vmem_shared>>) offsets(%dma_start3A_149 : memref<128xi32, #tpu.memory_space<vmem>>) semaphore(%run_scoped3A_142 : memref<!tpu.dma_semaphore, #tpu.memory_space<semaphore_mem>>) {add = true}
          %dma_wait3A_153 = arith.constant 0 : i32
          %dma_wait3A_154 = arith.constant 0 : i32
          %dma_wait3A_155 = tpu.memref_slice %arg9[%run_scoped3A_127, %dma_wait3A_153, %dma_wait3A_154] : memref<2x128x128xf32, #tpu.memory_space<vmem>> -> memref<1x128x128xf32, #tpu.memory_space<vmem>>
          %dma_wait3A_156 = tpu.memref_squeeze %dma_wait3A_155 : memref<1x128x128xf32, #tpu.memory_space<vmem>> -> memref<128x128xf32, #tpu.memory_space<vmem>>
          %dma_wait3A_157 = arith.constant 0 : i32
          %dma_wait3A_158 = tpu.memref_slice %arg8[%add3A_126, %dma_wait3A_157] : memref<40x128xi32, #tpu.memory_space<vmem>> -> memref<1x128xi32, #tpu.memory_space<vmem>>
          %dma_wait3A_159 = tpu.memref_squeeze %dma_wait3A_158 : memref<1x128xi32, #tpu.memory_space<vmem>> -> memref<128xi32, #tpu.memory_space<vmem>>
          %dma_wait3A_160 = arith.constant 0 : i32
          %dma_wait3A_161 = arith.constant 0 : i32
          %dma_wait3A_162 = tpu.memref_slice %arg12[%dma_wait3A_160, %dma_wait3A_161] : memref<10240x128xf32, #tpu.memory_space<vmem_shared>> -> memref<10240x128xf32, #tpu.memory_space<vmem_shared>>
          tpu.wait_indirect_dma semaphore(%run_scoped3A_142 : memref<!tpu.dma_semaphore, #tpu.memory_space<semaphore_mem>>) src(%dma_wait3A_156 : memref<128x128xf32, #tpu.memory_space<vmem>>) dst(%dma_wait3A_162 : memref<10240x128xf32, #tpu.memory_space<vmem_shared>>)
          tpu.yield
        }) : () -> ()
        %dma_wait3A_128 = arith.constant 1 : i32
        %dma_wait3A_129 = arith.constant 0 : i32
        %dma_wait3A_130 = arith.constant 0 : i32
        %dma_wait3A_131 = tpu.memref_slice %arg9[%dma_wait3A_128, %dma_wait3A_129, %dma_wait3A_130] : memref<2x128x128xf32, #tpu.memory_space<vmem>> -> memref<1x128x128xf32, #tpu.memory_space<vmem>>
        %dma_wait3A_132 = tpu.memref_squeeze %dma_wait3A_131 : memref<1x128x128xf32, #tpu.memory_space<vmem>> -> memref<128x128xf32, #tpu.memory_space<vmem>>
        %dma_wait3A_133 = arith.constant 0 : i32
        %dma_wait3A_134 = tpu.memref_slice %arg7[%add3A_103, %dma_wait3A_133] : memref<40x128xi32, #tpu.memory_space<vmem>> -> memref<1x128xi32, #tpu.memory_space<vmem>>
        %dma_wait3A_135 = tpu.memref_squeeze %dma_wait3A_134 : memref<1x128xi32, #tpu.memory_space<vmem>> -> memref<128xi32, #tpu.memory_space<vmem>>
        %dma_wait3A_136 = arith.constant 0 : i32
        %dma_wait3A_137 = arith.constant 0 : i32
        %dma_wait3A_138 = tpu.memref_slice %arg2[%dma_wait3A_136, %dma_wait3A_137] : memref<10000x128xf32, #tpu.memory_space<hbm>> -> memref<10000x128xf32, #tpu.memory_space<hbm>>
        tpu.wait_indirect_dma semaphore(%arg11 : memref<!tpu.dma_semaphore, #tpu.memory_space<semaphore_mem>>) src(%dma_wait3A_138 : memref<10000x128xf32, #tpu.memory_space<hbm>>) dst(%dma_wait3A_132 : memref<128x128xf32, #tpu.memory_space<vmem>>)
        %add3A_139 = arith.constant 1 : i32
        %add3A_140 = arith.addi %mul3A_89, %add3A_139 : i32
        %run_scoped3A_141 = arith.constant 1 : i32
        "tpu.region"() ({
          %run_scoped3A_142 = tpu.sem_alloc : memref<!tpu.dma_semaphore, #tpu.memory_space<semaphore_mem>>
          %dma_start3A_143 = arith.constant 0 : i32
          %dma_start3A_144 = arith.constant 0 : i32
          %dma_start3A_145 = tpu.memref_slice %arg9[%run_scoped3A_141, %dma_start3A_143, %dma_start3A_144] : memref<2x128x128xf32, #tpu.memory_space<vmem>> -> memref<1x128x128xf32, #tpu.memory_space<vmem>>
          %dma_start3A_146 = tpu.memref_squeeze %dma_start3A_145 : memref<1x128x128xf32, #tpu.memory_space<vmem>> -> memref<128x128xf32, #tpu.memory_space<vmem>>
          %dma_start3A_147 = arith.constant 0 : i32
          %dma_start3A_148 = tpu.memref_slice %arg8[%add3A_140, %dma_start3A_147] : memref<40x128xi32, #tpu.memory_space<vmem>> -> memref<1x128xi32, #tpu.memory_space<vmem>>
          %dma_start3A_149 = tpu.memref_squeeze %dma_start3A_148 : memref<1x128xi32, #tpu.memory_space<vmem>> -> memref<128xi32, #tpu.memory_space<vmem>>
          %dma_start3A_150 = arith.constant 0 : i32
          %dma_start3A_151 = arith.constant 0 : i32
          %dma_start3A_152 = tpu.memref_slice %arg12[%dma_start3A_150, %dma_start3A_151] : memref<10240x128xf32, #tpu.memory_space<vmem_shared>> -> memref<10240x128xf32, #tpu.memory_space<vmem_shared>>
          tpu.enqueue_indirect_dma source(%dma_start3A_146 : memref<128x128xf32, #tpu.memory_space<vmem>>) target(%dma_start3A_152 : memref<10240x128xf32, #tpu.memory_space<vmem_shared>>) offsets(%dma_start3A_149 : memref<128xi32, #tpu.memory_space<vmem>>) semaphore(%run_scoped3A_142 : memref<!tpu.dma_semaphore, #tpu.memory_space<semaphore_mem>>) {add = true}
          %dma_wait3A_153 = arith.constant 0 : i32
          %dma_wait3A_154 = arith.constant 0 : i32
          %dma_wait3A_155 = tpu.memref_slice %arg9[%run_scoped3A_141, %dma_wait3A_153, %dma_wait3A_154] : memref<2x128x128xf32, #tpu.memory_space<vmem>> -> memref<1x128x128xf32, #tpu.memory_space<vmem>>
          %dma_wait3A_156 = tpu.memref_squeeze %dma_wait3A_155 : memref<1x128x128xf32, #tpu.memory_space<vmem>> -> memref<128x128xf32, #tpu.memory_space<vmem>>
          %dma_wait3A_157 = arith.constant 0 : i32
          %dma_wait3A_158 = tpu.memref_slice %arg8[%add3A_140, %dma_wait3A_157] : memref<40x128xi32, #tpu.memory_space<vmem>> -> memref<1x128xi32, #tpu.memory_space<vmem>>
          %dma_wait3A_159 = tpu.memref_squeeze %dma_wait3A_158 : memref<1x128xi32, #tpu.memory_space<vmem>> -> memref<128xi32, #tpu.memory_space<vmem>>
          %dma_wait3A_160 = arith.constant 0 : i32
          %dma_wait3A_161 = arith.constant 0 : i32
          %dma_wait3A_162 = tpu.memref_slice %arg12[%dma_wait3A_160, %dma_wait3A_161] : memref<10240x128xf32, #tpu.memory_space<vmem_shared>> -> memref<10240x128xf32, #tpu.memory_space<vmem_shared>>
          tpu.wait_indirect_dma semaphore(%run_scoped3A_142 : memref<!tpu.dma_semaphore, #tpu.memory_space<semaphore_mem>>) src(%dma_wait3A_156 : memref<128x128xf32, #tpu.memory_space<vmem>>) dst(%dma_wait3A_162 : memref<10240x128xf32, #tpu.memory_space<vmem_shared>>)
          tpu.yield
        }) : () -> ()
      }
      %scan3A_82 = arith.constant 20 : i32
    } else {
    }
    %eq3A_25 = arith.constant 1 : i32
    %eq3A_26 = arith.cmpi eq, %arg0, %eq3A_25 : i32
    %convert_element_type3A_27 = arith.extui %eq3A_26 : i1 to i32
    %cond3A_28 = arith.constant 0 : i32
    %cond3A_29 = arith.cmpi ne, %convert_element_type3A_27, %cond3A_28 : i32
    scf.if %cond3A_29 {
      %mul3A_61 = arith.constant 40 : i32
      %mul3A_62 = arith.muli %arg1, %mul3A_61 : i32
      %add3A_63 = arith.constant 1920 : i32
      %add3A_64 = arith.addi %add3A_63, %mul3A_62 : i32
      %add3A_65 = arith.constant 0 : i32
      %add3A_66 = arith.addi %add3A_64, %add3A_65 : i32
      "tpu.region"() ({
        %run_scoped3A_71 = tpu.sem_alloc : memref<!tpu.dma_semaphore, #tpu.memory_space<semaphore_mem>>
        %dma_start3A = arith.constant 0 : i32
        %dma_start3A_72 = tpu.memref_slice %arg3[%add3A_66, %dma_start3A] : memref<2560x128xi32, #tpu.memory_space<hbm>> -> memref<40x128xi32, #tpu.memory_space<hbm>>
        %dma_start3A_73 = arith.constant 0 : i32
        %dma_start3A_74 = tpu.memref_slice %arg3[%add3A_66, %dma_start3A_73] : memref<2560x128xi32, #tpu.memory_space<hbm>> -> memref<40x128xi32, #tpu.memory_space<hbm>>
        tpu.enqueue_dma source(%dma_start3A_74 : memref<40x128xi32, #tpu.memory_space<hbm>>) target(%arg7 : memref<40x128xi32, #tpu.memory_space<vmem>>) target_semaphore(%run_scoped3A_71 : memref<!tpu.dma_semaphore, #tpu.memory_space<semaphore_mem>>)
        %dma_wait3A = arith.constant 0 : i32
        %dma_wait3A_75 = tpu.memref_slice %arg3[%add3A_66, %dma_wait3A] : memref<2560x128xi32, #tpu.memory_space<hbm>> -> memref<40x128xi32, #tpu.memory_space<hbm>>
        %dma_wait3A_76 = arith.constant 0 : i32
        %dma_wait3A_77 = tpu.memref_slice %arg3[%add3A_66, %dma_wait3A_76] : memref<2560x128xi32, #tpu.memory_space<hbm>> -> memref<40x128xi32, #tpu.memory_space<hbm>>
        tpu.wait_dma2 semaphore(%run_scoped3A_71 : memref<!tpu.dma_semaphore, #tpu.memory_space<semaphore_mem>>) src(%dma_wait3A_77 : memref<40x128xi32, #tpu.memory_space<hbm>>) dst(%arg7 : memref<40x128xi32, #tpu.memory_space<vmem>>)
        tpu.yield
      }) : () -> ()
      "tpu.region"() ({
        %run_scoped3A_71 = tpu.sem_alloc : memref<!tpu.dma_semaphore, #tpu.memory_space<semaphore_mem>>
        %dma_start3A = arith.constant 0 : i32
        %dma_start3A_72 = tpu.memref_slice %arg4[%add3A_66, %dma_start3A] : memref<2560x128xi32, #tpu.memory_space<hbm>> -> memref<40x128xi32, #tpu.memory_space<hbm>>
        %dma_start3A_73 = arith.constant 0 : i32
        %dma_start3A_74 = tpu.memref_slice %arg4[%add3A_66, %dma_start3A_73] : memref<2560x128xi32, #tpu.memory_space<hbm>> -> memref<40x128xi32, #tpu.memory_space<hbm>>
        tpu.enqueue_dma source(%dma_start3A_74 : memref<40x128xi32, #tpu.memory_space<hbm>>) target(%arg8 : memref<40x128xi32, #tpu.memory_space<vmem>>) target_semaphore(%run_scoped3A_71 : memref<!tpu.dma_semaphore, #tpu.memory_space<semaphore_mem>>)
        %dma_wait3A = arith.constant 0 : i32
        %dma_wait3A_75 = tpu.memref_slice %arg4[%add3A_66, %dma_wait3A] : memref<2560x128xi32, #tpu.memory_space<hbm>> -> memref<40x128xi32, #tpu.memory_space<hbm>>
        %dma_wait3A_76 = arith.constant 0 : i32
        %dma_wait3A_77 = tpu.memref_slice %arg4[%add3A_66, %dma_wait3A_76] : memref<2560x128xi32, #tpu.memory_space<hbm>> -> memref<40x128xi32, #tpu.memory_space<hbm>>
        tpu.wait_dma2 semaphore(%run_scoped3A_71 : memref<!tpu.dma_semaphore, #tpu.memory_space<semaphore_mem>>) src(%dma_wait3A_77 : memref<40x128xi32, #tpu.memory_space<hbm>>) dst(%arg8 : memref<40x128xi32, #tpu.memory_space<vmem>>)
        tpu.yield
      }) : () -> ()
      %scan3A = arith.constant 0 : i32
      %scan3A_67 = arith.constant 20 : i32
      %scan3A_68 = arith.addi %scan3A, %scan3A_67 : i32
      %scan3A_69 = arith.constant 1 : i32
      scf.for %scan3A_71 = %scan3A to %scan3A_68 step %scan3A_69  : i32 {
        %mul3A_72 = arith.constant 1 : i32
        %mul3A_73 = arith.muli %scan3A_71, %mul3A_72 : i32
        %add3A_74 = arith.constant 0 : i32
        %add3A_75 = arith.addi %add3A_74, %mul3A_73 : i32
        %mul3A_76 = arith.constant 2 : i32
        %mul3A_77 = arith.muli %add3A_75, %mul3A_76 : i32
        %add3A_78 = arith.constant 0 : i32
        %add3A_79 = arith.addi %mul3A_77, %add3A_78 : i32
        %dma_start3A = arith.constant 0 : i32
        %dma_start3A_80 = arith.constant 0 : i32
        %dma_start3A_81 = arith.constant 0 : i32
        %dma_start3A_82 = tpu.memref_slice %arg9[%dma_start3A, %dma_start3A_80, %dma_start3A_81] : memref<2x128x128xf32, #tpu.memory_space<vmem>> -> memref<1x128x128xf32, #tpu.memory_space<vmem>>
        %dma_start3A_83 = tpu.memref_squeeze %dma_start3A_82 : memref<1x128x128xf32, #tpu.memory_space<vmem>> -> memref<128x128xf32, #tpu.memory_space<vmem>>
        %dma_start3A_84 = arith.constant 0 : i32
        %dma_start3A_85 = tpu.memref_slice %arg7[%add3A_79, %dma_start3A_84] : memref<40x128xi32, #tpu.memory_space<vmem>> -> memref<1x128xi32, #tpu.memory_space<vmem>>
        %dma_start3A_86 = tpu.memref_squeeze %dma_start3A_85 : memref<1x128xi32, #tpu.memory_space<vmem>> -> memref<128xi32, #tpu.memory_space<vmem>>
        %dma_start3A_87 = arith.constant 0 : i32
        %dma_start3A_88 = arith.constant 0 : i32
        %dma_start3A_89 = tpu.memref_slice %arg2[%dma_start3A_87, %dma_start3A_88] : memref<10000x128xf32, #tpu.memory_space<hbm>> -> memref<10000x128xf32, #tpu.memory_space<hbm>>
        tpu.enqueue_indirect_dma source(%dma_start3A_89 : memref<10000x128xf32, #tpu.memory_space<hbm>>) target(%dma_start3A_83 : memref<128x128xf32, #tpu.memory_space<vmem>>) offsets(%dma_start3A_86 : memref<128xi32, #tpu.memory_space<vmem>>) semaphore(%arg10 : memref<!tpu.dma_semaphore, #tpu.memory_space<semaphore_mem>>)
        %add3A_90 = arith.constant 1 : i32
        %add3A_91 = arith.addi %mul3A_77, %add3A_90 : i32
        %dma_start3A_92 = arith.constant 1 : i32
        %dma_start3A_93 = arith.constant 0 : i32
        %dma_start3A_94 = arith.constant 0 : i32
        %dma_start3A_95 = tpu.memref_slice %arg9[%dma_start3A_92, %dma_start3A_93, %dma_start3A_94] : memref<2x128x128xf32, #tpu.memory_space<vmem>> -> memref<1x128x128xf32, #tpu.memory_space<vmem>>
        %dma_start3A_96 = tpu.memref_squeeze %dma_start3A_95 : memref<1x128x128xf32, #tpu.memory_space<vmem>> -> memref<128x128xf32, #tpu.memory_space<vmem>>
        %dma_start3A_97 = arith.constant 0 : i32
        %dma_start3A_98 = tpu.memref_slice %arg7[%add3A_91, %dma_start3A_97] : memref<40x128xi32, #tpu.memory_space<vmem>> -> memref<1x128xi32, #tpu.memory_space<vmem>>
        %dma_start3A_99 = tpu.memref_squeeze %dma_start3A_98 : memref<1x128xi32, #tpu.memory_space<vmem>> -> memref<128xi32, #tpu.memory_space<vmem>>
        %dma_start3A_100 = arith.constant 0 : i32
        %dma_start3A_101 = arith.constant 0 : i32
        %dma_start3A_102 = tpu.memref_slice %arg2[%dma_start3A_100, %dma_start3A_101] : memref<10000x128xf32, #tpu.memory_space<hbm>> -> memref<10000x128xf32, #tpu.memory_space<hbm>>
        tpu.enqueue_indirect_dma source(%dma_start3A_102 : memref<10000x128xf32, #tpu.memory_space<hbm>>) target(%dma_start3A_96 : memref<128x128xf32, #tpu.memory_space<vmem>>) offsets(%dma_start3A_99 : memref<128xi32, #tpu.memory_space<vmem>>) semaphore(%arg11 : memref<!tpu.dma_semaphore, #tpu.memory_space<semaphore_mem>>)
        %dma_wait3A = arith.constant 0 : i32
        %dma_wait3A_103 = arith.constant 0 : i32
        %dma_wait3A_104 = arith.constant 0 : i32
        %dma_wait3A_105 = tpu.memref_slice %arg9[%dma_wait3A, %dma_wait3A_103, %dma_wait3A_104] : memref<2x128x128xf32, #tpu.memory_space<vmem>> -> memref<1x128x128xf32, #tpu.memory_space<vmem>>
        %dma_wait3A_106 = tpu.memref_squeeze %dma_wait3A_105 : memref<1x128x128xf32, #tpu.memory_space<vmem>> -> memref<128x128xf32, #tpu.memory_space<vmem>>
        %dma_wait3A_107 = arith.constant 0 : i32
        %dma_wait3A_108 = tpu.memref_slice %arg7[%add3A_79, %dma_wait3A_107] : memref<40x128xi32, #tpu.memory_space<vmem>> -> memref<1x128xi32, #tpu.memory_space<vmem>>
        %dma_wait3A_109 = tpu.memref_squeeze %dma_wait3A_108 : memref<1x128xi32, #tpu.memory_space<vmem>> -> memref<128xi32, #tpu.memory_space<vmem>>
        %dma_wait3A_110 = arith.constant 0 : i32
        %dma_wait3A_111 = arith.constant 0 : i32
        %dma_wait3A_112 = tpu.memref_slice %arg2[%dma_wait3A_110, %dma_wait3A_111] : memref<10000x128xf32, #tpu.memory_space<hbm>> -> memref<10000x128xf32, #tpu.memory_space<hbm>>
        tpu.wait_indirect_dma semaphore(%arg10 : memref<!tpu.dma_semaphore, #tpu.memory_space<semaphore_mem>>) src(%dma_wait3A_112 : memref<10000x128xf32, #tpu.memory_space<hbm>>) dst(%dma_wait3A_106 : memref<128x128xf32, #tpu.memory_space<vmem>>)
        %add3A_113 = arith.constant 0 : i32
        %add3A_114 = arith.addi %mul3A_77, %add3A_113 : i32
        %run_scoped3A_115 = arith.constant 0 : i32
        "tpu.region"() ({
          %run_scoped3A_130 = tpu.sem_alloc : memref<!tpu.dma_semaphore, #tpu.memory_space<semaphore_mem>>
          %dma_start3A_131 = arith.constant 0 : i32
          %dma_start3A_132 = arith.constant 0 : i32
          %dma_start3A_133 = tpu.memref_slice %arg9[%run_scoped3A_115, %dma_start3A_131, %dma_start3A_132] : memref<2x128x128xf32, #tpu.memory_space<vmem>> -> memref<1x128x128xf32, #tpu.memory_space<vmem>>
          %dma_start3A_134 = tpu.memref_squeeze %dma_start3A_133 : memref<1x128x128xf32, #tpu.memory_space<vmem>> -> memref<128x128xf32, #tpu.memory_space<vmem>>
          %dma_start3A_135 = arith.constant 0 : i32
          %dma_start3A_136 = tpu.memref_slice %arg8[%add3A_114, %dma_start3A_135] : memref<40x128xi32, #tpu.memory_space<vmem>> -> memref<1x128xi32, #tpu.memory_space<vmem>>
          %dma_start3A_137 = tpu.memref_squeeze %dma_start3A_136 : memref<1x128xi32, #tpu.memory_space<vmem>> -> memref<128xi32, #tpu.memory_space<vmem>>
          %dma_start3A_138 = arith.constant 0 : i32
          %dma_start3A_139 = arith.constant 0 : i32
          %dma_start3A_140 = tpu.memref_slice %arg12[%dma_start3A_138, %dma_start3A_139] : memref<10240x128xf32, #tpu.memory_space<vmem_shared>> -> memref<10240x128xf32, #tpu.memory_space<vmem_shared>>
          tpu.enqueue_indirect_dma source(%dma_start3A_134 : memref<128x128xf32, #tpu.memory_space<vmem>>) target(%dma_start3A_140 : memref<10240x128xf32, #tpu.memory_space<vmem_shared>>) offsets(%dma_start3A_137 : memref<128xi32, #tpu.memory_space<vmem>>) semaphore(%run_scoped3A_130 : memref<!tpu.dma_semaphore, #tpu.memory_space<semaphore_mem>>) {add = true}
          %dma_wait3A_141 = arith.constant 0 : i32
          %dma_wait3A_142 = arith.constant 0 : i32
          %dma_wait3A_143 = tpu.memref_slice %arg9[%run_scoped3A_115, %dma_wait3A_141, %dma_wait3A_142] : memref<2x128x128xf32, #tpu.memory_space<vmem>> -> memref<1x128x128xf32, #tpu.memory_space<vmem>>
          %dma_wait3A_144 = tpu.memref_squeeze %dma_wait3A_143 : memref<1x128x128xf32, #tpu.memory_space<vmem>> -> memref<128x128xf32, #tpu.memory_space<vmem>>
          %dma_wait3A_145 = arith.constant 0 : i32
          %dma_wait3A_146 = tpu.memref_slice %arg8[%add3A_114, %dma_wait3A_145] : memref<40x128xi32, #tpu.memory_space<vmem>> -> memref<1x128xi32, #tpu.memory_space<vmem>>
          %dma_wait3A_147 = tpu.memref_squeeze %dma_wait3A_146 : memref<1x128xi32, #tpu.memory_space<vmem>> -> memref<128xi32, #tpu.memory_space<vmem>>
          %dma_wait3A_148 = arith.constant 0 : i32
          %dma_wait3A_149 = arith.constant 0 : i32
          %dma_wait3A_150 = tpu.memref_slice %arg12[%dma_wait3A_148, %dma_wait3A_149] : memref<10240x128xf32, #tpu.memory_space<vmem_shared>> -> memref<10240x128xf32, #tpu.memory_space<vmem_shared>>
          tpu.wait_indirect_dma semaphore(%run_scoped3A_130 : memref<!tpu.dma_semaphore, #tpu.memory_space<semaphore_mem>>) src(%dma_wait3A_144 : memref<128x128xf32, #tpu.memory_space<vmem>>) dst(%dma_wait3A_150 : memref<10240x128xf32, #tpu.memory_space<vmem_shared>>)
          tpu.yield
        }) : () -> ()
        %dma_wait3A_116 = arith.constant 1 : i32
        %dma_wait3A_117 = arith.constant 0 : i32
        %dma_wait3A_118 = arith.constant 0 : i32
        %dma_wait3A_119 = tpu.memref_slice %arg9[%dma_wait3A_116, %dma_wait3A_117, %dma_wait3A_118] : memref<2x128x128xf32, #tpu.memory_space<vmem>> -> memref<1x128x128xf32, #tpu.memory_space<vmem>>
        %dma_wait3A_120 = tpu.memref_squeeze %dma_wait3A_119 : memref<1x128x128xf32, #tpu.memory_space<vmem>> -> memref<128x128xf32, #tpu.memory_space<vmem>>
        %dma_wait3A_121 = arith.constant 0 : i32
        %dma_wait3A_122 = tpu.memref_slice %arg7[%add3A_91, %dma_wait3A_121] : memref<40x128xi32, #tpu.memory_space<vmem>> -> memref<1x128xi32, #tpu.memory_space<vmem>>
        %dma_wait3A_123 = tpu.memref_squeeze %dma_wait3A_122 : memref<1x128xi32, #tpu.memory_space<vmem>> -> memref<128xi32, #tpu.memory_space<vmem>>
        %dma_wait3A_124 = arith.constant 0 : i32
        %dma_wait3A_125 = arith.constant 0 : i32
        %dma_wait3A_126 = tpu.memref_slice %arg2[%dma_wait3A_124, %dma_wait3A_125] : memref<10000x128xf32, #tpu.memory_space<hbm>> -> memref<10000x128xf32, #tpu.memory_space<hbm>>
        tpu.wait_indirect_dma semaphore(%arg11 : memref<!tpu.dma_semaphore, #tpu.memory_space<semaphore_mem>>) src(%dma_wait3A_126 : memref<10000x128xf32, #tpu.memory_space<hbm>>) dst(%dma_wait3A_120 : memref<128x128xf32, #tpu.memory_space<vmem>>)
        %add3A_127 = arith.constant 1 : i32
        %add3A_128 = arith.addi %mul3A_77, %add3A_127 : i32
        %run_scoped3A_129 = arith.constant 1 : i32
        "tpu.region"() ({
          %run_scoped3A_130 = tpu.sem_alloc : memref<!tpu.dma_semaphore, #tpu.memory_space<semaphore_mem>>
          %dma_start3A_131 = arith.constant 0 : i32
          %dma_start3A_132 = arith.constant 0 : i32
          %dma_start3A_133 = tpu.memref_slice %arg9[%run_scoped3A_129, %dma_start3A_131, %dma_start3A_132] : memref<2x128x128xf32, #tpu.memory_space<vmem>> -> memref<1x128x128xf32, #tpu.memory_space<vmem>>
          %dma_start3A_134 = tpu.memref_squeeze %dma_start3A_133 : memref<1x128x128xf32, #tpu.memory_space<vmem>> -> memref<128x128xf32, #tpu.memory_space<vmem>>
          %dma_start3A_135 = arith.constant 0 : i32
          %dma_start3A_136 = tpu.memref_slice %arg8[%add3A_128, %dma_start3A_135] : memref<40x128xi32, #tpu.memory_space<vmem>> -> memref<1x128xi32, #tpu.memory_space<vmem>>
          %dma_start3A_137 = tpu.memref_squeeze %dma_start3A_136 : memref<1x128xi32, #tpu.memory_space<vmem>> -> memref<128xi32, #tpu.memory_space<vmem>>
          %dma_start3A_138 = arith.constant 0 : i32
          %dma_start3A_139 = arith.constant 0 : i32
          %dma_start3A_140 = tpu.memref_slice %arg12[%dma_start3A_138, %dma_start3A_139] : memref<10240x128xf32, #tpu.memory_space<vmem_shared>> -> memref<10240x128xf32, #tpu.memory_space<vmem_shared>>
          tpu.enqueue_indirect_dma source(%dma_start3A_134 : memref<128x128xf32, #tpu.memory_space<vmem>>) target(%dma_start3A_140 : memref<10240x128xf32, #tpu.memory_space<vmem_shared>>) offsets(%dma_start3A_137 : memref<128xi32, #tpu.memory_space<vmem>>) semaphore(%run_scoped3A_130 : memref<!tpu.dma_semaphore, #tpu.memory_space<semaphore_mem>>) {add = true}
          %dma_wait3A_141 = arith.constant 0 : i32
          %dma_wait3A_142 = arith.constant 0 : i32
          %dma_wait3A_143 = tpu.memref_slice %arg9[%run_scoped3A_129, %dma_wait3A_141, %dma_wait3A_142] : memref<2x128x128xf32, #tpu.memory_space<vmem>> -> memref<1x128x128xf32, #tpu.memory_space<vmem>>
          %dma_wait3A_144 = tpu.memref_squeeze %dma_wait3A_143 : memref<1x128x128xf32, #tpu.memory_space<vmem>> -> memref<128x128xf32, #tpu.memory_space<vmem>>
          %dma_wait3A_145 = arith.constant 0 : i32
          %dma_wait3A_146 = tpu.memref_slice %arg8[%add3A_128, %dma_wait3A_145] : memref<40x128xi32, #tpu.memory_space<vmem>> -> memref<1x128xi32, #tpu.memory_space<vmem>>
          %dma_wait3A_147 = tpu.memref_squeeze %dma_wait3A_146 : memref<1x128xi32, #tpu.memory_space<vmem>> -> memref<128xi32, #tpu.memory_space<vmem>>
          %dma_wait3A_148 = arith.constant 0 : i32
          %dma_wait3A_149 = arith.constant 0 : i32
          %dma_wait3A_150 = tpu.memref_slice %arg12[%dma_wait3A_148, %dma_wait3A_149] : memref<10240x128xf32, #tpu.memory_space<vmem_shared>> -> memref<10240x128xf32, #tpu.memory_space<vmem_shared>>
          tpu.wait_indirect_dma semaphore(%run_scoped3A_130 : memref<!tpu.dma_semaphore, #tpu.memory_space<semaphore_mem>>) src(%dma_wait3A_144 : memref<128x128xf32, #tpu.memory_space<vmem>>) dst(%dma_wait3A_150 : memref<10240x128xf32, #tpu.memory_space<vmem_shared>>)
          tpu.yield
        }) : () -> ()
      }
      %scan3A_70 = arith.constant 20 : i32
    } else {
    }
    %barrier3A_30 = arith.constant 0 : index
    tpu.barrier barrier_id(%barrier3A_30)
    %mul3A_31 = arith.constant 640 : i32
    %mul3A_32 = arith.muli %arg1, %mul3A_31 : i32
    %add3A_33 = arith.constant 0 : i32
    %add3A_34 = arith.addi %mul3A_32, %add3A_33 : i32
    %run_scoped3A_35 = arith.constant 0 : i32
    "tpu.region"() ({
      %run_scoped3A_61 = tpu.sem_alloc : memref<!tpu.dma_semaphore, #tpu.memory_space<semaphore_mem>>
      %dma_start3A = arith.constant 0 : i32
      %dma_start3A_62 = arith.constant 0 : i32
      %dma_start3A_63 = tpu.memref_slice %arg9[%run_scoped3A_35, %dma_start3A, %dma_start3A_62] : memref<2x128x128xf32, #tpu.memory_space<vmem>> -> memref<1x128x128xf32, #tpu.memory_space<vmem>>
      %dma_start3A_64 = tpu.memref_squeeze %dma_start3A_63 : memref<1x128x128xf32, #tpu.memory_space<vmem>> -> memref<128x128xf32, #tpu.memory_space<vmem>>
      %dma_start3A_65 = arith.constant 0 : i32
      %dma_start3A_66 = tpu.memref_slice %arg12[%add3A_34, %dma_start3A_65] : memref<10240x128xf32, #tpu.memory_space<vmem_shared>> -> memref<128x128xf32, #tpu.memory_space<vmem_shared>>
      %dma_start3A_67 = arith.constant 0 : i32
      %dma_start3A_68 = arith.constant 0 : i32
      %dma_start3A_69 = tpu.memref_slice %arg9[%run_scoped3A_35, %dma_start3A_67, %dma_start3A_68] : memref<2x128x128xf32, #tpu.memory_space<vmem>> -> memref<1x128x128xf32, #tpu.memory_space<vmem>>
      %dma_start3A_70 = tpu.memref_squeeze %dma_start3A_69 : memref<1x128x128xf32, #tpu.memory_space<vmem>> -> memref<128x128xf32, #tpu.memory_space<vmem>>
      %dma_start3A_71 = arith.constant 0 : i32
      %dma_start3A_72 = tpu.memref_slice %arg12[%add3A_34, %dma_start3A_71] : memref<10240x128xf32, #tpu.memory_space<vmem_shared>> -> memref<128x128xf32, #tpu.memory_space<vmem_shared>>
      tpu.enqueue_dma source(%dma_start3A_72 : memref<128x128xf32, #tpu.memory_space<vmem_shared>>) target(%dma_start3A_70 : memref<128x128xf32, #tpu.memory_space<vmem>>) target_semaphore(%run_scoped3A_61 : memref<!tpu.dma_semaphore, #tpu.memory_space<semaphore_mem>>)
      %dma_wait3A = arith.constant 0 : i32
      %dma_wait3A_73 = arith.constant 0 : i32
      %dma_wait3A_74 = tpu.memref_slice %arg9[%run_scoped3A_35, %dma_wait3A, %dma_wait3A_73] : memref<2x128x128xf32, #tpu.memory_space<vmem>> -> memref<1x128x128xf32, #tpu.memory_space<vmem>>
      %dma_wait3A_75 = tpu.memref_squeeze %dma_wait3A_74 : memref<1x128x128xf32, #tpu.memory_space<vmem>> -> memref<128x128xf32, #tpu.memory_space<vmem>>
      %dma_wait3A_76 = arith.constant 0 : i32
      %dma_wait3A_77 = tpu.memref_slice %arg12[%add3A_34, %dma_wait3A_76] : memref<10240x128xf32, #tpu.memory_space<vmem_shared>> -> memref<128x128xf32, #tpu.memory_space<vmem_shared>>
      %dma_wait3A_78 = arith.constant 0 : i32
      %dma_wait3A_79 = arith.constant 0 : i32
      %dma_wait3A_80 = tpu.memref_slice %arg9[%run_scoped3A_35, %dma_wait3A_78, %dma_wait3A_79] : memref<2x128x128xf32, #tpu.memory_space<vmem>> -> memref<1x128x128xf32, #tpu.memory_space<vmem>>
      %dma_wait3A_81 = tpu.memref_squeeze %dma_wait3A_80 : memref<1x128x128xf32, #tpu.memory_space<vmem>> -> memref<128x128xf32, #tpu.memory_space<vmem>>
      %dma_wait3A_82 = arith.constant 0 : i32
      %dma_wait3A_83 = tpu.memref_slice %arg12[%add3A_34, %dma_wait3A_82] : memref<10240x128xf32, #tpu.memory_space<vmem_shared>> -> memref<128x128xf32, #tpu.memory_space<vmem_shared>>
      tpu.wait_dma2 semaphore(%run_scoped3A_61 : memref<!tpu.dma_semaphore, #tpu.memory_space<semaphore_mem>>) src(%dma_wait3A_83 : memref<128x128xf32, #tpu.memory_space<vmem_shared>>) dst(%dma_wait3A_81 : memref<128x128xf32, #tpu.memory_space<vmem>>)
      tpu.yield
    }) : () -> ()
    %run_scoped3A_36 = arith.constant 0 : i32
    "tpu.region"() ({
      %run_scoped3A_61 = tpu.sem_alloc : memref<!tpu.dma_semaphore, #tpu.memory_space<semaphore_mem>>
      %dma_start3A = arith.constant 0 : i32
      %dma_start3A_62 = arith.constant 0 : i32
      %dma_start3A_63 = tpu.memref_slice %arg9[%run_scoped3A_36, %dma_start3A, %dma_start3A_62] : memref<2x128x128xf32, #tpu.memory_space<vmem>> -> memref<1x128x128xf32, #tpu.memory_space<vmem>>
      %dma_start3A_64 = tpu.memref_squeeze %dma_start3A_63 : memref<1x128x128xf32, #tpu.memory_space<vmem>> -> memref<128x128xf32, #tpu.memory_space<vmem>>
      %dma_start3A_65 = arith.constant 0 : i32
      %dma_start3A_66 = arith.constant 0 : i32
      %dma_start3A_67 = tpu.memref_slice %arg6[%arg0, %dma_start3A_65, %dma_start3A_66] : memref<2x10240x128xf32, #tpu.memory_space<hbm>> -> memref<1x10240x128xf32, #tpu.memory_space<hbm>>
      %dma_start3A_68 = tpu.memref_squeeze %dma_start3A_67 : memref<1x10240x128xf32, #tpu.memory_space<hbm>> -> memref<10240x128xf32, #tpu.memory_space<hbm>>
      %dma_start3A_69 = arith.constant 0 : i32
      %dma_start3A_70 = tpu.memref_slice %dma_start3A_68[%add3A_34, %dma_start3A_69] : memref<10240x128xf32, #tpu.memory_space<hbm>> -> memref<128x128xf32, #tpu.memory_space<hbm>>
      %dma_start3A_71 = arith.constant 0 : i32
      %dma_start3A_72 = arith.constant 0 : i32
      %dma_start3A_73 = tpu.memref_slice %arg6[%arg0, %dma_start3A_71, %dma_start3A_72] : memref<2x10240x128xf32, #tpu.memory_space<hbm>> -> memref<1x10240x128xf32, #tpu.memory_space<hbm>>
      %dma_start3A_74 = tpu.memref_squeeze %dma_start3A_73 : memref<1x10240x128xf32, #tpu.memory_space<hbm>> -> memref<10240x128xf32, #tpu.memory_space<hbm>>
      %dma_start3A_75 = arith.constant 0 : i32
      %dma_start3A_76 = tpu.memref_slice %dma_start3A_74[%add3A_34, %dma_start3A_75] : memref<10240x128xf32, #tpu.memory_space<hbm>> -> memref<128x128xf32, #tpu.memory_space<hbm>>
      %dma_start3A_77 = arith.constant 0 : i32
      %dma_start3A_78 = arith.constant 0 : i32
      %dma_start3A_79 = tpu.memref_slice %arg9[%run_scoped3A_36, %dma_start3A_77, %dma_start3A_78] : memref<2x128x128xf32, #tpu.memory_space<vmem>> -> memref<1x128x128xf32, #tpu.memory_space<vmem>>
      %dma_start3A_80 = tpu.memref_squeeze %dma_start3A_79 : memref<1x128x128xf32, #tpu.memory_space<vmem>> -> memref<128x128xf32, #tpu.memory_space<vmem>>
      tpu.enqueue_dma source(%dma_start3A_80 : memref<128x128xf32, #tpu.memory_space<vmem>>) target(%dma_start3A_76 : memref<128x128xf32, #tpu.memory_space<hbm>>) target_semaphore(%run_scoped3A_61 : memref<!tpu.dma_semaphore, #tpu.memory_space<semaphore_mem>>)
      %dma_wait3A = arith.constant 0 : i32
      %dma_wait3A_81 = arith.constant 0 : i32
      %dma_wait3A_82 = tpu.memref_slice %arg9[%run_scoped3A_36, %dma_wait3A, %dma_wait3A_81] : memref<2x128x128xf32, #tpu.memory_space<vmem>> -> memref<1x128x128xf32, #tpu.memory_space<vmem>>
      %dma_wait3A_83 = tpu.memref_squeeze %dma_wait3A_82 : memref<1x128x128xf32, #tpu.memory_space<vmem>> -> memref<128x128xf32, #tpu.memory_space<vmem>>
      %dma_wait3A_84 = arith.constant 0 : i32
      %dma_wait3A_85 = arith.constant 0 : i32
      %dma_wait3A_86 = tpu.memref_slice %arg6[%arg0, %dma_wait3A_84, %dma_wait3A_85] : memref<2x10240x128xf32, #tpu.memory_space<hbm>> -> memref<1x10240x128xf32, #tpu.memory_space<hbm>>
      %dma_wait3A_87 = tpu.memref_squeeze %dma_wait3A_86 : memref<1x10240x128xf32, #tpu.memory_space<hbm>> -> memref<10240x128xf32, #tpu.memory_space<hbm>>
      %dma_wait3A_88 = arith.constant 0 : i32
      %dma_wait3A_89 = tpu.memref_slice %dma_wait3A_87[%add3A_34, %dma_wait3A_88] : memref<10240x128xf32, #tpu.memory_space<hbm>> -> memref<128x128xf32, #tpu.memory_space<hbm>>
      %dma_wait3A_90 = arith.constant 0 : i32
      %dma_wait3A_91 = arith.constant 0 : i32
      %dma_wait3A_92 = tpu.memref_slice %arg6[%arg0, %dma_wait3A_90, %dma_wait3A_91] : memref<2x10240x128xf32, #tpu.memory_space<hbm>> -> memref<1x10240x128xf32, #tpu.memory_space<hbm>>
      %dma_wait3A_93 = tpu.memref_squeeze %dma_wait3A_92 : memref<1x10240x128xf32, #tpu.memory_space<hbm>> -> memref<10240x128xf32, #tpu.memory_space<hbm>>
      %dma_wait3A_94 = arith.constant 0 : i32
      %dma_wait3A_95 = tpu.memref_slice %dma_wait3A_93[%add3A_34, %dma_wait3A_94] : memref<10240x128xf32, #tpu.memory_space<hbm>> -> memref<128x128xf32, #tpu.memory_space<hbm>>
      %dma_wait3A_96 = arith.constant 0 : i32
      %dma_wait3A_97 = arith.constant 0 : i32
      %dma_wait3A_98 = tpu.memref_slice %arg9[%run_scoped3A_36, %dma_wait3A_96, %dma_wait3A_97] : memref<2x128x128xf32, #tpu.memory_space<vmem>> -> memref<1x128x128xf32, #tpu.memory_space<vmem>>
      %dma_wait3A_99 = tpu.memref_squeeze %dma_wait3A_98 : memref<1x128x128xf32, #tpu.memory_space<vmem>> -> memref<128x128xf32, #tpu.memory_space<vmem>>
      tpu.wait_dma2 semaphore(%run_scoped3A_61 : memref<!tpu.dma_semaphore, #tpu.memory_space<semaphore_mem>>) src(%dma_wait3A_99 : memref<128x128xf32, #tpu.memory_space<vmem>>) dst(%dma_wait3A_95 : memref<128x128xf32, #tpu.memory_space<hbm>>)
      tpu.yield
    }) : () -> ()
    %mul3A_37 = arith.constant 640 : i32
    %mul3A_38 = arith.muli %arg1, %mul3A_37 : i32
    %add3A_39 = arith.constant 128 : i32
    %add3A_40 = arith.addi %mul3A_38, %add3A_39 : i32
    %run_scoped3A_41 = arith.constant 0 : i32
    "tpu.region"() ({
      %run_scoped3A_61 = tpu.sem_alloc : memref<!tpu.dma_semaphore, #tpu.memory_space<semaphore_mem>>
      %dma_start3A = arith.constant 0 : i32
      %dma_start3A_62 = arith.constant 0 : i32
      %dma_start3A_63 = tpu.memref_slice %arg9[%run_scoped3A_41, %dma_start3A, %dma_start3A_62] : memref<2x128x128xf32, #tpu.memory_space<vmem>> -> memref<1x128x128xf32, #tpu.memory_space<vmem>>
      %dma_start3A_64 = tpu.memref_squeeze %dma_start3A_63 : memref<1x128x128xf32, #tpu.memory_space<vmem>> -> memref<128x128xf32, #tpu.memory_space<vmem>>
      %dma_start3A_65 = arith.constant 0 : i32
      %dma_start3A_66 = tpu.memref_slice %arg12[%add3A_40, %dma_start3A_65] : memref<10240x128xf32, #tpu.memory_space<vmem_shared>> -> memref<128x128xf32, #tpu.memory_space<vmem_shared>>
      %dma_start3A_67 = arith.constant 0 : i32
      %dma_start3A_68 = arith.constant 0 : i32
      %dma_start3A_69 = tpu.memref_slice %arg9[%run_scoped3A_41, %dma_start3A_67, %dma_start3A_68] : memref<2x128x128xf32, #tpu.memory_space<vmem>> -> memref<1x128x128xf32, #tpu.memory_space<vmem>>
      %dma_start3A_70 = tpu.memref_squeeze %dma_start3A_69 : memref<1x128x128xf32, #tpu.memory_space<vmem>> -> memref<128x128xf32, #tpu.memory_space<vmem>>
      %dma_start3A_71 = arith.constant 0 : i32
      %dma_start3A_72 = tpu.memref_slice %arg12[%add3A_40, %dma_start3A_71] : memref<10240x128xf32, #tpu.memory_space<vmem_shared>> -> memref<128x128xf32, #tpu.memory_space<vmem_shared>>
      tpu.enqueue_dma source(%dma_start3A_72 : memref<128x128xf32, #tpu.memory_space<vmem_shared>>) target(%dma_start3A_70 : memref<128x128xf32, #tpu.memory_space<vmem>>) target_semaphore(%run_scoped3A_61 : memref<!tpu.dma_semaphore, #tpu.memory_space<semaphore_mem>>)
      %dma_wait3A = arith.constant 0 : i32
      %dma_wait3A_73 = arith.constant 0 : i32
      %dma_wait3A_74 = tpu.memref_slice %arg9[%run_scoped3A_41, %dma_wait3A, %dma_wait3A_73] : memref<2x128x128xf32, #tpu.memory_space<vmem>> -> memref<1x128x128xf32, #tpu.memory_space<vmem>>
      %dma_wait3A_75 = tpu.memref_squeeze %dma_wait3A_74 : memref<1x128x128xf32, #tpu.memory_space<vmem>> -> memref<128x128xf32, #tpu.memory_space<vmem>>
      %dma_wait3A_76 = arith.constant 0 : i32
      %dma_wait3A_77 = tpu.memref_slice %arg12[%add3A_40, %dma_wait3A_76] : memref<10240x128xf32, #tpu.memory_space<vmem_shared>> -> memref<128x128xf32, #tpu.memory_space<vmem_shared>>
      %dma_wait3A_78 = arith.constant 0 : i32
      %dma_wait3A_79 = arith.constant 0 : i32
      %dma_wait3A_80 = tpu.memref_slice %arg9[%run_scoped3A_41, %dma_wait3A_78, %dma_wait3A_79] : memref<2x128x128xf32, #tpu.memory_space<vmem>> -> memref<1x128x128xf32, #tpu.memory_space<vmem>>
      %dma_wait3A_81 = tpu.memref_squeeze %dma_wait3A_80 : memref<1x128x128xf32, #tpu.memory_space<vmem>> -> memref<128x128xf32, #tpu.memory_space<vmem>>
      %dma_wait3A_82 = arith.constant 0 : i32
      %dma_wait3A_83 = tpu.memref_slice %arg12[%add3A_40, %dma_wait3A_82] : memref<10240x128xf32, #tpu.memory_space<vmem_shared>> -> memref<128x128xf32, #tpu.memory_space<vmem_shared>>
      tpu.wait_dma2 semaphore(%run_scoped3A_61 : memref<!tpu.dma_semaphore, #tpu.memory_space<semaphore_mem>>) src(%dma_wait3A_83 : memref<128x128xf32, #tpu.memory_space<vmem_shared>>) dst(%dma_wait3A_81 : memref<128x128xf32, #tpu.memory_space<vmem>>)
      tpu.yield
    }) : () -> ()
    %run_scoped3A_42 = arith.constant 0 : i32
    "tpu.region"() ({
      %run_scoped3A_61 = tpu.sem_alloc : memref<!tpu.dma_semaphore, #tpu.memory_space<semaphore_mem>>
      %dma_start3A = arith.constant 0 : i32
      %dma_start3A_62 = arith.constant 0 : i32
      %dma_start3A_63 = tpu.memref_slice %arg9[%run_scoped3A_42, %dma_start3A, %dma_start3A_62] : memref<2x128x128xf32, #tpu.memory_space<vmem>> -> memref<1x128x128xf32, #tpu.memory_space<vmem>>
      %dma_start3A_64 = tpu.memref_squeeze %dma_start3A_63 : memref<1x128x128xf32, #tpu.memory_space<vmem>> -> memref<128x128xf32, #tpu.memory_space<vmem>>
      %dma_start3A_65 = arith.constant 0 : i32
      %dma_start3A_66 = arith.constant 0 : i32
      %dma_start3A_67 = tpu.memref_slice %arg6[%arg0, %dma_start3A_65, %dma_start3A_66] : memref<2x10240x128xf32, #tpu.memory_space<hbm>> -> memref<1x10240x128xf32, #tpu.memory_space<hbm>>
      %dma_start3A_68 = tpu.memref_squeeze %dma_start3A_67 : memref<1x10240x128xf32, #tpu.memory_space<hbm>> -> memref<10240x128xf32, #tpu.memory_space<hbm>>
      %dma_start3A_69 = arith.constant 0 : i32
      %dma_start3A_70 = tpu.memref_slice %dma_start3A_68[%add3A_40, %dma_start3A_69] : memref<10240x128xf32, #tpu.memory_space<hbm>> -> memref<128x128xf32, #tpu.memory_space<hbm>>
      %dma_start3A_71 = arith.constant 0 : i32
      %dma_start3A_72 = arith.constant 0 : i32
      %dma_start3A_73 = tpu.memref_slice %arg6[%arg0, %dma_start3A_71, %dma_start3A_72] : memref<2x10240x128xf32, #tpu.memory_space<hbm>> -> memref<1x10240x128xf32, #tpu.memory_space<hbm>>
      %dma_start3A_74 = tpu.memref_squeeze %dma_start3A_73 : memref<1x10240x128xf32, #tpu.memory_space<hbm>> -> memref<10240x128xf32, #tpu.memory_space<hbm>>
      %dma_start3A_75 = arith.constant 0 : i32
      %dma_start3A_76 = tpu.memref_slice %dma_start3A_74[%add3A_40, %dma_start3A_75] : memref<10240x128xf32, #tpu.memory_space<hbm>> -> memref<128x128xf32, #tpu.memory_space<hbm>>
      %dma_start3A_77 = arith.constant 0 : i32
      %dma_start3A_78 = arith.constant 0 : i32
      %dma_start3A_79 = tpu.memref_slice %arg9[%run_scoped3A_42, %dma_start3A_77, %dma_start3A_78] : memref<2x128x128xf32, #tpu.memory_space<vmem>> -> memref<1x128x128xf32, #tpu.memory_space<vmem>>
      %dma_start3A_80 = tpu.memref_squeeze %dma_start3A_79 : memref<1x128x128xf32, #tpu.memory_space<vmem>> -> memref<128x128xf32, #tpu.memory_space<vmem>>
      tpu.enqueue_dma source(%dma_start3A_80 : memref<128x128xf32, #tpu.memory_space<vmem>>) target(%dma_start3A_76 : memref<128x128xf32, #tpu.memory_space<hbm>>) target_semaphore(%run_scoped3A_61 : memref<!tpu.dma_semaphore, #tpu.memory_space<semaphore_mem>>)
      %dma_wait3A = arith.constant 0 : i32
      %dma_wait3A_81 = arith.constant 0 : i32
      %dma_wait3A_82 = tpu.memref_slice %arg9[%run_scoped3A_42, %dma_wait3A, %dma_wait3A_81] : memref<2x128x128xf32, #tpu.memory_space<vmem>> -> memref<1x128x128xf32, #tpu.memory_space<vmem>>
      %dma_wait3A_83 = tpu.memref_squeeze %dma_wait3A_82 : memref<1x128x128xf32, #tpu.memory_space<vmem>> -> memref<128x128xf32, #tpu.memory_space<vmem>>
      %dma_wait3A_84 = arith.constant 0 : i32
      %dma_wait3A_85 = arith.constant 0 : i32
      %dma_wait3A_86 = tpu.memref_slice %arg6[%arg0, %dma_wait3A_84, %dma_wait3A_85] : memref<2x10240x128xf32, #tpu.memory_space<hbm>> -> memref<1x10240x128xf32, #tpu.memory_space<hbm>>
      %dma_wait3A_87 = tpu.memref_squeeze %dma_wait3A_86 : memref<1x10240x128xf32, #tpu.memory_space<hbm>> -> memref<10240x128xf32, #tpu.memory_space<hbm>>
      %dma_wait3A_88 = arith.constant 0 : i32
      %dma_wait3A_89 = tpu.memref_slice %dma_wait3A_87[%add3A_40, %dma_wait3A_88] : memref<10240x128xf32, #tpu.memory_space<hbm>> -> memref<128x128xf32, #tpu.memory_space<hbm>>
      %dma_wait3A_90 = arith.constant 0 : i32
      %dma_wait3A_91 = arith.constant 0 : i32
      %dma_wait3A_92 = tpu.memref_slice %arg6[%arg0, %dma_wait3A_90, %dma_wait3A_91] : memref<2x10240x128xf32, #tpu.memory_space<hbm>> -> memref<1x10240x128xf32, #tpu.memory_space<hbm>>
      %dma_wait3A_93 = tpu.memref_squeeze %dma_wait3A_92 : memref<1x10240x128xf32, #tpu.memory_space<hbm>> -> memref<10240x128xf32, #tpu.memory_space<hbm>>
      %dma_wait3A_94 = arith.constant 0 : i32
      %dma_wait3A_95 = tpu.memref_slice %dma_wait3A_93[%add3A_40, %dma_wait3A_94] : memref<10240x128xf32, #tpu.memory_space<hbm>> -> memref<128x128xf32, #tpu.memory_space<hbm>>
      %dma_wait3A_96 = arith.constant 0 : i32
      %dma_wait3A_97 = arith.constant 0 : i32
      %dma_wait3A_98 = tpu.memref_slice %arg9[%run_scoped3A_42, %dma_wait3A_96, %dma_wait3A_97] : memref<2x128x128xf32, #tpu.memory_space<vmem>> -> memref<1x128x128xf32, #tpu.memory_space<vmem>>
      %dma_wait3A_99 = tpu.memref_squeeze %dma_wait3A_98 : memref<1x128x128xf32, #tpu.memory_space<vmem>> -> memref<128x128xf32, #tpu.memory_space<vmem>>
      tpu.wait_dma2 semaphore(%run_scoped3A_61 : memref<!tpu.dma_semaphore, #tpu.memory_space<semaphore_mem>>) src(%dma_wait3A_99 : memref<128x128xf32, #tpu.memory_space<vmem>>) dst(%dma_wait3A_95 : memref<128x128xf32, #tpu.memory_space<hbm>>)
      tpu.yield
    }) : () -> ()
    %mul3A_43 = arith.constant 640 : i32
    %mul3A_44 = arith.muli %arg1, %mul3A_43 : i32
    %add3A_45 = arith.constant 256 : i32
    %add3A_46 = arith.addi %mul3A_44, %add3A_45 : i32
    %run_scoped3A_47 = arith.constant 0 : i32
    "tpu.region"() ({
      %run_scoped3A_61 = tpu.sem_alloc : memref<!tpu.dma_semaphore, #tpu.memory_space<semaphore_mem>>
      %dma_start3A = arith.constant 0 : i32
      %dma_start3A_62 = arith.constant 0 : i32
      %dma_start3A_63 = tpu.memref_slice %arg9[%run_scoped3A_47, %dma_start3A, %dma_start3A_62] : memref<2x128x128xf32, #tpu.memory_space<vmem>> -> memref<1x128x128xf32, #tpu.memory_space<vmem>>
      %dma_start3A_64 = tpu.memref_squeeze %dma_start3A_63 : memref<1x128x128xf32, #tpu.memory_space<vmem>> -> memref<128x128xf32, #tpu.memory_space<vmem>>
      %dma_start3A_65 = arith.constant 0 : i32
      %dma_start3A_66 = tpu.memref_slice %arg12[%add3A_46, %dma_start3A_65] : memref<10240x128xf32, #tpu.memory_space<vmem_shared>> -> memref<128x128xf32, #tpu.memory_space<vmem_shared>>
      %dma_start3A_67 = arith.constant 0 : i32
      %dma_start3A_68 = arith.constant 0 : i32
      %dma_start3A_69 = tpu.memref_slice %arg9[%run_scoped3A_47, %dma_start3A_67, %dma_start3A_68] : memref<2x128x128xf32, #tpu.memory_space<vmem>> -> memref<1x128x128xf32, #tpu.memory_space<vmem>>
      %dma_start3A_70 = tpu.memref_squeeze %dma_start3A_69 : memref<1x128x128xf32, #tpu.memory_space<vmem>> -> memref<128x128xf32, #tpu.memory_space<vmem>>
      %dma_start3A_71 = arith.constant 0 : i32
      %dma_start3A_72 = tpu.memref_slice %arg12[%add3A_46, %dma_start3A_71] : memref<10240x128xf32, #tpu.memory_space<vmem_shared>> -> memref<128x128xf32, #tpu.memory_space<vmem_shared>>
      tpu.enqueue_dma source(%dma_start3A_72 : memref<128x128xf32, #tpu.memory_space<vmem_shared>>) target(%dma_start3A_70 : memref<128x128xf32, #tpu.memory_space<vmem>>) target_semaphore(%run_scoped3A_61 : memref<!tpu.dma_semaphore, #tpu.memory_space<semaphore_mem>>)
      %dma_wait3A = arith.constant 0 : i32
      %dma_wait3A_73 = arith.constant 0 : i32
      %dma_wait3A_74 = tpu.memref_slice %arg9[%run_scoped3A_47, %dma_wait3A, %dma_wait3A_73] : memref<2x128x128xf32, #tpu.memory_space<vmem>> -> memref<1x128x128xf32, #tpu.memory_space<vmem>>
      %dma_wait3A_75 = tpu.memref_squeeze %dma_wait3A_74 : memref<1x128x128xf32, #tpu.memory_space<vmem>> -> memref<128x128xf32, #tpu.memory_space<vmem>>
      %dma_wait3A_76 = arith.constant 0 : i32
      %dma_wait3A_77 = tpu.memref_slice %arg12[%add3A_46, %dma_wait3A_76] : memref<10240x128xf32, #tpu.memory_space<vmem_shared>> -> memref<128x128xf32, #tpu.memory_space<vmem_shared>>
      %dma_wait3A_78 = arith.constant 0 : i32
      %dma_wait3A_79 = arith.constant 0 : i32
      %dma_wait3A_80 = tpu.memref_slice %arg9[%run_scoped3A_47, %dma_wait3A_78, %dma_wait3A_79] : memref<2x128x128xf32, #tpu.memory_space<vmem>> -> memref<1x128x128xf32, #tpu.memory_space<vmem>>
      %dma_wait3A_81 = tpu.memref_squeeze %dma_wait3A_80 : memref<1x128x128xf32, #tpu.memory_space<vmem>> -> memref<128x128xf32, #tpu.memory_space<vmem>>
      %dma_wait3A_82 = arith.constant 0 : i32
      %dma_wait3A_83 = tpu.memref_slice %arg12[%add3A_46, %dma_wait3A_82] : memref<10240x128xf32, #tpu.memory_space<vmem_shared>> -> memref<128x128xf32, #tpu.memory_space<vmem_shared>>
      tpu.wait_dma2 semaphore(%run_scoped3A_61 : memref<!tpu.dma_semaphore, #tpu.memory_space<semaphore_mem>>) src(%dma_wait3A_83 : memref<128x128xf32, #tpu.memory_space<vmem_shared>>) dst(%dma_wait3A_81 : memref<128x128xf32, #tpu.memory_space<vmem>>)
      tpu.yield
    }) : () -> ()
    %run_scoped3A_48 = arith.constant 0 : i32
    "tpu.region"() ({
      %run_scoped3A_61 = tpu.sem_alloc : memref<!tpu.dma_semaphore, #tpu.memory_space<semaphore_mem>>
      %dma_start3A = arith.constant 0 : i32
      %dma_start3A_62 = arith.constant 0 : i32
      %dma_start3A_63 = tpu.memref_slice %arg9[%run_scoped3A_48, %dma_start3A, %dma_start3A_62] : memref<2x128x128xf32, #tpu.memory_space<vmem>> -> memref<1x128x128xf32, #tpu.memory_space<vmem>>
      %dma_start3A_64 = tpu.memref_squeeze %dma_start3A_63 : memref<1x128x128xf32, #tpu.memory_space<vmem>> -> memref<128x128xf32, #tpu.memory_space<vmem>>
      %dma_start3A_65 = arith.constant 0 : i32
      %dma_start3A_66 = arith.constant 0 : i32
      %dma_start3A_67 = tpu.memref_slice %arg6[%arg0, %dma_start3A_65, %dma_start3A_66] : memref<2x10240x128xf32, #tpu.memory_space<hbm>> -> memref<1x10240x128xf32, #tpu.memory_space<hbm>>
      %dma_start3A_68 = tpu.memref_squeeze %dma_start3A_67 : memref<1x10240x128xf32, #tpu.memory_space<hbm>> -> memref<10240x128xf32, #tpu.memory_space<hbm>>
      %dma_start3A_69 = arith.constant 0 : i32
      %dma_start3A_70 = tpu.memref_slice %dma_start3A_68[%add3A_46, %dma_start3A_69] : memref<10240x128xf32, #tpu.memory_space<hbm>> -> memref<128x128xf32, #tpu.memory_space<hbm>>
      %dma_start3A_71 = arith.constant 0 : i32
      %dma_start3A_72 = arith.constant 0 : i32
      %dma_start3A_73 = tpu.memref_slice %arg6[%arg0, %dma_start3A_71, %dma_start3A_72] : memref<2x10240x128xf32, #tpu.memory_space<hbm>> -> memref<1x10240x128xf32, #tpu.memory_space<hbm>>
      %dma_start3A_74 = tpu.memref_squeeze %dma_start3A_73 : memref<1x10240x128xf32, #tpu.memory_space<hbm>> -> memref<10240x128xf32, #tpu.memory_space<hbm>>
      %dma_start3A_75 = arith.constant 0 : i32
      %dma_start3A_76 = tpu.memref_slice %dma_start3A_74[%add3A_46, %dma_start3A_75] : memref<10240x128xf32, #tpu.memory_space<hbm>> -> memref<128x128xf32, #tpu.memory_space<hbm>>
      %dma_start3A_77 = arith.constant 0 : i32
      %dma_start3A_78 = arith.constant 0 : i32
      %dma_start3A_79 = tpu.memref_slice %arg9[%run_scoped3A_48, %dma_start3A_77, %dma_start3A_78] : memref<2x128x128xf32, #tpu.memory_space<vmem>> -> memref<1x128x128xf32, #tpu.memory_space<vmem>>
      %dma_start3A_80 = tpu.memref_squeeze %dma_start3A_79 : memref<1x128x128xf32, #tpu.memory_space<vmem>> -> memref<128x128xf32, #tpu.memory_space<vmem>>
      tpu.enqueue_dma source(%dma_start3A_80 : memref<128x128xf32, #tpu.memory_space<vmem>>) target(%dma_start3A_76 : memref<128x128xf32, #tpu.memory_space<hbm>>) target_semaphore(%run_scoped3A_61 : memref<!tpu.dma_semaphore, #tpu.memory_space<semaphore_mem>>)
      %dma_wait3A = arith.constant 0 : i32
      %dma_wait3A_81 = arith.constant 0 : i32
      %dma_wait3A_82 = tpu.memref_slice %arg9[%run_scoped3A_48, %dma_wait3A, %dma_wait3A_81] : memref<2x128x128xf32, #tpu.memory_space<vmem>> -> memref<1x128x128xf32, #tpu.memory_space<vmem>>
      %dma_wait3A_83 = tpu.memref_squeeze %dma_wait3A_82 : memref<1x128x128xf32, #tpu.memory_space<vmem>> -> memref<128x128xf32, #tpu.memory_space<vmem>>
      %dma_wait3A_84 = arith.constant 0 : i32
      %dma_wait3A_85 = arith.constant 0 : i32
      %dma_wait3A_86 = tpu.memref_slice %arg6[%arg0, %dma_wait3A_84, %dma_wait3A_85] : memref<2x10240x128xf32, #tpu.memory_space<hbm>> -> memref<1x10240x128xf32, #tpu.memory_space<hbm>>
      %dma_wait3A_87 = tpu.memref_squeeze %dma_wait3A_86 : memref<1x10240x128xf32, #tpu.memory_space<hbm>> -> memref<10240x128xf32, #tpu.memory_space<hbm>>
      %dma_wait3A_88 = arith.constant 0 : i32
      %dma_wait3A_89 = tpu.memref_slice %dma_wait3A_87[%add3A_46, %dma_wait3A_88] : memref<10240x128xf32, #tpu.memory_space<hbm>> -> memref<128x128xf32, #tpu.memory_space<hbm>>
      %dma_wait3A_90 = arith.constant 0 : i32
      %dma_wait3A_91 = arith.constant 0 : i32
      %dma_wait3A_92 = tpu.memref_slice %arg6[%arg0, %dma_wait3A_90, %dma_wait3A_91] : memref<2x10240x128xf32, #tpu.memory_space<hbm>> -> memref<1x10240x128xf32, #tpu.memory_space<hbm>>
      %dma_wait3A_93 = tpu.memref_squeeze %dma_wait3A_92 : memref<1x10240x128xf32, #tpu.memory_space<hbm>> -> memref<10240x128xf32, #tpu.memory_space<hbm>>
      %dma_wait3A_94 = arith.constant 0 : i32
      %dma_wait3A_95 = tpu.memref_slice %dma_wait3A_93[%add3A_46, %dma_wait3A_94] : memref<10240x128xf32, #tpu.memory_space<hbm>> -> memref<128x128xf32, #tpu.memory_space<hbm>>
      %dma_wait3A_96 = arith.constant 0 : i32
      %dma_wait3A_97 = arith.constant 0 : i32
      %dma_wait3A_98 = tpu.memref_slice %arg9[%run_scoped3A_48, %dma_wait3A_96, %dma_wait3A_97] : memref<2x128x128xf32, #tpu.memory_space<vmem>> -> memref<1x128x128xf32, #tpu.memory_space<vmem>>
      %dma_wait3A_99 = tpu.memref_squeeze %dma_wait3A_98 : memref<1x128x128xf32, #tpu.memory_space<vmem>> -> memref<128x128xf32, #tpu.memory_space<vmem>>
      tpu.wait_dma2 semaphore(%run_scoped3A_61 : memref<!tpu.dma_semaphore, #tpu.memory_space<semaphore_mem>>) src(%dma_wait3A_99 : memref<128x128xf32, #tpu.memory_space<vmem>>) dst(%dma_wait3A_95 : memref<128x128xf32, #tpu.memory_space<hbm>>)
      tpu.yield
    }) : () -> ()
    %mul3A_49 = arith.constant 640 : i32
    %mul3A_50 = arith.muli %arg1, %mul3A_49 : i32
    %add3A_51 = arith.constant 384 : i32
    %add3A_52 = arith.addi %mul3A_50, %add3A_51 : i32
    %run_scoped3A_53 = arith.constant 0 : i32
    "tpu.region"() ({
      %run_scoped3A_61 = tpu.sem_alloc : memref<!tpu.dma_semaphore, #tpu.memory_space<semaphore_mem>>
      %dma_start3A = arith.constant 0 : i32
      %dma_start3A_62 = arith.constant 0 : i32
      %dma_start3A_63 = tpu.memref_slice %arg9[%run_scoped3A_53, %dma_start3A, %dma_start3A_62] : memref<2x128x128xf32, #tpu.memory_space<vmem>> -> memref<1x128x128xf32, #tpu.memory_space<vmem>>
      %dma_start3A_64 = tpu.memref_squeeze %dma_start3A_63 : memref<1x128x128xf32, #tpu.memory_space<vmem>> -> memref<128x128xf32, #tpu.memory_space<vmem>>
      %dma_start3A_65 = arith.constant 0 : i32
      %dma_start3A_66 = tpu.memref_slice %arg12[%add3A_52, %dma_start3A_65] : memref<10240x128xf32, #tpu.memory_space<vmem_shared>> -> memref<128x128xf32, #tpu.memory_space<vmem_shared>>
      %dma_start3A_67 = arith.constant 0 : i32
      %dma_start3A_68 = arith.constant 0 : i32
      %dma_start3A_69 = tpu.memref_slice %arg9[%run_scoped3A_53, %dma_start3A_67, %dma_start3A_68] : memref<2x128x128xf32, #tpu.memory_space<vmem>> -> memref<1x128x128xf32, #tpu.memory_space<vmem>>
      %dma_start3A_70 = tpu.memref_squeeze %dma_start3A_69 : memref<1x128x128xf32, #tpu.memory_space<vmem>> -> memref<128x128xf32, #tpu.memory_space<vmem>>
      %dma_start3A_71 = arith.constant 0 : i32
      %dma_start3A_72 = tpu.memref_slice %arg12[%add3A_52, %dma_start3A_71] : memref<10240x128xf32, #tpu.memory_space<vmem_shared>> -> memref<128x128xf32, #tpu.memory_space<vmem_shared>>
      tpu.enqueue_dma source(%dma_start3A_72 : memref<128x128xf32, #tpu.memory_space<vmem_shared>>) target(%dma_start3A_70 : memref<128x128xf32, #tpu.memory_space<vmem>>) target_semaphore(%run_scoped3A_61 : memref<!tpu.dma_semaphore, #tpu.memory_space<semaphore_mem>>)
      %dma_wait3A = arith.constant 0 : i32
      %dma_wait3A_73 = arith.constant 0 : i32
      %dma_wait3A_74 = tpu.memref_slice %arg9[%run_scoped3A_53, %dma_wait3A, %dma_wait3A_73] : memref<2x128x128xf32, #tpu.memory_space<vmem>> -> memref<1x128x128xf32, #tpu.memory_space<vmem>>
      %dma_wait3A_75 = tpu.memref_squeeze %dma_wait3A_74 : memref<1x128x128xf32, #tpu.memory_space<vmem>> -> memref<128x128xf32, #tpu.memory_space<vmem>>
      %dma_wait3A_76 = arith.constant 0 : i32
      %dma_wait3A_77 = tpu.memref_slice %arg12[%add3A_52, %dma_wait3A_76] : memref<10240x128xf32, #tpu.memory_space<vmem_shared>> -> memref<128x128xf32, #tpu.memory_space<vmem_shared>>
      %dma_wait3A_78 = arith.constant 0 : i32
      %dma_wait3A_79 = arith.constant 0 : i32
      %dma_wait3A_80 = tpu.memref_slice %arg9[%run_scoped3A_53, %dma_wait3A_78, %dma_wait3A_79] : memref<2x128x128xf32, #tpu.memory_space<vmem>> -> memref<1x128x128xf32, #tpu.memory_space<vmem>>
      %dma_wait3A_81 = tpu.memref_squeeze %dma_wait3A_80 : memref<1x128x128xf32, #tpu.memory_space<vmem>> -> memref<128x128xf32, #tpu.memory_space<vmem>>
      %dma_wait3A_82 = arith.constant 0 : i32
      %dma_wait3A_83 = tpu.memref_slice %arg12[%add3A_52, %dma_wait3A_82] : memref<10240x128xf32, #tpu.memory_space<vmem_shared>> -> memref<128x128xf32, #tpu.memory_space<vmem_shared>>
      tpu.wait_dma2 semaphore(%run_scoped3A_61 : memref<!tpu.dma_semaphore, #tpu.memory_space<semaphore_mem>>) src(%dma_wait3A_83 : memref<128x128xf32, #tpu.memory_space<vmem_shared>>) dst(%dma_wait3A_81 : memref<128x128xf32, #tpu.memory_space<vmem>>)
      tpu.yield
    }) : () -> ()
    %run_scoped3A_54 = arith.constant 0 : i32
    "tpu.region"() ({
      %run_scoped3A_61 = tpu.sem_alloc : memref<!tpu.dma_semaphore, #tpu.memory_space<semaphore_mem>>
      %dma_start3A = arith.constant 0 : i32
      %dma_start3A_62 = arith.constant 0 : i32
      %dma_start3A_63 = tpu.memref_slice %arg9[%run_scoped3A_54, %dma_start3A, %dma_start3A_62] : memref<2x128x128xf32, #tpu.memory_space<vmem>> -> memref<1x128x128xf32, #tpu.memory_space<vmem>>
      %dma_start3A_64 = tpu.memref_squeeze %dma_start3A_63 : memref<1x128x128xf32, #tpu.memory_space<vmem>> -> memref<128x128xf32, #tpu.memory_space<vmem>>
      %dma_start3A_65 = arith.constant 0 : i32
      %dma_start3A_66 = arith.constant 0 : i32
      %dma_start3A_67 = tpu.memref_slice %arg6[%arg0, %dma_start3A_65, %dma_start3A_66] : memref<2x10240x128xf32, #tpu.memory_space<hbm>> -> memref<1x10240x128xf32, #tpu.memory_space<hbm>>
      %dma_start3A_68 = tpu.memref_squeeze %dma_start3A_67 : memref<1x10240x128xf32, #tpu.memory_space<hbm>> -> memref<10240x128xf32, #tpu.memory_space<hbm>>
      %dma_start3A_69 = arith.constant 0 : i32
      %dma_start3A_70 = tpu.memref_slice %dma_start3A_68[%add3A_52, %dma_start3A_69] : memref<10240x128xf32, #tpu.memory_space<hbm>> -> memref<128x128xf32, #tpu.memory_space<hbm>>
      %dma_start3A_71 = arith.constant 0 : i32
      %dma_start3A_72 = arith.constant 0 : i32
      %dma_start3A_73 = tpu.memref_slice %arg6[%arg0, %dma_start3A_71, %dma_start3A_72] : memref<2x10240x128xf32, #tpu.memory_space<hbm>> -> memref<1x10240x128xf32, #tpu.memory_space<hbm>>
      %dma_start3A_74 = tpu.memref_squeeze %dma_start3A_73 : memref<1x10240x128xf32, #tpu.memory_space<hbm>> -> memref<10240x128xf32, #tpu.memory_space<hbm>>
      %dma_start3A_75 = arith.constant 0 : i32
      %dma_start3A_76 = tpu.memref_slice %dma_start3A_74[%add3A_52, %dma_start3A_75] : memref<10240x128xf32, #tpu.memory_space<hbm>> -> memref<128x128xf32, #tpu.memory_space<hbm>>
      %dma_start3A_77 = arith.constant 0 : i32
      %dma_start3A_78 = arith.constant 0 : i32
      %dma_start3A_79 = tpu.memref_slice %arg9[%run_scoped3A_54, %dma_start3A_77, %dma_start3A_78] : memref<2x128x128xf32, #tpu.memory_space<vmem>> -> memref<1x128x128xf32, #tpu.memory_space<vmem>>
      %dma_start3A_80 = tpu.memref_squeeze %dma_start3A_79 : memref<1x128x128xf32, #tpu.memory_space<vmem>> -> memref<128x128xf32, #tpu.memory_space<vmem>>
      tpu.enqueue_dma source(%dma_start3A_80 : memref<128x128xf32, #tpu.memory_space<vmem>>) target(%dma_start3A_76 : memref<128x128xf32, #tpu.memory_space<hbm>>) target_semaphore(%run_scoped3A_61 : memref<!tpu.dma_semaphore, #tpu.memory_space<semaphore_mem>>)
      %dma_wait3A = arith.constant 0 : i32
      %dma_wait3A_81 = arith.constant 0 : i32
      %dma_wait3A_82 = tpu.memref_slice %arg9[%run_scoped3A_54, %dma_wait3A, %dma_wait3A_81] : memref<2x128x128xf32, #tpu.memory_space<vmem>> -> memref<1x128x128xf32, #tpu.memory_space<vmem>>
      %dma_wait3A_83 = tpu.memref_squeeze %dma_wait3A_82 : memref<1x128x128xf32, #tpu.memory_space<vmem>> -> memref<128x128xf32, #tpu.memory_space<vmem>>
      %dma_wait3A_84 = arith.constant 0 : i32
      %dma_wait3A_85 = arith.constant 0 : i32
      %dma_wait3A_86 = tpu.memref_slice %arg6[%arg0, %dma_wait3A_84, %dma_wait3A_85] : memref<2x10240x128xf32, #tpu.memory_space<hbm>> -> memref<1x10240x128xf32, #tpu.memory_space<hbm>>
      %dma_wait3A_87 = tpu.memref_squeeze %dma_wait3A_86 : memref<1x10240x128xf32, #tpu.memory_space<hbm>> -> memref<10240x128xf32, #tpu.memory_space<hbm>>
      %dma_wait3A_88 = arith.constant 0 : i32
      %dma_wait3A_89 = tpu.memref_slice %dma_wait3A_87[%add3A_52, %dma_wait3A_88] : memref<10240x128xf32, #tpu.memory_space<hbm>> -> memref<128x128xf32, #tpu.memory_space<hbm>>
      %dma_wait3A_90 = arith.constant 0 : i32
      %dma_wait3A_91 = arith.constant 0 : i32
      %dma_wait3A_92 = tpu.memref_slice %arg6[%arg0, %dma_wait3A_90, %dma_wait3A_91] : memref<2x10240x128xf32, #tpu.memory_space<hbm>> -> memref<1x10240x128xf32, #tpu.memory_space<hbm>>
      %dma_wait3A_93 = tpu.memref_squeeze %dma_wait3A_92 : memref<1x10240x128xf32, #tpu.memory_space<hbm>> -> memref<10240x128xf32, #tpu.memory_space<hbm>>
      %dma_wait3A_94 = arith.constant 0 : i32
      %dma_wait3A_95 = tpu.memref_slice %dma_wait3A_93[%add3A_52, %dma_wait3A_94] : memref<10240x128xf32, #tpu.memory_space<hbm>> -> memref<128x128xf32, #tpu.memory_space<hbm>>
      %dma_wait3A_96 = arith.constant 0 : i32
      %dma_wait3A_97 = arith.constant 0 : i32
      %dma_wait3A_98 = tpu.memref_slice %arg9[%run_scoped3A_54, %dma_wait3A_96, %dma_wait3A_97] : memref<2x128x128xf32, #tpu.memory_space<vmem>> -> memref<1x128x128xf32, #tpu.memory_space<vmem>>
      %dma_wait3A_99 = tpu.memref_squeeze %dma_wait3A_98 : memref<1x128x128xf32, #tpu.memory_space<vmem>> -> memref<128x128xf32, #tpu.memory_space<vmem>>
      tpu.wait_dma2 semaphore(%run_scoped3A_61 : memref<!tpu.dma_semaphore, #tpu.memory_space<semaphore_mem>>) src(%dma_wait3A_99 : memref<128x128xf32, #tpu.memory_space<vmem>>) dst(%dma_wait3A_95 : memref<128x128xf32, #tpu.memory_space<hbm>>)
      tpu.yield
    }) : () -> ()
    %mul3A_55 = arith.constant 640 : i32
    %mul3A_56 = arith.muli %arg1, %mul3A_55 : i32
    %add3A_57 = arith.constant 512 : i32
    %add3A_58 = arith.addi %mul3A_56, %add3A_57 : i32
    %run_scoped3A_59 = arith.constant 0 : i32
    "tpu.region"() ({
      %run_scoped3A_61 = tpu.sem_alloc : memref<!tpu.dma_semaphore, #tpu.memory_space<semaphore_mem>>
      %dma_start3A = arith.constant 0 : i32
      %dma_start3A_62 = arith.constant 0 : i32
      %dma_start3A_63 = tpu.memref_slice %arg9[%run_scoped3A_59, %dma_start3A, %dma_start3A_62] : memref<2x128x128xf32, #tpu.memory_space<vmem>> -> memref<1x128x128xf32, #tpu.memory_space<vmem>>
      %dma_start3A_64 = tpu.memref_squeeze %dma_start3A_63 : memref<1x128x128xf32, #tpu.memory_space<vmem>> -> memref<128x128xf32, #tpu.memory_space<vmem>>
      %dma_start3A_65 = arith.constant 0 : i32
      %dma_start3A_66 = tpu.memref_slice %arg12[%add3A_58, %dma_start3A_65] : memref<10240x128xf32, #tpu.memory_space<vmem_shared>> -> memref<128x128xf32, #tpu.memory_space<vmem_shared>>
      %dma_start3A_67 = arith.constant 0 : i32
      %dma_start3A_68 = arith.constant 0 : i32
      %dma_start3A_69 = tpu.memref_slice %arg9[%run_scoped3A_59, %dma_start3A_67, %dma_start3A_68] : memref<2x128x128xf32, #tpu.memory_space<vmem>> -> memref<1x128x128xf32, #tpu.memory_space<vmem>>
      %dma_start3A_70 = tpu.memref_squeeze %dma_start3A_69 : memref<1x128x128xf32, #tpu.memory_space<vmem>> -> memref<128x128xf32, #tpu.memory_space<vmem>>
      %dma_start3A_71 = arith.constant 0 : i32
      %dma_start3A_72 = tpu.memref_slice %arg12[%add3A_58, %dma_start3A_71] : memref<10240x128xf32, #tpu.memory_space<vmem_shared>> -> memref<128x128xf32, #tpu.memory_space<vmem_shared>>
      tpu.enqueue_dma source(%dma_start3A_72 : memref<128x128xf32, #tpu.memory_space<vmem_shared>>) target(%dma_start3A_70 : memref<128x128xf32, #tpu.memory_space<vmem>>) target_semaphore(%run_scoped3A_61 : memref<!tpu.dma_semaphore, #tpu.memory_space<semaphore_mem>>)
      %dma_wait3A = arith.constant 0 : i32
      %dma_wait3A_73 = arith.constant 0 : i32
      %dma_wait3A_74 = tpu.memref_slice %arg9[%run_scoped3A_59, %dma_wait3A, %dma_wait3A_73] : memref<2x128x128xf32, #tpu.memory_space<vmem>> -> memref<1x128x128xf32, #tpu.memory_space<vmem>>
      %dma_wait3A_75 = tpu.memref_squeeze %dma_wait3A_74 : memref<1x128x128xf32, #tpu.memory_space<vmem>> -> memref<128x128xf32, #tpu.memory_space<vmem>>
      %dma_wait3A_76 = arith.constant 0 : i32
      %dma_wait3A_77 = tpu.memref_slice %arg12[%add3A_58, %dma_wait3A_76] : memref<10240x128xf32, #tpu.memory_space<vmem_shared>> -> memref<128x128xf32, #tpu.memory_space<vmem_shared>>
      %dma_wait3A_78 = arith.constant 0 : i32
      %dma_wait3A_79 = arith.constant 0 : i32
      %dma_wait3A_80 = tpu.memref_slice %arg9[%run_scoped3A_59, %dma_wait3A_78, %dma_wait3A_79] : memref<2x128x128xf32, #tpu.memory_space<vmem>> -> memref<1x128x128xf32, #tpu.memory_space<vmem>>
      %dma_wait3A_81 = tpu.memref_squeeze %dma_wait3A_80 : memref<1x128x128xf32, #tpu.memory_space<vmem>> -> memref<128x128xf32, #tpu.memory_space<vmem>>
      %dma_wait3A_82 = arith.constant 0 : i32
      %dma_wait3A_83 = tpu.memref_slice %arg12[%add3A_58, %dma_wait3A_82] : memref<10240x128xf32, #tpu.memory_space<vmem_shared>> -> memref<128x128xf32, #tpu.memory_space<vmem_shared>>
      tpu.wait_dma2 semaphore(%run_scoped3A_61 : memref<!tpu.dma_semaphore, #tpu.memory_space<semaphore_mem>>) src(%dma_wait3A_83 : memref<128x128xf32, #tpu.memory_space<vmem_shared>>) dst(%dma_wait3A_81 : memref<128x128xf32, #tpu.memory_space<vmem>>)
      tpu.yield
    }) : () -> ()
    %run_scoped3A_60 = arith.constant 0 : i32
    "tpu.region"() ({
      %run_scoped3A_61 = tpu.sem_alloc : memref<!tpu.dma_semaphore, #tpu.memory_space<semaphore_mem>>
      %dma_start3A = arith.constant 0 : i32
      %dma_start3A_62 = arith.constant 0 : i32
      %dma_start3A_63 = tpu.memref_slice %arg9[%run_scoped3A_60, %dma_start3A, %dma_start3A_62] : memref<2x128x128xf32, #tpu.memory_space<vmem>> -> memref<1x128x128xf32, #tpu.memory_space<vmem>>
      %dma_start3A_64 = tpu.memref_squeeze %dma_start3A_63 : memref<1x128x128xf32, #tpu.memory_space<vmem>> -> memref<128x128xf32, #tpu.memory_space<vmem>>
      %dma_start3A_65 = arith.constant 0 : i32
      %dma_start3A_66 = arith.constant 0 : i32
      %dma_start3A_67 = tpu.memref_slice %arg6[%arg0, %dma_start3A_65, %dma_start3A_66] : memref<2x10240x128xf32, #tpu.memory_space<hbm>> -> memref<1x10240x128xf32, #tpu.memory_space<hbm>>
      %dma_start3A_68 = tpu.memref_squeeze %dma_start3A_67 : memref<1x10240x128xf32, #tpu.memory_space<hbm>> -> memref<10240x128xf32, #tpu.memory_space<hbm>>
      %dma_start3A_69 = arith.constant 0 : i32
      %dma_start3A_70 = tpu.memref_slice %dma_start3A_68[%add3A_58, %dma_start3A_69] : memref<10240x128xf32, #tpu.memory_space<hbm>> -> memref<128x128xf32, #tpu.memory_space<hbm>>
      %dma_start3A_71 = arith.constant 0 : i32
      %dma_start3A_72 = arith.constant 0 : i32
      %dma_start3A_73 = tpu.memref_slice %arg6[%arg0, %dma_start3A_71, %dma_start3A_72] : memref<2x10240x128xf32, #tpu.memory_space<hbm>> -> memref<1x10240x128xf32, #tpu.memory_space<hbm>>
      %dma_start3A_74 = tpu.memref_squeeze %dma_start3A_73 : memref<1x10240x128xf32, #tpu.memory_space<hbm>> -> memref<10240x128xf32, #tpu.memory_space<hbm>>
      %dma_start3A_75 = arith.constant 0 : i32
      %dma_start3A_76 = tpu.memref_slice %dma_start3A_74[%add3A_58, %dma_start3A_75] : memref<10240x128xf32, #tpu.memory_space<hbm>> -> memref<128x128xf32, #tpu.memory_space<hbm>>
      %dma_start3A_77 = arith.constant 0 : i32
      %dma_start3A_78 = arith.constant 0 : i32
      %dma_start3A_79 = tpu.memref_slice %arg9[%run_scoped3A_60, %dma_start3A_77, %dma_start3A_78] : memref<2x128x128xf32, #tpu.memory_space<vmem>> -> memref<1x128x128xf32, #tpu.memory_space<vmem>>
      %dma_start3A_80 = tpu.memref_squeeze %dma_start3A_79 : memref<1x128x128xf32, #tpu.memory_space<vmem>> -> memref<128x128xf32, #tpu.memory_space<vmem>>
      tpu.enqueue_dma source(%dma_start3A_80 : memref<128x128xf32, #tpu.memory_space<vmem>>) target(%dma_start3A_76 : memref<128x128xf32, #tpu.memory_space<hbm>>) target_semaphore(%run_scoped3A_61 : memref<!tpu.dma_semaphore, #tpu.memory_space<semaphore_mem>>)
      %dma_wait3A = arith.constant 0 : i32
      %dma_wait3A_81 = arith.constant 0 : i32
      %dma_wait3A_82 = tpu.memref_slice %arg9[%run_scoped3A_60, %dma_wait3A, %dma_wait3A_81] : memref<2x128x128xf32, #tpu.memory_space<vmem>> -> memref<1x128x128xf32, #tpu.memory_space<vmem>>
      %dma_wait3A_83 = tpu.memref_squeeze %dma_wait3A_82 : memref<1x128x128xf32, #tpu.memory_space<vmem>> -> memref<128x128xf32, #tpu.memory_space<vmem>>
      %dma_wait3A_84 = arith.constant 0 : i32
      %dma_wait3A_85 = arith.constant 0 : i32
      %dma_wait3A_86 = tpu.memref_slice %arg6[%arg0, %dma_wait3A_84, %dma_wait3A_85] : memref<2x10240x128xf32, #tpu.memory_space<hbm>> -> memref<1x10240x128xf32, #tpu.memory_space<hbm>>
      %dma_wait3A_87 = tpu.memref_squeeze %dma_wait3A_86 : memref<1x10240x128xf32, #tpu.memory_space<hbm>> -> memref<10240x128xf32, #tpu.memory_space<hbm>>
      %dma_wait3A_88 = arith.constant 0 : i32
      %dma_wait3A_89 = tpu.memref_slice %dma_wait3A_87[%add3A_58, %dma_wait3A_88] : memref<10240x128xf32, #tpu.memory_space<hbm>> -> memref<128x128xf32, #tpu.memory_space<hbm>>
      %dma_wait3A_90 = arith.constant 0 : i32
      %dma_wait3A_91 = arith.constant 0 : i32
      %dma_wait3A_92 = tpu.memref_slice %arg6[%arg0, %dma_wait3A_90, %dma_wait3A_91] : memref<2x10240x128xf32, #tpu.memory_space<hbm>> -> memref<1x10240x128xf32, #tpu.memory_space<hbm>>
      %dma_wait3A_93 = tpu.memref_squeeze %dma_wait3A_92 : memref<1x10240x128xf32, #tpu.memory_space<hbm>> -> memref<10240x128xf32, #tpu.memory_space<hbm>>
      %dma_wait3A_94 = arith.constant 0 : i32
      %dma_wait3A_95 = tpu.memref_slice %dma_wait3A_93[%add3A_58, %dma_wait3A_94] : memref<10240x128xf32, #tpu.memory_space<hbm>> -> memref<128x128xf32, #tpu.memory_space<hbm>>
      %dma_wait3A_96 = arith.constant 0 : i32
      %dma_wait3A_97 = arith.constant 0 : i32
      %dma_wait3A_98 = tpu.memref_slice %arg9[%run_scoped3A_60, %dma_wait3A_96, %dma_wait3A_97] : memref<2x128x128xf32, #tpu.memory_space<vmem>> -> memref<1x128x128xf32, #tpu.memory_space<vmem>>
      %dma_wait3A_99 = tpu.memref_squeeze %dma_wait3A_98 : memref<1x128x128xf32, #tpu.memory_space<vmem>> -> memref<128x128xf32, #tpu.memory_space<vmem>>
      tpu.wait_dma2 semaphore(%run_scoped3A_61 : memref<!tpu.dma_semaphore, #tpu.memory_space<semaphore_mem>>) src(%dma_wait3A_99 : memref<128x128xf32, #tpu.memory_space<vmem>>) dst(%dma_wait3A_95 : memref<128x128xf32, #tpu.memory_space<hbm>>)
      tpu.yield
    }) : () -> ()
    return
  }
}

#map = affine_map<(d0, d1) -> (0, 0)>
#map1 = affine_map<(d0, d1) -> (0)>
module attributes {stable_mosaic.version = 14 : i64} {
  func.func @_deg_kernel(%arg0: i32, %arg1: i32, %arg2: memref<2560x128xi32, #tpu.memory_space<hbm>>, %arg3: memref<640xf32, #tpu.memory_space<hbm>>, %arg4: memref<2x10240xf32, #tpu.memory_space<hbm>>, %arg5: memref<80x128xi32, #tpu.memory_space<vmem>>, %arg6: memref<128xf32, #tpu.memory_space<vmem>>, %arg7: memref<640xf32, #tpu.memory_space<vmem>>, %arg8: memref<10240xf32, #tpu.memory_space<vmem_shared>>) attributes {dimension_semantics = [#tpu.dimension_semantics<core_parallel>, #tpu.dimension_semantics<subcore_parallel>], iteration_bounds = array<i64: 2, 16>, scalar_prefetch = 0 : i64, scratch_operands = 4 : i64, tpu.core_type = #tpu.core_type<sc_vector_subcore>, window_params = [{transform_indices = #map}, {transform_indices = #map1}, {transform_indices = #map}]} {
    %mul3A = arith.constant 16 : i32
    %mul3A_0 = arith.muli %arg0, %mul3A : i32
    %add3A = arith.addi %mul3A_0, %arg1 : i32
    %broadcast_in_dim3A = arith.constant 1.000000e+00 : f32
    %broadcast_in_dim3A_1 = vector.broadcast %broadcast_in_dim3A : f32 to vector<16xf32>
    %swap3A = arith.constant 0 : index
    %swap3A_2 = tpu.vector_load %arg6[%swap3A] {strides = array<i32>} : memref<128xf32, #tpu.memory_space<vmem>>, vector<16xf32>,
    %swap3A_3 = vector.shape_cast %swap3A_2 : vector<16xf32> to vector<16xf32>
    %swap3A_4 = vector.shape_cast %broadcast_in_dim3A_1 : vector<16xf32> to vector<16xf32>
    tpu.vector_store %arg6[%swap3A], %swap3A_4 {strides = array<i32>} : memref<128xf32, #tpu.memory_space<vmem>>, vector<16xf32>,
    %broadcast_in_dim3A_5 = arith.constant 1.000000e+00 : f32
    %broadcast_in_dim3A_6 = vector.broadcast %broadcast_in_dim3A_5 : f32 to vector<16xf32>
    %swap3A_7 = arith.constant 16 : index
    %swap3A_8 = tpu.vector_load %arg6[%swap3A_7] {strides = array<i32>} : memref<128xf32, #tpu.memory_space<vmem>>, vector<16xf32>,
    %swap3A_9 = vector.shape_cast %swap3A_8 : vector<16xf32> to vector<16xf32>
    %swap3A_10 = vector.shape_cast %broadcast_in_dim3A_6 : vector<16xf32> to vector<16xf32>
    tpu.vector_store %arg6[%swap3A_7], %swap3A_10 {strides = array<i32>} : memref<128xf32, #tpu.memory_space<vmem>>, vector<16xf32>,
    %broadcast_in_dim3A_11 = arith.constant 1.000000e+00 : f32
    %broadcast_in_dim3A_12 = vector.broadcast %broadcast_in_dim3A_11 : f32 to vector<16xf32>
    %swap3A_13 = arith.constant 32 : index
    %swap3A_14 = tpu.vector_load %arg6[%swap3A_13] {strides = array<i32>} : memref<128xf32, #tpu.memory_space<vmem>>, vector<16xf32>,
    %swap3A_15 = vector.shape_cast %swap3A_14 : vector<16xf32> to vector<16xf32>
    %swap3A_16 = vector.shape_cast %broadcast_in_dim3A_12 : vector<16xf32> to vector<16xf32>
    tpu.vector_store %arg6[%swap3A_13], %swap3A_16 {strides = array<i32>} : memref<128xf32, #tpu.memory_space<vmem>>, vector<16xf32>,
    %broadcast_in_dim3A_17 = arith.constant 1.000000e+00 : f32
    %broadcast_in_dim3A_18 = vector.broadcast %broadcast_in_dim3A_17 : f32 to vector<16xf32>
    %swap3A_19 = arith.constant 48 : index
    %swap3A_20 = tpu.vector_load %arg6[%swap3A_19] {strides = array<i32>} : memref<128xf32, #tpu.memory_space<vmem>>, vector<16xf32>,
    %swap3A_21 = vector.shape_cast %swap3A_20 : vector<16xf32> to vector<16xf32>
    %swap3A_22 = vector.shape_cast %broadcast_in_dim3A_18 : vector<16xf32> to vector<16xf32>
    tpu.vector_store %arg6[%swap3A_19], %swap3A_22 {strides = array<i32>} : memref<128xf32, #tpu.memory_space<vmem>>, vector<16xf32>,
    %broadcast_in_dim3A_23 = arith.constant 1.000000e+00 : f32
    %broadcast_in_dim3A_24 = vector.broadcast %broadcast_in_dim3A_23 : f32 to vector<16xf32>
    %swap3A_25 = arith.constant 64 : index
    %swap3A_26 = tpu.vector_load %arg6[%swap3A_25] {strides = array<i32>} : memref<128xf32, #tpu.memory_space<vmem>>, vector<16xf32>,
    %swap3A_27 = vector.shape_cast %swap3A_26 : vector<16xf32> to vector<16xf32>
    %swap3A_28 = vector.shape_cast %broadcast_in_dim3A_24 : vector<16xf32> to vector<16xf32>
    tpu.vector_store %arg6[%swap3A_25], %swap3A_28 {strides = array<i32>} : memref<128xf32, #tpu.memory_space<vmem>>, vector<16xf32>,
    %broadcast_in_dim3A_29 = arith.constant 1.000000e+00 : f32
    %broadcast_in_dim3A_30 = vector.broadcast %broadcast_in_dim3A_29 : f32 to vector<16xf32>
    %swap3A_31 = arith.constant 80 : index
    %swap3A_32 = tpu.vector_load %arg6[%swap3A_31] {strides = array<i32>} : memref<128xf32, #tpu.memory_space<vmem>>, vector<16xf32>,
    %swap3A_33 = vector.shape_cast %swap3A_32 : vector<16xf32> to vector<16xf32>
    %swap3A_34 = vector.shape_cast %broadcast_in_dim3A_30 : vector<16xf32> to vector<16xf32>
    tpu.vector_store %arg6[%swap3A_31], %swap3A_34 {strides = array<i32>} : memref<128xf32, #tpu.memory_space<vmem>>, vector<16xf32>,
    %broadcast_in_dim3A_35 = arith.constant 1.000000e+00 : f32
    %broadcast_in_dim3A_36 = vector.broadcast %broadcast_in_dim3A_35 : f32 to vector<16xf32>
    %swap3A_37 = arith.constant 96 : index
    %swap3A_38 = tpu.vector_load %arg6[%swap3A_37] {strides = array<i32>} : memref<128xf32, #tpu.memory_space<vmem>>, vector<16xf32>,
    %swap3A_39 = vector.shape_cast %swap3A_38 : vector<16xf32> to vector<16xf32>
    %swap3A_40 = vector.shape_cast %broadcast_in_dim3A_36 : vector<16xf32> to vector<16xf32>
    tpu.vector_store %arg6[%swap3A_37], %swap3A_40 {strides = array<i32>} : memref<128xf32, #tpu.memory_space<vmem>>, vector<16xf32>,
    %broadcast_in_dim3A_41 = arith.constant 1.000000e+00 : f32
    %broadcast_in_dim3A_42 = vector.broadcast %broadcast_in_dim3A_41 : f32 to vector<16xf32>
    %swap3A_43 = arith.constant 112 : index
    %swap3A_44 = tpu.vector_load %arg6[%swap3A_43] {strides = array<i32>} : memref<128xf32, #tpu.memory_space<vmem>>, vector<16xf32>,
    %swap3A_45 = vector.shape_cast %swap3A_44 : vector<16xf32> to vector<16xf32>
    %swap3A_46 = vector.shape_cast %broadcast_in_dim3A_42 : vector<16xf32> to vector<16xf32>
    tpu.vector_store %arg6[%swap3A_43], %swap3A_46 {strides = array<i32>} : memref<128xf32, #tpu.memory_space<vmem>>, vector<16xf32>,
    "tpu.region"() ({
      %run_scoped3A = tpu.sem_alloc : memref<!tpu.dma_semaphore, #tpu.memory_space<semaphore_mem>>
      tpu.enqueue_dma source(%arg3 : memref<640xf32, #tpu.memory_space<hbm>>) target(%arg7 : memref<640xf32, #tpu.memory_space<vmem>>) target_semaphore(%run_scoped3A : memref<!tpu.dma_semaphore, #tpu.memory_space<semaphore_mem>>)
      tpu.wait_dma2 semaphore(%run_scoped3A : memref<!tpu.dma_semaphore, #tpu.memory_space<semaphore_mem>>) src(%arg3 : memref<640xf32, #tpu.memory_space<hbm>>) dst(%arg7 : memref<640xf32, #tpu.memory_space<vmem>>)
      tpu.yield
    }) : () -> ()
    %mul3A_47 = arith.constant 640 : i32
    %mul3A_48 = arith.muli %arg1, %mul3A_47 : i32
    "tpu.region"() ({
      %run_scoped3A = tpu.sem_alloc : memref<!tpu.dma_semaphore, #tpu.memory_space<semaphore_mem>>
      %dma_start3A = tpu.memref_slice %arg8[%mul3A_48] : memref<10240xf32, #tpu.memory_space<vmem_shared>> -> memref<640xf32, #tpu.memory_space<vmem_shared>>
      %dma_start3A_60 = tpu.memref_slice %arg8[%mul3A_48] : memref<10240xf32, #tpu.memory_space<vmem_shared>> -> memref<640xf32, #tpu.memory_space<vmem_shared>>
      tpu.enqueue_dma source(%arg7 : memref<640xf32, #tpu.memory_space<vmem>>) target(%dma_start3A_60 : memref<640xf32, #tpu.memory_space<vmem_shared>>) target_semaphore(%run_scoped3A : memref<!tpu.dma_semaphore, #tpu.memory_space<semaphore_mem>>)
      %dma_wait3A = tpu.memref_slice %arg8[%mul3A_48] : memref<10240xf32, #tpu.memory_space<vmem_shared>> -> memref<640xf32, #tpu.memory_space<vmem_shared>>
      %dma_wait3A_61 = tpu.memref_slice %arg8[%mul3A_48] : memref<10240xf32, #tpu.memory_space<vmem_shared>> -> memref<640xf32, #tpu.memory_space<vmem_shared>>
      tpu.wait_dma2 semaphore(%run_scoped3A : memref<!tpu.dma_semaphore, #tpu.memory_space<semaphore_mem>>) src(%arg7 : memref<640xf32, #tpu.memory_space<vmem>>) dst(%dma_wait3A_61 : memref<640xf32, #tpu.memory_space<vmem_shared>>)
      tpu.yield
    }) : () -> ()
    %mul3A_49 = arith.constant 80 : i32
    %mul3A_50 = arith.muli %add3A, %mul3A_49 : i32
    "tpu.region"() ({
      %run_scoped3A = tpu.sem_alloc : memref<!tpu.dma_semaphore, #tpu.memory_space<semaphore_mem>>
      %dma_start3A = arith.constant 0 : i32
      %dma_start3A_60 = tpu.memref_slice %arg2[%mul3A_50, %dma_start3A] : memref<2560x128xi32, #tpu.memory_space<hbm>> -> memref<80x128xi32, #tpu.memory_space<hbm>>
      %dma_start3A_61 = arith.constant 0 : i32
      %dma_start3A_62 = tpu.memref_slice %arg2[%mul3A_50, %dma_start3A_61] : memref<2560x128xi32, #tpu.memory_space<hbm>> -> memref<80x128xi32, #tpu.memory_space<hbm>>
      tpu.enqueue_dma source(%dma_start3A_62 : memref<80x128xi32, #tpu.memory_space<hbm>>) target(%arg5 : memref<80x128xi32, #tpu.memory_space<vmem>>) target_semaphore(%run_scoped3A : memref<!tpu.dma_semaphore, #tpu.memory_space<semaphore_mem>>)
      %dma_wait3A = arith.constant 0 : i32
      %dma_wait3A_63 = tpu.memref_slice %arg2[%mul3A_50, %dma_wait3A] : memref<2560x128xi32, #tpu.memory_space<hbm>> -> memref<80x128xi32, #tpu.memory_space<hbm>>
      %dma_wait3A_64 = arith.constant 0 : i32
      %dma_wait3A_65 = tpu.memref_slice %arg2[%mul3A_50, %dma_wait3A_64] : memref<2560x128xi32, #tpu.memory_space<hbm>> -> memref<80x128xi32, #tpu.memory_space<hbm>>
      tpu.wait_dma2 semaphore(%run_scoped3A : memref<!tpu.dma_semaphore, #tpu.memory_space<semaphore_mem>>) src(%dma_wait3A_65 : memref<80x128xi32, #tpu.memory_space<hbm>>) dst(%arg5 : memref<80x128xi32, #tpu.memory_space<vmem>>)
      tpu.yield
    }) : () -> ()
    %barrier3A = arith.constant 0 : index
    tpu.barrier barrier_id(%barrier3A)
    %scan3A = arith.constant 0 : i32
    %scan3A_51 = arith.constant 80 : i32
    %scan3A_52 = arith.addi %scan3A, %scan3A_51 : i32
    %scan3A_53 = arith.constant 1 : i32
    scf.for %scan3A_60 = %scan3A to %scan3A_52 step %scan3A_53  : i32 {
      %mul3A_61 = arith.constant 1 : i32
      %mul3A_62 = arith.muli %scan3A_60, %mul3A_61 : i32
      %add3A_63 = arith.constant 0 : i32
      %add3A_64 = arith.addi %add3A_63, %mul3A_62 : i32
      "tpu.region"() ({
        %run_scoped3A = tpu.sem_alloc : memref<!tpu.dma_semaphore, #tpu.memory_space<semaphore_mem>>
        %dma_start3A = arith.constant 0 : i32
        %dma_start3A_65 = tpu.memref_slice %arg5[%add3A_64, %dma_start3A] : memref<80x128xi32, #tpu.memory_space<vmem>> -> memref<1x128xi32, #tpu.memory_space<vmem>>
        %dma_start3A_66 = tpu.memref_squeeze %dma_start3A_65 : memref<1x128xi32, #tpu.memory_space<vmem>> -> memref<128xi32, #tpu.memory_space<vmem>>
        %dma_start3A_67 = arith.constant 0 : i32
        %dma_start3A_68 = tpu.memref_slice %arg8[%dma_start3A_67] : memref<10240xf32, #tpu.memory_space<vmem_shared>> -> memref<10240xf32, #tpu.memory_space<vmem_shared>>
        tpu.enqueue_indirect_dma source(%arg6 : memref<128xf32, #tpu.memory_space<vmem>>) target(%dma_start3A_68 : memref<10240xf32, #tpu.memory_space<vmem_shared>>) offsets(%dma_start3A_66 : memref<128xi32, #tpu.memory_space<vmem>>) semaphore(%run_scoped3A : memref<!tpu.dma_semaphore, #tpu.memory_space<semaphore_mem>>) {add = true}
        %dma_wait3A = arith.constant 0 : i32
        %dma_wait3A_69 = tpu.memref_slice %arg5[%add3A_64, %dma_wait3A] : memref<80x128xi32, #tpu.memory_space<vmem>> -> memref<1x128xi32, #tpu.memory_space<vmem>>
        %dma_wait3A_70 = tpu.memref_squeeze %dma_wait3A_69 : memref<1x128xi32, #tpu.memory_space<vmem>> -> memref<128xi32, #tpu.memory_space<vmem>>
        %dma_wait3A_71 = arith.constant 0 : i32
        %dma_wait3A_72 = tpu.memref_slice %arg8[%dma_wait3A_71] : memref<10240xf32, #tpu.memory_space<vmem_shared>> -> memref<10240xf32, #tpu.memory_space<vmem_shared>>
        tpu.wait_indirect_dma semaphore(%run_scoped3A : memref<!tpu.dma_semaphore, #tpu.memory_space<semaphore_mem>>) src(%arg6 : memref<128xf32, #tpu.memory_space<vmem>>) dst(%dma_wait3A_72 : memref<10240xf32, #tpu.memory_space<vmem_shared>>)
        tpu.yield
      }) : () -> ()
    }
    %scan3A_54 = arith.constant 80 : i32
    %barrier3A_55 = arith.constant 0 : index
    tpu.barrier barrier_id(%barrier3A_55)
    %mul3A_56 = arith.constant 640 : i32
    %mul3A_57 = arith.muli %arg1, %mul3A_56 : i32
    "tpu.region"() ({
      %run_scoped3A = tpu.sem_alloc : memref<!tpu.dma_semaphore, #tpu.memory_space<semaphore_mem>>
      %dma_start3A = tpu.memref_slice %arg8[%mul3A_57] : memref<10240xf32, #tpu.memory_space<vmem_shared>> -> memref<640xf32, #tpu.memory_space<vmem_shared>>
      %dma_start3A_60 = tpu.memref_slice %arg8[%mul3A_57] : memref<10240xf32, #tpu.memory_space<vmem_shared>> -> memref<640xf32, #tpu.memory_space<vmem_shared>>
      tpu.enqueue_dma source(%dma_start3A_60 : memref<640xf32, #tpu.memory_space<vmem_shared>>) target(%arg7 : memref<640xf32, #tpu.memory_space<vmem>>) target_semaphore(%run_scoped3A : memref<!tpu.dma_semaphore, #tpu.memory_space<semaphore_mem>>)
      %dma_wait3A = tpu.memref_slice %arg8[%mul3A_57] : memref<10240xf32, #tpu.memory_space<vmem_shared>> -> memref<640xf32, #tpu.memory_space<vmem_shared>>
      %dma_wait3A_61 = tpu.memref_slice %arg8[%mul3A_57] : memref<10240xf32, #tpu.memory_space<vmem_shared>> -> memref<640xf32, #tpu.memory_space<vmem_shared>>
      tpu.wait_dma2 semaphore(%run_scoped3A : memref<!tpu.dma_semaphore, #tpu.memory_space<semaphore_mem>>) src(%dma_wait3A_61 : memref<640xf32, #tpu.memory_space<vmem_shared>>) dst(%arg7 : memref<640xf32, #tpu.memory_space<vmem>>)
      tpu.yield
    }) : () -> ()
    %mul3A_58 = arith.constant 640 : i32
    %mul3A_59 = arith.muli %arg1, %mul3A_58 : i32
    "tpu.region"() ({
      %run_scoped3A = tpu.sem_alloc : memref<!tpu.dma_semaphore, #tpu.memory_space<semaphore_mem>>
      %dma_start3A = arith.constant 0 : i32
      %dma_start3A_60 = tpu.memref_slice %arg4[%arg0, %dma_start3A] : memref<2x10240xf32, #tpu.memory_space<hbm>> -> memref<1x10240xf32, #tpu.memory_space<hbm>>
      %dma_start3A_61 = tpu.memref_squeeze %dma_start3A_60 : memref<1x10240xf32, #tpu.memory_space<hbm>> -> memref<10240xf32, #tpu.memory_space<hbm>>
      %dma_start3A_62 = tpu.memref_slice %dma_start3A_61[%mul3A_59] : memref<10240xf32, #tpu.memory_space<hbm>> -> memref<640xf32, #tpu.memory_space<hbm>>
      %dma_start3A_63 = arith.constant 0 : i32
      %dma_start3A_64 = tpu.memref_slice %arg4[%arg0, %dma_start3A_63] : memref<2x10240xf32, #tpu.memory_space<hbm>> -> memref<1x10240xf32, #tpu.memory_space<hbm>>
      %dma_start3A_65 = tpu.memref_squeeze %dma_start3A_64 : memref<1x10240xf32, #tpu.memory_space<hbm>> -> memref<10240xf32, #tpu.memory_space<hbm>>
      %dma_start3A_66 = tpu.memref_slice %dma_start3A_65[%mul3A_59] : memref<10240xf32, #tpu.memory_space<hbm>> -> memref<640xf32, #tpu.memory_space<hbm>>
      tpu.enqueue_dma source(%arg7 : memref<640xf32, #tpu.memory_space<vmem>>) target(%dma_start3A_66 : memref<640xf32, #tpu.memory_space<hbm>>) target_semaphore(%run_scoped3A : memref<!tpu.dma_semaphore, #tpu.memory_space<semaphore_mem>>)
      %dma_wait3A = arith.constant 0 : i32
      %dma_wait3A_67 = tpu.memref_slice %arg4[%arg0, %dma_wait3A] : memref<2x10240xf32, #tpu.memory_space<hbm>> -> memref<1x10240xf32, #tpu.memory_space<hbm>>
      %dma_wait3A_68 = tpu.memref_squeeze %dma_wait3A_67 : memref<1x10240xf32, #tpu.memory_space<hbm>> -> memref<10240xf32, #tpu.memory_space<hbm>>
      %dma_wait3A_69 = tpu.memref_slice %dma_wait3A_68[%mul3A_59] : memref<10240xf32, #tpu.memory_space<hbm>> -> memref<640xf32, #tpu.memory_space<hbm>>
      %dma_wait3A_70 = arith.constant 0 : i32
      %dma_wait3A_71 = tpu.memref_slice %arg4[%arg0, %dma_wait3A_70] : memref<2x10240xf32, #tpu.memory_space<hbm>> -> memref<1x10240xf32, #tpu.memory_space<hbm>>
      %dma_wait3A_72 = tpu.memref_squeeze %dma_wait3A_71 : memref<1x10240xf32, #tpu.memory_space<hbm>> -> memref<10240xf32, #tpu.memory_space<hbm>>
      %dma_wait3A_73 = tpu.memref_slice %dma_wait3A_72[%mul3A_59] : memref<10240xf32, #tpu.memory_space<hbm>> -> memref<640xf32, #tpu.memory_space<hbm>>
      tpu.wait_dma2 semaphore(%run_scoped3A : memref<!tpu.dma_semaphore, #tpu.memory_space<semaphore_mem>>) src(%arg7 : memref<640xf32, #tpu.memory_space<vmem>>) dst(%dma_wait3A_73 : memref<640xf32, #tpu.memory_space<hbm>>)
      tpu.yield
    }) : () -> ()
    return
  }
}

module attributes {stable_mosaic.version = 14 : i64} {
  func.func @_mm_body(%arg0: i32, %arg1: memref<1000x128xf32, #tpu.memory_space<vmem>>, %arg2: memref<128x128xf32, #tpu.memory_space<vmem>>, %arg3: memref<2x1000x1xf32, #tpu.memory_space<vmem>>, %arg4: memref<1000x128xf32, #tpu.memory_space<vmem>>, %arg5: memref<1000x1xf32, #tpu.memory_space<vmem>>) attributes {dimension_semantics = [#tpu.dimension_semantics<arbitrary>], iteration_bounds = array<i64: 10>, scalar_prefetch = 0 : i64, scratch_operands = 0 : i64, tpu.core_type = #tpu.core_type<tc>, window_params = [{transform_indices = @transform_0, window_bounds = array<i64: 1000, 128>}, {pipeline_mode = #tpu.pipeline_mode<synchronous>, transform_indices = @transform_1, window_bounds = array<i64: 128, 128>}, {transform_indices = @transform_2, window_bounds = array<i64: 2, 1000, 1>}, {transform_indices = @transform_3, window_bounds = array<i64: 1000, 128>}, {transform_indices = @transform_4, window_bounds = array<i64: 1000, 1>}]} {
    %get3A = arith.constant 0 : index
    %get3A_0 = arith.constant 0 : index
    %get3A_1 = arith.constant 0 : index
    %get3A_2 = vector.load %arg3[%get3A, %get3A_0, %get3A_1] : memref<2x1000x1xf32, #tpu.memory_space<vmem>>, vector<1x1000x1xf32>
    %get3A_3 = vector.shape_cast %get3A_2 : vector<1x1000x1xf32> to vector<1000x1xf32>
    %get3A_4 = arith.constant 1 : index
    %get3A_5 = arith.constant 0 : index
    %get3A_6 = arith.constant 0 : index
    %get3A_7 = vector.load %arg3[%get3A_4, %get3A_5, %get3A_6] : memref<2x1000x1xf32, #tpu.memory_space<vmem>>, vector<1x1000x1xf32>
    %get3A_8 = vector.shape_cast %get3A_7 : vector<1x1000x1xf32> to vector<1000x1xf32>
    %add3A = arith.addf %get3A_3, %get3A_8 : vector<1000x1xf32>
    %add3A_9 = arith.constant 1.000000e+00 : f32
    %add3A_10 = vector.broadcast %add3A_9 : f32 to vector<1000x1xf32>
    %add3A_11 = arith.addf %add3A, %add3A_10 : vector<1000x1xf32>
    %rsqrt3A = math.rsqrt %add3A_11 : vector<1000x1xf32>
    %get3A_12 = arith.constant 0 : index
    %get3A_13 = arith.constant 0 : index
    %get3A_14 = vector.load %arg1[%get3A_12, %get3A_13] : memref<1000x128xf32, #tpu.memory_space<vmem>>, vector<1000x128xf32>
    %get3A_15 = arith.constant 0 : index
    %get3A_16 = arith.constant 0 : index
    %get3A_17 = vector.load %arg2[%get3A_15, %get3A_16] : memref<128x128xf32, #tpu.memory_space<vmem>>, vector<128x128xf32>
    %dot_general3A = arith.constant dense<0.000000e+00> : vector<1000x128xf32>
    %dot_general3A_18 = tpu.matmul %get3A_14, %get3A_17, %dot_general3A {dimension_numbers = #tpu.dot_dimension_numbers<[1], [0], [0], [1], [0, 0, 1, 1], [], []>, precision = #tpu.contract_precision<fp32>, transpose_lhs_hint = false} : vector<1000x128xf32>, vector<128x128xf32>, vector<1000x128xf32> -> vector<1000x128xf32>
    %mul3A = vector.broadcast %rsqrt3A : vector<1000x1xf32> to vector<1000x128xf32>
    %mul3A_19 = arith.mulf %dot_general3A_18, %mul3A : vector<1000x128xf32>
    %swap3A = arith.constant 0 : index
    %swap3A_20 = arith.constant 0 : index
    %swap3A_21 = vector.load %arg4[%swap3A, %swap3A_20] : memref<1000x128xf32, #tpu.memory_space<vmem>>, vector<1000x128xf32>
    tpu.vector_store %arg4[%swap3A, %swap3A_20], %mul3A_19 {strides = array<i32>} : memref<1000x128xf32, #tpu.memory_space<vmem>>, vector<1000x128xf32>,
    %swap3A_22 = arith.constant 0 : index
    %swap3A_23 = arith.constant 0 : index
    %swap3A_24 = vector.load %arg5[%swap3A_22, %swap3A_23] : memref<1000x1xf32, #tpu.memory_space<vmem>>, vector<1000x1xf32>
    tpu.vector_store %arg5[%swap3A_22, %swap3A_23], %rsqrt3A {strides = array<i32>} : memref<1000x1xf32, #tpu.memory_space<vmem>>, vector<1000x1xf32>,
    return
  }
  func.func @transform_0(%arg0: i32) -> (i32, i32) {
    %c0_i32 = arith.constant 0 : i32
    %c0_i32_0 = arith.constant 0 : i32
    return %arg0, %c0_i32 : i32, i32
  }
  func.func @transform_1(%arg0: i32) -> (i32, i32) {
    %c0_i32 = arith.constant 0 : i32
    %c0_i32_0 = arith.constant 0 : i32
    %c0_i32_1 = arith.constant 0 : i32
    return %c0_i32, %c0_i32_0 : i32, i32
  }
  func.func @transform_2(%arg0: i32) -> (i32, i32, i32) {
    %c0_i32 = arith.constant 0 : i32
    %c0_i32_0 = arith.constant 0 : i32
    %c0_i32_1 = arith.constant 0 : i32
    return %c0_i32, %arg0, %c0_i32_0 : i32, i32, i32
  }
  func.func @transform_3(%arg0: i32) -> (i32, i32) {
    %c0_i32 = arith.constant 0 : i32
    %c0_i32_0 = arith.constant 0 : i32
    return %arg0, %c0_i32 : i32, i32
  }
  func.func @transform_4(%arg0: i32) -> (i32, i32) {
    %c0_i32 = arith.constant 0 : i32
    %c0_i32_0 = arith.constant 0 : i32
    return %arg0, %c0_i32 : i32, i32
  }
}

module attributes {stable_mosaic.version = 14 : i64} {
  func.func @_head_body(%arg0: memref<2x10240x128xf32, #tpu.memory_space<vmem>>, %arg1: memref<10000x128xf32, #tpu.memory_space<vmem>>, %arg2: memref<10000x1xf32, #tpu.memory_space<vmem>>, %arg3: memref<1x128xf32, #tpu.memory_space<vmem>>, %arg4: memref<10000x1xi32, #tpu.memory_space<vmem>>, %arg5: memref<1x10000xi32, #tpu.memory_space<vmem>>, %arg6: memref<25x2xi32, #tpu.memory_space<smem>>, %arg7: memref<256x64xf32, #tpu.memory_space<vmem>>, %arg8: memref<1x64xf32, #tpu.memory_space<vmem>>, %arg9: memref<64x64xf32, #tpu.memory_space<vmem>>, %arg10: memref<1x64xf32, #tpu.memory_space<vmem>>, %arg11: memref<64x128xf32, #tpu.memory_space<vmem>>, %arg12: memref<1x128xf32, #tpu.memory_space<vmem>>, %arg13: memref<64x64xf32, #tpu.memory_space<vmem>>, %arg14: memref<1x64xf32, #tpu.memory_space<vmem>>, %arg15: memref<64x64xf32, #tpu.memory_space<vmem>>, %arg16: memref<1x64xf32, #tpu.memory_space<vmem>>, %arg17: memref<64x128xf32, #tpu.memory_space<vmem>>, %arg18: memref<1x128xf32, #tpu.memory_space<vmem>>, %arg19: memref<64x64xf32, #tpu.memory_space<vmem>>, %arg20: memref<64x64xf32, #tpu.memory_space<vmem>>, %arg21: memref<64x64xf32, #tpu.memory_space<vmem>>, %arg22: memref<64x128xf32, #tpu.memory_space<vmem>>, %arg23: memref<64x128xf32, #tpu.memory_space<vmem>>) attributes {dimension_semantics = [], scalar_prefetch = 0 : i64, scratch_operands = 1 : i64, tpu.core_type = #tpu.core_type<tc>} {
    %get3A = arith.constant 0 : index
    %get3A_0 = arith.constant 0 : index
    %get3A_1 = arith.constant 0 : index
    %get3A_2 = vector.load %arg0[%get3A, %get3A_0, %get3A_1] : memref<2x10240x128xf32, #tpu.memory_space<vmem>>, vector<1x10000x128xf32>
    %get3A_3 = vector.shape_cast %get3A_2 : vector<1x10000x128xf32> to vector<10000x128xf32>
    %get3A_4 = arith.constant 1 : index
    %get3A_5 = arith.constant 0 : index
    %get3A_6 = arith.constant 0 : index
    %get3A_7 = vector.load %arg0[%get3A_4, %get3A_5, %get3A_6] : memref<2x10240x128xf32, #tpu.memory_space<vmem>>, vector<1x10000x128xf32>
    %get3A_8 = vector.shape_cast %get3A_7 : vector<1x10000x128xf32> to vector<10000x128xf32>
    %add3A = arith.addf %get3A_3, %get3A_8 : vector<10000x128xf32>
    %get3A_9 = arith.constant 0 : index
    %get3A_10 = arith.constant 0 : index
    %get3A_11 = vector.load %arg1[%get3A_9, %get3A_10] : memref<10000x128xf32, #tpu.memory_space<vmem>>, vector<10000x128xf32>
    %add3A_12 = arith.addf %add3A, %get3A_11 : vector<10000x128xf32>
    %get3A_13 = arith.constant 0 : index
    %get3A_14 = arith.constant 0 : index
    %get3A_15 = vector.load %arg2[%get3A_13, %get3A_14] : memref<10000x1xf32, #tpu.memory_space<vmem>>, vector<10000x1xf32>
    %mul3A = vector.broadcast %get3A_15 : vector<10000x1xf32> to vector<10000x128xf32>
    %mul3A_16 = arith.mulf %add3A_12, %mul3A : vector<10000x128xf32>
    %get3A_17 = arith.constant 0 : index
    %get3A_18 = arith.constant 0 : index
    %get3A_19 = vector.load %arg3[%get3A_17, %get3A_18] : memref<1x128xf32, #tpu.memory_space<vmem>>, vector<1x128xf32>
    %add3A_20 = vector.broadcast %get3A_19 : vector<1x128xf32> to vector<10000x128xf32>
    %add3A_21 = arith.addf %mul3A_16, %add3A_20 : vector<10000x128xf32>
    %max3A = arith.constant 0.000000e+00 : f32
    %max3A_22 = vector.broadcast %max3A : f32 to vector<10000x128xf32>
    %max3A_23 = arith.maximumf %add3A_21, %max3A_22 : vector<10000x128xf32>
    %iota3A = tpu.iota {dimensions = array<i32: 0>} : vector<64x10000xi32>
    %get3A_24 = arith.constant 0 : index
    %get3A_25 = arith.constant 0 : index
    %get3A_26 = vector.load %arg5[%get3A_24, %get3A_25] : memref<1x10000xi32, #tpu.memory_space<vmem>>, vector<1x10000xi32>
    %eq3A = vector.broadcast %get3A_26 : vector<1x10000xi32> to vector<64x10000xi32>
    %eq3A_27 = arith.cmpi eq, %eq3A, %iota3A : vector<64x10000xi32>
    %convert_element_type3A = arith.extui %eq3A_27 : vector<64x10000xi1> to vector<64x10000xi32>
    %convert_element_type3A_28 = arith.sitofp %convert_element_type3A : vector<64x10000xi32> to vector<64x10000xf32>
    %dot_general3A = arith.constant dense<0.000000e+00> : vector<64x128xf32>
    %dot_general3A_29 = tpu.matmul %convert_element_type3A_28, %max3A_23, %dot_general3A {dimension_numbers = #tpu.dot_dimension_numbers<[1], [0], [0], [1], [0, 0, 1, 1], [], []>, precision = #tpu.contract_precision<fp32>, transpose_lhs_hint = false} : vector<64x10000xf32>, vector<10000x128xf32>, vector<64x128xf32> -> vector<64x128xf32>
    %reduce_sum3A = arith.constant dense<0.000000e+00> : vector<64xf32>
    %reduce_sum3A_30 = vector.multi_reduction <add>, %convert_element_type3A_28, %reduce_sum3A [1] : vector<64x10000xf32> to vector<64xf32>
    %broadcast_in_dim3A = vector.shape_cast %reduce_sum3A_30 : vector<64xf32> to vector<64x1xf32>
    %max3A_31 = arith.constant 1.000000e+00 : f32
    %max3A_32 = vector.broadcast %max3A_31 : f32 to vector<64x1xf32>
    %max3A_33 = arith.maximumf %broadcast_in_dim3A, %max3A_32 : vector<64x1xf32>
    %div3A = vector.broadcast %max3A_33 : vector<64x1xf32> to vector<64x128xf32>
    %div3A_34 = arith.divf %dot_general3A_29, %div3A : vector<64x128xf32>
    %get3A_35 = arith.constant 0 : index
    %get3A_36 = arith.constant 0 : index
    %get3A_37 = vector.load %arg4[%get3A_35, %get3A_36] : memref<10000x1xi32, #tpu.memory_space<vmem>>, vector<10000x1xi32>
    %broadcast_in_dim3A_38 = arith.constant 0.000000e+00 : f32
    %broadcast_in_dim3A_39 = vector.broadcast %broadcast_in_dim3A_38 : f32 to vector<64x128xf32>
    %swap3A = arith.constant 0 : index
    %swap3A_40 = arith.constant 0 : index
    %swap3A_41 = vector.load %arg23[%swap3A, %swap3A_40] : memref<64x128xf32, #tpu.memory_space<vmem>>, vector<64x128xf32>
    tpu.vector_store %arg23[%swap3A, %swap3A_40], %broadcast_in_dim3A_39 {strides = array<i32>} : memref<64x128xf32, #tpu.memory_space<vmem>>, vector<64x128xf32>,
    %slice3A = vector.extract_strided_slice %max3A_23 {offsets = [0, 0], sizes = [400, 128], strides = [1, 1]} : vector<10000x128xf32> to vector<400x128xf32>
    %slice3A_42 = vector.extract_strided_slice %get3A_37 {offsets = [0, 0], sizes = [400, 1], strides = [1, 1]} : vector<10000x1xi32> to vector<400x1xi32>
    %get3A_43 = arith.constant 0 : index
    %get3A_44 = arith.constant 0 : index
    %get3A_45 = memref.load %arg6[%get3A_43, %get3A_44] : memref<25x2xi32, #tpu.memory_space<smem>>
    %get3A_46 = arith.constant 0 : index
    %get3A_47 = arith.constant 1 : index
    %get3A_48 = memref.load %arg6[%get3A_46, %get3A_47] : memref<25x2xi32, #tpu.memory_space<smem>>
    %add3A_49 = arith.constant 1 : i32
    %add3A_50 = arith.addi %get3A_48, %add3A_49 : i32
    %while3A = arith.constant 0 : i32
    %while3A_51 = arith.subi %add3A_50, %get3A_45 : i32
    %while3A_52 = arith.addi %get3A_45, %while3A_51 : i32
    %while3A_53 = arith.constant 1 : i32
    %while3A_54 = arith.divsi %while3A_51, %while3A_53 : i32
    %while3A_55 = arith.muli %while3A_54, %while3A_53 : i32
    %while3A_56 = arith.addi %get3A_45, %while3A_55 : i32
    %while3A_57 = arith.constant 1 : i32
    scf.for %while3A_631 = %get3A_45 to %while3A_56 step %while3A_57  : i32 {
      %eq3A_632 = vector.broadcast %while3A_631 : i32 to vector<400x1xi32>
      %eq3A_633 = arith.cmpi eq, %slice3A_42, %eq3A_632 : vector<400x1xi32>
      %jit3A_634 = arith.constant 0.000000e+00 : f32
      %broadcast_in_dim3A_635 = vector.shape_cast %eq3A_633 : vector<400x1xi1> to vector<400x1xi1>
      %broadcast_in_dim3A_636 = vector.broadcast %broadcast_in_dim3A_635 : vector<400x1xi1> to vector<400x128xi1>
      %broadcast_in_dim3A_637 = vector.broadcast %jit3A_634 : f32 to vector<400x128xf32>
      %select_n3A_638 = arith.select %broadcast_in_dim3A_636, %slice3A, %broadcast_in_dim3A_637 : vector<400x128xi1>, vector<400x128xf32>
      %reduce_max3A = arith.constant dense<0xFF800000> : vector<128xf32>
      %reduce_max3A_639 = vector.multi_reduction <maximumf>, %select_n3A_638, %reduce_max3A [0] : vector<400x128xf32> to vector<128xf32>
      %broadcast_in_dim3A_640 = vector.shape_cast %reduce_max3A_639 : vector<128xf32> to vector<1x128xf32>
      %get3A_641 = arith.index_cast %while3A_631 : i32 to index
      %get3A_642 = arith.constant 0 : index
      %get3A_643 = vector.load %arg23[%get3A_641, %get3A_642] : memref<64x128xf32, #tpu.memory_space<vmem>>, vector<1x128xf32>
      %max3A_644 = arith.maximumf %get3A_643, %broadcast_in_dim3A_640 : vector<1x128xf32>
      %swap3A_645 = arith.index_cast %while3A_631 : i32 to index
      %swap3A_646 = arith.constant 0 : index
      %swap3A_647 = vector.load %arg23[%swap3A_645, %swap3A_646] : memref<64x128xf32, #tpu.memory_space<vmem>>, vector<1x128xf32>
      tpu.vector_store %arg23[%swap3A_645, %swap3A_646], %max3A_644 {strides = array<i32>} : memref<64x128xf32, #tpu.memory_space<vmem>>, vector<1x128xf32>,
    }
    %while3A_58 = arith.constant 1 : i32
    scf.for %while3A_631 = %while3A_56 to %while3A_52 step %while3A_58  : i32 {
      %eq3A_632 = vector.broadcast %while3A_631 : i32 to vector<400x1xi32>
      %eq3A_633 = arith.cmpi eq, %slice3A_42, %eq3A_632 : vector<400x1xi32>
      %jit3A_634 = arith.constant 0.000000e+00 : f32
      %broadcast_in_dim3A_635 = vector.shape_cast %eq3A_633 : vector<400x1xi1> to vector<400x1xi1>
      %broadcast_in_dim3A_636 = vector.broadcast %broadcast_in_dim3A_635 : vector<400x1xi1> to vector<400x128xi1>
      %broadcast_in_dim3A_637 = vector.broadcast %jit3A_634 : f32 to vector<400x128xf32>
      %select_n3A_638 = arith.select %broadcast_in_dim3A_636, %slice3A, %broadcast_in_dim3A_637 : vector<400x128xi1>, vector<400x128xf32>
      %reduce_max3A = arith.constant dense<0xFF800000> : vector<128xf32>
      %reduce_max3A_639 = vector.multi_reduction <maximumf>, %select_n3A_638, %reduce_max3A [0] : vector<400x128xf32> to vector<128xf32>
      %broadcast_in_dim3A_640 = vector.shape_cast %reduce_max3A_639 : vector<128xf32> to vector<1x128xf32>
      %get3A_641 = arith.index_cast %while3A_631 : i32 to index
      %get3A_642 = arith.constant 0 : index
      %get3A_643 = vector.load %arg23[%get3A_641, %get3A_642] : memref<64x128xf32, #tpu.memory_space<vmem>>, vector<1x128xf32>
      %max3A_644 = arith.maximumf %get3A_643, %broadcast_in_dim3A_640 : vector<1x128xf32>
      %swap3A_645 = arith.index_cast %while3A_631 : i32 to index
      %swap3A_646 = arith.constant 0 : index
      %swap3A_647 = vector.load %arg23[%swap3A_645, %swap3A_646] : memref<64x128xf32, #tpu.memory_space<vmem>>, vector<1x128xf32>
      tpu.vector_store %arg23[%swap3A_645, %swap3A_646], %max3A_644 {strides = array<i32>} : memref<64x128xf32, #tpu.memory_space<vmem>>, vector<1x128xf32>,
    }
    %slice3A_59 = vector.extract_strided_slice %max3A_23 {offsets = [400, 0], sizes = [400, 128], strides = [1, 1]} : vector<10000x128xf32> to vector<400x128xf32>
    %slice3A_60 = vector.extract_strided_slice %get3A_37 {offsets = [400, 0], sizes = [400, 1], strides = [1, 1]} : vector<10000x1xi32> to vector<400x1xi32>
    %get3A_61 = arith.constant 1 : index
    %get3A_62 = arith.constant 0 : index
    %get3A_63 = memref.load %arg6[%get3A_61, %get3A_62] : memref<25x2xi32, #tpu.memory_space<smem>>
    %get3A_64 = arith.constant 1 : index
    %get3A_65 = arith.constant 1 : index
    %get3A_66 = memref.load %arg6[%get3A_64, %get3A_65] : memref<25x2xi32, #tpu.memory_space<smem>>
    %add3A_67 = arith.constant 1 : i32
    %add3A_68 = arith.addi %get3A_66, %add3A_67 : i32
    %while3A_69 = arith.constant 0 : i32
    %while3A_70 = arith.subi %add3A_68, %get3A_63 : i32
    %while3A_71 = arith.addi %get3A_63, %while3A_70 : i32
    %while3A_72 = arith.constant 1 : i32
    %while3A_73 = arith.divsi %while3A_70, %while3A_72 : i32
    %while3A_74 = arith.muli %while3A_73, %while3A_72 : i32
    %while3A_75 = arith.addi %get3A_63, %while3A_74 : i32
    %while3A_76 = arith.constant 1 : i32
    scf.for %while3A_631 = %get3A_63 to %while3A_75 step %while3A_76  : i32 {
      %eq3A_632 = vector.broadcast %while3A_631 : i32 to vector<400x1xi32>
      %eq3A_633 = arith.cmpi eq, %slice3A_60, %eq3A_632 : vector<400x1xi32>
      %jit3A_634 = arith.constant 0.000000e+00 : f32
      %broadcast_in_dim3A_635 = vector.shape_cast %eq3A_633 : vector<400x1xi1> to vector<400x1xi1>
      %broadcast_in_dim3A_636 = vector.broadcast %broadcast_in_dim3A_635 : vector<400x1xi1> to vector<400x128xi1>
      %broadcast_in_dim3A_637 = vector.broadcast %jit3A_634 : f32 to vector<400x128xf32>
      %select_n3A_638 = arith.select %broadcast_in_dim3A_636, %slice3A_59, %broadcast_in_dim3A_637 : vector<400x128xi1>, vector<400x128xf32>
      %reduce_max3A = arith.constant dense<0xFF800000> : vector<128xf32>
      %reduce_max3A_639 = vector.multi_reduction <maximumf>, %select_n3A_638, %reduce_max3A [0] : vector<400x128xf32> to vector<128xf32>
      %broadcast_in_dim3A_640 = vector.shape_cast %reduce_max3A_639 : vector<128xf32> to vector<1x128xf32>
      %get3A_641 = arith.index_cast %while3A_631 : i32 to index
      %get3A_642 = arith.constant 0 : index
      %get3A_643 = vector.load %arg23[%get3A_641, %get3A_642] : memref<64x128xf32, #tpu.memory_space<vmem>>, vector<1x128xf32>
      %max3A_644 = arith.maximumf %get3A_643, %broadcast_in_dim3A_640 : vector<1x128xf32>
      %swap3A_645 = arith.index_cast %while3A_631 : i32 to index
      %swap3A_646 = arith.constant 0 : index
      %swap3A_647 = vector.load %arg23[%swap3A_645, %swap3A_646] : memref<64x128xf32, #tpu.memory_space<vmem>>, vector<1x128xf32>
      tpu.vector_store %arg23[%swap3A_645, %swap3A_646], %max3A_644 {strides = array<i32>} : memref<64x128xf32, #tpu.memory_space<vmem>>, vector<1x128xf32>,
    }
    %while3A_77 = arith.constant 1 : i32
    scf.for %while3A_631 = %while3A_75 to %while3A_71 step %while3A_77  : i32 {
      %eq3A_632 = vector.broadcast %while3A_631 : i32 to vector<400x1xi32>
      %eq3A_633 = arith.cmpi eq, %slice3A_60, %eq3A_632 : vector<400x1xi32>
      %jit3A_634 = arith.constant 0.000000e+00 : f32
      %broadcast_in_dim3A_635 = vector.shape_cast %eq3A_633 : vector<400x1xi1> to vector<400x1xi1>
      %broadcast_in_dim3A_636 = vector.broadcast %broadcast_in_dim3A_635 : vector<400x1xi1> to vector<400x128xi1>
      %broadcast_in_dim3A_637 = vector.broadcast %jit3A_634 : f32 to vector<400x128xf32>
      %select_n3A_638 = arith.select %broadcast_in_dim3A_636, %slice3A_59, %broadcast_in_dim3A_637 : vector<400x128xi1>, vector<400x128xf32>
      %reduce_max3A = arith.constant dense<0xFF800000> : vector<128xf32>
      %reduce_max3A_639 = vector.multi_reduction <maximumf>, %select_n3A_638, %reduce_max3A [0] : vector<400x128xf32> to vector<128xf32>
      %broadcast_in_dim3A_640 = vector.shape_cast %reduce_max3A_639 : vector<128xf32> to vector<1x128xf32>
      %get3A_641 = arith.index_cast %while3A_631 : i32 to index
      %get3A_642 = arith.constant 0 : index
      %get3A_643 = vector.load %arg23[%get3A_641, %get3A_642] : memref<64x128xf32, #tpu.memory_space<vmem>>, vector<1x128xf32>
      %max3A_644 = arith.maximumf %get3A_643, %broadcast_in_dim3A_640 : vector<1x128xf32>
      %swap3A_645 = arith.index_cast %while3A_631 : i32 to index
      %swap3A_646 = arith.constant 0 : index
      %swap3A_647 = vector.load %arg23[%swap3A_645, %swap3A_646] : memref<64x128xf32, #tpu.memory_space<vmem>>, vector<1x128xf32>
      tpu.vector_store %arg23[%swap3A_645, %swap3A_646], %max3A_644 {strides = array<i32>} : memref<64x128xf32, #tpu.memory_space<vmem>>, vector<1x128xf32>,
    }
    %slice3A_78 = vector.extract_strided_slice %max3A_23 {offsets = [800, 0], sizes = [400, 128], strides = [1, 1]} : vector<10000x128xf32> to vector<400x128xf32>
    %slice3A_79 = vector.extract_strided_slice %get3A_37 {offsets = [800, 0], sizes = [400, 1], strides = [1, 1]} : vector<10000x1xi32> to vector<400x1xi32>
    %get3A_80 = arith.constant 2 : index
    %get3A_81 = arith.constant 0 : index
    %get3A_82 = memref.load %arg6[%get3A_80, %get3A_81] : memref<25x2xi32, #tpu.memory_space<smem>>
    %get3A_83 = arith.constant 2 : index
    %get3A_84 = arith.constant 1 : index
    %get3A_85 = memref.load %arg6[%get3A_83, %get3A_84] : memref<25x2xi32, #tpu.memory_space<smem>>
    %add3A_86 = arith.constant 1 : i32
    %add3A_87 = arith.addi %get3A_85, %add3A_86 : i32
    %while3A_88 = arith.constant 0 : i32
    %while3A_89 = arith.subi %add3A_87, %get3A_82 : i32
    %while3A_90 = arith.addi %get3A_82, %while3A_89 : i32
    %while3A_91 = arith.constant 1 : i32
    %while3A_92 = arith.divsi %while3A_89, %while3A_91 : i32
    %while3A_93 = arith.muli %while3A_92, %while3A_91 : i32
    %while3A_94 = arith.addi %get3A_82, %while3A_93 : i32
    %while3A_95 = arith.constant 1 : i32
    scf.for %while3A_631 = %get3A_82 to %while3A_94 step %while3A_95  : i32 {
      %eq3A_632 = vector.broadcast %while3A_631 : i32 to vector<400x1xi32>
      %eq3A_633 = arith.cmpi eq, %slice3A_79, %eq3A_632 : vector<400x1xi32>
      %jit3A_634 = arith.constant 0.000000e+00 : f32
      %broadcast_in_dim3A_635 = vector.shape_cast %eq3A_633 : vector<400x1xi1> to vector<400x1xi1>
      %broadcast_in_dim3A_636 = vector.broadcast %broadcast_in_dim3A_635 : vector<400x1xi1> to vector<400x128xi1>
      %broadcast_in_dim3A_637 = vector.broadcast %jit3A_634 : f32 to vector<400x128xf32>
      %select_n3A_638 = arith.select %broadcast_in_dim3A_636, %slice3A_78, %broadcast_in_dim3A_637 : vector<400x128xi1>, vector<400x128xf32>
      %reduce_max3A = arith.constant dense<0xFF800000> : vector<128xf32>
      %reduce_max3A_639 = vector.multi_reduction <maximumf>, %select_n3A_638, %reduce_max3A [0] : vector<400x128xf32> to vector<128xf32>
      %broadcast_in_dim3A_640 = vector.shape_cast %reduce_max3A_639 : vector<128xf32> to vector<1x128xf32>
      %get3A_641 = arith.index_cast %while3A_631 : i32 to index
      %get3A_642 = arith.constant 0 : index
      %get3A_643 = vector.load %arg23[%get3A_641, %get3A_642] : memref<64x128xf32, #tpu.memory_space<vmem>>, vector<1x128xf32>
      %max3A_644 = arith.maximumf %get3A_643, %broadcast_in_dim3A_640 : vector<1x128xf32>
      %swap3A_645 = arith.index_cast %while3A_631 : i32 to index
      %swap3A_646 = arith.constant 0 : index
      %swap3A_647 = vector.load %arg23[%swap3A_645, %swap3A_646] : memref<64x128xf32, #tpu.memory_space<vmem>>, vector<1x128xf32>
      tpu.vector_store %arg23[%swap3A_645, %swap3A_646], %max3A_644 {strides = array<i32>} : memref<64x128xf32, #tpu.memory_space<vmem>>, vector<1x128xf32>,
    }
    %while3A_96 = arith.constant 1 : i32
    scf.for %while3A_631 = %while3A_94 to %while3A_90 step %while3A_96  : i32 {
      %eq3A_632 = vector.broadcast %while3A_631 : i32 to vector<400x1xi32>
      %eq3A_633 = arith.cmpi eq, %slice3A_79, %eq3A_632 : vector<400x1xi32>
      %jit3A_634 = arith.constant 0.000000e+00 : f32
      %broadcast_in_dim3A_635 = vector.shape_cast %eq3A_633 : vector<400x1xi1> to vector<400x1xi1>
      %broadcast_in_dim3A_636 = vector.broadcast %broadcast_in_dim3A_635 : vector<400x1xi1> to vector<400x128xi1>
      %broadcast_in_dim3A_637 = vector.broadcast %jit3A_634 : f32 to vector<400x128xf32>
      %select_n3A_638 = arith.select %broadcast_in_dim3A_636, %slice3A_78, %broadcast_in_dim3A_637 : vector<400x128xi1>, vector<400x128xf32>
      %reduce_max3A = arith.constant dense<0xFF800000> : vector<128xf32>
      %reduce_max3A_639 = vector.multi_reduction <maximumf>, %select_n3A_638, %reduce_max3A [0] : vector<400x128xf32> to vector<128xf32>
      %broadcast_in_dim3A_640 = vector.shape_cast %reduce_max3A_639 : vector<128xf32> to vector<1x128xf32>
      %get3A_641 = arith.index_cast %while3A_631 : i32 to index
      %get3A_642 = arith.constant 0 : index
      %get3A_643 = vector.load %arg23[%get3A_641, %get3A_642] : memref<64x128xf32, #tpu.memory_space<vmem>>, vector<1x128xf32>
      %max3A_644 = arith.maximumf %get3A_643, %broadcast_in_dim3A_640 : vector<1x128xf32>
      %swap3A_645 = arith.index_cast %while3A_631 : i32 to index
      %swap3A_646 = arith.constant 0 : index
      %swap3A_647 = vector.load %arg23[%swap3A_645, %swap3A_646] : memref<64x128xf32, #tpu.memory_space<vmem>>, vector<1x128xf32>
      tpu.vector_store %arg23[%swap3A_645, %swap3A_646], %max3A_644 {strides = array<i32>} : memref<64x128xf32, #tpu.memory_space<vmem>>, vector<1x128xf32>,
    }
    %slice3A_97 = vector.extract_strided_slice %max3A_23 {offsets = [1200, 0], sizes = [400, 128], strides = [1, 1]} : vector<10000x128xf32> to vector<400x128xf32>
    %slice3A_98 = vector.extract_strided_slice %get3A_37 {offsets = [1200, 0], sizes = [400, 1], strides = [1, 1]} : vector<10000x1xi32> to vector<400x1xi32>
    %get3A_99 = arith.constant 3 : index
    %get3A_100 = arith.constant 0 : index
    %get3A_101 = memref.load %arg6[%get3A_99, %get3A_100] : memref<25x2xi32, #tpu.memory_space<smem>>
    %get3A_102 = arith.constant 3 : index
    %get3A_103 = arith.constant 1 : index
    %get3A_104 = memref.load %arg6[%get3A_102, %get3A_103] : memref<25x2xi32, #tpu.memory_space<smem>>
    %add3A_105 = arith.constant 1 : i32
    %add3A_106 = arith.addi %get3A_104, %add3A_105 : i32
    %while3A_107 = arith.constant 0 : i32
    %while3A_108 = arith.subi %add3A_106, %get3A_101 : i32
    %while3A_109 = arith.addi %get3A_101, %while3A_108 : i32
    %while3A_110 = arith.constant 1 : i32
    %while3A_111 = arith.divsi %while3A_108, %while3A_110 : i32
    %while3A_112 = arith.muli %while3A_111, %while3A_110 : i32
    %while3A_113 = arith.addi %get3A_101, %while3A_112 : i32
    %while3A_114 = arith.constant 1 : i32
    scf.for %while3A_631 = %get3A_101 to %while3A_113 step %while3A_114  : i32 {
      %eq3A_632 = vector.broadcast %while3A_631 : i32 to vector<400x1xi32>
      %eq3A_633 = arith.cmpi eq, %slice3A_98, %eq3A_632 : vector<400x1xi32>
      %jit3A_634 = arith.constant 0.000000e+00 : f32
      %broadcast_in_dim3A_635 = vector.shape_cast %eq3A_633 : vector<400x1xi1> to vector<400x1xi1>
      %broadcast_in_dim3A_636 = vector.broadcast %broadcast_in_dim3A_635 : vector<400x1xi1> to vector<400x128xi1>
      %broadcast_in_dim3A_637 = vector.broadcast %jit3A_634 : f32 to vector<400x128xf32>
      %select_n3A_638 = arith.select %broadcast_in_dim3A_636, %slice3A_97, %broadcast_in_dim3A_637 : vector<400x128xi1>, vector<400x128xf32>
      %reduce_max3A = arith.constant dense<0xFF800000> : vector<128xf32>
      %reduce_max3A_639 = vector.multi_reduction <maximumf>, %select_n3A_638, %reduce_max3A [0] : vector<400x128xf32> to vector<128xf32>
      %broadcast_in_dim3A_640 = vector.shape_cast %reduce_max3A_639 : vector<128xf32> to vector<1x128xf32>
      %get3A_641 = arith.index_cast %while3A_631 : i32 to index
      %get3A_642 = arith.constant 0 : index
      %get3A_643 = vector.load %arg23[%get3A_641, %get3A_642] : memref<64x128xf32, #tpu.memory_space<vmem>>, vector<1x128xf32>
      %max3A_644 = arith.maximumf %get3A_643, %broadcast_in_dim3A_640 : vector<1x128xf32>
      %swap3A_645 = arith.index_cast %while3A_631 : i32 to index
      %swap3A_646 = arith.constant 0 : index
      %swap3A_647 = vector.load %arg23[%swap3A_645, %swap3A_646] : memref<64x128xf32, #tpu.memory_space<vmem>>, vector<1x128xf32>
      tpu.vector_store %arg23[%swap3A_645, %swap3A_646], %max3A_644 {strides = array<i32>} : memref<64x128xf32, #tpu.memory_space<vmem>>, vector<1x128xf32>,
    }
    %while3A_115 = arith.constant 1 : i32
    scf.for %while3A_631 = %while3A_113 to %while3A_109 step %while3A_115  : i32 {
      %eq3A_632 = vector.broadcast %while3A_631 : i32 to vector<400x1xi32>
      %eq3A_633 = arith.cmpi eq, %slice3A_98, %eq3A_632 : vector<400x1xi32>
      %jit3A_634 = arith.constant 0.000000e+00 : f32
      %broadcast_in_dim3A_635 = vector.shape_cast %eq3A_633 : vector<400x1xi1> to vector<400x1xi1>
      %broadcast_in_dim3A_636 = vector.broadcast %broadcast_in_dim3A_635 : vector<400x1xi1> to vector<400x128xi1>
      %broadcast_in_dim3A_637 = vector.broadcast %jit3A_634 : f32 to vector<400x128xf32>
      %select_n3A_638 = arith.select %broadcast_in_dim3A_636, %slice3A_97, %broadcast_in_dim3A_637 : vector<400x128xi1>, vector<400x128xf32>
      %reduce_max3A = arith.constant dense<0xFF800000> : vector<128xf32>
      %reduce_max3A_639 = vector.multi_reduction <maximumf>, %select_n3A_638, %reduce_max3A [0] : vector<400x128xf32> to vector<128xf32>
      %broadcast_in_dim3A_640 = vector.shape_cast %reduce_max3A_639 : vector<128xf32> to vector<1x128xf32>
      %get3A_641 = arith.index_cast %while3A_631 : i32 to index
      %get3A_642 = arith.constant 0 : index
      %get3A_643 = vector.load %arg23[%get3A_641, %get3A_642] : memref<64x128xf32, #tpu.memory_space<vmem>>, vector<1x128xf32>
      %max3A_644 = arith.maximumf %get3A_643, %broadcast_in_dim3A_640 : vector<1x128xf32>
      %swap3A_645 = arith.index_cast %while3A_631 : i32 to index
      %swap3A_646 = arith.constant 0 : index
      %swap3A_647 = vector.load %arg23[%swap3A_645, %swap3A_646] : memref<64x128xf32, #tpu.memory_space<vmem>>, vector<1x128xf32>
      tpu.vector_store %arg23[%swap3A_645, %swap3A_646], %max3A_644 {strides = array<i32>} : memref<64x128xf32, #tpu.memory_space<vmem>>, vector<1x128xf32>,
    }
    %slice3A_116 = vector.extract_strided_slice %max3A_23 {offsets = [1600, 0], sizes = [400, 128], strides = [1, 1]} : vector<10000x128xf32> to vector<400x128xf32>
    %slice3A_117 = vector.extract_strided_slice %get3A_37 {offsets = [1600, 0], sizes = [400, 1], strides = [1, 1]} : vector<10000x1xi32> to vector<400x1xi32>
    %get3A_118 = arith.constant 4 : index
    %get3A_119 = arith.constant 0 : index
    %get3A_120 = memref.load %arg6[%get3A_118, %get3A_119] : memref<25x2xi32, #tpu.memory_space<smem>>
    %get3A_121 = arith.constant 4 : index
    %get3A_122 = arith.constant 1 : index
    %get3A_123 = memref.load %arg6[%get3A_121, %get3A_122] : memref<25x2xi32, #tpu.memory_space<smem>>
    %add3A_124 = arith.constant 1 : i32
    %add3A_125 = arith.addi %get3A_123, %add3A_124 : i32
    %while3A_126 = arith.constant 0 : i32
    %while3A_127 = arith.subi %add3A_125, %get3A_120 : i32
    %while3A_128 = arith.addi %get3A_120, %while3A_127 : i32
    %while3A_129 = arith.constant 1 : i32
    %while3A_130 = arith.divsi %while3A_127, %while3A_129 : i32
    %while3A_131 = arith.muli %while3A_130, %while3A_129 : i32
    %while3A_132 = arith.addi %get3A_120, %while3A_131 : i32
    %while3A_133 = arith.constant 1 : i32
    scf.for %while3A_631 = %get3A_120 to %while3A_132 step %while3A_133  : i32 {
      %eq3A_632 = vector.broadcast %while3A_631 : i32 to vector<400x1xi32>
      %eq3A_633 = arith.cmpi eq, %slice3A_117, %eq3A_632 : vector<400x1xi32>
      %jit3A_634 = arith.constant 0.000000e+00 : f32
      %broadcast_in_dim3A_635 = vector.shape_cast %eq3A_633 : vector<400x1xi1> to vector<400x1xi1>
      %broadcast_in_dim3A_636 = vector.broadcast %broadcast_in_dim3A_635 : vector<400x1xi1> to vector<400x128xi1>
      %broadcast_in_dim3A_637 = vector.broadcast %jit3A_634 : f32 to vector<400x128xf32>
      %select_n3A_638 = arith.select %broadcast_in_dim3A_636, %slice3A_116, %broadcast_in_dim3A_637 : vector<400x128xi1>, vector<400x128xf32>
      %reduce_max3A = arith.constant dense<0xFF800000> : vector<128xf32>
      %reduce_max3A_639 = vector.multi_reduction <maximumf>, %select_n3A_638, %reduce_max3A [0] : vector<400x128xf32> to vector<128xf32>
      %broadcast_in_dim3A_640 = vector.shape_cast %reduce_max3A_639 : vector<128xf32> to vector<1x128xf32>
      %get3A_641 = arith.index_cast %while3A_631 : i32 to index
      %get3A_642 = arith.constant 0 : index
      %get3A_643 = vector.load %arg23[%get3A_641, %get3A_642] : memref<64x128xf32, #tpu.memory_space<vmem>>, vector<1x128xf32>
      %max3A_644 = arith.maximumf %get3A_643, %broadcast_in_dim3A_640 : vector<1x128xf32>
      %swap3A_645 = arith.index_cast %while3A_631 : i32 to index
      %swap3A_646 = arith.constant 0 : index
      %swap3A_647 = vector.load %arg23[%swap3A_645, %swap3A_646] : memref<64x128xf32, #tpu.memory_space<vmem>>, vector<1x128xf32>
      tpu.vector_store %arg23[%swap3A_645, %swap3A_646], %max3A_644 {strides = array<i32>} : memref<64x128xf32, #tpu.memory_space<vmem>>, vector<1x128xf32>,
    }
    %while3A_134 = arith.constant 1 : i32
    scf.for %while3A_631 = %while3A_132 to %while3A_128 step %while3A_134  : i32 {
      %eq3A_632 = vector.broadcast %while3A_631 : i32 to vector<400x1xi32>
      %eq3A_633 = arith.cmpi eq, %slice3A_117, %eq3A_632 : vector<400x1xi32>
      %jit3A_634 = arith.constant 0.000000e+00 : f32
      %broadcast_in_dim3A_635 = vector.shape_cast %eq3A_633 : vector<400x1xi1> to vector<400x1xi1>
      %broadcast_in_dim3A_636 = vector.broadcast %broadcast_in_dim3A_635 : vector<400x1xi1> to vector<400x128xi1>
      %broadcast_in_dim3A_637 = vector.broadcast %jit3A_634 : f32 to vector<400x128xf32>
      %select_n3A_638 = arith.select %broadcast_in_dim3A_636, %slice3A_116, %broadcast_in_dim3A_637 : vector<400x128xi1>, vector<400x128xf32>
      %reduce_max3A = arith.constant dense<0xFF800000> : vector<128xf32>
      %reduce_max3A_639 = vector.multi_reduction <maximumf>, %select_n3A_638, %reduce_max3A [0] : vector<400x128xf32> to vector<128xf32>
      %broadcast_in_dim3A_640 = vector.shape_cast %reduce_max3A_639 : vector<128xf32> to vector<1x128xf32>
      %get3A_641 = arith.index_cast %while3A_631 : i32 to index
      %get3A_642 = arith.constant 0 : index
      %get3A_643 = vector.load %arg23[%get3A_641, %get3A_642] : memref<64x128xf32, #tpu.memory_space<vmem>>, vector<1x128xf32>
      %max3A_644 = arith.maximumf %get3A_643, %broadcast_in_dim3A_640 : vector<1x128xf32>
      %swap3A_645 = arith.index_cast %while3A_631 : i32 to index
      %swap3A_646 = arith.constant 0 : index
      %swap3A_647 = vector.load %arg23[%swap3A_645, %swap3A_646] : memref<64x128xf32, #tpu.memory_space<vmem>>, vector<1x128xf32>
      tpu.vector_store %arg23[%swap3A_645, %swap3A_646], %max3A_644 {strides = array<i32>} : memref<64x128xf32, #tpu.memory_space<vmem>>, vector<1x128xf32>,
    }
    %slice3A_135 = vector.extract_strided_slice %max3A_23 {offsets = [2000, 0], sizes = [400, 128], strides = [1, 1]} : vector<10000x128xf32> to vector<400x128xf32>
    %slice3A_136 = vector.extract_strided_slice %get3A_37 {offsets = [2000, 0], sizes = [400, 1], strides = [1, 1]} : vector<10000x1xi32> to vector<400x1xi32>
    %get3A_137 = arith.constant 5 : index
    %get3A_138 = arith.constant 0 : index
    %get3A_139 = memref.load %arg6[%get3A_137, %get3A_138] : memref<25x2xi32, #tpu.memory_space<smem>>
    %get3A_140 = arith.constant 5 : index
    %get3A_141 = arith.constant 1 : index
    %get3A_142 = memref.load %arg6[%get3A_140, %get3A_141] : memref<25x2xi32, #tpu.memory_space<smem>>
    %add3A_143 = arith.constant 1 : i32
    %add3A_144 = arith.addi %get3A_142, %add3A_143 : i32
    %while3A_145 = arith.constant 0 : i32
    %while3A_146 = arith.subi %add3A_144, %get3A_139 : i32
    %while3A_147 = arith.addi %get3A_139, %while3A_146 : i32
    %while3A_148 = arith.constant 1 : i32
    %while3A_149 = arith.divsi %while3A_146, %while3A_148 : i32
    %while3A_150 = arith.muli %while3A_149, %while3A_148 : i32
    %while3A_151 = arith.addi %get3A_139, %while3A_150 : i32
    %while3A_152 = arith.constant 1 : i32
    scf.for %while3A_631 = %get3A_139 to %while3A_151 step %while3A_152  : i32 {
      %eq3A_632 = vector.broadcast %while3A_631 : i32 to vector<400x1xi32>
      %eq3A_633 = arith.cmpi eq, %slice3A_136, %eq3A_632 : vector<400x1xi32>
      %jit3A_634 = arith.constant 0.000000e+00 : f32
      %broadcast_in_dim3A_635 = vector.shape_cast %eq3A_633 : vector<400x1xi1> to vector<400x1xi1>
      %broadcast_in_dim3A_636 = vector.broadcast %broadcast_in_dim3A_635 : vector<400x1xi1> to vector<400x128xi1>
      %broadcast_in_dim3A_637 = vector.broadcast %jit3A_634 : f32 to vector<400x128xf32>
      %select_n3A_638 = arith.select %broadcast_in_dim3A_636, %slice3A_135, %broadcast_in_dim3A_637 : vector<400x128xi1>, vector<400x128xf32>
      %reduce_max3A = arith.constant dense<0xFF800000> : vector<128xf32>
      %reduce_max3A_639 = vector.multi_reduction <maximumf>, %select_n3A_638, %reduce_max3A [0] : vector<400x128xf32> to vector<128xf32>
      %broadcast_in_dim3A_640 = vector.shape_cast %reduce_max3A_639 : vector<128xf32> to vector<1x128xf32>
      %get3A_641 = arith.index_cast %while3A_631 : i32 to index
      %get3A_642 = arith.constant 0 : index
      %get3A_643 = vector.load %arg23[%get3A_641, %get3A_642] : memref<64x128xf32, #tpu.memory_space<vmem>>, vector<1x128xf32>
      %max3A_644 = arith.maximumf %get3A_643, %broadcast_in_dim3A_640 : vector<1x128xf32>
      %swap3A_645 = arith.index_cast %while3A_631 : i32 to index
      %swap3A_646 = arith.constant 0 : index
      %swap3A_647 = vector.load %arg23[%swap3A_645, %swap3A_646] : memref<64x128xf32, #tpu.memory_space<vmem>>, vector<1x128xf32>
      tpu.vector_store %arg23[%swap3A_645, %swap3A_646], %max3A_644 {strides = array<i32>} : memref<64x128xf32, #tpu.memory_space<vmem>>, vector<1x128xf32>,
    }
    %while3A_153 = arith.constant 1 : i32
    scf.for %while3A_631 = %while3A_151 to %while3A_147 step %while3A_153  : i32 {
      %eq3A_632 = vector.broadcast %while3A_631 : i32 to vector<400x1xi32>
      %eq3A_633 = arith.cmpi eq, %slice3A_136, %eq3A_632 : vector<400x1xi32>
      %jit3A_634 = arith.constant 0.000000e+00 : f32
      %broadcast_in_dim3A_635 = vector.shape_cast %eq3A_633 : vector<400x1xi1> to vector<400x1xi1>
      %broadcast_in_dim3A_636 = vector.broadcast %broadcast_in_dim3A_635 : vector<400x1xi1> to vector<400x128xi1>
      %broadcast_in_dim3A_637 = vector.broadcast %jit3A_634 : f32 to vector<400x128xf32>
      %select_n3A_638 = arith.select %broadcast_in_dim3A_636, %slice3A_135, %broadcast_in_dim3A_637 : vector<400x128xi1>, vector<400x128xf32>
      %reduce_max3A = arith.constant dense<0xFF800000> : vector<128xf32>
      %reduce_max3A_639 = vector.multi_reduction <maximumf>, %select_n3A_638, %reduce_max3A [0] : vector<400x128xf32> to vector<128xf32>
      %broadcast_in_dim3A_640 = vector.shape_cast %reduce_max3A_639 : vector<128xf32> to vector<1x128xf32>
      %get3A_641 = arith.index_cast %while3A_631 : i32 to index
      %get3A_642 = arith.constant 0 : index
      %get3A_643 = vector.load %arg23[%get3A_641, %get3A_642] : memref<64x128xf32, #tpu.memory_space<vmem>>, vector<1x128xf32>
      %max3A_644 = arith.maximumf %get3A_643, %broadcast_in_dim3A_640 : vector<1x128xf32>
      %swap3A_645 = arith.index_cast %while3A_631 : i32 to index
      %swap3A_646 = arith.constant 0 : index
      %swap3A_647 = vector.load %arg23[%swap3A_645, %swap3A_646] : memref<64x128xf32, #tpu.memory_space<vmem>>, vector<1x128xf32>
      tpu.vector_store %arg23[%swap3A_645, %swap3A_646], %max3A_644 {strides = array<i32>} : memref<64x128xf32, #tpu.memory_space<vmem>>, vector<1x128xf32>,
    }
    %slice3A_154 = vector.extract_strided_slice %max3A_23 {offsets = [2400, 0], sizes = [400, 128], strides = [1, 1]} : vector<10000x128xf32> to vector<400x128xf32>
    %slice3A_155 = vector.extract_strided_slice %get3A_37 {offsets = [2400, 0], sizes = [400, 1], strides = [1, 1]} : vector<10000x1xi32> to vector<400x1xi32>
    %get3A_156 = arith.constant 6 : index
    %get3A_157 = arith.constant 0 : index
    %get3A_158 = memref.load %arg6[%get3A_156, %get3A_157] : memref<25x2xi32, #tpu.memory_space<smem>>
    %get3A_159 = arith.constant 6 : index
    %get3A_160 = arith.constant 1 : index
    %get3A_161 = memref.load %arg6[%get3A_159, %get3A_160] : memref<25x2xi32, #tpu.memory_space<smem>>
    %add3A_162 = arith.constant 1 : i32
    %add3A_163 = arith.addi %get3A_161, %add3A_162 : i32
    %while3A_164 = arith.constant 0 : i32
    %while3A_165 = arith.subi %add3A_163, %get3A_158 : i32
    %while3A_166 = arith.addi %get3A_158, %while3A_165 : i32
    %while3A_167 = arith.constant 1 : i32
    %while3A_168 = arith.divsi %while3A_165, %while3A_167 : i32
    %while3A_169 = arith.muli %while3A_168, %while3A_167 : i32
    %while3A_170 = arith.addi %get3A_158, %while3A_169 : i32
    %while3A_171 = arith.constant 1 : i32
    scf.for %while3A_631 = %get3A_158 to %while3A_170 step %while3A_171  : i32 {
      %eq3A_632 = vector.broadcast %while3A_631 : i32 to vector<400x1xi32>
      %eq3A_633 = arith.cmpi eq, %slice3A_155, %eq3A_632 : vector<400x1xi32>
      %jit3A_634 = arith.constant 0.000000e+00 : f32
      %broadcast_in_dim3A_635 = vector.shape_cast %eq3A_633 : vector<400x1xi1> to vector<400x1xi1>
      %broadcast_in_dim3A_636 = vector.broadcast %broadcast_in_dim3A_635 : vector<400x1xi1> to vector<400x128xi1>
      %broadcast_in_dim3A_637 = vector.broadcast %jit3A_634 : f32 to vector<400x128xf32>
      %select_n3A_638 = arith.select %broadcast_in_dim3A_636, %slice3A_154, %broadcast_in_dim3A_637 : vector<400x128xi1>, vector<400x128xf32>
      %reduce_max3A = arith.constant dense<0xFF800000> : vector<128xf32>
      %reduce_max3A_639 = vector.multi_reduction <maximumf>, %select_n3A_638, %reduce_max3A [0] : vector<400x128xf32> to vector<128xf32>
      %broadcast_in_dim3A_640 = vector.shape_cast %reduce_max3A_639 : vector<128xf32> to vector<1x128xf32>
      %get3A_641 = arith.index_cast %while3A_631 : i32 to index
      %get3A_642 = arith.constant 0 : index
      %get3A_643 = vector.load %arg23[%get3A_641, %get3A_642] : memref<64x128xf32, #tpu.memory_space<vmem>>, vector<1x128xf32>
      %max3A_644 = arith.maximumf %get3A_643, %broadcast_in_dim3A_640 : vector<1x128xf32>
      %swap3A_645 = arith.index_cast %while3A_631 : i32 to index
      %swap3A_646 = arith.constant 0 : index
      %swap3A_647 = vector.load %arg23[%swap3A_645, %swap3A_646] : memref<64x128xf32, #tpu.memory_space<vmem>>, vector<1x128xf32>
      tpu.vector_store %arg23[%swap3A_645, %swap3A_646], %max3A_644 {strides = array<i32>} : memref<64x128xf32, #tpu.memory_space<vmem>>, vector<1x128xf32>,
    }
    %while3A_172 = arith.constant 1 : i32
    scf.for %while3A_631 = %while3A_170 to %while3A_166 step %while3A_172  : i32 {
      %eq3A_632 = vector.broadcast %while3A_631 : i32 to vector<400x1xi32>
      %eq3A_633 = arith.cmpi eq, %slice3A_155, %eq3A_632 : vector<400x1xi32>
      %jit3A_634 = arith.constant 0.000000e+00 : f32
      %broadcast_in_dim3A_635 = vector.shape_cast %eq3A_633 : vector<400x1xi1> to vector<400x1xi1>
      %broadcast_in_dim3A_636 = vector.broadcast %broadcast_in_dim3A_635 : vector<400x1xi1> to vector<400x128xi1>
      %broadcast_in_dim3A_637 = vector.broadcast %jit3A_634 : f32 to vector<400x128xf32>
      %select_n3A_638 = arith.select %broadcast_in_dim3A_636, %slice3A_154, %broadcast_in_dim3A_637 : vector<400x128xi1>, vector<400x128xf32>
      %reduce_max3A = arith.constant dense<0xFF800000> : vector<128xf32>
      %reduce_max3A_639 = vector.multi_reduction <maximumf>, %select_n3A_638, %reduce_max3A [0] : vector<400x128xf32> to vector<128xf32>
      %broadcast_in_dim3A_640 = vector.shape_cast %reduce_max3A_639 : vector<128xf32> to vector<1x128xf32>
      %get3A_641 = arith.index_cast %while3A_631 : i32 to index
      %get3A_642 = arith.constant 0 : index
      %get3A_643 = vector.load %arg23[%get3A_641, %get3A_642] : memref<64x128xf32, #tpu.memory_space<vmem>>, vector<1x128xf32>
      %max3A_644 = arith.maximumf %get3A_643, %broadcast_in_dim3A_640 : vector<1x128xf32>
      %swap3A_645 = arith.index_cast %while3A_631 : i32 to index
      %swap3A_646 = arith.constant 0 : index
      %swap3A_647 = vector.load %arg23[%swap3A_645, %swap3A_646] : memref<64x128xf32, #tpu.memory_space<vmem>>, vector<1x128xf32>
      tpu.vector_store %arg23[%swap3A_645, %swap3A_646], %max3A_644 {strides = array<i32>} : memref<64x128xf32, #tpu.memory_space<vmem>>, vector<1x128xf32>,
    }
    %slice3A_173 = vector.extract_strided_slice %max3A_23 {offsets = [2800, 0], sizes = [400, 128], strides = [1, 1]} : vector<10000x128xf32> to vector<400x128xf32>
    %slice3A_174 = vector.extract_strided_slice %get3A_37 {offsets = [2800, 0], sizes = [400, 1], strides = [1, 1]} : vector<10000x1xi32> to vector<400x1xi32>
    %get3A_175 = arith.constant 7 : index
    %get3A_176 = arith.constant 0 : index
    %get3A_177 = memref.load %arg6[%get3A_175, %get3A_176] : memref<25x2xi32, #tpu.memory_space<smem>>
    %get3A_178 = arith.constant 7 : index
    %get3A_179 = arith.constant 1 : index
    %get3A_180 = memref.load %arg6[%get3A_178, %get3A_179] : memref<25x2xi32, #tpu.memory_space<smem>>
    %add3A_181 = arith.constant 1 : i32
    %add3A_182 = arith.addi %get3A_180, %add3A_181 : i32
    %while3A_183 = arith.constant 0 : i32
    %while3A_184 = arith.subi %add3A_182, %get3A_177 : i32
    %while3A_185 = arith.addi %get3A_177, %while3A_184 : i32
    %while3A_186 = arith.constant 1 : i32
    %while3A_187 = arith.divsi %while3A_184, %while3A_186 : i32
    %while3A_188 = arith.muli %while3A_187, %while3A_186 : i32
    %while3A_189 = arith.addi %get3A_177, %while3A_188 : i32
    %while3A_190 = arith.constant 1 : i32
    scf.for %while3A_631 = %get3A_177 to %while3A_189 step %while3A_190  : i32 {
      %eq3A_632 = vector.broadcast %while3A_631 : i32 to vector<400x1xi32>
      %eq3A_633 = arith.cmpi eq, %slice3A_174, %eq3A_632 : vector<400x1xi32>
      %jit3A_634 = arith.constant 0.000000e+00 : f32
      %broadcast_in_dim3A_635 = vector.shape_cast %eq3A_633 : vector<400x1xi1> to vector<400x1xi1>
      %broadcast_in_dim3A_636 = vector.broadcast %broadcast_in_dim3A_635 : vector<400x1xi1> to vector<400x128xi1>
      %broadcast_in_dim3A_637 = vector.broadcast %jit3A_634 : f32 to vector<400x128xf32>
      %select_n3A_638 = arith.select %broadcast_in_dim3A_636, %slice3A_173, %broadcast_in_dim3A_637 : vector<400x128xi1>, vector<400x128xf32>
      %reduce_max3A = arith.constant dense<0xFF800000> : vector<128xf32>
      %reduce_max3A_639 = vector.multi_reduction <maximumf>, %select_n3A_638, %reduce_max3A [0] : vector<400x128xf32> to vector<128xf32>
      %broadcast_in_dim3A_640 = vector.shape_cast %reduce_max3A_639 : vector<128xf32> to vector<1x128xf32>
      %get3A_641 = arith.index_cast %while3A_631 : i32 to index
      %get3A_642 = arith.constant 0 : index
      %get3A_643 = vector.load %arg23[%get3A_641, %get3A_642] : memref<64x128xf32, #tpu.memory_space<vmem>>, vector<1x128xf32>
      %max3A_644 = arith.maximumf %get3A_643, %broadcast_in_dim3A_640 : vector<1x128xf32>
      %swap3A_645 = arith.index_cast %while3A_631 : i32 to index
      %swap3A_646 = arith.constant 0 : index
      %swap3A_647 = vector.load %arg23[%swap3A_645, %swap3A_646] : memref<64x128xf32, #tpu.memory_space<vmem>>, vector<1x128xf32>
      tpu.vector_store %arg23[%swap3A_645, %swap3A_646], %max3A_644 {strides = array<i32>} : memref<64x128xf32, #tpu.memory_space<vmem>>, vector<1x128xf32>,
    }
    %while3A_191 = arith.constant 1 : i32
    scf.for %while3A_631 = %while3A_189 to %while3A_185 step %while3A_191  : i32 {
      %eq3A_632 = vector.broadcast %while3A_631 : i32 to vector<400x1xi32>
      %eq3A_633 = arith.cmpi eq, %slice3A_174, %eq3A_632 : vector<400x1xi32>
      %jit3A_634 = arith.constant 0.000000e+00 : f32
      %broadcast_in_dim3A_635 = vector.shape_cast %eq3A_633 : vector<400x1xi1> to vector<400x1xi1>
      %broadcast_in_dim3A_636 = vector.broadcast %broadcast_in_dim3A_635 : vector<400x1xi1> to vector<400x128xi1>
      %broadcast_in_dim3A_637 = vector.broadcast %jit3A_634 : f32 to vector<400x128xf32>
      %select_n3A_638 = arith.select %broadcast_in_dim3A_636, %slice3A_173, %broadcast_in_dim3A_637 : vector<400x128xi1>, vector<400x128xf32>
      %reduce_max3A = arith.constant dense<0xFF800000> : vector<128xf32>
      %reduce_max3A_639 = vector.multi_reduction <maximumf>, %select_n3A_638, %reduce_max3A [0] : vector<400x128xf32> to vector<128xf32>
      %broadcast_in_dim3A_640 = vector.shape_cast %reduce_max3A_639 : vector<128xf32> to vector<1x128xf32>
      %get3A_641 = arith.index_cast %while3A_631 : i32 to index
      %get3A_642 = arith.constant 0 : index
      %get3A_643 = vector.load %arg23[%get3A_641, %get3A_642] : memref<64x128xf32, #tpu.memory_space<vmem>>, vector<1x128xf32>
      %max3A_644 = arith.maximumf %get3A_643, %broadcast_in_dim3A_640 : vector<1x128xf32>
      %swap3A_645 = arith.index_cast %while3A_631 : i32 to index
      %swap3A_646 = arith.constant 0 : index
      %swap3A_647 = vector.load %arg23[%swap3A_645, %swap3A_646] : memref<64x128xf32, #tpu.memory_space<vmem>>, vector<1x128xf32>
      tpu.vector_store %arg23[%swap3A_645, %swap3A_646], %max3A_644 {strides = array<i32>} : memref<64x128xf32, #tpu.memory_space<vmem>>, vector<1x128xf32>,
    }
    %slice3A_192 = vector.extract_strided_slice %max3A_23 {offsets = [3200, 0], sizes = [400, 128], strides = [1, 1]} : vector<10000x128xf32> to vector<400x128xf32>
    %slice3A_193 = vector.extract_strided_slice %get3A_37 {offsets = [3200, 0], sizes = [400, 1], strides = [1, 1]} : vector<10000x1xi32> to vector<400x1xi32>
    %get3A_194 = arith.constant 8 : index
    %get3A_195 = arith.constant 0 : index
    %get3A_196 = memref.load %arg6[%get3A_194, %get3A_195] : memref<25x2xi32, #tpu.memory_space<smem>>
    %get3A_197 = arith.constant 8 : index
    %get3A_198 = arith.constant 1 : index
    %get3A_199 = memref.load %arg6[%get3A_197, %get3A_198] : memref<25x2xi32, #tpu.memory_space<smem>>
    %add3A_200 = arith.constant 1 : i32
    %add3A_201 = arith.addi %get3A_199, %add3A_200 : i32
    %while3A_202 = arith.constant 0 : i32
    %while3A_203 = arith.subi %add3A_201, %get3A_196 : i32
    %while3A_204 = arith.addi %get3A_196, %while3A_203 : i32
    %while3A_205 = arith.constant 1 : i32
    %while3A_206 = arith.divsi %while3A_203, %while3A_205 : i32
    %while3A_207 = arith.muli %while3A_206, %while3A_205 : i32
    %while3A_208 = arith.addi %get3A_196, %while3A_207 : i32
    %while3A_209 = arith.constant 1 : i32
    scf.for %while3A_631 = %get3A_196 to %while3A_208 step %while3A_209  : i32 {
      %eq3A_632 = vector.broadcast %while3A_631 : i32 to vector<400x1xi32>
      %eq3A_633 = arith.cmpi eq, %slice3A_193, %eq3A_632 : vector<400x1xi32>
      %jit3A_634 = arith.constant 0.000000e+00 : f32
      %broadcast_in_dim3A_635 = vector.shape_cast %eq3A_633 : vector<400x1xi1> to vector<400x1xi1>
      %broadcast_in_dim3A_636 = vector.broadcast %broadcast_in_dim3A_635 : vector<400x1xi1> to vector<400x128xi1>
      %broadcast_in_dim3A_637 = vector.broadcast %jit3A_634 : f32 to vector<400x128xf32>
      %select_n3A_638 = arith.select %broadcast_in_dim3A_636, %slice3A_192, %broadcast_in_dim3A_637 : vector<400x128xi1>, vector<400x128xf32>
      %reduce_max3A = arith.constant dense<0xFF800000> : vector<128xf32>
      %reduce_max3A_639 = vector.multi_reduction <maximumf>, %select_n3A_638, %reduce_max3A [0] : vector<400x128xf32> to vector<128xf32>
      %broadcast_in_dim3A_640 = vector.shape_cast %reduce_max3A_639 : vector<128xf32> to vector<1x128xf32>
      %get3A_641 = arith.index_cast %while3A_631 : i32 to index
      %get3A_642 = arith.constant 0 : index
      %get3A_643 = vector.load %arg23[%get3A_641, %get3A_642] : memref<64x128xf32, #tpu.memory_space<vmem>>, vector<1x128xf32>
      %max3A_644 = arith.maximumf %get3A_643, %broadcast_in_dim3A_640 : vector<1x128xf32>
      %swap3A_645 = arith.index_cast %while3A_631 : i32 to index
      %swap3A_646 = arith.constant 0 : index
      %swap3A_647 = vector.load %arg23[%swap3A_645, %swap3A_646] : memref<64x128xf32, #tpu.memory_space<vmem>>, vector<1x128xf32>
      tpu.vector_store %arg23[%swap3A_645, %swap3A_646], %max3A_644 {strides = array<i32>} : memref<64x128xf32, #tpu.memory_space<vmem>>, vector<1x128xf32>,
    }
    %while3A_210 = arith.constant 1 : i32
    scf.for %while3A_631 = %while3A_208 to %while3A_204 step %while3A_210  : i32 {
      %eq3A_632 = vector.broadcast %while3A_631 : i32 to vector<400x1xi32>
      %eq3A_633 = arith.cmpi eq, %slice3A_193, %eq3A_632 : vector<400x1xi32>
      %jit3A_634 = arith.constant 0.000000e+00 : f32
      %broadcast_in_dim3A_635 = vector.shape_cast %eq3A_633 : vector<400x1xi1> to vector<400x1xi1>
      %broadcast_in_dim3A_636 = vector.broadcast %broadcast_in_dim3A_635 : vector<400x1xi1> to vector<400x128xi1>
      %broadcast_in_dim3A_637 = vector.broadcast %jit3A_634 : f32 to vector<400x128xf32>
      %select_n3A_638 = arith.select %broadcast_in_dim3A_636, %slice3A_192, %broadcast_in_dim3A_637 : vector<400x128xi1>, vector<400x128xf32>
      %reduce_max3A = arith.constant dense<0xFF800000> : vector<128xf32>
      %reduce_max3A_639 = vector.multi_reduction <maximumf>, %select_n3A_638, %reduce_max3A [0] : vector<400x128xf32> to vector<128xf32>
      %broadcast_in_dim3A_640 = vector.shape_cast %reduce_max3A_639 : vector<128xf32> to vector<1x128xf32>
      %get3A_641 = arith.index_cast %while3A_631 : i32 to index
      %get3A_642 = arith.constant 0 : index
      %get3A_643 = vector.load %arg23[%get3A_641, %get3A_642] : memref<64x128xf32, #tpu.memory_space<vmem>>, vector<1x128xf32>
      %max3A_644 = arith.maximumf %get3A_643, %broadcast_in_dim3A_640 : vector<1x128xf32>
      %swap3A_645 = arith.index_cast %while3A_631 : i32 to index
      %swap3A_646 = arith.constant 0 : index
      %swap3A_647 = vector.load %arg23[%swap3A_645, %swap3A_646] : memref<64x128xf32, #tpu.memory_space<vmem>>, vector<1x128xf32>
      tpu.vector_store %arg23[%swap3A_645, %swap3A_646], %max3A_644 {strides = array<i32>} : memref<64x128xf32, #tpu.memory_space<vmem>>, vector<1x128xf32>,
    }
    %slice3A_211 = vector.extract_strided_slice %max3A_23 {offsets = [3600, 0], sizes = [400, 128], strides = [1, 1]} : vector<10000x128xf32> to vector<400x128xf32>
    %slice3A_212 = vector.extract_strided_slice %get3A_37 {offsets = [3600, 0], sizes = [400, 1], strides = [1, 1]} : vector<10000x1xi32> to vector<400x1xi32>
    %get3A_213 = arith.constant 9 : index
    %get3A_214 = arith.constant 0 : index
    %get3A_215 = memref.load %arg6[%get3A_213, %get3A_214] : memref<25x2xi32, #tpu.memory_space<smem>>
    %get3A_216 = arith.constant 9 : index
    %get3A_217 = arith.constant 1 : index
    %get3A_218 = memref.load %arg6[%get3A_216, %get3A_217] : memref<25x2xi32, #tpu.memory_space<smem>>
    %add3A_219 = arith.constant 1 : i32
    %add3A_220 = arith.addi %get3A_218, %add3A_219 : i32
    %while3A_221 = arith.constant 0 : i32
    %while3A_222 = arith.subi %add3A_220, %get3A_215 : i32
    %while3A_223 = arith.addi %get3A_215, %while3A_222 : i32
    %while3A_224 = arith.constant 1 : i32
    %while3A_225 = arith.divsi %while3A_222, %while3A_224 : i32
    %while3A_226 = arith.muli %while3A_225, %while3A_224 : i32
    %while3A_227 = arith.addi %get3A_215, %while3A_226 : i32
    %while3A_228 = arith.constant 1 : i32
    scf.for %while3A_631 = %get3A_215 to %while3A_227 step %while3A_228  : i32 {
      %eq3A_632 = vector.broadcast %while3A_631 : i32 to vector<400x1xi32>
      %eq3A_633 = arith.cmpi eq, %slice3A_212, %eq3A_632 : vector<400x1xi32>
      %jit3A_634 = arith.constant 0.000000e+00 : f32
      %broadcast_in_dim3A_635 = vector.shape_cast %eq3A_633 : vector<400x1xi1> to vector<400x1xi1>
      %broadcast_in_dim3A_636 = vector.broadcast %broadcast_in_dim3A_635 : vector<400x1xi1> to vector<400x128xi1>
      %broadcast_in_dim3A_637 = vector.broadcast %jit3A_634 : f32 to vector<400x128xf32>
      %select_n3A_638 = arith.select %broadcast_in_dim3A_636, %slice3A_211, %broadcast_in_dim3A_637 : vector<400x128xi1>, vector<400x128xf32>
      %reduce_max3A = arith.constant dense<0xFF800000> : vector<128xf32>
      %reduce_max3A_639 = vector.multi_reduction <maximumf>, %select_n3A_638, %reduce_max3A [0] : vector<400x128xf32> to vector<128xf32>
      %broadcast_in_dim3A_640 = vector.shape_cast %reduce_max3A_639 : vector<128xf32> to vector<1x128xf32>
      %get3A_641 = arith.index_cast %while3A_631 : i32 to index
      %get3A_642 = arith.constant 0 : index
      %get3A_643 = vector.load %arg23[%get3A_641, %get3A_642] : memref<64x128xf32, #tpu.memory_space<vmem>>, vector<1x128xf32>
      %max3A_644 = arith.maximumf %get3A_643, %broadcast_in_dim3A_640 : vector<1x128xf32>
      %swap3A_645 = arith.index_cast %while3A_631 : i32 to index
      %swap3A_646 = arith.constant 0 : index
      %swap3A_647 = vector.load %arg23[%swap3A_645, %swap3A_646] : memref<64x128xf32, #tpu.memory_space<vmem>>, vector<1x128xf32>
      tpu.vector_store %arg23[%swap3A_645, %swap3A_646], %max3A_644 {strides = array<i32>} : memref<64x128xf32, #tpu.memory_space<vmem>>, vector<1x128xf32>,
    }
    %while3A_229 = arith.constant 1 : i32
    scf.for %while3A_631 = %while3A_227 to %while3A_223 step %while3A_229  : i32 {
      %eq3A_632 = vector.broadcast %while3A_631 : i32 to vector<400x1xi32>
      %eq3A_633 = arith.cmpi eq, %slice3A_212, %eq3A_632 : vector<400x1xi32>
      %jit3A_634 = arith.constant 0.000000e+00 : f32
      %broadcast_in_dim3A_635 = vector.shape_cast %eq3A_633 : vector<400x1xi1> to vector<400x1xi1>
      %broadcast_in_dim3A_636 = vector.broadcast %broadcast_in_dim3A_635 : vector<400x1xi1> to vector<400x128xi1>
      %broadcast_in_dim3A_637 = vector.broadcast %jit3A_634 : f32 to vector<400x128xf32>
      %select_n3A_638 = arith.select %broadcast_in_dim3A_636, %slice3A_211, %broadcast_in_dim3A_637 : vector<400x128xi1>, vector<400x128xf32>
      %reduce_max3A = arith.constant dense<0xFF800000> : vector<128xf32>
      %reduce_max3A_639 = vector.multi_reduction <maximumf>, %select_n3A_638, %reduce_max3A [0] : vector<400x128xf32> to vector<128xf32>
      %broadcast_in_dim3A_640 = vector.shape_cast %reduce_max3A_639 : vector<128xf32> to vector<1x128xf32>
      %get3A_641 = arith.index_cast %while3A_631 : i32 to index
      %get3A_642 = arith.constant 0 : index
      %get3A_643 = vector.load %arg23[%get3A_641, %get3A_642] : memref<64x128xf32, #tpu.memory_space<vmem>>, vector<1x128xf32>
      %max3A_644 = arith.maximumf %get3A_643, %broadcast_in_dim3A_640 : vector<1x128xf32>
      %swap3A_645 = arith.index_cast %while3A_631 : i32 to index
      %swap3A_646 = arith.constant 0 : index
      %swap3A_647 = vector.load %arg23[%swap3A_645, %swap3A_646] : memref<64x128xf32, #tpu.memory_space<vmem>>, vector<1x128xf32>
      tpu.vector_store %arg23[%swap3A_645, %swap3A_646], %max3A_644 {strides = array<i32>} : memref<64x128xf32, #tpu.memory_space<vmem>>, vector<1x128xf32>,
    }
    %slice3A_230 = vector.extract_strided_slice %max3A_23 {offsets = [4000, 0], sizes = [400, 128], strides = [1, 1]} : vector<10000x128xf32> to vector<400x128xf32>
    %slice3A_231 = vector.extract_strided_slice %get3A_37 {offsets = [4000, 0], sizes = [400, 1], strides = [1, 1]} : vector<10000x1xi32> to vector<400x1xi32>
    %get3A_232 = arith.constant 10 : index
    %get3A_233 = arith.constant 0 : index
    %get3A_234 = memref.load %arg6[%get3A_232, %get3A_233] : memref<25x2xi32, #tpu.memory_space<smem>>
    %get3A_235 = arith.constant 10 : index
    %get3A_236 = arith.constant 1 : index
    %get3A_237 = memref.load %arg6[%get3A_235, %get3A_236] : memref<25x2xi32, #tpu.memory_space<smem>>
    %add3A_238 = arith.constant 1 : i32
    %add3A_239 = arith.addi %get3A_237, %add3A_238 : i32
    %while3A_240 = arith.constant 0 : i32
    %while3A_241 = arith.subi %add3A_239, %get3A_234 : i32
    %while3A_242 = arith.addi %get3A_234, %while3A_241 : i32
    %while3A_243 = arith.constant 1 : i32
    %while3A_244 = arith.divsi %while3A_241, %while3A_243 : i32
    %while3A_245 = arith.muli %while3A_244, %while3A_243 : i32
    %while3A_246 = arith.addi %get3A_234, %while3A_245 : i32
    %while3A_247 = arith.constant 1 : i32
    scf.for %while3A_631 = %get3A_234 to %while3A_246 step %while3A_247  : i32 {
      %eq3A_632 = vector.broadcast %while3A_631 : i32 to vector<400x1xi32>
      %eq3A_633 = arith.cmpi eq, %slice3A_231, %eq3A_632 : vector<400x1xi32>
      %jit3A_634 = arith.constant 0.000000e+00 : f32
      %broadcast_in_dim3A_635 = vector.shape_cast %eq3A_633 : vector<400x1xi1> to vector<400x1xi1>
      %broadcast_in_dim3A_636 = vector.broadcast %broadcast_in_dim3A_635 : vector<400x1xi1> to vector<400x128xi1>
      %broadcast_in_dim3A_637 = vector.broadcast %jit3A_634 : f32 to vector<400x128xf32>
      %select_n3A_638 = arith.select %broadcast_in_dim3A_636, %slice3A_230, %broadcast_in_dim3A_637 : vector<400x128xi1>, vector<400x128xf32>
      %reduce_max3A = arith.constant dense<0xFF800000> : vector<128xf32>
      %reduce_max3A_639 = vector.multi_reduction <maximumf>, %select_n3A_638, %reduce_max3A [0] : vector<400x128xf32> to vector<128xf32>
      %broadcast_in_dim3A_640 = vector.shape_cast %reduce_max3A_639 : vector<128xf32> to vector<1x128xf32>
      %get3A_641 = arith.index_cast %while3A_631 : i32 to index
      %get3A_642 = arith.constant 0 : index
      %get3A_643 = vector.load %arg23[%get3A_641, %get3A_642] : memref<64x128xf32, #tpu.memory_space<vmem>>, vector<1x128xf32>
      %max3A_644 = arith.maximumf %get3A_643, %broadcast_in_dim3A_640 : vector<1x128xf32>
      %swap3A_645 = arith.index_cast %while3A_631 : i32 to index
      %swap3A_646 = arith.constant 0 : index
      %swap3A_647 = vector.load %arg23[%swap3A_645, %swap3A_646] : memref<64x128xf32, #tpu.memory_space<vmem>>, vector<1x128xf32>
      tpu.vector_store %arg23[%swap3A_645, %swap3A_646], %max3A_644 {strides = array<i32>} : memref<64x128xf32, #tpu.memory_space<vmem>>, vector<1x128xf32>,
    }
    %while3A_248 = arith.constant 1 : i32
    scf.for %while3A_631 = %while3A_246 to %while3A_242 step %while3A_248  : i32 {
      %eq3A_632 = vector.broadcast %while3A_631 : i32 to vector<400x1xi32>
      %eq3A_633 = arith.cmpi eq, %slice3A_231, %eq3A_632 : vector<400x1xi32>
      %jit3A_634 = arith.constant 0.000000e+00 : f32
      %broadcast_in_dim3A_635 = vector.shape_cast %eq3A_633 : vector<400x1xi1> to vector<400x1xi1>
      %broadcast_in_dim3A_636 = vector.broadcast %broadcast_in_dim3A_635 : vector<400x1xi1> to vector<400x128xi1>
      %broadcast_in_dim3A_637 = vector.broadcast %jit3A_634 : f32 to vector<400x128xf32>
      %select_n3A_638 = arith.select %broadcast_in_dim3A_636, %slice3A_230, %broadcast_in_dim3A_637 : vector<400x128xi1>, vector<400x128xf32>
      %reduce_max3A = arith.constant dense<0xFF800000> : vector<128xf32>
      %reduce_max3A_639 = vector.multi_reduction <maximumf>, %select_n3A_638, %reduce_max3A [0] : vector<400x128xf32> to vector<128xf32>
      %broadcast_in_dim3A_640 = vector.shape_cast %reduce_max3A_639 : vector<128xf32> to vector<1x128xf32>
      %get3A_641 = arith.index_cast %while3A_631 : i32 to index
      %get3A_642 = arith.constant 0 : index
      %get3A_643 = vector.load %arg23[%get3A_641, %get3A_642] : memref<64x128xf32, #tpu.memory_space<vmem>>, vector<1x128xf32>
      %max3A_644 = arith.maximumf %get3A_643, %broadcast_in_dim3A_640 : vector<1x128xf32>
      %swap3A_645 = arith.index_cast %while3A_631 : i32 to index
      %swap3A_646 = arith.constant 0 : index
      %swap3A_647 = vector.load %arg23[%swap3A_645, %swap3A_646] : memref<64x128xf32, #tpu.memory_space<vmem>>, vector<1x128xf32>
      tpu.vector_store %arg23[%swap3A_645, %swap3A_646], %max3A_644 {strides = array<i32>} : memref<64x128xf32, #tpu.memory_space<vmem>>, vector<1x128xf32>,
    }
    %slice3A_249 = vector.extract_strided_slice %max3A_23 {offsets = [4400, 0], sizes = [400, 128], strides = [1, 1]} : vector<10000x128xf32> to vector<400x128xf32>
    %slice3A_250 = vector.extract_strided_slice %get3A_37 {offsets = [4400, 0], sizes = [400, 1], strides = [1, 1]} : vector<10000x1xi32> to vector<400x1xi32>
    %get3A_251 = arith.constant 11 : index
    %get3A_252 = arith.constant 0 : index
    %get3A_253 = memref.load %arg6[%get3A_251, %get3A_252] : memref<25x2xi32, #tpu.memory_space<smem>>
    %get3A_254 = arith.constant 11 : index
    %get3A_255 = arith.constant 1 : index
    %get3A_256 = memref.load %arg6[%get3A_254, %get3A_255] : memref<25x2xi32, #tpu.memory_space<smem>>
    %add3A_257 = arith.constant 1 : i32
    %add3A_258 = arith.addi %get3A_256, %add3A_257 : i32
    %while3A_259 = arith.constant 0 : i32
    %while3A_260 = arith.subi %add3A_258, %get3A_253 : i32
    %while3A_261 = arith.addi %get3A_253, %while3A_260 : i32
    %while3A_262 = arith.constant 1 : i32
    %while3A_263 = arith.divsi %while3A_260, %while3A_262 : i32
    %while3A_264 = arith.muli %while3A_263, %while3A_262 : i32
    %while3A_265 = arith.addi %get3A_253, %while3A_264 : i32
    %while3A_266 = arith.constant 1 : i32
    scf.for %while3A_631 = %get3A_253 to %while3A_265 step %while3A_266  : i32 {
      %eq3A_632 = vector.broadcast %while3A_631 : i32 to vector<400x1xi32>
      %eq3A_633 = arith.cmpi eq, %slice3A_250, %eq3A_632 : vector<400x1xi32>
      %jit3A_634 = arith.constant 0.000000e+00 : f32
      %broadcast_in_dim3A_635 = vector.shape_cast %eq3A_633 : vector<400x1xi1> to vector<400x1xi1>
      %broadcast_in_dim3A_636 = vector.broadcast %broadcast_in_dim3A_635 : vector<400x1xi1> to vector<400x128xi1>
      %broadcast_in_dim3A_637 = vector.broadcast %jit3A_634 : f32 to vector<400x128xf32>
      %select_n3A_638 = arith.select %broadcast_in_dim3A_636, %slice3A_249, %broadcast_in_dim3A_637 : vector<400x128xi1>, vector<400x128xf32>
      %reduce_max3A = arith.constant dense<0xFF800000> : vector<128xf32>
      %reduce_max3A_639 = vector.multi_reduction <maximumf>, %select_n3A_638, %reduce_max3A [0] : vector<400x128xf32> to vector<128xf32>
      %broadcast_in_dim3A_640 = vector.shape_cast %reduce_max3A_639 : vector<128xf32> to vector<1x128xf32>
      %get3A_641 = arith.index_cast %while3A_631 : i32 to index
      %get3A_642 = arith.constant 0 : index
      %get3A_643 = vector.load %arg23[%get3A_641, %get3A_642] : memref<64x128xf32, #tpu.memory_space<vmem>>, vector<1x128xf32>
      %max3A_644 = arith.maximumf %get3A_643, %broadcast_in_dim3A_640 : vector<1x128xf32>
      %swap3A_645 = arith.index_cast %while3A_631 : i32 to index
      %swap3A_646 = arith.constant 0 : index
      %swap3A_647 = vector.load %arg23[%swap3A_645, %swap3A_646] : memref<64x128xf32, #tpu.memory_space<vmem>>, vector<1x128xf32>
      tpu.vector_store %arg23[%swap3A_645, %swap3A_646], %max3A_644 {strides = array<i32>} : memref<64x128xf32, #tpu.memory_space<vmem>>, vector<1x128xf32>,
    }
    %while3A_267 = arith.constant 1 : i32
    scf.for %while3A_631 = %while3A_265 to %while3A_261 step %while3A_267  : i32 {
      %eq3A_632 = vector.broadcast %while3A_631 : i32 to vector<400x1xi32>
      %eq3A_633 = arith.cmpi eq, %slice3A_250, %eq3A_632 : vector<400x1xi32>
      %jit3A_634 = arith.constant 0.000000e+00 : f32
      %broadcast_in_dim3A_635 = vector.shape_cast %eq3A_633 : vector<400x1xi1> to vector<400x1xi1>
      %broadcast_in_dim3A_636 = vector.broadcast %broadcast_in_dim3A_635 : vector<400x1xi1> to vector<400x128xi1>
      %broadcast_in_dim3A_637 = vector.broadcast %jit3A_634 : f32 to vector<400x128xf32>
      %select_n3A_638 = arith.select %broadcast_in_dim3A_636, %slice3A_249, %broadcast_in_dim3A_637 : vector<400x128xi1>, vector<400x128xf32>
      %reduce_max3A = arith.constant dense<0xFF800000> : vector<128xf32>
      %reduce_max3A_639 = vector.multi_reduction <maximumf>, %select_n3A_638, %reduce_max3A [0] : vector<400x128xf32> to vector<128xf32>
      %broadcast_in_dim3A_640 = vector.shape_cast %reduce_max3A_639 : vector<128xf32> to vector<1x128xf32>
      %get3A_641 = arith.index_cast %while3A_631 : i32 to index
      %get3A_642 = arith.constant 0 : index
      %get3A_643 = vector.load %arg23[%get3A_641, %get3A_642] : memref<64x128xf32, #tpu.memory_space<vmem>>, vector<1x128xf32>
      %max3A_644 = arith.maximumf %get3A_643, %broadcast_in_dim3A_640 : vector<1x128xf32>
      %swap3A_645 = arith.index_cast %while3A_631 : i32 to index
      %swap3A_646 = arith.constant 0 : index
      %swap3A_647 = vector.load %arg23[%swap3A_645, %swap3A_646] : memref<64x128xf32, #tpu.memory_space<vmem>>, vector<1x128xf32>
      tpu.vector_store %arg23[%swap3A_645, %swap3A_646], %max3A_644 {strides = array<i32>} : memref<64x128xf32, #tpu.memory_space<vmem>>, vector<1x128xf32>,
    }
    %slice3A_268 = vector.extract_strided_slice %max3A_23 {offsets = [4800, 0], sizes = [400, 128], strides = [1, 1]} : vector<10000x128xf32> to vector<400x128xf32>
    %slice3A_269 = vector.extract_strided_slice %get3A_37 {offsets = [4800, 0], sizes = [400, 1], strides = [1, 1]} : vector<10000x1xi32> to vector<400x1xi32>
    %get3A_270 = arith.constant 12 : index
    %get3A_271 = arith.constant 0 : index
    %get3A_272 = memref.load %arg6[%get3A_270, %get3A_271] : memref<25x2xi32, #tpu.memory_space<smem>>
    %get3A_273 = arith.constant 12 : index
    %get3A_274 = arith.constant 1 : index
    %get3A_275 = memref.load %arg6[%get3A_273, %get3A_274] : memref<25x2xi32, #tpu.memory_space<smem>>
    %add3A_276 = arith.constant 1 : i32
    %add3A_277 = arith.addi %get3A_275, %add3A_276 : i32
    %while3A_278 = arith.constant 0 : i32
    %while3A_279 = arith.subi %add3A_277, %get3A_272 : i32
    %while3A_280 = arith.addi %get3A_272, %while3A_279 : i32
    %while3A_281 = arith.constant 1 : i32
    %while3A_282 = arith.divsi %while3A_279, %while3A_281 : i32
    %while3A_283 = arith.muli %while3A_282, %while3A_281 : i32
    %while3A_284 = arith.addi %get3A_272, %while3A_283 : i32
    %while3A_285 = arith.constant 1 : i32
    scf.for %while3A_631 = %get3A_272 to %while3A_284 step %while3A_285  : i32 {
      %eq3A_632 = vector.broadcast %while3A_631 : i32 to vector<400x1xi32>
      %eq3A_633 = arith.cmpi eq, %slice3A_269, %eq3A_632 : vector<400x1xi32>
      %jit3A_634 = arith.constant 0.000000e+00 : f32
      %broadcast_in_dim3A_635 = vector.shape_cast %eq3A_633 : vector<400x1xi1> to vector<400x1xi1>
      %broadcast_in_dim3A_636 = vector.broadcast %broadcast_in_dim3A_635 : vector<400x1xi1> to vector<400x128xi1>
      %broadcast_in_dim3A_637 = vector.broadcast %jit3A_634 : f32 to vector<400x128xf32>
      %select_n3A_638 = arith.select %broadcast_in_dim3A_636, %slice3A_268, %broadcast_in_dim3A_637 : vector<400x128xi1>, vector<400x128xf32>
      %reduce_max3A = arith.constant dense<0xFF800000> : vector<128xf32>
      %reduce_max3A_639 = vector.multi_reduction <maximumf>, %select_n3A_638, %reduce_max3A [0] : vector<400x128xf32> to vector<128xf32>
      %broadcast_in_dim3A_640 = vector.shape_cast %reduce_max3A_639 : vector<128xf32> to vector<1x128xf32>
      %get3A_641 = arith.index_cast %while3A_631 : i32 to index
      %get3A_642 = arith.constant 0 : index
      %get3A_643 = vector.load %arg23[%get3A_641, %get3A_642] : memref<64x128xf32, #tpu.memory_space<vmem>>, vector<1x128xf32>
      %max3A_644 = arith.maximumf %get3A_643, %broadcast_in_dim3A_640 : vector<1x128xf32>
      %swap3A_645 = arith.index_cast %while3A_631 : i32 to index
      %swap3A_646 = arith.constant 0 : index
      %swap3A_647 = vector.load %arg23[%swap3A_645, %swap3A_646] : memref<64x128xf32, #tpu.memory_space<vmem>>, vector<1x128xf32>
      tpu.vector_store %arg23[%swap3A_645, %swap3A_646], %max3A_644 {strides = array<i32>} : memref<64x128xf32, #tpu.memory_space<vmem>>, vector<1x128xf32>,
    }
    %while3A_286 = arith.constant 1 : i32
    scf.for %while3A_631 = %while3A_284 to %while3A_280 step %while3A_286  : i32 {
      %eq3A_632 = vector.broadcast %while3A_631 : i32 to vector<400x1xi32>
      %eq3A_633 = arith.cmpi eq, %slice3A_269, %eq3A_632 : vector<400x1xi32>
      %jit3A_634 = arith.constant 0.000000e+00 : f32
      %broadcast_in_dim3A_635 = vector.shape_cast %eq3A_633 : vector<400x1xi1> to vector<400x1xi1>
      %broadcast_in_dim3A_636 = vector.broadcast %broadcast_in_dim3A_635 : vector<400x1xi1> to vector<400x128xi1>
      %broadcast_in_dim3A_637 = vector.broadcast %jit3A_634 : f32 to vector<400x128xf32>
      %select_n3A_638 = arith.select %broadcast_in_dim3A_636, %slice3A_268, %broadcast_in_dim3A_637 : vector<400x128xi1>, vector<400x128xf32>
      %reduce_max3A = arith.constant dense<0xFF800000> : vector<128xf32>
      %reduce_max3A_639 = vector.multi_reduction <maximumf>, %select_n3A_638, %reduce_max3A [0] : vector<400x128xf32> to vector<128xf32>
      %broadcast_in_dim3A_640 = vector.shape_cast %reduce_max3A_639 : vector<128xf32> to vector<1x128xf32>
      %get3A_641 = arith.index_cast %while3A_631 : i32 to index
      %get3A_642 = arith.constant 0 : index
      %get3A_643 = vector.load %arg23[%get3A_641, %get3A_642] : memref<64x128xf32, #tpu.memory_space<vmem>>, vector<1x128xf32>
      %max3A_644 = arith.maximumf %get3A_643, %broadcast_in_dim3A_640 : vector<1x128xf32>
      %swap3A_645 = arith.index_cast %while3A_631 : i32 to index
      %swap3A_646 = arith.constant 0 : index
      %swap3A_647 = vector.load %arg23[%swap3A_645, %swap3A_646] : memref<64x128xf32, #tpu.memory_space<vmem>>, vector<1x128xf32>
      tpu.vector_store %arg23[%swap3A_645, %swap3A_646], %max3A_644 {strides = array<i32>} : memref<64x128xf32, #tpu.memory_space<vmem>>, vector<1x128xf32>,
    }
    %slice3A_287 = vector.extract_strided_slice %max3A_23 {offsets = [5200, 0], sizes = [400, 128], strides = [1, 1]} : vector<10000x128xf32> to vector<400x128xf32>
    %slice3A_288 = vector.extract_strided_slice %get3A_37 {offsets = [5200, 0], sizes = [400, 1], strides = [1, 1]} : vector<10000x1xi32> to vector<400x1xi32>
    %get3A_289 = arith.constant 13 : index
    %get3A_290 = arith.constant 0 : index
    %get3A_291 = memref.load %arg6[%get3A_289, %get3A_290] : memref<25x2xi32, #tpu.memory_space<smem>>
    %get3A_292 = arith.constant 13 : index
    %get3A_293 = arith.constant 1 : index
    %get3A_294 = memref.load %arg6[%get3A_292, %get3A_293] : memref<25x2xi32, #tpu.memory_space<smem>>
    %add3A_295 = arith.constant 1 : i32
    %add3A_296 = arith.addi %get3A_294, %add3A_295 : i32
    %while3A_297 = arith.constant 0 : i32
    %while3A_298 = arith.subi %add3A_296, %get3A_291 : i32
    %while3A_299 = arith.addi %get3A_291, %while3A_298 : i32
    %while3A_300 = arith.constant 1 : i32
    %while3A_301 = arith.divsi %while3A_298, %while3A_300 : i32
    %while3A_302 = arith.muli %while3A_301, %while3A_300 : i32
    %while3A_303 = arith.addi %get3A_291, %while3A_302 : i32
    %while3A_304 = arith.constant 1 : i32
    scf.for %while3A_631 = %get3A_291 to %while3A_303 step %while3A_304  : i32 {
      %eq3A_632 = vector.broadcast %while3A_631 : i32 to vector<400x1xi32>
      %eq3A_633 = arith.cmpi eq, %slice3A_288, %eq3A_632 : vector<400x1xi32>
      %jit3A_634 = arith.constant 0.000000e+00 : f32
      %broadcast_in_dim3A_635 = vector.shape_cast %eq3A_633 : vector<400x1xi1> to vector<400x1xi1>
      %broadcast_in_dim3A_636 = vector.broadcast %broadcast_in_dim3A_635 : vector<400x1xi1> to vector<400x128xi1>
      %broadcast_in_dim3A_637 = vector.broadcast %jit3A_634 : f32 to vector<400x128xf32>
      %select_n3A_638 = arith.select %broadcast_in_dim3A_636, %slice3A_287, %broadcast_in_dim3A_637 : vector<400x128xi1>, vector<400x128xf32>
      %reduce_max3A = arith.constant dense<0xFF800000> : vector<128xf32>
      %reduce_max3A_639 = vector.multi_reduction <maximumf>, %select_n3A_638, %reduce_max3A [0] : vector<400x128xf32> to vector<128xf32>
      %broadcast_in_dim3A_640 = vector.shape_cast %reduce_max3A_639 : vector<128xf32> to vector<1x128xf32>
      %get3A_641 = arith.index_cast %while3A_631 : i32 to index
      %get3A_642 = arith.constant 0 : index
      %get3A_643 = vector.load %arg23[%get3A_641, %get3A_642] : memref<64x128xf32, #tpu.memory_space<vmem>>, vector<1x128xf32>
      %max3A_644 = arith.maximumf %get3A_643, %broadcast_in_dim3A_640 : vector<1x128xf32>
      %swap3A_645 = arith.index_cast %while3A_631 : i32 to index
      %swap3A_646 = arith.constant 0 : index
      %swap3A_647 = vector.load %arg23[%swap3A_645, %swap3A_646] : memref<64x128xf32, #tpu.memory_space<vmem>>, vector<1x128xf32>
      tpu.vector_store %arg23[%swap3A_645, %swap3A_646], %max3A_644 {strides = array<i32>} : memref<64x128xf32, #tpu.memory_space<vmem>>, vector<1x128xf32>,
    }
    %while3A_305 = arith.constant 1 : i32
    scf.for %while3A_631 = %while3A_303 to %while3A_299 step %while3A_305  : i32 {
      %eq3A_632 = vector.broadcast %while3A_631 : i32 to vector<400x1xi32>
      %eq3A_633 = arith.cmpi eq, %slice3A_288, %eq3A_632 : vector<400x1xi32>
      %jit3A_634 = arith.constant 0.000000e+00 : f32
      %broadcast_in_dim3A_635 = vector.shape_cast %eq3A_633 : vector<400x1xi1> to vector<400x1xi1>
      %broadcast_in_dim3A_636 = vector.broadcast %broadcast_in_dim3A_635 : vector<400x1xi1> to vector<400x128xi1>
      %broadcast_in_dim3A_637 = vector.broadcast %jit3A_634 : f32 to vector<400x128xf32>
      %select_n3A_638 = arith.select %broadcast_in_dim3A_636, %slice3A_287, %broadcast_in_dim3A_637 : vector<400x128xi1>, vector<400x128xf32>
      %reduce_max3A = arith.constant dense<0xFF800000> : vector<128xf32>
      %reduce_max3A_639 = vector.multi_reduction <maximumf>, %select_n3A_638, %reduce_max3A [0] : vector<400x128xf32> to vector<128xf32>
      %broadcast_in_dim3A_640 = vector.shape_cast %reduce_max3A_639 : vector<128xf32> to vector<1x128xf32>
      %get3A_641 = arith.index_cast %while3A_631 : i32 to index
      %get3A_642 = arith.constant 0 : index
      %get3A_643 = vector.load %arg23[%get3A_641, %get3A_642] : memref<64x128xf32, #tpu.memory_space<vmem>>, vector<1x128xf32>
      %max3A_644 = arith.maximumf %get3A_643, %broadcast_in_dim3A_640 : vector<1x128xf32>
      %swap3A_645 = arith.index_cast %while3A_631 : i32 to index
      %swap3A_646 = arith.constant 0 : index
      %swap3A_647 = vector.load %arg23[%swap3A_645, %swap3A_646] : memref<64x128xf32, #tpu.memory_space<vmem>>, vector<1x128xf32>
      tpu.vector_store %arg23[%swap3A_645, %swap3A_646], %max3A_644 {strides = array<i32>} : memref<64x128xf32, #tpu.memory_space<vmem>>, vector<1x128xf32>,
    }
    %slice3A_306 = vector.extract_strided_slice %max3A_23 {offsets = [5600, 0], sizes = [400, 128], strides = [1, 1]} : vector<10000x128xf32> to vector<400x128xf32>
    %slice3A_307 = vector.extract_strided_slice %get3A_37 {offsets = [5600, 0], sizes = [400, 1], strides = [1, 1]} : vector<10000x1xi32> to vector<400x1xi32>
    %get3A_308 = arith.constant 14 : index
    %get3A_309 = arith.constant 0 : index
    %get3A_310 = memref.load %arg6[%get3A_308, %get3A_309] : memref<25x2xi32, #tpu.memory_space<smem>>
    %get3A_311 = arith.constant 14 : index
    %get3A_312 = arith.constant 1 : index
    %get3A_313 = memref.load %arg6[%get3A_311, %get3A_312] : memref<25x2xi32, #tpu.memory_space<smem>>
    %add3A_314 = arith.constant 1 : i32
    %add3A_315 = arith.addi %get3A_313, %add3A_314 : i32
    %while3A_316 = arith.constant 0 : i32
    %while3A_317 = arith.subi %add3A_315, %get3A_310 : i32
    %while3A_318 = arith.addi %get3A_310, %while3A_317 : i32
    %while3A_319 = arith.constant 1 : i32
    %while3A_320 = arith.divsi %while3A_317, %while3A_319 : i32
    %while3A_321 = arith.muli %while3A_320, %while3A_319 : i32
    %while3A_322 = arith.addi %get3A_310, %while3A_321 : i32
    %while3A_323 = arith.constant 1 : i32
    scf.for %while3A_631 = %get3A_310 to %while3A_322 step %while3A_323  : i32 {
      %eq3A_632 = vector.broadcast %while3A_631 : i32 to vector<400x1xi32>
      %eq3A_633 = arith.cmpi eq, %slice3A_307, %eq3A_632 : vector<400x1xi32>
      %jit3A_634 = arith.constant 0.000000e+00 : f32
      %broadcast_in_dim3A_635 = vector.shape_cast %eq3A_633 : vector<400x1xi1> to vector<400x1xi1>
      %broadcast_in_dim3A_636 = vector.broadcast %broadcast_in_dim3A_635 : vector<400x1xi1> to vector<400x128xi1>
      %broadcast_in_dim3A_637 = vector.broadcast %jit3A_634 : f32 to vector<400x128xf32>
      %select_n3A_638 = arith.select %broadcast_in_dim3A_636, %slice3A_306, %broadcast_in_dim3A_637 : vector<400x128xi1>, vector<400x128xf32>
      %reduce_max3A = arith.constant dense<0xFF800000> : vector<128xf32>
      %reduce_max3A_639 = vector.multi_reduction <maximumf>, %select_n3A_638, %reduce_max3A [0] : vector<400x128xf32> to vector<128xf32>
      %broadcast_in_dim3A_640 = vector.shape_cast %reduce_max3A_639 : vector<128xf32> to vector<1x128xf32>
      %get3A_641 = arith.index_cast %while3A_631 : i32 to index
      %get3A_642 = arith.constant 0 : index
      %get3A_643 = vector.load %arg23[%get3A_641, %get3A_642] : memref<64x128xf32, #tpu.memory_space<vmem>>, vector<1x128xf32>
      %max3A_644 = arith.maximumf %get3A_643, %broadcast_in_dim3A_640 : vector<1x128xf32>
      %swap3A_645 = arith.index_cast %while3A_631 : i32 to index
      %swap3A_646 = arith.constant 0 : index
      %swap3A_647 = vector.load %arg23[%swap3A_645, %swap3A_646] : memref<64x128xf32, #tpu.memory_space<vmem>>, vector<1x128xf32>
      tpu.vector_store %arg23[%swap3A_645, %swap3A_646], %max3A_644 {strides = array<i32>} : memref<64x128xf32, #tpu.memory_space<vmem>>, vector<1x128xf32>,
    }
    %while3A_324 = arith.constant 1 : i32
    scf.for %while3A_631 = %while3A_322 to %while3A_318 step %while3A_324  : i32 {
      %eq3A_632 = vector.broadcast %while3A_631 : i32 to vector<400x1xi32>
      %eq3A_633 = arith.cmpi eq, %slice3A_307, %eq3A_632 : vector<400x1xi32>
      %jit3A_634 = arith.constant 0.000000e+00 : f32
      %broadcast_in_dim3A_635 = vector.shape_cast %eq3A_633 : vector<400x1xi1> to vector<400x1xi1>
      %broadcast_in_dim3A_636 = vector.broadcast %broadcast_in_dim3A_635 : vector<400x1xi1> to vector<400x128xi1>
      %broadcast_in_dim3A_637 = vector.broadcast %jit3A_634 : f32 to vector<400x128xf32>
      %select_n3A_638 = arith.select %broadcast_in_dim3A_636, %slice3A_306, %broadcast_in_dim3A_637 : vector<400x128xi1>, vector<400x128xf32>
      %reduce_max3A = arith.constant dense<0xFF800000> : vector<128xf32>
      %reduce_max3A_639 = vector.multi_reduction <maximumf>, %select_n3A_638, %reduce_max3A [0] : vector<400x128xf32> to vector<128xf32>
      %broadcast_in_dim3A_640 = vector.shape_cast %reduce_max3A_639 : vector<128xf32> to vector<1x128xf32>
      %get3A_641 = arith.index_cast %while3A_631 : i32 to index
      %get3A_642 = arith.constant 0 : index
      %get3A_643 = vector.load %arg23[%get3A_641, %get3A_642] : memref<64x128xf32, #tpu.memory_space<vmem>>, vector<1x128xf32>
      %max3A_644 = arith.maximumf %get3A_643, %broadcast_in_dim3A_640 : vector<1x128xf32>
      %swap3A_645 = arith.index_cast %while3A_631 : i32 to index
      %swap3A_646 = arith.constant 0 : index
      %swap3A_647 = vector.load %arg23[%swap3A_645, %swap3A_646] : memref<64x128xf32, #tpu.memory_space<vmem>>, vector<1x128xf32>
      tpu.vector_store %arg23[%swap3A_645, %swap3A_646], %max3A_644 {strides = array<i32>} : memref<64x128xf32, #tpu.memory_space<vmem>>, vector<1x128xf32>,
    }
    %slice3A_325 = vector.extract_strided_slice %max3A_23 {offsets = [6000, 0], sizes = [400, 128], strides = [1, 1]} : vector<10000x128xf32> to vector<400x128xf32>
    %slice3A_326 = vector.extract_strided_slice %get3A_37 {offsets = [6000, 0], sizes = [400, 1], strides = [1, 1]} : vector<10000x1xi32> to vector<400x1xi32>
    %get3A_327 = arith.constant 15 : index
    %get3A_328 = arith.constant 0 : index
    %get3A_329 = memref.load %arg6[%get3A_327, %get3A_328] : memref<25x2xi32, #tpu.memory_space<smem>>
    %get3A_330 = arith.constant 15 : index
    %get3A_331 = arith.constant 1 : index
    %get3A_332 = memref.load %arg6[%get3A_330, %get3A_331] : memref<25x2xi32, #tpu.memory_space<smem>>
    %add3A_333 = arith.constant 1 : i32
    %add3A_334 = arith.addi %get3A_332, %add3A_333 : i32
    %while3A_335 = arith.constant 0 : i32
    %while3A_336 = arith.subi %add3A_334, %get3A_329 : i32
    %while3A_337 = arith.addi %get3A_329, %while3A_336 : i32
    %while3A_338 = arith.constant 1 : i32
    %while3A_339 = arith.divsi %while3A_336, %while3A_338 : i32
    %while3A_340 = arith.muli %while3A_339, %while3A_338 : i32
    %while3A_341 = arith.addi %get3A_329, %while3A_340 : i32
    %while3A_342 = arith.constant 1 : i32
    scf.for %while3A_631 = %get3A_329 to %while3A_341 step %while3A_342  : i32 {
      %eq3A_632 = vector.broadcast %while3A_631 : i32 to vector<400x1xi32>
      %eq3A_633 = arith.cmpi eq, %slice3A_326, %eq3A_632 : vector<400x1xi32>
      %jit3A_634 = arith.constant 0.000000e+00 : f32
      %broadcast_in_dim3A_635 = vector.shape_cast %eq3A_633 : vector<400x1xi1> to vector<400x1xi1>
      %broadcast_in_dim3A_636 = vector.broadcast %broadcast_in_dim3A_635 : vector<400x1xi1> to vector<400x128xi1>
      %broadcast_in_dim3A_637 = vector.broadcast %jit3A_634 : f32 to vector<400x128xf32>
      %select_n3A_638 = arith.select %broadcast_in_dim3A_636, %slice3A_325, %broadcast_in_dim3A_637 : vector<400x128xi1>, vector<400x128xf32>
      %reduce_max3A = arith.constant dense<0xFF800000> : vector<128xf32>
      %reduce_max3A_639 = vector.multi_reduction <maximumf>, %select_n3A_638, %reduce_max3A [0] : vector<400x128xf32> to vector<128xf32>
      %broadcast_in_dim3A_640 = vector.shape_cast %reduce_max3A_639 : vector<128xf32> to vector<1x128xf32>
      %get3A_641 = arith.index_cast %while3A_631 : i32 to index
      %get3A_642 = arith.constant 0 : index
      %get3A_643 = vector.load %arg23[%get3A_641, %get3A_642] : memref<64x128xf32, #tpu.memory_space<vmem>>, vector<1x128xf32>
      %max3A_644 = arith.maximumf %get3A_643, %broadcast_in_dim3A_640 : vector<1x128xf32>
      %swap3A_645 = arith.index_cast %while3A_631 : i32 to index
      %swap3A_646 = arith.constant 0 : index
      %swap3A_647 = vector.load %arg23[%swap3A_645, %swap3A_646] : memref<64x128xf32, #tpu.memory_space<vmem>>, vector<1x128xf32>
      tpu.vector_store %arg23[%swap3A_645, %swap3A_646], %max3A_644 {strides = array<i32>} : memref<64x128xf32, #tpu.memory_space<vmem>>, vector<1x128xf32>,
    }
    %while3A_343 = arith.constant 1 : i32
    scf.for %while3A_631 = %while3A_341 to %while3A_337 step %while3A_343  : i32 {
      %eq3A_632 = vector.broadcast %while3A_631 : i32 to vector<400x1xi32>
      %eq3A_633 = arith.cmpi eq, %slice3A_326, %eq3A_632 : vector<400x1xi32>
      %jit3A_634 = arith.constant 0.000000e+00 : f32
      %broadcast_in_dim3A_635 = vector.shape_cast %eq3A_633 : vector<400x1xi1> to vector<400x1xi1>
      %broadcast_in_dim3A_636 = vector.broadcast %broadcast_in_dim3A_635 : vector<400x1xi1> to vector<400x128xi1>
      %broadcast_in_dim3A_637 = vector.broadcast %jit3A_634 : f32 to vector<400x128xf32>
      %select_n3A_638 = arith.select %broadcast_in_dim3A_636, %slice3A_325, %broadcast_in_dim3A_637 : vector<400x128xi1>, vector<400x128xf32>
      %reduce_max3A = arith.constant dense<0xFF800000> : vector<128xf32>
      %reduce_max3A_639 = vector.multi_reduction <maximumf>, %select_n3A_638, %reduce_max3A [0] : vector<400x128xf32> to vector<128xf32>
      %broadcast_in_dim3A_640 = vector.shape_cast %reduce_max3A_639 : vector<128xf32> to vector<1x128xf32>
      %get3A_641 = arith.index_cast %while3A_631 : i32 to index
      %get3A_642 = arith.constant 0 : index
      %get3A_643 = vector.load %arg23[%get3A_641, %get3A_642] : memref<64x128xf32, #tpu.memory_space<vmem>>, vector<1x128xf32>
      %max3A_644 = arith.maximumf %get3A_643, %broadcast_in_dim3A_640 : vector<1x128xf32>
      %swap3A_645 = arith.index_cast %while3A_631 : i32 to index
      %swap3A_646 = arith.constant 0 : index
      %swap3A_647 = vector.load %arg23[%swap3A_645, %swap3A_646] : memref<64x128xf32, #tpu.memory_space<vmem>>, vector<1x128xf32>
      tpu.vector_store %arg23[%swap3A_645, %swap3A_646], %max3A_644 {strides = array<i32>} : memref<64x128xf32, #tpu.memory_space<vmem>>, vector<1x128xf32>,
    }
    %slice3A_344 = vector.extract_strided_slice %max3A_23 {offsets = [6400, 0], sizes = [400, 128], strides = [1, 1]} : vector<10000x128xf32> to vector<400x128xf32>
    %slice3A_345 = vector.extract_strided_slice %get3A_37 {offsets = [6400, 0], sizes = [400, 1], strides = [1, 1]} : vector<10000x1xi32> to vector<400x1xi32>
    %get3A_346 = arith.constant 16 : index
    %get3A_347 = arith.constant 0 : index
    %get3A_348 = memref.load %arg6[%get3A_346, %get3A_347] : memref<25x2xi32, #tpu.memory_space<smem>>
    %get3A_349 = arith.constant 16 : index
    %get3A_350 = arith.constant 1 : index
    %get3A_351 = memref.load %arg6[%get3A_349, %get3A_350] : memref<25x2xi32, #tpu.memory_space<smem>>
    %add3A_352 = arith.constant 1 : i32
    %add3A_353 = arith.addi %get3A_351, %add3A_352 : i32
    %while3A_354 = arith.constant 0 : i32
    %while3A_355 = arith.subi %add3A_353, %get3A_348 : i32
    %while3A_356 = arith.addi %get3A_348, %while3A_355 : i32
    %while3A_357 = arith.constant 1 : i32
    %while3A_358 = arith.divsi %while3A_355, %while3A_357 : i32
    %while3A_359 = arith.muli %while3A_358, %while3A_357 : i32
    %while3A_360 = arith.addi %get3A_348, %while3A_359 : i32
    %while3A_361 = arith.constant 1 : i32
    scf.for %while3A_631 = %get3A_348 to %while3A_360 step %while3A_361  : i32 {
      %eq3A_632 = vector.broadcast %while3A_631 : i32 to vector<400x1xi32>
      %eq3A_633 = arith.cmpi eq, %slice3A_345, %eq3A_632 : vector<400x1xi32>
      %jit3A_634 = arith.constant 0.000000e+00 : f32
      %broadcast_in_dim3A_635 = vector.shape_cast %eq3A_633 : vector<400x1xi1> to vector<400x1xi1>
      %broadcast_in_dim3A_636 = vector.broadcast %broadcast_in_dim3A_635 : vector<400x1xi1> to vector<400x128xi1>
      %broadcast_in_dim3A_637 = vector.broadcast %jit3A_634 : f32 to vector<400x128xf32>
      %select_n3A_638 = arith.select %broadcast_in_dim3A_636, %slice3A_344, %broadcast_in_dim3A_637 : vector<400x128xi1>, vector<400x128xf32>
      %reduce_max3A = arith.constant dense<0xFF800000> : vector<128xf32>
      %reduce_max3A_639 = vector.multi_reduction <maximumf>, %select_n3A_638, %reduce_max3A [0] : vector<400x128xf32> to vector<128xf32>
      %broadcast_in_dim3A_640 = vector.shape_cast %reduce_max3A_639 : vector<128xf32> to vector<1x128xf32>
      %get3A_641 = arith.index_cast %while3A_631 : i32 to index
      %get3A_642 = arith.constant 0 : index
      %get3A_643 = vector.load %arg23[%get3A_641, %get3A_642] : memref<64x128xf32, #tpu.memory_space<vmem>>, vector<1x128xf32>
      %max3A_644 = arith.maximumf %get3A_643, %broadcast_in_dim3A_640 : vector<1x128xf32>
      %swap3A_645 = arith.index_cast %while3A_631 : i32 to index
      %swap3A_646 = arith.constant 0 : index
      %swap3A_647 = vector.load %arg23[%swap3A_645, %swap3A_646] : memref<64x128xf32, #tpu.memory_space<vmem>>, vector<1x128xf32>
      tpu.vector_store %arg23[%swap3A_645, %swap3A_646], %max3A_644 {strides = array<i32>} : memref<64x128xf32, #tpu.memory_space<vmem>>, vector<1x128xf32>,
    }
    %while3A_362 = arith.constant 1 : i32
    scf.for %while3A_631 = %while3A_360 to %while3A_356 step %while3A_362  : i32 {
      %eq3A_632 = vector.broadcast %while3A_631 : i32 to vector<400x1xi32>
      %eq3A_633 = arith.cmpi eq, %slice3A_345, %eq3A_632 : vector<400x1xi32>
      %jit3A_634 = arith.constant 0.000000e+00 : f32
      %broadcast_in_dim3A_635 = vector.shape_cast %eq3A_633 : vector<400x1xi1> to vector<400x1xi1>
      %broadcast_in_dim3A_636 = vector.broadcast %broadcast_in_dim3A_635 : vector<400x1xi1> to vector<400x128xi1>
      %broadcast_in_dim3A_637 = vector.broadcast %jit3A_634 : f32 to vector<400x128xf32>
      %select_n3A_638 = arith.select %broadcast_in_dim3A_636, %slice3A_344, %broadcast_in_dim3A_637 : vector<400x128xi1>, vector<400x128xf32>
      %reduce_max3A = arith.constant dense<0xFF800000> : vector<128xf32>
      %reduce_max3A_639 = vector.multi_reduction <maximumf>, %select_n3A_638, %reduce_max3A [0] : vector<400x128xf32> to vector<128xf32>
      %broadcast_in_dim3A_640 = vector.shape_cast %reduce_max3A_639 : vector<128xf32> to vector<1x128xf32>
      %get3A_641 = arith.index_cast %while3A_631 : i32 to index
      %get3A_642 = arith.constant 0 : index
      %get3A_643 = vector.load %arg23[%get3A_641, %get3A_642] : memref<64x128xf32, #tpu.memory_space<vmem>>, vector<1x128xf32>
      %max3A_644 = arith.maximumf %get3A_643, %broadcast_in_dim3A_640 : vector<1x128xf32>
      %swap3A_645 = arith.index_cast %while3A_631 : i32 to index
      %swap3A_646 = arith.constant 0 : index
      %swap3A_647 = vector.load %arg23[%swap3A_645, %swap3A_646] : memref<64x128xf32, #tpu.memory_space<vmem>>, vector<1x128xf32>
      tpu.vector_store %arg23[%swap3A_645, %swap3A_646], %max3A_644 {strides = array<i32>} : memref<64x128xf32, #tpu.memory_space<vmem>>, vector<1x128xf32>,
    }
    %slice3A_363 = vector.extract_strided_slice %max3A_23 {offsets = [6800, 0], sizes = [400, 128], strides = [1, 1]} : vector<10000x128xf32> to vector<400x128xf32>
    %slice3A_364 = vector.extract_strided_slice %get3A_37 {offsets = [6800, 0], sizes = [400, 1], strides = [1, 1]} : vector<10000x1xi32> to vector<400x1xi32>
    %get3A_365 = arith.constant 17 : index
    %get3A_366 = arith.constant 0 : index
    %get3A_367 = memref.load %arg6[%get3A_365, %get3A_366] : memref<25x2xi32, #tpu.memory_space<smem>>
    %get3A_368 = arith.constant 17 : index
    %get3A_369 = arith.constant 1 : index
    %get3A_370 = memref.load %arg6[%get3A_368, %get3A_369] : memref<25x2xi32, #tpu.memory_space<smem>>
    %add3A_371 = arith.constant 1 : i32
    %add3A_372 = arith.addi %get3A_370, %add3A_371 : i32
    %while3A_373 = arith.constant 0 : i32
    %while3A_374 = arith.subi %add3A_372, %get3A_367 : i32
    %while3A_375 = arith.addi %get3A_367, %while3A_374 : i32
    %while3A_376 = arith.constant 1 : i32
    %while3A_377 = arith.divsi %while3A_374, %while3A_376 : i32
    %while3A_378 = arith.muli %while3A_377, %while3A_376 : i32
    %while3A_379 = arith.addi %get3A_367, %while3A_378 : i32
    %while3A_380 = arith.constant 1 : i32
    scf.for %while3A_631 = %get3A_367 to %while3A_379 step %while3A_380  : i32 {
      %eq3A_632 = vector.broadcast %while3A_631 : i32 to vector<400x1xi32>
      %eq3A_633 = arith.cmpi eq, %slice3A_364, %eq3A_632 : vector<400x1xi32>
      %jit3A_634 = arith.constant 0.000000e+00 : f32
      %broadcast_in_dim3A_635 = vector.shape_cast %eq3A_633 : vector<400x1xi1> to vector<400x1xi1>
      %broadcast_in_dim3A_636 = vector.broadcast %broadcast_in_dim3A_635 : vector<400x1xi1> to vector<400x128xi1>
      %broadcast_in_dim3A_637 = vector.broadcast %jit3A_634 : f32 to vector<400x128xf32>
      %select_n3A_638 = arith.select %broadcast_in_dim3A_636, %slice3A_363, %broadcast_in_dim3A_637 : vector<400x128xi1>, vector<400x128xf32>
      %reduce_max3A = arith.constant dense<0xFF800000> : vector<128xf32>
      %reduce_max3A_639 = vector.multi_reduction <maximumf>, %select_n3A_638, %reduce_max3A [0] : vector<400x128xf32> to vector<128xf32>
      %broadcast_in_dim3A_640 = vector.shape_cast %reduce_max3A_639 : vector<128xf32> to vector<1x128xf32>
      %get3A_641 = arith.index_cast %while3A_631 : i32 to index
      %get3A_642 = arith.constant 0 : index
      %get3A_643 = vector.load %arg23[%get3A_641, %get3A_642] : memref<64x128xf32, #tpu.memory_space<vmem>>, vector<1x128xf32>
      %max3A_644 = arith.maximumf %get3A_643, %broadcast_in_dim3A_640 : vector<1x128xf32>
      %swap3A_645 = arith.index_cast %while3A_631 : i32 to index
      %swap3A_646 = arith.constant 0 : index
      %swap3A_647 = vector.load %arg23[%swap3A_645, %swap3A_646] : memref<64x128xf32, #tpu.memory_space<vmem>>, vector<1x128xf32>
      tpu.vector_store %arg23[%swap3A_645, %swap3A_646], %max3A_644 {strides = array<i32>} : memref<64x128xf32, #tpu.memory_space<vmem>>, vector<1x128xf32>,
    }
    %while3A_381 = arith.constant 1 : i32
    scf.for %while3A_631 = %while3A_379 to %while3A_375 step %while3A_381  : i32 {
      %eq3A_632 = vector.broadcast %while3A_631 : i32 to vector<400x1xi32>
      %eq3A_633 = arith.cmpi eq, %slice3A_364, %eq3A_632 : vector<400x1xi32>
      %jit3A_634 = arith.constant 0.000000e+00 : f32
      %broadcast_in_dim3A_635 = vector.shape_cast %eq3A_633 : vector<400x1xi1> to vector<400x1xi1>
      %broadcast_in_dim3A_636 = vector.broadcast %broadcast_in_dim3A_635 : vector<400x1xi1> to vector<400x128xi1>
      %broadcast_in_dim3A_637 = vector.broadcast %jit3A_634 : f32 to vector<400x128xf32>
      %select_n3A_638 = arith.select %broadcast_in_dim3A_636, %slice3A_363, %broadcast_in_dim3A_637 : vector<400x128xi1>, vector<400x128xf32>
      %reduce_max3A = arith.constant dense<0xFF800000> : vector<128xf32>
      %reduce_max3A_639 = vector.multi_reduction <maximumf>, %select_n3A_638, %reduce_max3A [0] : vector<400x128xf32> to vector<128xf32>
      %broadcast_in_dim3A_640 = vector.shape_cast %reduce_max3A_639 : vector<128xf32> to vector<1x128xf32>
      %get3A_641 = arith.index_cast %while3A_631 : i32 to index
      %get3A_642 = arith.constant 0 : index
      %get3A_643 = vector.load %arg23[%get3A_641, %get3A_642] : memref<64x128xf32, #tpu.memory_space<vmem>>, vector<1x128xf32>
      %max3A_644 = arith.maximumf %get3A_643, %broadcast_in_dim3A_640 : vector<1x128xf32>
      %swap3A_645 = arith.index_cast %while3A_631 : i32 to index
      %swap3A_646 = arith.constant 0 : index
      %swap3A_647 = vector.load %arg23[%swap3A_645, %swap3A_646] : memref<64x128xf32, #tpu.memory_space<vmem>>, vector<1x128xf32>
      tpu.vector_store %arg23[%swap3A_645, %swap3A_646], %max3A_644 {strides = array<i32>} : memref<64x128xf32, #tpu.memory_space<vmem>>, vector<1x128xf32>,
    }
    %slice3A_382 = vector.extract_strided_slice %max3A_23 {offsets = [7200, 0], sizes = [400, 128], strides = [1, 1]} : vector<10000x128xf32> to vector<400x128xf32>
    %slice3A_383 = vector.extract_strided_slice %get3A_37 {offsets = [7200, 0], sizes = [400, 1], strides = [1, 1]} : vector<10000x1xi32> to vector<400x1xi32>
    %get3A_384 = arith.constant 18 : index
    %get3A_385 = arith.constant 0 : index
    %get3A_386 = memref.load %arg6[%get3A_384, %get3A_385] : memref<25x2xi32, #tpu.memory_space<smem>>
    %get3A_387 = arith.constant 18 : index
    %get3A_388 = arith.constant 1 : index
    %get3A_389 = memref.load %arg6[%get3A_387, %get3A_388] : memref<25x2xi32, #tpu.memory_space<smem>>
    %add3A_390 = arith.constant 1 : i32
    %add3A_391 = arith.addi %get3A_389, %add3A_390 : i32
    %while3A_392 = arith.constant 0 : i32
    %while3A_393 = arith.subi %add3A_391, %get3A_386 : i32
    %while3A_394 = arith.addi %get3A_386, %while3A_393 : i32
    %while3A_395 = arith.constant 1 : i32
    %while3A_396 = arith.divsi %while3A_393, %while3A_395 : i32
    %while3A_397 = arith.muli %while3A_396, %while3A_395 : i32
    %while3A_398 = arith.addi %get3A_386, %while3A_397 : i32
    %while3A_399 = arith.constant 1 : i32
    scf.for %while3A_631 = %get3A_386 to %while3A_398 step %while3A_399  : i32 {
      %eq3A_632 = vector.broadcast %while3A_631 : i32 to vector<400x1xi32>
      %eq3A_633 = arith.cmpi eq, %slice3A_383, %eq3A_632 : vector<400x1xi32>
      %jit3A_634 = arith.constant 0.000000e+00 : f32
      %broadcast_in_dim3A_635 = vector.shape_cast %eq3A_633 : vector<400x1xi1> to vector<400x1xi1>
      %broadcast_in_dim3A_636 = vector.broadcast %broadcast_in_dim3A_635 : vector<400x1xi1> to vector<400x128xi1>
      %broadcast_in_dim3A_637 = vector.broadcast %jit3A_634 : f32 to vector<400x128xf32>
      %select_n3A_638 = arith.select %broadcast_in_dim3A_636, %slice3A_382, %broadcast_in_dim3A_637 : vector<400x128xi1>, vector<400x128xf32>
      %reduce_max3A = arith.constant dense<0xFF800000> : vector<128xf32>
      %reduce_max3A_639 = vector.multi_reduction <maximumf>, %select_n3A_638, %reduce_max3A [0] : vector<400x128xf32> to vector<128xf32>
      %broadcast_in_dim3A_640 = vector.shape_cast %reduce_max3A_639 : vector<128xf32> to vector<1x128xf32>
      %get3A_641 = arith.index_cast %while3A_631 : i32 to index
      %get3A_642 = arith.constant 0 : index
      %get3A_643 = vector.load %arg23[%get3A_641, %get3A_642] : memref<64x128xf32, #tpu.memory_space<vmem>>, vector<1x128xf32>
      %max3A_644 = arith.maximumf %get3A_643, %broadcast_in_dim3A_640 : vector<1x128xf32>
      %swap3A_645 = arith.index_cast %while3A_631 : i32 to index
      %swap3A_646 = arith.constant 0 : index
      %swap3A_647 = vector.load %arg23[%swap3A_645, %swap3A_646] : memref<64x128xf32, #tpu.memory_space<vmem>>, vector<1x128xf32>
      tpu.vector_store %arg23[%swap3A_645, %swap3A_646], %max3A_644 {strides = array<i32>} : memref<64x128xf32, #tpu.memory_space<vmem>>, vector<1x128xf32>,
    }
    %while3A_400 = arith.constant 1 : i32
    scf.for %while3A_631 = %while3A_398 to %while3A_394 step %while3A_400  : i32 {
      %eq3A_632 = vector.broadcast %while3A_631 : i32 to vector<400x1xi32>
      %eq3A_633 = arith.cmpi eq, %slice3A_383, %eq3A_632 : vector<400x1xi32>
      %jit3A_634 = arith.constant 0.000000e+00 : f32
      %broadcast_in_dim3A_635 = vector.shape_cast %eq3A_633 : vector<400x1xi1> to vector<400x1xi1>
      %broadcast_in_dim3A_636 = vector.broadcast %broadcast_in_dim3A_635 : vector<400x1xi1> to vector<400x128xi1>
      %broadcast_in_dim3A_637 = vector.broadcast %jit3A_634 : f32 to vector<400x128xf32>
      %select_n3A_638 = arith.select %broadcast_in_dim3A_636, %slice3A_382, %broadcast_in_dim3A_637 : vector<400x128xi1>, vector<400x128xf32>
      %reduce_max3A = arith.constant dense<0xFF800000> : vector<128xf32>
      %reduce_max3A_639 = vector.multi_reduction <maximumf>, %select_n3A_638, %reduce_max3A [0] : vector<400x128xf32> to vector<128xf32>
      %broadcast_in_dim3A_640 = vector.shape_cast %reduce_max3A_639 : vector<128xf32> to vector<1x128xf32>
      %get3A_641 = arith.index_cast %while3A_631 : i32 to index
      %get3A_642 = arith.constant 0 : index
      %get3A_643 = vector.load %arg23[%get3A_641, %get3A_642] : memref<64x128xf32, #tpu.memory_space<vmem>>, vector<1x128xf32>
      %max3A_644 = arith.maximumf %get3A_643, %broadcast_in_dim3A_640 : vector<1x128xf32>
      %swap3A_645 = arith.index_cast %while3A_631 : i32 to index
      %swap3A_646 = arith.constant 0 : index
      %swap3A_647 = vector.load %arg23[%swap3A_645, %swap3A_646] : memref<64x128xf32, #tpu.memory_space<vmem>>, vector<1x128xf32>
      tpu.vector_store %arg23[%swap3A_645, %swap3A_646], %max3A_644 {strides = array<i32>} : memref<64x128xf32, #tpu.memory_space<vmem>>, vector<1x128xf32>,
    }
    %slice3A_401 = vector.extract_strided_slice %max3A_23 {offsets = [7600, 0], sizes = [400, 128], strides = [1, 1]} : vector<10000x128xf32> to vector<400x128xf32>
    %slice3A_402 = vector.extract_strided_slice %get3A_37 {offsets = [7600, 0], sizes = [400, 1], strides = [1, 1]} : vector<10000x1xi32> to vector<400x1xi32>
    %get3A_403 = arith.constant 19 : index
    %get3A_404 = arith.constant 0 : index
    %get3A_405 = memref.load %arg6[%get3A_403, %get3A_404] : memref<25x2xi32, #tpu.memory_space<smem>>
    %get3A_406 = arith.constant 19 : index
    %get3A_407 = arith.constant 1 : index
    %get3A_408 = memref.load %arg6[%get3A_406, %get3A_407] : memref<25x2xi32, #tpu.memory_space<smem>>
    %add3A_409 = arith.constant 1 : i32
    %add3A_410 = arith.addi %get3A_408, %add3A_409 : i32
    %while3A_411 = arith.constant 0 : i32
    %while3A_412 = arith.subi %add3A_410, %get3A_405 : i32
    %while3A_413 = arith.addi %get3A_405, %while3A_412 : i32
    %while3A_414 = arith.constant 1 : i32
    %while3A_415 = arith.divsi %while3A_412, %while3A_414 : i32
    %while3A_416 = arith.muli %while3A_415, %while3A_414 : i32
    %while3A_417 = arith.addi %get3A_405, %while3A_416 : i32
    %while3A_418 = arith.constant 1 : i32
    scf.for %while3A_631 = %get3A_405 to %while3A_417 step %while3A_418  : i32 {
      %eq3A_632 = vector.broadcast %while3A_631 : i32 to vector<400x1xi32>
      %eq3A_633 = arith.cmpi eq, %slice3A_402, %eq3A_632 : vector<400x1xi32>
      %jit3A_634 = arith.constant 0.000000e+00 : f32
      %broadcast_in_dim3A_635 = vector.shape_cast %eq3A_633 : vector<400x1xi1> to vector<400x1xi1>
      %broadcast_in_dim3A_636 = vector.broadcast %broadcast_in_dim3A_635 : vector<400x1xi1> to vector<400x128xi1>
      %broadcast_in_dim3A_637 = vector.broadcast %jit3A_634 : f32 to vector<400x128xf32>
      %select_n3A_638 = arith.select %broadcast_in_dim3A_636, %slice3A_401, %broadcast_in_dim3A_637 : vector<400x128xi1>, vector<400x128xf32>
      %reduce_max3A = arith.constant dense<0xFF800000> : vector<128xf32>
      %reduce_max3A_639 = vector.multi_reduction <maximumf>, %select_n3A_638, %reduce_max3A [0] : vector<400x128xf32> to vector<128xf32>
      %broadcast_in_dim3A_640 = vector.shape_cast %reduce_max3A_639 : vector<128xf32> to vector<1x128xf32>
      %get3A_641 = arith.index_cast %while3A_631 : i32 to index
      %get3A_642 = arith.constant 0 : index
      %get3A_643 = vector.load %arg23[%get3A_641, %get3A_642] : memref<64x128xf32, #tpu.memory_space<vmem>>, vector<1x128xf32>
      %max3A_644 = arith.maximumf %get3A_643, %broadcast_in_dim3A_640 : vector<1x128xf32>
      %swap3A_645 = arith.index_cast %while3A_631 : i32 to index
      %swap3A_646 = arith.constant 0 : index
      %swap3A_647 = vector.load %arg23[%swap3A_645, %swap3A_646] : memref<64x128xf32, #tpu.memory_space<vmem>>, vector<1x128xf32>
      tpu.vector_store %arg23[%swap3A_645, %swap3A_646], %max3A_644 {strides = array<i32>} : memref<64x128xf32, #tpu.memory_space<vmem>>, vector<1x128xf32>,
    }
    %while3A_419 = arith.constant 1 : i32
    scf.for %while3A_631 = %while3A_417 to %while3A_413 step %while3A_419  : i32 {
      %eq3A_632 = vector.broadcast %while3A_631 : i32 to vector<400x1xi32>
      %eq3A_633 = arith.cmpi eq, %slice3A_402, %eq3A_632 : vector<400x1xi32>
      %jit3A_634 = arith.constant 0.000000e+00 : f32
      %broadcast_in_dim3A_635 = vector.shape_cast %eq3A_633 : vector<400x1xi1> to vector<400x1xi1>
      %broadcast_in_dim3A_636 = vector.broadcast %broadcast_in_dim3A_635 : vector<400x1xi1> to vector<400x128xi1>
      %broadcast_in_dim3A_637 = vector.broadcast %jit3A_634 : f32 to vector<400x128xf32>
      %select_n3A_638 = arith.select %broadcast_in_dim3A_636, %slice3A_401, %broadcast_in_dim3A_637 : vector<400x128xi1>, vector<400x128xf32>
      %reduce_max3A = arith.constant dense<0xFF800000> : vector<128xf32>
      %reduce_max3A_639 = vector.multi_reduction <maximumf>, %select_n3A_638, %reduce_max3A [0] : vector<400x128xf32> to vector<128xf32>
      %broadcast_in_dim3A_640 = vector.shape_cast %reduce_max3A_639 : vector<128xf32> to vector<1x128xf32>
      %get3A_641 = arith.index_cast %while3A_631 : i32 to index
      %get3A_642 = arith.constant 0 : index
      %get3A_643 = vector.load %arg23[%get3A_641, %get3A_642] : memref<64x128xf32, #tpu.memory_space<vmem>>, vector<1x128xf32>
      %max3A_644 = arith.maximumf %get3A_643, %broadcast_in_dim3A_640 : vector<1x128xf32>
      %swap3A_645 = arith.index_cast %while3A_631 : i32 to index
      %swap3A_646 = arith.constant 0 : index
      %swap3A_647 = vector.load %arg23[%swap3A_645, %swap3A_646] : memref<64x128xf32, #tpu.memory_space<vmem>>, vector<1x128xf32>
      tpu.vector_store %arg23[%swap3A_645, %swap3A_646], %max3A_644 {strides = array<i32>} : memref<64x128xf32, #tpu.memory_space<vmem>>, vector<1x128xf32>,
    }
    %slice3A_420 = vector.extract_strided_slice %max3A_23 {offsets = [8000, 0], sizes = [400, 128], strides = [1, 1]} : vector<10000x128xf32> to vector<400x128xf32>
    %slice3A_421 = vector.extract_strided_slice %get3A_37 {offsets = [8000, 0], sizes = [400, 1], strides = [1, 1]} : vector<10000x1xi32> to vector<400x1xi32>
    %get3A_422 = arith.constant 20 : index
    %get3A_423 = arith.constant 0 : index
    %get3A_424 = memref.load %arg6[%get3A_422, %get3A_423] : memref<25x2xi32, #tpu.memory_space<smem>>
    %get3A_425 = arith.constant 20 : index
    %get3A_426 = arith.constant 1 : index
    %get3A_427 = memref.load %arg6[%get3A_425, %get3A_426] : memref<25x2xi32, #tpu.memory_space<smem>>
    %add3A_428 = arith.constant 1 : i32
    %add3A_429 = arith.addi %get3A_427, %add3A_428 : i32
    %while3A_430 = arith.constant 0 : i32
    %while3A_431 = arith.subi %add3A_429, %get3A_424 : i32
    %while3A_432 = arith.addi %get3A_424, %while3A_431 : i32
    %while3A_433 = arith.constant 1 : i32
    %while3A_434 = arith.divsi %while3A_431, %while3A_433 : i32
    %while3A_435 = arith.muli %while3A_434, %while3A_433 : i32
    %while3A_436 = arith.addi %get3A_424, %while3A_435 : i32
    %while3A_437 = arith.constant 1 : i32
    scf.for %while3A_631 = %get3A_424 to %while3A_436 step %while3A_437  : i32 {
      %eq3A_632 = vector.broadcast %while3A_631 : i32 to vector<400x1xi32>
      %eq3A_633 = arith.cmpi eq, %slice3A_421, %eq3A_632 : vector<400x1xi32>
      %jit3A_634 = arith.constant 0.000000e+00 : f32
      %broadcast_in_dim3A_635 = vector.shape_cast %eq3A_633 : vector<400x1xi1> to vector<400x1xi1>
      %broadcast_in_dim3A_636 = vector.broadcast %broadcast_in_dim3A_635 : vector<400x1xi1> to vector<400x128xi1>
      %broadcast_in_dim3A_637 = vector.broadcast %jit3A_634 : f32 to vector<400x128xf32>
      %select_n3A_638 = arith.select %broadcast_in_dim3A_636, %slice3A_420, %broadcast_in_dim3A_637 : vector<400x128xi1>, vector<400x128xf32>
      %reduce_max3A = arith.constant dense<0xFF800000> : vector<128xf32>
      %reduce_max3A_639 = vector.multi_reduction <maximumf>, %select_n3A_638, %reduce_max3A [0] : vector<400x128xf32> to vector<128xf32>
      %broadcast_in_dim3A_640 = vector.shape_cast %reduce_max3A_639 : vector<128xf32> to vector<1x128xf32>
      %get3A_641 = arith.index_cast %while3A_631 : i32 to index
      %get3A_642 = arith.constant 0 : index
      %get3A_643 = vector.load %arg23[%get3A_641, %get3A_642] : memref<64x128xf32, #tpu.memory_space<vmem>>, vector<1x128xf32>
      %max3A_644 = arith.maximumf %get3A_643, %broadcast_in_dim3A_640 : vector<1x128xf32>
      %swap3A_645 = arith.index_cast %while3A_631 : i32 to index
      %swap3A_646 = arith.constant 0 : index
      %swap3A_647 = vector.load %arg23[%swap3A_645, %swap3A_646] : memref<64x128xf32, #tpu.memory_space<vmem>>, vector<1x128xf32>
      tpu.vector_store %arg23[%swap3A_645, %swap3A_646], %max3A_644 {strides = array<i32>} : memref<64x128xf32, #tpu.memory_space<vmem>>, vector<1x128xf32>,
    }
    %while3A_438 = arith.constant 1 : i32
    scf.for %while3A_631 = %while3A_436 to %while3A_432 step %while3A_438  : i32 {
      %eq3A_632 = vector.broadcast %while3A_631 : i32 to vector<400x1xi32>
      %eq3A_633 = arith.cmpi eq, %slice3A_421, %eq3A_632 : vector<400x1xi32>
      %jit3A_634 = arith.constant 0.000000e+00 : f32
      %broadcast_in_dim3A_635 = vector.shape_cast %eq3A_633 : vector<400x1xi1> to vector<400x1xi1>
      %broadcast_in_dim3A_636 = vector.broadcast %broadcast_in_dim3A_635 : vector<400x1xi1> to vector<400x128xi1>
      %broadcast_in_dim3A_637 = vector.broadcast %jit3A_634 : f32 to vector<400x128xf32>
      %select_n3A_638 = arith.select %broadcast_in_dim3A_636, %slice3A_420, %broadcast_in_dim3A_637 : vector<400x128xi1>, vector<400x128xf32>
      %reduce_max3A = arith.constant dense<0xFF800000> : vector<128xf32>
      %reduce_max3A_639 = vector.multi_reduction <maximumf>, %select_n3A_638, %reduce_max3A [0] : vector<400x128xf32> to vector<128xf32>
      %broadcast_in_dim3A_640 = vector.shape_cast %reduce_max3A_639 : vector<128xf32> to vector<1x128xf32>
      %get3A_641 = arith.index_cast %while3A_631 : i32 to index
      %get3A_642 = arith.constant 0 : index
      %get3A_643 = vector.load %arg23[%get3A_641, %get3A_642] : memref<64x128xf32, #tpu.memory_space<vmem>>, vector<1x128xf32>
      %max3A_644 = arith.maximumf %get3A_643, %broadcast_in_dim3A_640 : vector<1x128xf32>
      %swap3A_645 = arith.index_cast %while3A_631 : i32 to index
      %swap3A_646 = arith.constant 0 : index
      %swap3A_647 = vector.load %arg23[%swap3A_645, %swap3A_646] : memref<64x128xf32, #tpu.memory_space<vmem>>, vector<1x128xf32>
      tpu.vector_store %arg23[%swap3A_645, %swap3A_646], %max3A_644 {strides = array<i32>} : memref<64x128xf32, #tpu.memory_space<vmem>>, vector<1x128xf32>,
    }
    %slice3A_439 = vector.extract_strided_slice %max3A_23 {offsets = [8400, 0], sizes = [400, 128], strides = [1, 1]} : vector<10000x128xf32> to vector<400x128xf32>
    %slice3A_440 = vector.extract_strided_slice %get3A_37 {offsets = [8400, 0], sizes = [400, 1], strides = [1, 1]} : vector<10000x1xi32> to vector<400x1xi32>
    %get3A_441 = arith.constant 21 : index
    %get3A_442 = arith.constant 0 : index
    %get3A_443 = memref.load %arg6[%get3A_441, %get3A_442] : memref<25x2xi32, #tpu.memory_space<smem>>
    %get3A_444 = arith.constant 21 : index
    %get3A_445 = arith.constant 1 : index
    %get3A_446 = memref.load %arg6[%get3A_444, %get3A_445] : memref<25x2xi32, #tpu.memory_space<smem>>
    %add3A_447 = arith.constant 1 : i32
    %add3A_448 = arith.addi %get3A_446, %add3A_447 : i32
    %while3A_449 = arith.constant 0 : i32
    %while3A_450 = arith.subi %add3A_448, %get3A_443 : i32
    %while3A_451 = arith.addi %get3A_443, %while3A_450 : i32
    %while3A_452 = arith.constant 1 : i32
    %while3A_453 = arith.divsi %while3A_450, %while3A_452 : i32
    %while3A_454 = arith.muli %while3A_453, %while3A_452 : i32
    %while3A_455 = arith.addi %get3A_443, %while3A_454 : i32
    %while3A_456 = arith.constant 1 : i32
    scf.for %while3A_631 = %get3A_443 to %while3A_455 step %while3A_456  : i32 {
      %eq3A_632 = vector.broadcast %while3A_631 : i32 to vector<400x1xi32>
      %eq3A_633 = arith.cmpi eq, %slice3A_440, %eq3A_632 : vector<400x1xi32>
      %jit3A_634 = arith.constant 0.000000e+00 : f32
      %broadcast_in_dim3A_635 = vector.shape_cast %eq3A_633 : vector<400x1xi1> to vector<400x1xi1>
      %broadcast_in_dim3A_636 = vector.broadcast %broadcast_in_dim3A_635 : vector<400x1xi1> to vector<400x128xi1>
      %broadcast_in_dim3A_637 = vector.broadcast %jit3A_634 : f32 to vector<400x128xf32>
      %select_n3A_638 = arith.select %broadcast_in_dim3A_636, %slice3A_439, %broadcast_in_dim3A_637 : vector<400x128xi1>, vector<400x128xf32>
      %reduce_max3A = arith.constant dense<0xFF800000> : vector<128xf32>
      %reduce_max3A_639 = vector.multi_reduction <maximumf>, %select_n3A_638, %reduce_max3A [0] : vector<400x128xf32> to vector<128xf32>
      %broadcast_in_dim3A_640 = vector.shape_cast %reduce_max3A_639 : vector<128xf32> to vector<1x128xf32>
      %get3A_641 = arith.index_cast %while3A_631 : i32 to index
      %get3A_642 = arith.constant 0 : index
      %get3A_643 = vector.load %arg23[%get3A_641, %get3A_642] : memref<64x128xf32, #tpu.memory_space<vmem>>, vector<1x128xf32>
      %max3A_644 = arith.maximumf %get3A_643, %broadcast_in_dim3A_640 : vector<1x128xf32>
      %swap3A_645 = arith.index_cast %while3A_631 : i32 to index
      %swap3A_646 = arith.constant 0 : index
      %swap3A_647 = vector.load %arg23[%swap3A_645, %swap3A_646] : memref<64x128xf32, #tpu.memory_space<vmem>>, vector<1x128xf32>
      tpu.vector_store %arg23[%swap3A_645, %swap3A_646], %max3A_644 {strides = array<i32>} : memref<64x128xf32, #tpu.memory_space<vmem>>, vector<1x128xf32>,
    }
    %while3A_457 = arith.constant 1 : i32
    scf.for %while3A_631 = %while3A_455 to %while3A_451 step %while3A_457  : i32 {
      %eq3A_632 = vector.broadcast %while3A_631 : i32 to vector<400x1xi32>
      %eq3A_633 = arith.cmpi eq, %slice3A_440, %eq3A_632 : vector<400x1xi32>
      %jit3A_634 = arith.constant 0.000000e+00 : f32
      %broadcast_in_dim3A_635 = vector.shape_cast %eq3A_633 : vector<400x1xi1> to vector<400x1xi1>
      %broadcast_in_dim3A_636 = vector.broadcast %broadcast_in_dim3A_635 : vector<400x1xi1> to vector<400x128xi1>
      %broadcast_in_dim3A_637 = vector.broadcast %jit3A_634 : f32 to vector<400x128xf32>
      %select_n3A_638 = arith.select %broadcast_in_dim3A_636, %slice3A_439, %broadcast_in_dim3A_637 : vector<400x128xi1>, vector<400x128xf32>
      %reduce_max3A = arith.constant dense<0xFF800000> : vector<128xf32>
      %reduce_max3A_639 = vector.multi_reduction <maximumf>, %select_n3A_638, %reduce_max3A [0] : vector<400x128xf32> to vector<128xf32>
      %broadcast_in_dim3A_640 = vector.shape_cast %reduce_max3A_639 : vector<128xf32> to vector<1x128xf32>
      %get3A_641 = arith.index_cast %while3A_631 : i32 to index
      %get3A_642 = arith.constant 0 : index
      %get3A_643 = vector.load %arg23[%get3A_641, %get3A_642] : memref<64x128xf32, #tpu.memory_space<vmem>>, vector<1x128xf32>
      %max3A_644 = arith.maximumf %get3A_643, %broadcast_in_dim3A_640 : vector<1x128xf32>
      %swap3A_645 = arith.index_cast %while3A_631 : i32 to index
      %swap3A_646 = arith.constant 0 : index
      %swap3A_647 = vector.load %arg23[%swap3A_645, %swap3A_646] : memref<64x128xf32, #tpu.memory_space<vmem>>, vector<1x128xf32>
      tpu.vector_store %arg23[%swap3A_645, %swap3A_646], %max3A_644 {strides = array<i32>} : memref<64x128xf32, #tpu.memory_space<vmem>>, vector<1x128xf32>,
    }
    %slice3A_458 = vector.extract_strided_slice %max3A_23 {offsets = [8800, 0], sizes = [400, 128], strides = [1, 1]} : vector<10000x128xf32> to vector<400x128xf32>
    %slice3A_459 = vector.extract_strided_slice %get3A_37 {offsets = [8800, 0], sizes = [400, 1], strides = [1, 1]} : vector<10000x1xi32> to vector<400x1xi32>
    %get3A_460 = arith.constant 22 : index
    %get3A_461 = arith.constant 0 : index
    %get3A_462 = memref.load %arg6[%get3A_460, %get3A_461] : memref<25x2xi32, #tpu.memory_space<smem>>
    %get3A_463 = arith.constant 22 : index
    %get3A_464 = arith.constant 1 : index
    %get3A_465 = memref.load %arg6[%get3A_463, %get3A_464] : memref<25x2xi32, #tpu.memory_space<smem>>
    %add3A_466 = arith.constant 1 : i32
    %add3A_467 = arith.addi %get3A_465, %add3A_466 : i32
    %while3A_468 = arith.constant 0 : i32
    %while3A_469 = arith.subi %add3A_467, %get3A_462 : i32
    %while3A_470 = arith.addi %get3A_462, %while3A_469 : i32
    %while3A_471 = arith.constant 1 : i32
    %while3A_472 = arith.divsi %while3A_469, %while3A_471 : i32
    %while3A_473 = arith.muli %while3A_472, %while3A_471 : i32
    %while3A_474 = arith.addi %get3A_462, %while3A_473 : i32
    %while3A_475 = arith.constant 1 : i32
    scf.for %while3A_631 = %get3A_462 to %while3A_474 step %while3A_475  : i32 {
      %eq3A_632 = vector.broadcast %while3A_631 : i32 to vector<400x1xi32>
      %eq3A_633 = arith.cmpi eq, %slice3A_459, %eq3A_632 : vector<400x1xi32>
      %jit3A_634 = arith.constant 0.000000e+00 : f32
      %broadcast_in_dim3A_635 = vector.shape_cast %eq3A_633 : vector<400x1xi1> to vector<400x1xi1>
      %broadcast_in_dim3A_636 = vector.broadcast %broadcast_in_dim3A_635 : vector<400x1xi1> to vector<400x128xi1>
      %broadcast_in_dim3A_637 = vector.broadcast %jit3A_634 : f32 to vector<400x128xf32>
      %select_n3A_638 = arith.select %broadcast_in_dim3A_636, %slice3A_458, %broadcast_in_dim3A_637 : vector<400x128xi1>, vector<400x128xf32>
      %reduce_max3A = arith.constant dense<0xFF800000> : vector<128xf32>
      %reduce_max3A_639 = vector.multi_reduction <maximumf>, %select_n3A_638, %reduce_max3A [0] : vector<400x128xf32> to vector<128xf32>
      %broadcast_in_dim3A_640 = vector.shape_cast %reduce_max3A_639 : vector<128xf32> to vector<1x128xf32>
      %get3A_641 = arith.index_cast %while3A_631 : i32 to index
      %get3A_642 = arith.constant 0 : index
      %get3A_643 = vector.load %arg23[%get3A_641, %get3A_642] : memref<64x128xf32, #tpu.memory_space<vmem>>, vector<1x128xf32>
      %max3A_644 = arith.maximumf %get3A_643, %broadcast_in_dim3A_640 : vector<1x128xf32>
      %swap3A_645 = arith.index_cast %while3A_631 : i32 to index
      %swap3A_646 = arith.constant 0 : index
      %swap3A_647 = vector.load %arg23[%swap3A_645, %swap3A_646] : memref<64x128xf32, #tpu.memory_space<vmem>>, vector<1x128xf32>
      tpu.vector_store %arg23[%swap3A_645, %swap3A_646], %max3A_644 {strides = array<i32>} : memref<64x128xf32, #tpu.memory_space<vmem>>, vector<1x128xf32>,
    }
    %while3A_476 = arith.constant 1 : i32
    scf.for %while3A_631 = %while3A_474 to %while3A_470 step %while3A_476  : i32 {
      %eq3A_632 = vector.broadcast %while3A_631 : i32 to vector<400x1xi32>
      %eq3A_633 = arith.cmpi eq, %slice3A_459, %eq3A_632 : vector<400x1xi32>
      %jit3A_634 = arith.constant 0.000000e+00 : f32
      %broadcast_in_dim3A_635 = vector.shape_cast %eq3A_633 : vector<400x1xi1> to vector<400x1xi1>
      %broadcast_in_dim3A_636 = vector.broadcast %broadcast_in_dim3A_635 : vector<400x1xi1> to vector<400x128xi1>
      %broadcast_in_dim3A_637 = vector.broadcast %jit3A_634 : f32 to vector<400x128xf32>
      %select_n3A_638 = arith.select %broadcast_in_dim3A_636, %slice3A_458, %broadcast_in_dim3A_637 : vector<400x128xi1>, vector<400x128xf32>
      %reduce_max3A = arith.constant dense<0xFF800000> : vector<128xf32>
      %reduce_max3A_639 = vector.multi_reduction <maximumf>, %select_n3A_638, %reduce_max3A [0] : vector<400x128xf32> to vector<128xf32>
      %broadcast_in_dim3A_640 = vector.shape_cast %reduce_max3A_639 : vector<128xf32> to vector<1x128xf32>
      %get3A_641 = arith.index_cast %while3A_631 : i32 to index
      %get3A_642 = arith.constant 0 : index
      %get3A_643 = vector.load %arg23[%get3A_641, %get3A_642] : memref<64x128xf32, #tpu.memory_space<vmem>>, vector<1x128xf32>
      %max3A_644 = arith.maximumf %get3A_643, %broadcast_in_dim3A_640 : vector<1x128xf32>
      %swap3A_645 = arith.index_cast %while3A_631 : i32 to index
      %swap3A_646 = arith.constant 0 : index
      %swap3A_647 = vector.load %arg23[%swap3A_645, %swap3A_646] : memref<64x128xf32, #tpu.memory_space<vmem>>, vector<1x128xf32>
      tpu.vector_store %arg23[%swap3A_645, %swap3A_646], %max3A_644 {strides = array<i32>} : memref<64x128xf32, #tpu.memory_space<vmem>>, vector<1x128xf32>,
    }
    %slice3A_477 = vector.extract_strided_slice %max3A_23 {offsets = [9200, 0], sizes = [400, 128], strides = [1, 1]} : vector<10000x128xf32> to vector<400x128xf32>
    %slice3A_478 = vector.extract_strided_slice %get3A_37 {offsets = [9200, 0], sizes = [400, 1], strides = [1, 1]} : vector<10000x1xi32> to vector<400x1xi32>
    %get3A_479 = arith.constant 23 : index
    %get3A_480 = arith.constant 0 : index
    %get3A_481 = memref.load %arg6[%get3A_479, %get3A_480] : memref<25x2xi32, #tpu.memory_space<smem>>
    %get3A_482 = arith.constant 23 : index
    %get3A_483 = arith.constant 1 : index
    %get3A_484 = memref.load %arg6[%get3A_482, %get3A_483] : memref<25x2xi32, #tpu.memory_space<smem>>
    %add3A_485 = arith.constant 1 : i32
    %add3A_486 = arith.addi %get3A_484, %add3A_485 : i32
    %while3A_487 = arith.constant 0 : i32
    %while3A_488 = arith.subi %add3A_486, %get3A_481 : i32
    %while3A_489 = arith.addi %get3A_481, %while3A_488 : i32
    %while3A_490 = arith.constant 1 : i32
    %while3A_491 = arith.divsi %while3A_488, %while3A_490 : i32
    %while3A_492 = arith.muli %while3A_491, %while3A_490 : i32
    %while3A_493 = arith.addi %get3A_481, %while3A_492 : i32
    %while3A_494 = arith.constant 1 : i32
    scf.for %while3A_631 = %get3A_481 to %while3A_493 step %while3A_494  : i32 {
      %eq3A_632 = vector.broadcast %while3A_631 : i32 to vector<400x1xi32>
      %eq3A_633 = arith.cmpi eq, %slice3A_478, %eq3A_632 : vector<400x1xi32>
      %jit3A_634 = arith.constant 0.000000e+00 : f32
      %broadcast_in_dim3A_635 = vector.shape_cast %eq3A_633 : vector<400x1xi1> to vector<400x1xi1>
      %broadcast_in_dim3A_636 = vector.broadcast %broadcast_in_dim3A_635 : vector<400x1xi1> to vector<400x128xi1>
      %broadcast_in_dim3A_637 = vector.broadcast %jit3A_634 : f32 to vector<400x128xf32>
      %select_n3A_638 = arith.select %broadcast_in_dim3A_636, %slice3A_477, %broadcast_in_dim3A_637 : vector<400x128xi1>, vector<400x128xf32>
      %reduce_max3A = arith.constant dense<0xFF800000> : vector<128xf32>
      %reduce_max3A_639 = vector.multi_reduction <maximumf>, %select_n3A_638, %reduce_max3A [0] : vector<400x128xf32> to vector<128xf32>
      %broadcast_in_dim3A_640 = vector.shape_cast %reduce_max3A_639 : vector<128xf32> to vector<1x128xf32>
      %get3A_641 = arith.index_cast %while3A_631 : i32 to index
      %get3A_642 = arith.constant 0 : index
      %get3A_643 = vector.load %arg23[%get3A_641, %get3A_642] : memref<64x128xf32, #tpu.memory_space<vmem>>, vector<1x128xf32>
      %max3A_644 = arith.maximumf %get3A_643, %broadcast_in_dim3A_640 : vector<1x128xf32>
      %swap3A_645 = arith.index_cast %while3A_631 : i32 to index
      %swap3A_646 = arith.constant 0 : index
      %swap3A_647 = vector.load %arg23[%swap3A_645, %swap3A_646] : memref<64x128xf32, #tpu.memory_space<vmem>>, vector<1x128xf32>
      tpu.vector_store %arg23[%swap3A_645, %swap3A_646], %max3A_644 {strides = array<i32>} : memref<64x128xf32, #tpu.memory_space<vmem>>, vector<1x128xf32>,
    }
    %while3A_495 = arith.constant 1 : i32
    scf.for %while3A_631 = %while3A_493 to %while3A_489 step %while3A_495  : i32 {
      %eq3A_632 = vector.broadcast %while3A_631 : i32 to vector<400x1xi32>
      %eq3A_633 = arith.cmpi eq, %slice3A_478, %eq3A_632 : vector<400x1xi32>
      %jit3A_634 = arith.constant 0.000000e+00 : f32
      %broadcast_in_dim3A_635 = vector.shape_cast %eq3A_633 : vector<400x1xi1> to vector<400x1xi1>
      %broadcast_in_dim3A_636 = vector.broadcast %broadcast_in_dim3A_635 : vector<400x1xi1> to vector<400x128xi1>
      %broadcast_in_dim3A_637 = vector.broadcast %jit3A_634 : f32 to vector<400x128xf32>
      %select_n3A_638 = arith.select %broadcast_in_dim3A_636, %slice3A_477, %broadcast_in_dim3A_637 : vector<400x128xi1>, vector<400x128xf32>
      %reduce_max3A = arith.constant dense<0xFF800000> : vector<128xf32>
      %reduce_max3A_639 = vector.multi_reduction <maximumf>, %select_n3A_638, %reduce_max3A [0] : vector<400x128xf32> to vector<128xf32>
      %broadcast_in_dim3A_640 = vector.shape_cast %reduce_max3A_639 : vector<128xf32> to vector<1x128xf32>
      %get3A_641 = arith.index_cast %while3A_631 : i32 to index
      %get3A_642 = arith.constant 0 : index
      %get3A_643 = vector.load %arg23[%get3A_641, %get3A_642] : memref<64x128xf32, #tpu.memory_space<vmem>>, vector<1x128xf32>
      %max3A_644 = arith.maximumf %get3A_643, %broadcast_in_dim3A_640 : vector<1x128xf32>
      %swap3A_645 = arith.index_cast %while3A_631 : i32 to index
      %swap3A_646 = arith.constant 0 : index
      %swap3A_647 = vector.load %arg23[%swap3A_645, %swap3A_646] : memref<64x128xf32, #tpu.memory_space<vmem>>, vector<1x128xf32>
      tpu.vector_store %arg23[%swap3A_645, %swap3A_646], %max3A_644 {strides = array<i32>} : memref<64x128xf32, #tpu.memory_space<vmem>>, vector<1x128xf32>,
    }
    %slice3A_496 = vector.extract_strided_slice %max3A_23 {offsets = [9600, 0], sizes = [400, 128], strides = [1, 1]} : vector<10000x128xf32> to vector<400x128xf32>
    %slice3A_497 = vector.extract_strided_slice %get3A_37 {offsets = [9600, 0], sizes = [400, 1], strides = [1, 1]} : vector<10000x1xi32> to vector<400x1xi32>
    %get3A_498 = arith.constant 24 : index
    %get3A_499 = arith.constant 0 : index
    %get3A_500 = memref.load %arg6[%get3A_498, %get3A_499] : memref<25x2xi32, #tpu.memory_space<smem>>
    %get3A_501 = arith.constant 24 : index
    %get3A_502 = arith.constant 1 : index
    %get3A_503 = memref.load %arg6[%get3A_501, %get3A_502] : memref<25x2xi32, #tpu.memory_space<smem>>
    %add3A_504 = arith.constant 1 : i32
    %add3A_505 = arith.addi %get3A_503, %add3A_504 : i32
    %while3A_506 = arith.constant 0 : i32
    %while3A_507 = arith.subi %add3A_505, %get3A_500 : i32
    %while3A_508 = arith.addi %get3A_500, %while3A_507 : i32
    %while3A_509 = arith.constant 1 : i32
    %while3A_510 = arith.divsi %while3A_507, %while3A_509 : i32
    %while3A_511 = arith.muli %while3A_510, %while3A_509 : i32
    %while3A_512 = arith.addi %get3A_500, %while3A_511 : i32
    %while3A_513 = arith.constant 1 : i32
    scf.for %while3A_631 = %get3A_500 to %while3A_512 step %while3A_513  : i32 {
      %eq3A_632 = vector.broadcast %while3A_631 : i32 to vector<400x1xi32>
      %eq3A_633 = arith.cmpi eq, %slice3A_497, %eq3A_632 : vector<400x1xi32>
      %jit3A_634 = arith.constant 0.000000e+00 : f32
      %broadcast_in_dim3A_635 = vector.shape_cast %eq3A_633 : vector<400x1xi1> to vector<400x1xi1>
      %broadcast_in_dim3A_636 = vector.broadcast %broadcast_in_dim3A_635 : vector<400x1xi1> to vector<400x128xi1>
      %broadcast_in_dim3A_637 = vector.broadcast %jit3A_634 : f32 to vector<400x128xf32>
      %select_n3A_638 = arith.select %broadcast_in_dim3A_636, %slice3A_496, %broadcast_in_dim3A_637 : vector<400x128xi1>, vector<400x128xf32>
      %reduce_max3A = arith.constant dense<0xFF800000> : vector<128xf32>
      %reduce_max3A_639 = vector.multi_reduction <maximumf>, %select_n3A_638, %reduce_max3A [0] : vector<400x128xf32> to vector<128xf32>
      %broadcast_in_dim3A_640 = vector.shape_cast %reduce_max3A_639 : vector<128xf32> to vector<1x128xf32>
      %get3A_641 = arith.index_cast %while3A_631 : i32 to index
      %get3A_642 = arith.constant 0 : index
      %get3A_643 = vector.load %arg23[%get3A_641, %get3A_642] : memref<64x128xf32, #tpu.memory_space<vmem>>, vector<1x128xf32>
      %max3A_644 = arith.maximumf %get3A_643, %broadcast_in_dim3A_640 : vector<1x128xf32>
      %swap3A_645 = arith.index_cast %while3A_631 : i32 to index
      %swap3A_646 = arith.constant 0 : index
      %swap3A_647 = vector.load %arg23[%swap3A_645, %swap3A_646] : memref<64x128xf32, #tpu.memory_space<vmem>>, vector<1x128xf32>
      tpu.vector_store %arg23[%swap3A_645, %swap3A_646], %max3A_644 {strides = array<i32>} : memref<64x128xf32, #tpu.memory_space<vmem>>, vector<1x128xf32>,
    }
    %while3A_514 = arith.constant 1 : i32
    scf.for %while3A_631 = %while3A_512 to %while3A_508 step %while3A_514  : i32 {
      %eq3A_632 = vector.broadcast %while3A_631 : i32 to vector<400x1xi32>
      %eq3A_633 = arith.cmpi eq, %slice3A_497, %eq3A_632 : vector<400x1xi32>
      %jit3A_634 = arith.constant 0.000000e+00 : f32
      %broadcast_in_dim3A_635 = vector.shape_cast %eq3A_633 : vector<400x1xi1> to vector<400x1xi1>
      %broadcast_in_dim3A_636 = vector.broadcast %broadcast_in_dim3A_635 : vector<400x1xi1> to vector<400x128xi1>
      %broadcast_in_dim3A_637 = vector.broadcast %jit3A_634 : f32 to vector<400x128xf32>
      %select_n3A_638 = arith.select %broadcast_in_dim3A_636, %slice3A_496, %broadcast_in_dim3A_637 : vector<400x128xi1>, vector<400x128xf32>
      %reduce_max3A = arith.constant dense<0xFF800000> : vector<128xf32>
      %reduce_max3A_639 = vector.multi_reduction <maximumf>, %select_n3A_638, %reduce_max3A [0] : vector<400x128xf32> to vector<128xf32>
      %broadcast_in_dim3A_640 = vector.shape_cast %reduce_max3A_639 : vector<128xf32> to vector<1x128xf32>
      %get3A_641 = arith.index_cast %while3A_631 : i32 to index
      %get3A_642 = arith.constant 0 : index
      %get3A_643 = vector.load %arg23[%get3A_641, %get3A_642] : memref<64x128xf32, #tpu.memory_space<vmem>>, vector<1x128xf32>
      %max3A_644 = arith.maximumf %get3A_643, %broadcast_in_dim3A_640 : vector<1x128xf32>
      %swap3A_645 = arith.index_cast %while3A_631 : i32 to index
      %swap3A_646 = arith.constant 0 : index
      %swap3A_647 = vector.load %arg23[%swap3A_645, %swap3A_646] : memref<64x128xf32, #tpu.memory_space<vmem>>, vector<1x128xf32>
      tpu.vector_store %arg23[%swap3A_645, %swap3A_646], %max3A_644 {strides = array<i32>} : memref<64x128xf32, #tpu.memory_space<vmem>>, vector<1x128xf32>,
    }
    %get3A_515 = arith.constant 0 : index
    %get3A_516 = arith.constant 0 : index
    %get3A_517 = vector.load %arg23[%get3A_515, %get3A_516] : memref<64x128xf32, #tpu.memory_space<vmem>>, vector<64x128xf32>
    %concatenate3A = tpu.concatenate %div3A_34, %get3A_517 in 1 : vector<64x128xf32>, vector<64x128xf32> -> vector<64x256xf32>
    %get3A_518 = arith.constant 0 : index
    %get3A_519 = arith.constant 0 : index
    %get3A_520 = vector.load %arg7[%get3A_518, %get3A_519] : memref<256x64xf32, #tpu.memory_space<vmem>>, vector<256x64xf32>
    %dot_general3A_521 = arith.constant dense<0.000000e+00> : vector<64x64xf32>
    %dot_general3A_522 = tpu.matmul %concatenate3A, %get3A_520, %dot_general3A_521 {dimension_numbers = #tpu.dot_dimension_numbers<[1], [0], [0], [1], [0, 0, 1, 1], [], []>, precision = #tpu.contract_precision<fp32>, transpose_lhs_hint = false} : vector<64x256xf32>, vector<256x64xf32>, vector<64x64xf32> -> vector<64x64xf32>
    %get3A_523 = arith.constant 0 : index
    %get3A_524 = arith.constant 0 : index
    %get3A_525 = vector.load %arg8[%get3A_523, %get3A_524] : memref<1x64xf32, #tpu.memory_space<vmem>>, vector<1x64xf32>
    %add3A_526 = vector.broadcast %get3A_525 : vector<1x64xf32> to vector<64x64xf32>
    %add3A_527 = arith.addf %dot_general3A_522, %add3A_526 : vector<64x64xf32>
    %gt3A = arith.constant 0.000000e+00 : f32
    %gt3A_528 = vector.broadcast %gt3A : f32 to vector<64x64xf32>
    %gt3A_529 = arith.cmpf ogt, %add3A_527, %gt3A_528 : vector<64x64xf32>
    %exp3A = math.exp %add3A_527 : vector<64x64xf32>
    %sub3A = arith.constant 1.000000e+00 : f32
    %sub3A_530 = vector.broadcast %sub3A : f32 to vector<64x64xf32>
    %sub3A_531 = arith.subf %exp3A, %sub3A_530 : vector<64x64xf32>
    %select_n3A = arith.select %gt3A_529, %add3A_527, %sub3A_531 : vector<64x64xi1>, vector<64x64xf32>
    %get3A_532 = arith.constant 0 : index
    %get3A_533 = arith.constant 0 : index
    %get3A_534 = vector.load %arg9[%get3A_532, %get3A_533] : memref<64x64xf32, #tpu.memory_space<vmem>>, vector<64x64xf32>
    %dot_general3A_535 = arith.constant dense<0.000000e+00> : vector<64x64xf32>
    %dot_general3A_536 = tpu.matmul %select_n3A, %get3A_534, %dot_general3A_535 {dimension_numbers = #tpu.dot_dimension_numbers<[1], [0], [0], [1], [0, 0, 1, 1], [], []>, precision = #tpu.contract_precision<fp32>, transpose_lhs_hint = false} : vector<64x64xf32>, vector<64x64xf32>, vector<64x64xf32> -> vector<64x64xf32>
    %get3A_537 = arith.constant 0 : index
    %get3A_538 = arith.constant 0 : index
    %get3A_539 = vector.load %arg10[%get3A_537, %get3A_538] : memref<1x64xf32, #tpu.memory_space<vmem>>, vector<1x64xf32>
    %add3A_540 = vector.broadcast %get3A_539 : vector<1x64xf32> to vector<64x64xf32>
    %add3A_541 = arith.addf %dot_general3A_536, %add3A_540 : vector<64x64xf32>
    %tanh3A = math.tanh %add3A_541 : vector<64x64xf32>
    %get3A_542 = arith.constant 0 : index
    %get3A_543 = arith.constant 0 : index
    %get3A_544 = vector.load %arg11[%get3A_542, %get3A_543] : memref<64x128xf32, #tpu.memory_space<vmem>>, vector<64x128xf32>
    %dot_general3A_545 = arith.constant dense<0.000000e+00> : vector<64x128xf32>
    %dot_general3A_546 = tpu.matmul %tanh3A, %get3A_544, %dot_general3A_545 {dimension_numbers = #tpu.dot_dimension_numbers<[1], [0], [0], [1], [0, 0, 1, 1], [], []>, precision = #tpu.contract_precision<fp32>, transpose_lhs_hint = false} : vector<64x64xf32>, vector<64x128xf32>, vector<64x128xf32> -> vector<64x128xf32>
    %get3A_547 = arith.constant 0 : index
    %get3A_548 = arith.constant 0 : index
    %get3A_549 = vector.load %arg12[%get3A_547, %get3A_548] : memref<1x128xf32, #tpu.memory_space<vmem>>, vector<1x128xf32>
    %add3A_550 = vector.broadcast %get3A_549 : vector<1x128xf32> to vector<64x128xf32>
    %add3A_551 = arith.addf %dot_general3A_546, %add3A_550 : vector<64x128xf32>
    %slice3A_552 = vector.extract_strided_slice %add3A_551 {offsets = [0, 0], sizes = [64, 64], strides = [1, 1]} : vector<64x128xf32> to vector<64x64xf32>
    %slice3A_553 = vector.extract_strided_slice %add3A_551 {offsets = [0, 64], sizes = [64, 64], strides = [1, 1]} : vector<64x128xf32> to vector<64x64xf32>
    %max3A_554 = arith.constant 0.000000e+00 : f32
    %max3A_555 = vector.broadcast %max3A_554 : f32 to vector<64x64xf32>
    %max3A_556 = arith.maximumf %slice3A_553, %max3A_555 : vector<64x64xf32>
    %abs3A = math.absf %slice3A_553 : vector<64x64xf32>
    %neg3A = arith.constant 0.000000e+00 : f32
    %neg3A_557 = vector.broadcast %neg3A : f32 to vector<64x64xf32>
    %neg3A_558 = arith.subf %neg3A_557, %abs3A : vector<64x64xf32>
    %exp3A_559 = math.exp %neg3A_558 : vector<64x64xf32>
    %log1p3A = math.log1p %exp3A_559 : vector<64x64xf32>
    %add3A_560 = arith.addf %max3A_556, %log1p3A : vector<64x64xf32>
    %add3A_561 = arith.constant 9.99999997E-7 : f32
    %add3A_562 = vector.broadcast %add3A_561 : f32 to vector<64x64xf32>
    %add3A_563 = arith.addf %add3A_562, %add3A_560 : vector<64x64xf32>
    %get3A_564 = arith.constant 0 : index
    %get3A_565 = arith.constant 0 : index
    %get3A_566 = vector.load %arg19[%get3A_564, %get3A_565] : memref<64x64xf32, #tpu.memory_space<vmem>>, vector<64x64xf32>
    %mul3A_567 = arith.mulf %get3A_566, %add3A_563 : vector<64x64xf32>
    %add3A_568 = arith.addf %slice3A_552, %mul3A_567 : vector<64x64xf32>
    %get3A_569 = arith.constant 0 : index
    %get3A_570 = arith.constant 0 : index
    %get3A_571 = vector.load %arg13[%get3A_569, %get3A_570] : memref<64x64xf32, #tpu.memory_space<vmem>>, vector<64x64xf32>
    %dot_general3A_572 = arith.constant dense<0.000000e+00> : vector<64x64xf32>
    %dot_general3A_573 = tpu.matmul %add3A_568, %get3A_571, %dot_general3A_572 {dimension_numbers = #tpu.dot_dimension_numbers<[1], [0], [0], [1], [0, 0, 1, 1], [], []>, precision = #tpu.contract_precision<fp32>, transpose_lhs_hint = false} : vector<64x64xf32>, vector<64x64xf32>, vector<64x64xf32> -> vector<64x64xf32>
    %get3A_574 = arith.constant 0 : index
    %get3A_575 = arith.constant 0 : index
    %get3A_576 = vector.load %arg14[%get3A_574, %get3A_575] : memref<1x64xf32, #tpu.memory_space<vmem>>, vector<1x64xf32>
    %add3A_577 = vector.broadcast %get3A_576 : vector<1x64xf32> to vector<64x64xf32>
    %add3A_578 = arith.addf %dot_general3A_573, %add3A_577 : vector<64x64xf32>
    %tanh3A_579 = math.tanh %add3A_578 : vector<64x64xf32>
    %get3A_580 = arith.constant 0 : index
    %get3A_581 = arith.constant 0 : index
    %get3A_582 = vector.load %arg15[%get3A_580, %get3A_581] : memref<64x64xf32, #tpu.memory_space<vmem>>, vector<64x64xf32>
    %dot_general3A_583 = arith.constant dense<0.000000e+00> : vector<64x64xf32>
    %dot_general3A_584 = tpu.matmul %tanh3A_579, %get3A_582, %dot_general3A_583 {dimension_numbers = #tpu.dot_dimension_numbers<[1], [0], [0], [1], [0, 0, 1, 1], [], []>, precision = #tpu.contract_precision<fp32>, transpose_lhs_hint = false} : vector<64x64xf32>, vector<64x64xf32>, vector<64x64xf32> -> vector<64x64xf32>
    %get3A_585 = arith.constant 0 : index
    %get3A_586 = arith.constant 0 : index
    %get3A_587 = vector.load %arg16[%get3A_585, %get3A_586] : memref<1x64xf32, #tpu.memory_space<vmem>>, vector<1x64xf32>
    %add3A_588 = vector.broadcast %get3A_587 : vector<1x64xf32> to vector<64x64xf32>
    %add3A_589 = arith.addf %dot_general3A_584, %add3A_588 : vector<64x64xf32>
    %gt3A_590 = arith.constant 0.000000e+00 : f32
    %gt3A_591 = vector.broadcast %gt3A_590 : f32 to vector<64x64xf32>
    %gt3A_592 = arith.cmpf ogt, %add3A_589, %gt3A_591 : vector<64x64xf32>
    %exp3A_593 = math.exp %add3A_589 : vector<64x64xf32>
    %sub3A_594 = arith.constant 1.000000e+00 : f32
    %sub3A_595 = vector.broadcast %sub3A_594 : f32 to vector<64x64xf32>
    %sub3A_596 = arith.subf %exp3A_593, %sub3A_595 : vector<64x64xf32>
    %select_n3A_597 = arith.select %gt3A_592, %add3A_589, %sub3A_596 : vector<64x64xi1>, vector<64x64xf32>
    %get3A_598 = arith.constant 0 : index
    %get3A_599 = arith.constant 0 : index
    %get3A_600 = vector.load %arg17[%get3A_598, %get3A_599] : memref<64x128xf32, #tpu.memory_space<vmem>>, vector<64x128xf32>
    %dot_general3A_601 = arith.constant dense<0.000000e+00> : vector<64x128xf32>
    %dot_general3A_602 = tpu.matmul %select_n3A_597, %get3A_600, %dot_general3A_601 {dimension_numbers = #tpu.dot_dimension_numbers<[1], [0], [0], [1], [0, 0, 1, 1], [], []>, precision = #tpu.contract_precision<fp32>, transpose_lhs_hint = false} : vector<64x64xf32>, vector<64x128xf32>, vector<64x128xf32> -> vector<64x128xf32>
    %get3A_603 = arith.constant 0 : index
    %get3A_604 = arith.constant 0 : index
    %get3A_605 = vector.load %arg18[%get3A_603, %get3A_604] : memref<1x128xf32, #tpu.memory_space<vmem>>, vector<1x128xf32>
    %add3A_606 = vector.broadcast %get3A_605 : vector<1x128xf32> to vector<64x128xf32>
    %add3A_607 = arith.addf %dot_general3A_602, %add3A_606 : vector<64x128xf32>
    %neg3A_608 = arith.constant 0.000000e+00 : f32
    %neg3A_609 = vector.broadcast %neg3A_608 : f32 to vector<64x128xf32>
    %neg3A_610 = arith.subf %neg3A_609, %add3A_607 : vector<64x128xf32>
    %exp3A_611 = math.exp %neg3A_610 : vector<64x128xf32>
    %add3A_612 = arith.constant 1.000000e+00 : f32
    %add3A_613 = vector.broadcast %add3A_612 : f32 to vector<64x128xf32>
    %add3A_614 = arith.addf %add3A_613, %exp3A_611 : vector<64x128xf32>
    %div3A_615 = arith.constant 1.000000e+00 : f32
    %div3A_616 = vector.broadcast %div3A_615 : f32 to vector<64x128xf32>
    %div3A_617 = arith.divf %div3A_616, %add3A_614 : vector<64x128xf32>
    %swap3A_618 = arith.constant 0 : index
    %swap3A_619 = arith.constant 0 : index
    %swap3A_620 = vector.load %arg20[%swap3A_618, %swap3A_619] : memref<64x64xf32, #tpu.memory_space<vmem>>, vector<64x64xf32>
    tpu.vector_store %arg20[%swap3A_618, %swap3A_619], %slice3A_552 {strides = array<i32>} : memref<64x64xf32, #tpu.memory_space<vmem>>, vector<64x64xf32>,
    %swap3A_621 = arith.constant 0 : index
    %swap3A_622 = arith.constant 0 : index
    %swap3A_623 = vector.load %arg21[%swap3A_621, %swap3A_622] : memref<64x64xf32, #tpu.memory_space<vmem>>, vector<64x64xf32>
    tpu.vector_store %arg21[%swap3A_621, %swap3A_622], %add3A_563 {strides = array<i32>} : memref<64x64xf32, #tpu.memory_space<vmem>>, vector<64x64xf32>,
    %jit3A = arith.constant 9.99999993E-9 : f32
    %jit3A_624 = arith.constant 1.000000e+00 : f32
    %max3A_625 = vector.broadcast %jit3A : f32 to vector<64x128xf32>
    %max3A_626 = arith.maximumf %max3A_625, %div3A_617 : vector<64x128xf32>
    %min3A = vector.broadcast %jit3A_624 : f32 to vector<64x128xf32>
    %min3A_627 = arith.minimumf %min3A, %max3A_626 : vector<64x128xf32>
    %swap3A_628 = arith.constant 0 : index
    %swap3A_629 = arith.constant 0 : index
    %swap3A_630 = vector.load %arg22[%swap3A_628, %swap3A_629] : memref<64x128xf32, #tpu.memory_space<vmem>>, vector<64x128xf32>
    tpu.vector_store %arg22[%swap3A_628, %swap3A_629], %min3A_627 {strides = array<i32>} : memref<64x128xf32, #tpu.memory_space<vmem>>, vector<64x128xf32>,
    return
  }
}

</mosaic_0001>

<sc_bundles>
// kernel: kernel.6.cloned.1.call-start
scs
__scs_entry_jumppad:
0x0: {  	(pc) =	sbr.rel $0x88, $3  }
0x1: {  	(tag) =	ssettag $0x0;
	lr =	simm.s32 $0x1  }
0x2: {  	[smem:$0x3F90] =	sst lr;
	_ =	strace $0xD0000000  }
0x3: {  	_ = 	snop  }
0x4: {  	_ = 	snop  }
0x5: {  	_ = 	snop  }
0x6: {  	_ = 	snop  }
0x7: {  	_ = 	snop  }
__scs_overlays_trampoline_lowered:
0x8: {  	[smem:$0x3F9F] =	sst s0  }
0x9: {  	[smem:$0x3FA0] =	sst s1  }
0xa: {  	[smem:$0x3FA1] =	sst s2  }
0xb: {  	[smem:$0x3FA2] =	sst s3  }
0xc: {  	[smem:$0x3FA3] =	sst s4  }
0xd: {  	[smem:$0x3FA4] =	sst s5  }
0xe: {  	[smem:$0x3FA5] =	sst s6  }
0xf: {  	[smem:$0x3FA6] =	sst s7  }
0x10: {  	[smem:$0x3FA7] =	sst s8  }
0x11: {  	[smem:$0x3FA8] =	sst s9;
	s0 =	simm.s32 @!p0 $0x0  }
0x12: {  	s1 =	sld [smem:$0x3F8E];
	s0 =	simm.s32 @p0 $0x1  }
0x13: {  	[smem:$0x3FA9] =	sst s0;
	s0 =	simm.s32 @!p1 $0x0  }
0x14: {  	s2 =	sld [smem:$0x3F8D];
	s0 =	simm.s32 @p1 $0x1  }
0x15: {  	[smem:$0x3FAA] =	sst s0;
	s0 =	simm.s32 @!p2 $0x0  }
0x16: {  	s3 =	sld [smem:$0x3FDB];
	s0 =	simm.s32 @p2 $0x1  }
0x17: {  	s4 =	simm.s32 $0x1BF5;
	[smem:$0x3FAC] =	sst s0  }
0x18: {  	s0 =	sld [smem:$0x3F8F];
	_ =	swait.ge [sflag:s4], $0x0  }
0x19: {  	s7 =	sld [smem:$0x3F90]  }
0x1a: {  	s8 =	sadd.s32 $0xFFFFE003, lr  }
0x1b: {  	s9 =	sadd.s32 $0xFFFFFEF7, lr;
	s5 =	simm.s32 $0xFFFFFFFF;
	p2 =	slt.u32 s8, $0xFFFFF086  }
0x1c: {  	p1 =	slt.u32 s9, $0xF7A;
	s5 =	simm.s32 @!p2 $0x0  }
0x1d: {  	s5 =	simm.s32 @p1 $0x1;
	p0 =	seq.s32 s7, s2  }
0x1e: {  	s7 =	smul.u32 @!p0 $0xF7A, s2;
	p2 =	seq.s32 @!p0 s5, $0x0  }
0x1f: {  	s9 =	smul.u32 $0xF7A, s1;
	s8 =	simm.s32 @!p0 $0x1BF5;
	p2 =	por !p2, p0  }
0x20: {  	[sflag:s8] =	ssyncset.s32 @!p0 $0xFFFFF086;
	s6 =	sadd.s32 @!p0 s3, s7;
	s7 =	simm.s32 @!p0 $0x108  }
0x21: {  	s3 =	sadd.s32 s3, s9;
	s6 =	sadd.s32 @!p0 $0x88, s6;
	s7 =	simm.s32 @p2 $0x1082  }
0x22: {  	[simem:s7], [sflag:s8] =	dma.local @!p0 [hbm:s6], $0xF7A  }
0x23: {  	s9 =	sor.u32 $0xD0000000, s2;
	s6 =	simm.s32 $0x108;
	_ =	swait.ge @!p0 [sflag:s8], $0x0  }
0x24: {  	s3 =	sadd.s32 $0x88, s3;
	s6 =	simm.s32 @!p1 $0x1082;
	[sflag:s4] =	ssyncset.s32 $0xFFFFF086  }
0x25: {  	[simem:s6], [sflag:s4] =	dma.local [hbm:s3], $0xF7A  }
0x26: {  	[smem:$0x3F90] =	sst s1;
	(tag) =	ssettag s2;
	_ =	strace s9  }
0x27: {  	s1 =	sld [smem:$0x3FA0]  }
0x28: {  	s2 =	sld [smem:$0x3FA1]  }
0x29: {  	s4 =	sld [smem:$0x3FA3]  }
0x2a: {  	p0 =	seq.s32 s5, $0x0;
	s5 =	sld [smem:$0x3FA4]  }
0x2b: {  	s6 =	sld [smem:$0x3FA5]  }
0x2c: {  	s7 =	sld [smem:$0x3FA6]  }
0x2d: {  	s3 =	simm.s32 $0x108;
	s8 =	sld [smem:$0x3FA7]  }
0x2e: {  	s3 =	simm.s32 @!p0 $0x1082;
	s9 =	sld [smem:$0x3FA8]  }
0x2f: {  	lr =	sadd.s32 s0, s3;
	s0 =	sld [smem:$0x3F9F]  }
0x30: {  	s3 =	sld [smem:$0x3FA2]  }
0x31: {  	[smem:$0x3FAB] =	sst s10  }
0x32: {  	s10 =	sld [smem:$0x3FA9];
	_ =	sdelay $0x3  }
0x33: {  	p0 =	seq.s32 s10, $0x1;
	s10 =	sld [smem:$0x3FAB];
	_ =	sdelay $0x3  }
0x34: {  	[smem:$0x3FAB] =	sst s10  }
0x35: {  	s10 =	sld [smem:$0x3FAA];
	_ =	sdelay $0x3  }
0x36: {  	p1 =	seq.s32 s10, $0x1;
	s10 =	sld [smem:$0x3FAB];
	_ =	sdelay $0x3  }
0x37: {  	[smem:$0x3FAB] =	sst s10  }
0x38: {  	s10 =	sld [smem:$0x3FAC]  }
0x39: {  	_ = 	snop;
	(pc) =	sbr.ind lr, $3  }
0x3a: {  	_ = 	snop  }
0x3b: {  	_ = 	snop  }
0x3c: {  	p2 =	seq.s32 s10, $0x1;
	s10 =	sld [smem:$0x3FAB]  }
0x3d: {  	_ =	shalt  }
0x3e: {  	_ =	shalt  }
0x3f: {  	_ =	shalt  }
0x40: {  	_ =	shalt  }
0x41: {  	_ =	shalt  }
0x42: {  	_ =	shalt  }
0x43: {  	_ =	shalt  }
0x44: {  	_ =	shalt  }
0x45: {  	_ =	shalt  }
0x46: {  	_ =	shalt  }
0x47: {  	_ =	shalt  }
0x48: {  	_ =	shalt  }
0x49: {  	_ =	shalt  }
0x4a: {  	_ =	shalt  }
0x4b: {  	_ =	shalt  }
0x4c: {  	_ =	shalt  }
0x4d: {  	_ =	shalt  }
0x4e: {  	_ =	shalt  }
0x4f: {  	_ =	shalt  }
0x50: {  	_ =	shalt  }
0x51: {  	_ =	shalt  }
0x52: {  	_ =	shalt  }
0x53: {  	_ =	shalt  }
0x54: {  	_ =	shalt  }
0x55: {  	_ =	shalt  }
0x56: {  	_ =	shalt  }
0x57: {  	_ =	shalt  }
0x58: {  	_ =	shalt  }
0x59: {  	_ =	shalt  }
0x5a: {  	_ =	shalt  }
0x5b: {  	_ =	shalt  }
0x5c: {  	_ =	shalt  }
0x5d: {  	_ =	shalt  }
0x5e: {  	_ =	shalt  }
0x5f: {  	_ =	shalt  }
0x60: {  	_ =	shalt  }
0x61: {  	_ =	shalt  }
0x62: {  	_ =	shalt  }
0x63: {  	_ =	shalt  }
0x64: {  	_ =	shalt  }
0x65: {  	_ =	shalt  }
0x66: {  	_ =	shalt  }
0x67: {  	_ =	shalt  }
0x68: {  	_ =	shalt  }
0x69: {  	_ =	shalt  }
0x6a: {  	_ =	shalt  }
0x6b: {  	_ =	shalt  }
0x6c: {  	_ =	shalt  }
0x6d: {  	_ =	shalt  }
0x6e: {  	_ =	shalt  }
0x6f: {  	_ =	shalt  }
0x70: {  	_ =	shalt  }
0x71: {  	_ =	shalt  }
0x72: {  	_ =	shalt  }
0x73: {  	_ =	shalt  }
0x74: {  	_ =	shalt  }
0x75: {  	_ =	shalt  }
0x76: {  	_ =	shalt  }
0x77: {  	_ =	shalt  }
0x78: {  	_ =	shalt  }
0x79: {  	_ =	shalt  }
0x7a: {  	_ =	shalt  }
0x7b: {  	_ =	shalt  }
0x7c: {  	_ =	shalt  }
0x7d: {  	_ =	shalt  }
0x7e: {  	_ =	shalt  }
0x7f: {  	_ =	shalt  }
0x80: {  	_ =	shalt  }
0x81: {  	_ =	shalt  }
0x82: {  	_ =	shalt  }
0x83: {  	_ =	shalt  }
0x84: {  	_ =	shalt  }
0x85: {  	_ =	shalt  }
0x86: {  	_ =	shalt  }
0x87: {  	_ =	shalt  }
.Lfunc_end0:
.L_simem_size_0:
called_computation_lowered:
.L_overlay_start_0:
0x88: {  	s2 =	sld [smem:$0x3FD9]  }
0x89: {  	s3 =	sld [smem:$0x3FFE];
	_ =	sdelay $0x1  }
0x8a: {  	s1 =	srdreg.scid  }
0x8b: {  	s0 =	sand.u32 $0x1, s1  }
0x8c: {  	s14 =	sshll.u32 s0, $0xA;
	s2 =	sadd.s32 s3, s2  }
0x8d: {  	s2 =	sadd.s32 s2, s14  }
0x8e: {  	[smem:$0x3FB7] =	sst s2  }
0x8f: {  	_ = 	snop  }
0x90: {  	s2 =	sld [smem:$0x3FD0];
	_ =	sdelay $0x2  }
0x91: {  	s15 =	simm.s32 $0xA;
	s4 =	simm.s32 $0x10  }
0x92: {  	[smem:s4], [sflag:s15] =	dma.local [hbm:s2], $0x1  }
0x93: {  	_ =	swait.eq [sflag:s15], $0x1  }
0x94: {  	[sflag:s15] =	ssyncset.done $0x0  }
0x95: {  	[sflag:s15] =	ssyncadd.s32 $0xFFFFFFFF  }
0x96: {  	s16 =	sld [smem:$0x12];
	(tm) =	ssettm $0x1  }
0x97: {  	s17 =	sld [smem:$0x3FFB];
	_ =	sdelay $0x3  }
0x98: {  	_ =	strace s17  }
0x99: {  	s3 =	sld [smem:$0x3FFC];
	_ =	sdelay $0x3  }
0x9a: {  	_ =	strace s3  }
0x9b: {  	s3 =	sld [smem:$0x3FFD];
	_ =	sdelay $0x3  }
0x9c: {  	_ =	strace s3  }
0x9d: {  	_ =	strace $0x8FFFFFFF  }
0x9e: {  	s18 =	sld [smem:$0x3FDB];
	_ =	sdelay $0x1  }
0x9f: {  	s19 =	simm.s32 $_scs_section_size  }
0xa0: {  	s5 =	simm.s32 $_size__tile_overlayer_lowered;
	s6 =	simm.s32 $_tile_overlayer_lowered  }
0xa1: {  	s22 =	simm.s32 $0x1BFF;
	s21 =	sshll.u32 s6, $0x1;
	s3 =	sadd.s32 s19, s18  }
0xa2: {  	s7 =	simm.s32 $0x0;
	s20 =	sshll.u32 s5, $0x1;
	s5 =	sadd.s32 s21, s3  }
0xa3: {  	[timem:s7], [sflag:s22] =	dma.local [hbm:s5], s20  }
0xa4: {  	_ =	swait.ge [sflag:s22], s20  }
0xa5: {  	s4 =	ssub.s32 $0x0, s20;
	[sflag:s22] =	ssyncset.done $0x0  }
0xa6: {  	[sflag:s22] =	ssyncadd.s32 s4;
	_ =	sdelay $0x1  }
0xa7: {  	s23 =	simm.s32 $0x1B8B  }
0xa8: {  	_ =	swait.ge [sflag:s23], $0x1  }
0xa9: {  	[sflag:s23] =	ssyncset.done $0x0  }
0xaa: {  	s25 =	simm.s32 $0x1B8E;
	s24 =	sld [smem:$0x3FFE];
	[sflag:s23] =	ssyncadd.s32 $0xFFFFFFFF  }
0xab: {  	s26 =	simm.s32 $execute0_lowered;
	[smem:$0x3FD2] =	sst s25  }
0xac: {  	s5 =	sshll.u32 s26, $0x1;
	_ =	strace $0x80000046;
	[dreg:$0x1] =	wrdreg $0xFFFFFFFF  }
0xad: {  	s28 =	simm.s32 $_size_execute0_lowered;
	s3 =	sadd.s32 s3, s5;
	[dreg:$0x0] =	wrdreg $0x0  }
0xae: {  	s5 =	sshll.u32 s28, $0x1;
	[dreg:$0x2] =	wrdreg s3  }
0xaf: {  	[dreg:$0x3] =	wrdreg s5  }
0xb0: {  	[dreg:$0x4] =	wrdreg $0xC0  }
0xb1: {  	_ =	task [dreg:s7], $0x5FFFF  }
0xb2: {  	[dreg:$0x1] =	wrdreg $0xFFFFFFFF  }
0xb3: {  	[dreg:$0x0] =	wrdreg $0x60  }
0xb4: {  	[dreg:$0x2] =	wrdreg s24  }
0xb5: {  	[dreg:$0x3] =	wrdreg s16  }
0xb6: {  	[dreg:$0x4] =	wrdreg $0x2B000  }
0xb7: {  	[dreg:$0x5] =	wrdreg $0x9  }
0xb8: {  	_ =	task.clear_ibuf [dreg:s7], $0x6FFFF;
	_ =	strace $0x90000046  }
0xb9: {  	s29 =	simm.s32 $0x9;
	_ =	strace $0x80000048  }
0xba: {  	_ =	swait.ge [sflag:s29], $0x1  }
0xbb: {  	[sflag:s29] =	ssyncadd.s32 $0xFFFFFFFF  }
0xbc: {  	_ =	strace $0x90000048  }
0xbd: {  	_ =	sfence  }
0xbe: {  	s30 =	sld [smem:$0x0];
	_ =	sdelay $0x2  }
0xbf: {  	s31 =	sshll.u32 s1, $0xD;
	s1 =	sshrl.u32 s1, $0x2  }
0xc0: {  	s3 =	sand.u32 $0x4000, s31;
	s1 =	sadd.s32 s1, s30  }
0xc1: {  	s0 =	sor.u32 s3, s0;
	s1 =	sshll.u32 s1, $0x11  }
0xc2: {  	s0 =	sor.u32 s1, s0  }
0xc3: {  	s0 =	sadd.s32 $0x8F2B, s0  }
0xc4: {  	[sflag:s0] =	ssyncadd.remote.s32 $0x1  }
0xc5: {  	_ =	sfence.sel $0xFFFF  }
0xc6: {  	[dreg:$0x0] =	wrdreg $0xFFFFFFFF;
	(pc) =	sbr.abs _section_cstart, $3  }
0xc7: {  	[dreg:$0x1] =	wrdreg $0xFFFFFFFF  }
0xc8: {  	_ =	task.clear_ibuf [dreg:s7], $0x2FFFF;
	_ =	strace $0x9FFFFFFF  }
0xc9: {  	(tm) =	ssettm $0x7FFFFFFF  }
tec
execute0_lowered:
.L_overlay_start_1:
0x0: {  	(tag) =	ssettag $0x1  }
0x1: {  	s5 =	rddreg [dreg:$0x0]  }
0x2: {  	s2 =	rddreg [dreg:$0x1]  }
0x3: {  	s3 =	rddreg [dreg:$0x2]  }
0x4: {  	s0 =	srdreg.scid;
	s1 =	rddreg [dreg:$0x3]  }
0x5: {  	s4 =	simm.s32 $0x0;
	s11 =	simm.s32 $0x2800;
	s14 =	simm.s32 $0x0  }
0x6: {  	s6 =	sand.u32 $0x1, s0;
	s0 =	stileid.u32;
	[smem:$0x7FF] =	sst s4  }
0x7: {  	s7 =	sshll.u32 s6, $0x4;
	s6 =	ssub.s32 $0x2, s6;
	s9 =	smul.u32 $0xA00, s0  }
0x8: {  	_ =	strace $0x80000047;
	s13 =	smul.u32 $0xA0, s0;
	s8 =	sor.u32 s0, s7  }
0x9: {  	s10 =	sshrl.u32 s6, $0x1;
	s7 =	sadd.s32 s7, s5;
	s8 =	smul.u32 $0x500, s8  }
0xa: {  	s10 =	ssub.s32 s6, s10;
	s31 =	sshrl.u32 s9, $0x2;
	s12 =	sadd.s32 $0x17600, s7  }
0xb: {  	s9 =	simm.s32 $0x1;
	s7 =	smax.u32 s10, $0x1;
	s10 =	simm.s32 $0x80  }
0xc: {  	s12 =	sadd.s32 s13, s12;
	s13 =	simm.s32 $0x100;
	s8 =	sadd.s32 s8, s5  }
0xd: {  	v0 =	vimm.f32 $1.000000000e+00;
	s5 =	sadd.s32 s31, s3;
	s6 =	sadd.s32 $0x3600, s8;
	s8 =	simm.s32 $0x2880  }
.LBB2_1:
0xe: {  	[tilespmem:$0x2800] =	vst v0  }
0xf: {  	[tilespmem:$0x2810] =	vst v0  }
0x10: {  	[tilespmem:$0x2820] =	vst v0  }
0x11: {  	[tilespmem:$0x2830] =	vst v0  }
0x12: {  	[tilespmem:$0x2840] =	vst v0  }
0x13: {  	[tilespmem:$0x2850] =	vst v0  }
0x14: {  	[tilespmem:$0x2860] =	vst v0  }
0x15: {  	[tilespmem:$0x2870] =	vst v0  }
0x16: {  	[tilespmem:s8], [sflag:$0x1] =	stream.linear.gather [hbm4b:s2+s4], $0x280, $0x38;
	[tilespmem:$0x2D80] =	vst v63  }
0x17: {  	_ =	swait.ge [sflag:s9], $0x280  }
0x18: {  	[sflag:s9] =	ssyncset.done $0x0  }
0x19: {  	[sflag:s9] =	ssyncadd.s32 $0xFFFFFD80  }
0x1a: {  	[spmem:s5] =	stream.linear.scatter [tilespmem:s8], [sflag:$0x1], $0x280, $0x38;
	[tilespmem:$0x2D80] =	vst v63  }
0x1b: {  	_ =	swait.ge [sflag:s9], $0x280  }
0x1c: {  	[sflag:s9] =	ssyncset.done $0x0  }
0x1d: {  	[sflag:s9] =	ssyncadd.s32 $0xFFFFFD80  }
0x1e: {  	[tilespmem:s4], [sflag:$0x1] =	stream.linear.gather [hbm4b:s6+s4], $0x2800, $0x38;
	[tilespmem:$0x2D80] =	vst v63  }
0x1f: {  	_ =	swait.ge [sflag:s9], $0x2800  }
0x20: {  	[sflag:s9] =	ssyncset.done $0x0  }
0x21: {  	[sflag:s9] =	ssyncadd.s32 $0xFFFFD800  }
0x22: {  	s15 =	simm.s32 $0x0;
	[bflag:$0x0] =	sbarrier.arrive $0xFFFF  }
0x23: {  	[spmem:s3] =	stream.indirect.scatter.add.f32 [tilespmem:s11], [sflag:$0x1], $0x1, s15, s10, $0xb8;
	[tilespmem:$0x2D80] =	vst v63  }
0x24: {  	_ =	swait.ge [sflag:s9], $0x80  }
0x25: {  	s15 =	simm.s32 $0x200;
	[sflag:s9] =	ssyncset.done $0x0  }
.LBB2_2:
0x26: {  	s16 =	sshra.s32 s15, $0x2;
	[sflag:s9] =	ssyncadd.s32 $0xFFFFFF80;
	p0 =	sne.s32 s15, $0x9E00  }
0x27: {  	[spmem:s3] =	stream.indirect.scatter.add.f32 [tilespmem:s11], [sflag:$0x1], $0x1, s16, s10, $0xb8;
	[tilespmem:$0x2D80] =	vst v63  }
.Ltmp0:
0x28: {  	_ = 	snop;
	(pc) =	sbr.rel @p0 .LBB2_2-.Ltmp0, $4  }
0x29: {  	_ = 	snop  }
0x2a: {  	s15 =	sadd.s32 $0x200, s15  }
0x2b: {  	_ =	swait.ge [sflag:s9], $0x80  }
0x2c: {  	[sflag:s9] =	ssyncset.done $0x0  }
0x2d: {  	[sflag:s9] =	ssyncadd.s32 $0xFFFFFF80  }
0x2e: {  	[bflag:$0x0] =	sbarrier.arrive $0xFFFF  }
0x2f: {  	[tilespmem:s8], [sflag:$0x1] =	stream.linear.gather [spmem:s5], $0x280, $0x38;
	[tilespmem:$0x2D80] =	vst v63  }
0x30: {  	s14 =	sadd.s32 $0x1, s14;
	_ =	swait.ge [sflag:s9], $0x280  }
0x31: {  	p0 =	sne.s32 s14, s7;
	[sflag:s9] =	ssyncset.done $0x0  }
.Ltmp1:
0x32: {  	[sflag:s9] =	ssyncadd.s32 $0xFFFFFD80;
	(pc) =	sbr.rel @p0 .LBB2_1-.Ltmp1, $4  }
0x33: {  	[hbm4b:s12+s10] =	stream.strided.scatter [tilespmem:s8], [sflag:$0x1], $0x280, s13, s10, $0x38;
	[tilespmem:$0x2D80] =	vst v63  }
0x34: {  	_ =	swait.ge [sflag:s9], $0x280  }
0x35: {  	[sflag:s9] =	ssyncset.done $0x0  }
0x36: {  	[sflag:s9] =	ssyncadd.s32 $0xFFFFFD80  }
0x37: {  	_ =	sfence.sel $0x180000  }
0x38: {  	[bflag:$0x0] =	sbarrier.arrive $0xFFFF  }
0x39: {  	p0 =	sne.s32 s0, $0x0;
	_ =	strace $0x90000047  }
0x3a: {  	s0 =	sadd.s32 @!p0 $0x100000, s1;
	[bflag:$0x2] =	sbarrier.arrive $0xFFFF  }
0x3b: {  	[sflag:s0] =	ssyncadd.tile.s32 @!p0 $0x1;
	_ =	shalt  }
.Lfunc_end2:
_tile_overlayer_lowered:
.L_overlay_start_2:
0x3c: {  	(tag) =	ssettag $0x2  }
0x3d: {  	s0 =	rddreg [dreg:$0x0];
	s2 =	stileid.u32  }
0x3e: {  	s1 =	rddreg [dreg:$0x1];
	p0 =	sne.s32 s2, $0x0  }
0x3f: {  	s3 =	rddreg [dreg:$0x2];
	[bflag:$0x3] =	sbarrier.arrive $0xFFFF;
	s2 =	simm.s32 @!p0 $0x1C01  }
0x40: {  	[timem:s3], [sflag:s2] =	dma.local @!p0 [hbm:s0], s1  }
0x41: {  	s0 =	simm.s32 @!p0 $0x1  }
0x42: {  	_ =	swait.ge @!p0 [sflag:s0], s1  }
0x43: {  	s1 =	ssub.s32 @!p0 $0x0, s1;
	[sflag:s0] =	ssyncset.done @!p0 $0x0  }
0x44: {  	[sflag:s0] =	ssyncadd.s32 @!p0 s1  }
0x45: {  	[bflag:$0x3] =	sbarrier.arrive $0xFFFF  }
0x46: {  	_ =	shalt  }

// kernel: kernel.9.cloned.1.call-start
scs
__scs_entry_jumppad:
0x0: {  	(pc) =	sbr.rel $0x88, $3  }
0x1: {  	(tag) =	ssettag $0x0;
	lr =	simm.s32 $0x1  }
0x2: {  	[smem:$0x3F90] =	sst lr;
	_ =	strace $0xD0000000  }
0x3: {  	_ = 	snop  }
0x4: {  	_ = 	snop  }
0x5: {  	_ = 	snop  }
0x6: {  	_ = 	snop  }
0x7: {  	_ = 	snop  }
__scs_overlays_trampoline_lowered:
0x8: {  	[smem:$0x3F9F] =	sst s0  }
0x9: {  	[smem:$0x3FA0] =	sst s1  }
0xa: {  	[smem:$0x3FA1] =	sst s2  }
0xb: {  	[smem:$0x3FA2] =	sst s3  }
0xc: {  	[smem:$0x3FA3] =	sst s4  }
0xd: {  	[smem:$0x3FA4] =	sst s5  }
0xe: {  	[smem:$0x3FA5] =	sst s6  }
0xf: {  	[smem:$0x3FA6] =	sst s7  }
0x10: {  	[smem:$0x3FA7] =	sst s8  }
0x11: {  	[smem:$0x3FA8] =	sst s9;
	s0 =	simm.s32 @!p0 $0x0  }
0x12: {  	s1 =	sld [smem:$0x3F8E];
	s0 =	simm.s32 @p0 $0x1  }
0x13: {  	[smem:$0x3FA9] =	sst s0;
	s0 =	simm.s32 @!p1 $0x0  }
0x14: {  	s2 =	sld [smem:$0x3F8D];
	s0 =	simm.s32 @p1 $0x1  }
0x15: {  	[smem:$0x3FAA] =	sst s0;
	s0 =	simm.s32 @!p2 $0x0  }
0x16: {  	s3 =	sld [smem:$0x3FDB];
	s0 =	simm.s32 @p2 $0x1  }
0x17: {  	s4 =	simm.s32 $0x1BF5;
	[smem:$0x3FAC] =	sst s0  }
0x18: {  	s0 =	sld [smem:$0x3F8F];
	_ =	swait.ge [sflag:s4], $0x0  }
0x19: {  	s7 =	sld [smem:$0x3F90]  }
0x1a: {  	s8 =	sadd.s32 $0xFFFFE003, lr  }
0x1b: {  	s9 =	sadd.s32 $0xFFFFFEF7, lr;
	s5 =	simm.s32 $0xFFFFFFFF;
	p2 =	slt.u32 s8, $0xFFFFF086  }
0x1c: {  	p1 =	slt.u32 s9, $0xF7A;
	s5 =	simm.s32 @!p2 $0x0  }
0x1d: {  	s5 =	simm.s32 @p1 $0x1;
	p0 =	seq.s32 s7, s2  }
0x1e: {  	s7 =	smul.u32 @!p0 $0xF7A, s2;
	p2 =	seq.s32 @!p0 s5, $0x0  }
0x1f: {  	s9 =	smul.u32 $0xF7A, s1;
	s8 =	simm.s32 @!p0 $0x1BF5;
	p2 =	por !p2, p0  }
0x20: {  	[sflag:s8] =	ssyncset.s32 @!p0 $0xFFFFF086;
	s6 =	sadd.s32 @!p0 s3, s7;
	s7 =	simm.s32 @!p0 $0x108  }
0x21: {  	s3 =	sadd.s32 s3, s9;
	s6 =	sadd.s32 @!p0 $0x88, s6;
	s7 =	simm.s32 @p2 $0x1082  }
0x22: {  	[simem:s7], [sflag:s8] =	dma.local @!p0 [hbm:s6], $0xF7A  }
0x23: {  	s9 =	sor.u32 $0xD0000000, s2;
	s6 =	simm.s32 $0x108;
	_ =	swait.ge @!p0 [sflag:s8], $0x0  }
0x24: {  	s3 =	sadd.s32 $0x88, s3;
	s6 =	simm.s32 @!p1 $0x1082;
	[sflag:s4] =	ssyncset.s32 $0xFFFFF086  }
0x25: {  	[simem:s6], [sflag:s4] =	dma.local [hbm:s3], $0xF7A  }
0x26: {  	[smem:$0x3F90] =	sst s1;
	(tag) =	ssettag s2;
	_ =	strace s9  }
0x27: {  	s1 =	sld [smem:$0x3FA0]  }
0x28: {  	s2 =	sld [smem:$0x3FA1]  }
0x29: {  	s4 =	sld [smem:$0x3FA3]  }
0x2a: {  	p0 =	seq.s32 s5, $0x0;
	s5 =	sld [smem:$0x3FA4]  }
0x2b: {  	s6 =	sld [smem:$0x3FA5]  }
0x2c: {  	s7 =	sld [smem:$0x3FA6]  }
0x2d: {  	s3 =	simm.s32 $0x108;
	s8 =	sld [smem:$0x3FA7]  }
0x2e: {  	s3 =	simm.s32 @!p0 $0x1082;
	s9 =	sld [smem:$0x3FA8]  }
0x2f: {  	lr =	sadd.s32 s0, s3;
	s0 =	sld [smem:$0x3F9F]  }
0x30: {  	s3 =	sld [smem:$0x3FA2]  }
0x31: {  	[smem:$0x3FAB] =	sst s10  }
0x32: {  	s10 =	sld [smem:$0x3FA9];
	_ =	sdelay $0x3  }
0x33: {  	p0 =	seq.s32 s10, $0x1;
	s10 =	sld [smem:$0x3FAB];
	_ =	sdelay $0x3  }
0x34: {  	[smem:$0x3FAB] =	sst s10  }
0x35: {  	s10 =	sld [smem:$0x3FAA];
	_ =	sdelay $0x3  }
0x36: {  	p1 =	seq.s32 s10, $0x1;
	s10 =	sld [smem:$0x3FAB];
	_ =	sdelay $0x3  }
0x37: {  	[smem:$0x3FAB] =	sst s10  }
0x38: {  	s10 =	sld [smem:$0x3FAC]  }
0x39: {  	_ = 	snop;
	(pc) =	sbr.ind lr, $3  }
0x3a: {  	_ = 	snop  }
0x3b: {  	_ = 	snop  }
0x3c: {  	p2 =	seq.s32 s10, $0x1;
	s10 =	sld [smem:$0x3FAB]  }
0x3d: {  	_ =	shalt  }
0x3e: {  	_ =	shalt  }
0x3f: {  	_ =	shalt  }
0x40: {  	_ =	shalt  }
0x41: {  	_ =	shalt  }
0x42: {  	_ =	shalt  }
0x43: {  	_ =	shalt  }
0x44: {  	_ =	shalt  }
0x45: {  	_ =	shalt  }
0x46: {  	_ =	shalt  }
0x47: {  	_ =	shalt  }
0x48: {  	_ =	shalt  }
0x49: {  	_ =	shalt  }
0x4a: {  	_ =	shalt  }
0x4b: {  	_ =	shalt  }
0x4c: {  	_ =	shalt  }
0x4d: {  	_ =	shalt  }
0x4e: {  	_ =	shalt  }
0x4f: {  	_ =	shalt  }
0x50: {  	_ =	shalt  }
0x51: {  	_ =	shalt  }
0x52: {  	_ =	shalt  }
0x53: {  	_ =	shalt  }
0x54: {  	_ =	shalt  }
0x55: {  	_ =	shalt  }
0x56: {  	_ =	shalt  }
0x57: {  	_ =	shalt  }
0x58: {  	_ =	shalt  }
0x59: {  	_ =	shalt  }
0x5a: {  	_ =	shalt  }
0x5b: {  	_ =	shalt  }
0x5c: {  	_ =	shalt  }
0x5d: {  	_ =	shalt  }
0x5e: {  	_ =	shalt  }
0x5f: {  	_ =	shalt  }
0x60: {  	_ =	shalt  }
0x61: {  	_ =	shalt  }
0x62: {  	_ =	shalt  }
0x63: {  	_ =	shalt  }
0x64: {  	_ =	shalt  }
0x65: {  	_ =	shalt  }
0x66: {  	_ =	shalt  }
0x67: {  	_ =	shalt  }
0x68: {  	_ =	shalt  }
0x69: {  	_ =	shalt  }
0x6a: {  	_ =	shalt  }
0x6b: {  	_ =	shalt  }
0x6c: {  	_ =	shalt  }
0x6d: {  	_ =	shalt  }
0x6e: {  	_ =	shalt  }
0x6f: {  	_ =	shalt  }
0x70: {  	_ =	shalt  }
0x71: {  	_ =	shalt  }
0x72: {  	_ =	shalt  }
0x73: {  	_ =	shalt  }
0x74: {  	_ =	shalt  }
0x75: {  	_ =	shalt  }
0x76: {  	_ =	shalt  }
0x77: {  	_ =	shalt  }
0x78: {  	_ =	shalt  }
0x79: {  	_ =	shalt  }
0x7a: {  	_ =	shalt  }
0x7b: {  	_ =	shalt  }
0x7c: {  	_ =	shalt  }
0x7d: {  	_ =	shalt  }
0x7e: {  	_ =	shalt  }
0x7f: {  	_ =	shalt  }
0x80: {  	_ =	shalt  }
0x81: {  	_ =	shalt  }
0x82: {  	_ =	shalt  }
0x83: {  	_ =	shalt  }
0x84: {  	_ =	shalt  }
0x85: {  	_ =	shalt  }
0x86: {  	_ =	shalt  }
0x87: {  	_ =	shalt  }
.Lfunc_end0:
.L_simem_size_0:
called_computation.1_lowered:
.L_overlay_start_0:
0x88: {  	s2 =	sld [smem:$0x3FD9]  }
0x89: {  	s3 =	sld [smem:$0x3FFE];
	_ =	sdelay $0x1  }
0x8a: {  	s1 =	srdreg.scid  }
0x8b: {  	s0 =	sand.u32 $0x1, s1  }
0x8c: {  	s16 =	sshll.u32 s0, $0xA;
	s2 =	sadd.s32 s3, s2  }
0x8d: {  	s2 =	sadd.s32 s2, s16  }
0x8e: {  	[smem:$0x3FB7] =	sst s2  }
0x8f: {  	_ = 	snop  }
0x90: {  	(tm) =	ssettm $0x1  }
0x91: {  	s17 =	sld [smem:$0x3FFB];
	_ =	sdelay $0x3  }
0x92: {  	_ =	strace s17  }
0x93: {  	s2 =	sld [smem:$0x3FFC];
	_ =	sdelay $0x3  }
0x94: {  	_ =	strace s2  }
0x95: {  	s2 =	sld [smem:$0x3FFD];
	_ =	sdelay $0x3  }
0x96: {  	_ =	strace s2  }
0x97: {  	_ =	strace $0x8FFFFFFF  }
0x98: {  	s18 =	sld [smem:$0x3FDB];
	_ =	sdelay $0x1  }
0x99: {  	s19 =	simm.s32 $_scs_section_size  }
0x9a: {  	s4 =	simm.s32 $_size__tile_overlayer_lowered;
	s5 =	simm.s32 $_tile_overlayer_lowered  }
0x9b: {  	s22 =	simm.s32 $0x1BFF;
	s21 =	sshll.u32 s5, $0x1;
	s2 =	sadd.s32 s19, s18  }
0x9c: {  	s6 =	simm.s32 $0x0;
	s20 =	sshll.u32 s4, $0x1;
	s4 =	sadd.s32 s21, s2  }
0x9d: {  	[timem:s6], [sflag:s22] =	dma.local [hbm:s4], s20  }
0x9e: {  	_ =	swait.ge [sflag:s22], s20  }
0x9f: {  	s3 =	ssub.s32 $0x0, s20;
	[sflag:s22] =	ssyncset.done $0x0  }
0xa0: {  	[sflag:s22] =	ssyncadd.s32 s3;
	_ =	sdelay $0x1  }
0xa1: {  	s23 =	simm.s32 $0x1B8B  }
0xa2: {  	_ =	swait.ge [sflag:s23], $0x1  }
0xa3: {  	[sflag:s23] =	ssyncset.done $0x0  }
0xa4: {  	s25 =	simm.s32 $0x1B8E;
	s24 =	sld [smem:$0x3FFE];
	[sflag:s23] =	ssyncadd.s32 $0xFFFFFFFF  }
0xa5: {  	s26 =	simm.s32 $execute0_lowered;
	[smem:$0x3FD2] =	sst s25  }
0xa6: {  	s4 =	sshll.u32 s26, $0x1;
	_ =	strace $0x80000049;
	[dreg:$0x1] =	wrdreg $0xFFFFFFFF  }
0xa7: {  	s28 =	simm.s32 $_size_execute0_lowered;
	s2 =	sadd.s32 s2, s4;
	[dreg:$0x0] =	wrdreg $0x0  }
0xa8: {  	s4 =	sshll.u32 s28, $0x1;
	[dreg:$0x2] =	wrdreg s2  }
0xa9: {  	[dreg:$0x3] =	wrdreg s4  }
0xaa: {  	[dreg:$0x4] =	wrdreg $0xC0  }
0xab: {  	_ =	task [dreg:s6], $0x5FFFF  }
0xac: {  	[dreg:$0x1] =	wrdreg $0xFFFFFFFF  }
0xad: {  	[dreg:$0x0] =	wrdreg $0x60  }
0xae: {  	[dreg:$0x2] =	wrdreg s24  }
0xaf: {  	[dreg:$0x3] =	wrdreg $0xA8000  }
0xb0: {  	[dreg:$0x4] =	wrdreg $0x9  }
0xb1: {  	_ =	task.clear_ibuf [dreg:s6], $0x5FFFF;
	_ =	strace $0x90000049  }
0xb2: {  	s29 =	simm.s32 $0x9;
	_ =	strace $0x8000004B  }
0xb3: {  	_ =	swait.ge [sflag:s29], $0x1  }
0xb4: {  	[sflag:s29] =	ssyncadd.s32 $0xFFFFFFFF  }
0xb5: {  	_ =	strace $0x9000004B  }
0xb6: {  	_ =	sfence  }
0xb7: {  	s30 =	sld [smem:$0x0];
	_ =	sdelay $0x2  }
0xb8: {  	s31 =	sshll.u32 s1, $0xD;
	s1 =	sshrl.u32 s1, $0x2  }
0xb9: {  	s3 =	sand.u32 $0x4000, s31;
	s1 =	sadd.s32 s1, s30  }
0xba: {  	s0 =	sor.u32 s3, s0;
	s1 =	sshll.u32 s1, $0x11  }
0xbb: {  	s0 =	sor.u32 s1, s0  }
0xbc: {  	s0 =	sadd.s32 $0x8F2B, s0  }
0xbd: {  	[sflag:s0] =	ssyncadd.remote.s32 $0x1  }
0xbe: {  	_ =	sfence.sel $0xFFFF  }
0xbf: {  	[dreg:$0x0] =	wrdreg $0xFFFFFFFF;
	(pc) =	sbr.abs _section_cstart, $3  }
0xc0: {  	[dreg:$0x1] =	wrdreg $0xFFFFFFFF  }
0xc1: {  	_ =	task.clear_ibuf [dreg:s6], $0x2FFFF;
	_ =	strace $0x9FFFFFFF  }
0xc2: {  	(tm) =	ssettm $0x7FFFFFFF  }
0xc3: {  	_ =	shalt  }
tec
execute0_lowered:
.L_overlay_start_1:
0x0: {  	(tag) =	ssettag $0x1  }
0x1: {  	s0 =	rddreg [dreg:$0x0]  }
0x2: {  	s1 =	rddreg [dreg:$0x1];
	s2 =	simm.s32 $0x0  }
0x3: {  	s3 =	srdreg.scid;
	s24 =	stileid.u32;
	s28 =	simm.s32 $0x1400  }
0x4: {  	s29 =	simm.s32 $0x80;
	s30 =	simm.s32 $0x6800;
	s9 =	smul.u32 $0x280, s24  }
0x5: {  	s31 =	simm.s32 $0x1;
	[smem:$0x7FF] =	sst s2;
	s10 =	smul.u32 $0x50000, s24  }
0x6: {  	s3 =	sand.u32 $0x1, s3;
	s4 =	sadd.s32 $0x17600, s0;
	s13 =	smul.u32 $0x3C00, s24  }
0x7: {  	s11 =	sadd.s32 $0xD600, s0;
	s12 =	sadd.s32 $0x3600, s0;
	s14 =	smul.u32 $0x780, s24  }
0x8: {  	s5 =	sadd.s32 $0x3E800, s0;
	s16 =	smul.u32 $0x1400, s24;
	_ =	strace $0x8000004A  }
0x9: {  	s6 =	smul.u32 $0x28000, s3;
	s7 =	ssub.s32 $0x2, s3;
	p0 =	seq.s32 s3, $0x1  }
0xa: {  	s8 =	sshrl.u32 s7, $0x1;
	s18 =	sshrl.u32 s10, $0x2;
	s20 =	sadd.s32 $0x80, s9  }
0xb: {  	s21 =	sadd.s32 $0x100, s9;
	s15 =	sshrl.u32 s13, $0x3;
	s13 =	sadd.s32 s11, s14  }
0xc: {  	s16 =	sshrl.u32 s16, $0x3;
	s0 =	sadd.s32 s6, s0;
	s19 =	ssub.s32 s7, s8  }
0xd: {  	s6 =	sadd.s32 s18, s1;
	s22 =	sshll.u32 s20, $0x7;
	s23 =	sshll.u32 s21, $0x7  }
0xe: {  	[dreg:$0x3] =	wrdreg s13;
	s17 =	sadd.s32 $0x280, s15;
	s18 =	sadd.s32 s12, s14  }
0xf: {  	s13 =	smul.u32 $0x2800, s24;
	s14 =	sshll.u32 s20, $0x4;
	s24 =	sshll.u32 s21, $0x4  }
0x10: {  	s7 =	sadd.s32 s22, s1;
	s8 =	sadd.s32 s23, s1;
	s22 =	sadd.s32 $0x180, s9  }
0x11: {  	s23 =	sadd.s32 $0x200, s9;
	[dreg:$0x4] =	wrdreg s18;
	s3 =	sadd.s32 s12, s17  }
0x12: {  	s18 =	sadd.s32 $0x7800, s16;
	s0 =	sadd.s32 $0x3F000, s0;
	s19 =	smax.u32 s19, $0x1  }
0x13: {  	s25 =	sshll.u32 s22, $0x7;
	s26 =	sshll.u32 s23, $0x7;
	[dreg:$0x6] =	wrdreg s3  }
0x14: {  	s20 =	sadd.s32 s13, s0;
	s21 =	sadd.s32 s14, s0;
	s3 =	simm.s32 $0x0  }
0x15: {  	s9 =	sadd.s32 s25, s1;
	s10 =	sadd.s32 s26, s1;
	s25 =	sadd.s32 s11, s17  }
.Ltmp0:
0x16: {  	s26 =	sadd.s32 $0x500, s15;
	s17 =	sadd.s32 s11, s18;
	(pc) =	sbr.rel .LBB2_1-.Ltmp0, $4  }
0x17: {  	s18 =	sadd.s32 s12, s18;
	[dreg:$0x5] =	wrdreg s25;
	s15 =	sadd.s32 s11, s26  }
0x18: {  	s16 =	sadd.s32 s12, s26;
	s26 =	sshll.u32 s22, $0x4;
	s25 =	sshll.u32 s23, $0x4  }
0x19: {  	s22 =	sadd.s32 s24, s0;
	s23 =	sadd.s32 s26, s0;
	s24 =	sadd.s32 s25, s0  }
0x1a: {  	s25 =	simm.s32 $0x2800;
	s26 =	simm.s32 $0x3;
	s0 =	simm.s32 $0x2  }
.LBB2_11:
0x1b: {  	s11 =	sshra.s32 s11, $0x2;
	[sflag:s26] =	ssyncadd.s32 $0xFFFFC000  }
0x1c: {  	[tilespmem:s25], [sflag:$0x1] =	stream.indirect.gather [hbm4b:s4+s29], $0x80, s11, s29, $0xb8;
	[tilespmem:$0x1E800] =	vst v63  }
0x1d: {  	s12 =	sadd.s32 $0x80, s11  }
0x1e: {  	[tilespmem:s30], [sflag:$0x2] =	stream.indirect.gather [hbm4b:s4+s29], $0x80, s12, s29, $0xb8;
	[tilespmem:$0x1E800] =	vst v63  }
0x1f: {  	_ =	swait.ge [sflag:s31], $0x4000  }
0x20: {  	[sflag:s31] =	ssyncset.done $0x0  }
0x21: {  	s14 =	sadd.s32 $0x1400, s11;
	[sflag:s31] =	ssyncadd.s32 $0xFFFFC000  }
0x22: {  	[spmem:s1] =	stream.indirect.scatter.add.f32 [tilespmem:s25], [sflag:$0x3], $0x80, s14, s29, $0xb8;
	[tilespmem:$0x1E800] =	vst v63  }
0x23: {  	_ =	swait.ge [sflag:s26], $0x4000  }
0x24: {  	[sflag:s26] =	ssyncset.done $0x0  }
0x25: {  	[sflag:s26] =	ssyncadd.s32 $0xFFFFC000  }
0x26: {  	_ =	swait.ge [sflag:s0], $0x4000  }
0x27: {  	[sflag:s0] =	ssyncset.done $0x0  }
0x28: {  	s11 =	sadd.s32 $0x1480, s11;
	[sflag:s0] =	ssyncadd.s32 $0xFFFFC000  }
0x29: {  	[spmem:s1] =	stream.indirect.scatter.add.f32 [tilespmem:s30], [sflag:$0x3], $0x80, s11, s29, $0xb8;
	[tilespmem:$0x1E800] =	vst v63  }
0x2a: {  	_ =	swait.ge [sflag:s26], $0x4000  }
0x2b: {  	[sflag:s26] =	ssyncset.done $0x0  }
0x2c: {  	[sflag:s26] =	ssyncadd.s32 $0xFFFFC000  }
.LBB2_12:
0x2d: {  	[bflag:$0x0] =	sbarrier.arrive $0xFFFF  }
0x2e: {  	[tilespmem:s25], [sflag:$0x3] =	stream.linear.gather [spmem:s6], $0x4000, $0x38;
	[tilespmem:$0x1E800] =	vst v63  }
0x2f: {  	_ =	swait.ge [sflag:s26], $0x4000  }
0x30: {  	[sflag:s26] =	ssyncset.done $0x0  }
0x31: {  	[sflag:s26] =	ssyncadd.s32 $0xFFFFC000  }
0x32: {  	[hbm4b:s20+s2] =	stream.linear.scatter [tilespmem:s25], [sflag:$0x3], $0x4000, $0x38;
	[tilespmem:$0x1E800] =	vst v63  }
0x33: {  	_ =	swait.ge [sflag:s26], $0x4000  }
0x34: {  	[sflag:s26] =	ssyncset.done $0x0  }
0x35: {  	[sflag:s26] =	ssyncadd.s32 $0xFFFFC000  }
0x36: {  	[tilespmem:s25], [sflag:$0x3] =	stream.linear.gather [spmem:s7], $0x4000, $0x38;
	[tilespmem:$0x1E800] =	vst v63  }
0x37: {  	_ =	swait.ge [sflag:s26], $0x4000  }
0x38: {  	[sflag:s26] =	ssyncset.done $0x0  }
0x39: {  	[sflag:s26] =	ssyncadd.s32 $0xFFFFC000  }
0x3a: {  	[hbm4b:s21+s2] =	stream.linear.scatter [tilespmem:s25], [sflag:$0x3], $0x4000, $0x38;
	[tilespmem:$0x1E800] =	vst v63  }
0x3b: {  	_ =	swait.ge [sflag:s26], $0x4000  }
0x3c: {  	[sflag:s26] =	ssyncset.done $0x0  }
0x3d: {  	[sflag:s26] =	ssyncadd.s32 $0xFFFFC000  }
0x3e: {  	[tilespmem:s25], [sflag:$0x3] =	stream.linear.gather [spmem:s8], $0x4000, $0x38;
	[tilespmem:$0x1E800] =	vst v63  }
0x3f: {  	_ =	swait.ge [sflag:s26], $0x4000  }
0x40: {  	[sflag:s26] =	ssyncset.done $0x0  }
0x41: {  	[sflag:s26] =	ssyncadd.s32 $0xFFFFC000  }
0x42: {  	[hbm4b:s22+s2] =	stream.linear.scatter [tilespmem:s25], [sflag:$0x3], $0x4000, $0x38;
	[tilespmem:$0x1E800] =	vst v63  }
0x43: {  	_ =	swait.ge [sflag:s26], $0x4000  }
0x44: {  	[sflag:s26] =	ssyncset.done $0x0  }
0x45: {  	[sflag:s26] =	ssyncadd.s32 $0xFFFFC000  }
0x46: {  	[tilespmem:s25], [sflag:$0x3] =	stream.linear.gather [spmem:s9], $0x4000, $0x38;
	[tilespmem:$0x1E800] =	vst v63  }
0x47: {  	_ =	swait.ge [sflag:s26], $0x4000  }
0x48: {  	[sflag:s26] =	ssyncset.done $0x0  }
0x49: {  	[sflag:s26] =	ssyncadd.s32 $0xFFFFC000  }
0x4a: {  	[hbm4b:s23+s2] =	stream.linear.scatter [tilespmem:s25], [sflag:$0x3], $0x4000, $0x38;
	[tilespmem:$0x1E800] =	vst v63  }
0x4b: {  	_ =	swait.ge [sflag:s26], $0x4000  }
0x4c: {  	[sflag:s26] =	ssyncset.done $0x0  }
0x4d: {  	[sflag:s26] =	ssyncadd.s32 $0xFFFFC000  }
0x4e: {  	[tilespmem:s25], [sflag:$0x3] =	stream.linear.gather [spmem:s10], $0x4000, $0x38;
	[tilespmem:$0x1E800] =	vst v63  }
0x4f: {  	s3 =	sadd.s32 $0x1, s3;
	_ =	swait.ge [sflag:s26], $0x4000  }
0x50: {  	p1 =	sne.s32 s3, s19;
	[sflag:s26] =	ssyncset.done $0x0  }
.Ltmp1:
0x51: {  	[sflag:s26] =	ssyncadd.s32 $0xFFFFC000;
	(pc) =	sbr.rel @!p1 .LBB2_13-.Ltmp1, $4  }
0x52: {  	[hbm4b:s24+s2] =	stream.linear.scatter [tilespmem:s25], [sflag:$0x3], $0x4000, $0x38;
	[tilespmem:$0x1E800] =	vst v63  }
0x53: {  	_ =	swait.ge [sflag:s26], $0x4000  }
0x54: {  	[sflag:s26] =	ssyncset.done $0x0  }
0x55: {  	[sflag:s26] =	ssyncadd.s32 $0xFFFFC000  }
.LBB2_1:
0x56: {  	[tilespmem:s25], [sflag:$0x3] =	stream.linear.gather [hbm4b:s5+s2], $0x4000, $0x38;
	[tilespmem:$0x1E800] =	vst v63  }
0x57: {  	_ =	swait.ge [sflag:s26], $0x4000  }
0x58: {  	[sflag:s26] =	ssyncset.done $0x0  }
0x59: {  	[sflag:s26] =	ssyncadd.s32 $0xFFFFC000  }
0x5a: {  	[spmem:s6] =	stream.linear.scatter [tilespmem:s25], [sflag:$0x3], $0x4000, $0x38;
	[tilespmem:$0x1E800] =	vst v63  }
0x5b: {  	_ =	swait.ge [sflag:s26], $0x4000  }
0x5c: {  	[sflag:s26] =	ssyncset.done $0x0  }
0x5d: {  	[sflag:s26] =	ssyncadd.s32 $0xFFFFC000  }
0x5e: {  	[spmem:s7] =	stream.linear.scatter [tilespmem:s25], [sflag:$0x3], $0x4000, $0x38;
	[tilespmem:$0x1E800] =	vst v63  }
0x5f: {  	_ =	swait.ge [sflag:s26], $0x4000  }
0x60: {  	[sflag:s26] =	ssyncset.done $0x0  }
0x61: {  	[sflag:s26] =	ssyncadd.s32 $0xFFFFC000  }
0x62: {  	[spmem:s8] =	stream.linear.scatter [tilespmem:s25], [sflag:$0x3], $0x4000, $0x38;
	[tilespmem:$0x1E800] =	vst v63  }
0x63: {  	_ =	swait.ge [sflag:s26], $0x4000  }
0x64: {  	[sflag:s26] =	ssyncset.done $0x0  }
0x65: {  	[sflag:s26] =	ssyncadd.s32 $0xFFFFC000  }
0x66: {  	[spmem:s9] =	stream.linear.scatter [tilespmem:s25], [sflag:$0x3], $0x4000, $0x38;
	[tilespmem:$0x1E800] =	vst v63  }
0x67: {  	_ =	swait.ge [sflag:s26], $0x4000  }
0x68: {  	[sflag:s26] =	ssyncset.done $0x0  }
0x69: {  	[sflag:s26] =	ssyncadd.s32 $0xFFFFC000  }
0x6a: {  	[spmem:s10] =	stream.linear.scatter [tilespmem:s25], [sflag:$0x3], $0x4000, $0x38;
	[tilespmem:$0x1E800] =	vst v63  }
.Ltmp2:
0x6b: {  	_ =	swait.ge [sflag:s26], $0x4000;
	(pc) =	sbr.rel @!p0 .LBB2_2-.Ltmp2, $4  }
0x6c: {  	[sflag:s26] =	ssyncset.done $0x0  }
0x6d: {  	[sflag:s26] =	ssyncadd.s32 $0xFFFFC000  }
0x6e: {  	[bflag:$0x0] =	sbarrier.arrive $0xFFFF  }
0x6f: {  	s11 =	simm.s32 $0x0  }
0x70: {  	[tilespmem:s11], [sflag:$0x3] =	stream.linear.gather [hbm4b:s17+s11], $0x1400, $0x38;
	[tilespmem:$0x1E800] =	vst v63  }
0x71: {  	_ =	swait.ge [sflag:s26], $0x1400  }
0x72: {  	[sflag:s26] =	ssyncset.done $0x0  }
0x73: {  	[sflag:s26] =	ssyncadd.s32 $0xFFFFEC00  }
0x74: {  	[tilespmem:s28], [sflag:$0x3] =	stream.linear.gather [hbm4b:s18+s11], $0x1400, $0x38;
	[tilespmem:$0x1E800] =	vst v63  }
0x75: {  	_ =	swait.ge [sflag:s26], $0x1400  }
0x76: {  	[sflag:s26] =	ssyncset.done $0x0  }
0x77: {  	s14 =	simm.s32 $0x0;
	[sflag:s26] =	ssyncadd.s32 $0xFFFFEC00  }
0x78: {  	[tilespmem:s25], [sflag:$0x1] =	stream.indirect.gather [hbm4b:s4+s29], $0x80, s14, s29, $0xb8;
	[tilespmem:$0x1E800] =	vst v63  }
0x79: {  	s12 =	simm.s32 $0x80  }
0x7a: {  	[tilespmem:s30], [sflag:$0x2] =	stream.indirect.gather [hbm4b:s4+s29], $0x80, s12, s29, $0xb8;
	[tilespmem:$0x1E800] =	vst v63  }
0x7b: {  	_ =	swait.ge [sflag:s31], $0x4000  }
0x7c: {  	[sflag:s31] =	ssyncset.done $0x0  }
0x7d: {  	s13 =	simm.s32 $0x1400;
	[sflag:s31] =	ssyncadd.s32 $0xFFFFC000  }
0x7e: {  	[spmem:s1] =	stream.indirect.scatter.add.f32 [tilespmem:s25], [sflag:$0x3], $0x80, s13, s29, $0xb8;
	[tilespmem:$0x1E800] =	vst v63  }
0x7f: {  	_ =	swait.ge [sflag:s26], $0x4000  }
0x80: {  	[sflag:s26] =	ssyncset.done $0x0  }
0x81: {  	[sflag:s26] =	ssyncadd.s32 $0xFFFFC000  }
0x82: {  	_ =	swait.ge [sflag:s0], $0x4000  }
0x83: {  	[sflag:s0] =	ssyncset.done $0x0  }
0x84: {  	s14 =	simm.s32 $0x1480;
	[sflag:s0] =	ssyncadd.s32 $0xFFFFC000  }
0x85: {  	[spmem:s1] =	stream.indirect.scatter.add.f32 [tilespmem:s30], [sflag:$0x3], $0x80, s14, s29, $0xb8;
	[tilespmem:$0x1E800] =	vst v63  }
0x86: {  	_ =	swait.ge [sflag:s26], $0x4000  }
0x87: {  	s11 =	simm.s32 $0x400;
	s12 =	simm.s32 $0x800;
	[sflag:s26] =	ssyncset.done $0x0  }
.LBB2_10:
0x88: {  	s13 =	sshra.s32 s11, $0x2  }
0x89: {  	[sflag:s26] =	ssyncadd.s32 $0xFFFFC000;
	s11 =	smov.u32 s12;
	s14 =	sadd.s32 $0x400, s12  }
0x8a: {  	[tilespmem:s25], [sflag:$0x1] =	stream.indirect.gather [hbm4b:s4+s29], $0x80, s13, s29, $0xb8;
	[tilespmem:$0x1E800] =	vst v63  }
0x8b: {  	p1 =	sne.s32 s12, $0x4C00;
	s12 =	sadd.s32 $0x80, s13  }
0x8c: {  	[tilespmem:s30], [sflag:$0x2] =	stream.indirect.gather [hbm4b:s4+s29], $0x80, s12, s29, $0xb8;
	[tilespmem:$0x1E800] =	vst v63  }
0x8d: {  	_ =	swait.ge [sflag:s31], $0x4000  }
0x8e: {  	[sflag:s31] =	ssyncset.done $0x0  }
0x8f: {  	s12 =	sadd.s32 $0x1400, s13;
	[sflag:s31] =	ssyncadd.s32 $0xFFFFC000  }
0x90: {  	[spmem:s1] =	stream.indirect.scatter.add.f32 [tilespmem:s25], [sflag:$0x3], $0x80, s12, s29, $0xb8;
	[tilespmem:$0x1E800] =	vst v63  }
0x91: {  	_ =	swait.ge [sflag:s26], $0x4000  }
0x92: {  	[sflag:s26] =	ssyncset.done $0x0  }
0x93: {  	[sflag:s26] =	ssyncadd.s32 $0xFFFFC000  }
0x94: {  	_ =	swait.ge [sflag:s0], $0x4000  }
.Ltmp3:
0x95: {  	[sflag:s0] =	ssyncset.done $0x0;
	(pc) =	sbr.rel @p1 .LBB2_10-.Ltmp3, $4  }
0x96: {  	s12 =	sadd.s32 $0x1480, s13;
	[sflag:s0] =	ssyncadd.s32 $0xFFFFC000  }
0x97: {  	[spmem:s1] =	stream.indirect.scatter.add.f32 [tilespmem:s30], [sflag:$0x3], $0x80, s12, s29, $0xb8;
	[tilespmem:$0x1E800] =	vst v63  }
0x98: {  	_ =	swait.ge [sflag:s26], $0x4000  }
0x99: {  	s12 =	smov.u32 s14;
	[sflag:s26] =	ssyncset.done $0x0  }
.Ltmp4:
0x9a: {  	_ = 	snop;
	(pc) =	sbr.rel .LBB2_11-.Ltmp4, $1  }
0x9b: {  	_ =	sdelay $0x3  }
.LBB2_2:
0x9c: {  	s12 =	rddreg [dreg:$0x3]  }
0x9d: {  	[tilespmem:s11], [sflag:$0x3] =	stream.linear.gather [hbm4b:s12+s11], $0x1400, $0x38;
	[tilespmem:$0x1E800] =	vst v63  }
0x9e: {  	_ =	swait.ge [sflag:s26], $0x1400  }
0x9f: {  	[sflag:s26] =	ssyncset.done $0x0  }
0xa0: {  	s13 =	rddreg [dreg:$0x4];
	[sflag:s26] =	ssyncadd.s32 $0xFFFFEC00  }
0xa1: {  	[tilespmem:s28], [sflag:$0x3] =	stream.linear.gather [hbm4b:s13+s11], $0x1400, $0x38;
	[tilespmem:$0x1E800] =	vst v63  }
0xa2: {  	_ =	swait.ge [sflag:s26], $0x1400  }
0xa3: {  	[sflag:s26] =	ssyncset.done $0x0  }
0xa4: {  	s14 =	simm.s32 $0x0;
	[sflag:s26] =	ssyncadd.s32 $0xFFFFEC00  }
0xa5: {  	[tilespmem:s25], [sflag:$0x1] =	stream.indirect.gather [hbm4b:s4+s29], $0x80, s14, s29, $0xb8;
	[tilespmem:$0x1E800] =	vst v63  }
0xa6: {  	s12 =	simm.s32 $0x80  }
0xa7: {  	[tilespmem:s30], [sflag:$0x2] =	stream.indirect.gather [hbm4b:s4+s29], $0x80, s12, s29, $0xb8;
	[tilespmem:$0x1E800] =	vst v63  }
0xa8: {  	_ =	swait.ge [sflag:s31], $0x4000  }
0xa9: {  	[sflag:s31] =	ssyncset.done $0x0  }
0xaa: {  	s13 =	simm.s32 $0x1400;
	[sflag:s31] =	ssyncadd.s32 $0xFFFFC000  }
0xab: {  	[spmem:s1] =	stream.indirect.scatter.add.f32 [tilespmem:s25], [sflag:$0x3], $0x80, s13, s29, $0xb8;
	[tilespmem:$0x1E800] =	vst v63  }
0xac: {  	_ =	swait.ge [sflag:s26], $0x4000  }
0xad: {  	[sflag:s26] =	ssyncset.done $0x0  }
0xae: {  	[sflag:s26] =	ssyncadd.s32 $0xFFFFC000  }
0xaf: {  	_ =	swait.ge [sflag:s0], $0x4000  }
0xb0: {  	[sflag:s0] =	ssyncset.done $0x0  }
0xb1: {  	s14 =	simm.s32 $0x1480;
	[sflag:s0] =	ssyncadd.s32 $0xFFFFC000  }
0xb2: {  	[spmem:s1] =	stream.indirect.scatter.add.f32 [tilespmem:s30], [sflag:$0x3], $0x80, s14, s29, $0xb8;
	[tilespmem:$0x1E800] =	vst v63  }
0xb3: {  	_ =	swait.ge [sflag:s26], $0x4000  }
0xb4: {  	s11 =	simm.s32 $0x400;
	s12 =	simm.s32 $0x800;
	[sflag:s26] =	ssyncset.done $0x0  }
.LBB2_3:
0xb5: {  	s13 =	sshra.s32 s11, $0x2  }
0xb6: {  	[sflag:s26] =	ssyncadd.s32 $0xFFFFC000;
	s11 =	smov.u32 s12;
	s14 =	sadd.s32 $0x400, s12  }
0xb7: {  	[tilespmem:s25], [sflag:$0x1] =	stream.indirect.gather [hbm4b:s4+s29], $0x80, s13, s29, $0xb8;
	[tilespmem:$0x1E800] =	vst v63  }
0xb8: {  	p1 =	sne.s32 s12, $0x4C00;
	s12 =	sadd.s32 $0x80, s13  }
0xb9: {  	[tilespmem:s30], [sflag:$0x2] =	stream.indirect.gather [hbm4b:s4+s29], $0x80, s12, s29, $0xb8;
	[tilespmem:$0x1E800] =	vst v63  }
0xba: {  	_ =	swait.ge [sflag:s31], $0x4000  }
0xbb: {  	[sflag:s31] =	ssyncset.done $0x0  }
0xbc: {  	s12 =	sadd.s32 $0x1400, s13;
	[sflag:s31] =	ssyncadd.s32 $0xFFFFC000  }
0xbd: {  	[spmem:s1] =	stream.indirect.scatter.add.f32 [tilespmem:s25], [sflag:$0x3], $0x80, s12, s29, $0xb8;
	[tilespmem:$0x1E800] =	vst v63  }
0xbe: {  	_ =	swait.ge [sflag:s26], $0x4000  }
0xbf: {  	[sflag:s26] =	ssyncset.done $0x0  }
0xc0: {  	[sflag:s26] =	ssyncadd.s32 $0xFFFFC000  }
0xc1: {  	_ =	swait.ge [sflag:s0], $0x4000  }
.Ltmp5:
0xc2: {  	[sflag:s0] =	ssyncset.done $0x0;
	(pc) =	sbr.rel @p1 .LBB2_3-.Ltmp5, $4  }
0xc3: {  	s12 =	sadd.s32 $0x1480, s13;
	[sflag:s0] =	ssyncadd.s32 $0xFFFFC000  }
0xc4: {  	[spmem:s1] =	stream.indirect.scatter.add.f32 [tilespmem:s30], [sflag:$0x3], $0x80, s12, s29, $0xb8;
	[tilespmem:$0x1E800] =	vst v63  }
0xc5: {  	_ =	swait.ge [sflag:s26], $0x4000  }
0xc6: {  	s12 =	smov.u32 s14;
	[sflag:s26] =	ssyncset.done $0x0  }
0xc7: {  	s11 =	sshra.s32 s11, $0x2;
	[sflag:s26] =	ssyncadd.s32 $0xFFFFC000  }
0xc8: {  	[tilespmem:s25], [sflag:$0x1] =	stream.indirect.gather [hbm4b:s4+s29], $0x80, s11, s29, $0xb8;
	[tilespmem:$0x1E800] =	vst v63  }
0xc9: {  	s12 =	sadd.s32 $0x80, s11  }
0xca: {  	[tilespmem:s30], [sflag:$0x2] =	stream.indirect.gather [hbm4b:s4+s29], $0x80, s12, s29, $0xb8;
	[tilespmem:$0x1E800] =	vst v63  }
0xcb: {  	_ =	swait.ge [sflag:s31], $0x4000  }
0xcc: {  	[sflag:s31] =	ssyncset.done $0x0  }
0xcd: {  	s13 =	sadd.s32 $0x1400, s11;
	[sflag:s31] =	ssyncadd.s32 $0xFFFFC000  }
0xce: {  	[spmem:s1] =	stream.indirect.scatter.add.f32 [tilespmem:s25], [sflag:$0x3], $0x80, s13, s29, $0xb8;
	[tilespmem:$0x1E800] =	vst v63  }
0xcf: {  	_ =	swait.ge [sflag:s26], $0x4000  }
0xd0: {  	[sflag:s26] =	ssyncset.done $0x0  }
0xd1: {  	[sflag:s26] =	ssyncadd.s32 $0xFFFFC000  }
0xd2: {  	_ =	swait.ge [sflag:s0], $0x4000  }
0xd3: {  	[sflag:s0] =	ssyncset.done $0x0  }
0xd4: {  	s11 =	sadd.s32 $0x1480, s11;
	[sflag:s0] =	ssyncadd.s32 $0xFFFFC000  }
0xd5: {  	[spmem:s1] =	stream.indirect.scatter.add.f32 [tilespmem:s30], [sflag:$0x3], $0x80, s11, s29, $0xb8;
	[tilespmem:$0x1E800] =	vst v63  }
0xd6: {  	_ =	swait.ge [sflag:s26], $0x4000  }
0xd7: {  	[sflag:s26] =	ssyncset.done $0x0  }
0xd8: {  	s11 =	simm.s32 $0x0;
	s14 =	rddreg [dreg:$0x5];
	[sflag:s26] =	ssyncadd.s32 $0xFFFFC000  }
0xd9: {  	[tilespmem:s11], [sflag:$0x3] =	stream.linear.gather [hbm4b:s14+s11], $0x1400, $0x38;
	[tilespmem:$0x1E800] =	vst v63  }
0xda: {  	_ =	swait.ge [sflag:s26], $0x1400  }
0xdb: {  	[sflag:s26] =	ssyncset.done $0x0  }
0xdc: {  	s13 =	rddreg [dreg:$0x6];
	[sflag:s26] =	ssyncadd.s32 $0xFFFFEC00  }
0xdd: {  	[tilespmem:s28], [sflag:$0x3] =	stream.linear.gather [hbm4b:s13+s11], $0x1400, $0x38;
	[tilespmem:$0x1E800] =	vst v63  }
0xde: {  	_ =	swait.ge [sflag:s26], $0x1400  }
0xdf: {  	[sflag:s26] =	ssyncset.done $0x0  }
0xe0: {  	s14 =	simm.s32 $0x0;
	[sflag:s26] =	ssyncadd.s32 $0xFFFFEC00  }
0xe1: {  	[tilespmem:s25], [sflag:$0x1] =	stream.indirect.gather [hbm4b:s4+s29], $0x80, s14, s29, $0xb8;
	[tilespmem:$0x1E800] =	vst v63  }
0xe2: {  	s12 =	simm.s32 $0x80  }
0xe3: {  	[tilespmem:s30], [sflag:$0x2] =	stream.indirect.gather [hbm4b:s4+s29], $0x80, s12, s29, $0xb8;
	[tilespmem:$0x1E800] =	vst v63  }
0xe4: {  	_ =	swait.ge [sflag:s31], $0x4000  }
0xe5: {  	[sflag:s31] =	ssyncset.done $0x0  }
0xe6: {  	s13 =	simm.s32 $0x1400;
	[sflag:s31] =	ssyncadd.s32 $0xFFFFC000  }
0xe7: {  	[spmem:s1] =	stream.indirect.scatter.add.f32 [tilespmem:s25], [sflag:$0x3], $0x80, s13, s29, $0xb8;
	[tilespmem:$0x1E800] =	vst v63  }
0xe8: {  	_ =	swait.ge [sflag:s26], $0x4000  }
0xe9: {  	[sflag:s26] =	ssyncset.done $0x0  }
0xea: {  	[sflag:s26] =	ssyncadd.s32 $0xFFFFC000  }
0xeb: {  	_ =	swait.ge [sflag:s0], $0x4000  }
0xec: {  	[sflag:s0] =	ssyncset.done $0x0  }
0xed: {  	s14 =	simm.s32 $0x1480;
	[sflag:s0] =	ssyncadd.s32 $0xFFFFC000  }
0xee: {  	[spmem:s1] =	stream.indirect.scatter.add.f32 [tilespmem:s30], [sflag:$0x3], $0x80, s14, s29, $0xb8;
	[tilespmem:$0x1E800] =	vst v63  }
0xef: {  	_ =	swait.ge [sflag:s26], $0x4000  }
0xf0: {  	s11 =	simm.s32 $0x400;
	s12 =	simm.s32 $0x800;
	[sflag:s26] =	ssyncset.done $0x0  }
.LBB2_5:
0xf1: {  	s13 =	sshra.s32 s11, $0x2  }
0xf2: {  	[sflag:s26] =	ssyncadd.s32 $0xFFFFC000;
	s11 =	smov.u32 s12;
	s14 =	sadd.s32 $0x400, s12  }
0xf3: {  	[tilespmem:s25], [sflag:$0x1] =	stream.indirect.gather [hbm4b:s4+s29], $0x80, s13, s29, $0xb8;
	[tilespmem:$0x1E800] =	vst v63  }
0xf4: {  	p1 =	sne.s32 s12, $0x4C00;
	s12 =	sadd.s32 $0x80, s13  }
0xf5: {  	[tilespmem:s30], [sflag:$0x2] =	stream.indirect.gather [hbm4b:s4+s29], $0x80, s12, s29, $0xb8;
	[tilespmem:$0x1E800] =	vst v63  }
0xf6: {  	_ =	swait.ge [sflag:s31], $0x4000  }
0xf7: {  	[sflag:s31] =	ssyncset.done $0x0  }
0xf8: {  	s12 =	sadd.s32 $0x1400, s13;
	[sflag:s31] =	ssyncadd.s32 $0xFFFFC000  }
0xf9: {  	[spmem:s1] =	stream.indirect.scatter.add.f32 [tilespmem:s25], [sflag:$0x3], $0x80, s12, s29, $0xb8;
	[tilespmem:$0x1E800] =	vst v63  }
0xfa: {  	_ =	swait.ge [sflag:s26], $0x4000  }
0xfb: {  	[sflag:s26] =	ssyncset.done $0x0  }
0xfc: {  	[sflag:s26] =	ssyncadd.s32 $0xFFFFC000  }
0xfd: {  	_ =	swait.ge [sflag:s0], $0x4000  }
.Ltmp6:
0xfe: {  	[sflag:s0] =	ssyncset.done $0x0;
	(pc) =	sbr.rel @p1 .LBB2_5-.Ltmp6, $4  }
0xff: {  	s12 =	sadd.s32 $0x1480, s13;
	[sflag:s0] =	ssyncadd.s32 $0xFFFFC000  }
0x100: {  	[spmem:s1] =	stream.indirect.scatter.add.f32 [tilespmem:s30], [sflag:$0x3], $0x80, s12, s29, $0xb8;
	[tilespmem:$0x1E800] =	vst v63  }
0x101: {  	_ =	swait.ge [sflag:s26], $0x4000  }
0x102: {  	s12 =	smov.u32 s14;
	[sflag:s26] =	ssyncset.done $0x0  }
0x103: {  	s11 =	sshra.s32 s11, $0x2;
	[sflag:s26] =	ssyncadd.s32 $0xFFFFC000  }
0x104: {  	[tilespmem:s25], [sflag:$0x1] =	stream.indirect.gather [hbm4b:s4+s29], $0x80, s11, s29, $0xb8;
	[tilespmem:$0x1E800] =	vst v63  }
0x105: {  	s12 =	sadd.s32 $0x80, s11  }
0x106: {  	[tilespmem:s30], [sflag:$0x2] =	stream.indirect.gather [hbm4b:s4+s29], $0x80, s12, s29, $0xb8;
	[tilespmem:$0x1E800] =	vst v63  }
0x107: {  	_ =	swait.ge [sflag:s31], $0x4000  }
0x108: {  	[sflag:s31] =	ssyncset.done $0x0  }
0x109: {  	s14 =	sadd.s32 $0x1400, s11;
	[sflag:s31] =	ssyncadd.s32 $0xFFFFC000  }
0x10a: {  	[spmem:s1] =	stream.indirect.scatter.add.f32 [tilespmem:s25], [sflag:$0x3], $0x80, s14, s29, $0xb8;
	[tilespmem:$0x1E800] =	vst v63  }
0x10b: {  	_ =	swait.ge [sflag:s26], $0x4000  }
0x10c: {  	[sflag:s26] =	ssyncset.done $0x0  }
0x10d: {  	[sflag:s26] =	ssyncadd.s32 $0xFFFFC000  }
0x10e: {  	_ =	swait.ge [sflag:s0], $0x4000  }
0x10f: {  	[sflag:s0] =	ssyncset.done $0x0  }
0x110: {  	s11 =	sadd.s32 $0x1480, s11;
	[sflag:s0] =	ssyncadd.s32 $0xFFFFC000  }
0x111: {  	[spmem:s1] =	stream.indirect.scatter.add.f32 [tilespmem:s30], [sflag:$0x3], $0x80, s11, s29, $0xb8;
	[tilespmem:$0x1E800] =	vst v63  }
0x112: {  	_ =	swait.ge [sflag:s26], $0x4000  }
0x113: {  	[sflag:s26] =	ssyncset.done $0x0  }
0x114: {  	s13 =	simm.s32 $0x0;
	[sflag:s26] =	ssyncadd.s32 $0xFFFFC000  }
0x115: {  	[tilespmem:s13], [sflag:$0x3] =	stream.linear.gather [hbm4b:s15+s13], $0x1400, $0x38;
	[tilespmem:$0x1E800] =	vst v63  }
0x116: {  	_ =	swait.ge [sflag:s26], $0x1400  }
0x117: {  	[sflag:s26] =	ssyncset.done $0x0  }
0x118: {  	[sflag:s26] =	ssyncadd.s32 $0xFFFFEC00  }
0x119: {  	[tilespmem:s28], [sflag:$0x3] =	stream.linear.gather [hbm4b:s16+s13], $0x1400, $0x38;
	[tilespmem:$0x1E800] =	vst v63  }
0x11a: {  	_ =	swait.ge [sflag:s26], $0x1400  }
0x11b: {  	[sflag:s26] =	ssyncset.done $0x0  }
0x11c: {  	s14 =	simm.s32 $0x0;
	[sflag:s26] =	ssyncadd.s32 $0xFFFFEC00  }
0x11d: {  	[tilespmem:s25], [sflag:$0x1] =	stream.indirect.gather [hbm4b:s4+s29], $0x80, s14, s29, $0xb8;
	[tilespmem:$0x1E800] =	vst v63  }
0x11e: {  	s12 =	simm.s32 $0x80  }
0x11f: {  	[tilespmem:s30], [sflag:$0x2] =	stream.indirect.gather [hbm4b:s4+s29], $0x80, s12, s29, $0xb8;
	[tilespmem:$0x1E800] =	vst v63  }
0x120: {  	_ =	swait.ge [sflag:s31], $0x4000  }
0x121: {  	[sflag:s31] =	ssyncset.done $0x0  }
0x122: {  	s13 =	simm.s32 $0x1400;
	[sflag:s31] =	ssyncadd.s32 $0xFFFFC000  }
0x123: {  	[spmem:s1] =	stream.indirect.scatter.add.f32 [tilespmem:s25], [sflag:$0x3], $0x80, s13, s29, $0xb8;
	[tilespmem:$0x1E800] =	vst v63  }
0x124: {  	_ =	swait.ge [sflag:s26], $0x4000  }
0x125: {  	[sflag:s26] =	ssyncset.done $0x0  }
0x126: {  	[sflag:s26] =	ssyncadd.s32 $0xFFFFC000  }
0x127: {  	_ =	swait.ge [sflag:s0], $0x4000  }
0x128: {  	[sflag:s0] =	ssyncset.done $0x0  }
0x129: {  	s14 =	simm.s32 $0x1480;
	[sflag:s0] =	ssyncadd.s32 $0xFFFFC000  }
0x12a: {  	[spmem:s1] =	stream.indirect.scatter.add.f32 [tilespmem:s30], [sflag:$0x3], $0x80, s14, s29, $0xb8;
	[tilespmem:$0x1E800] =	vst v63  }
0x12b: {  	_ =	swait.ge [sflag:s26], $0x4000  }
0x12c: {  	s11 =	simm.s32 $0x400;
	s12 =	simm.s32 $0x800;
	[sflag:s26] =	ssyncset.done $0x0  }
.LBB2_7:
0x12d: {  	s13 =	sshra.s32 s11, $0x2  }
0x12e: {  	[sflag:s26] =	ssyncadd.s32 $0xFFFFC000;
	s11 =	smov.u32 s12;
	s14 =	sadd.s32 $0x400, s12  }
0x12f: {  	[tilespmem:s25], [sflag:$0x1] =	stream.indirect.gather [hbm4b:s4+s29], $0x80, s13, s29, $0xb8;
	[tilespmem:$0x1E800] =	vst v63  }
0x130: {  	p1 =	seq.s32 s12, $0x4C00;
	s12 =	sadd.s32 $0x80, s13  }
0x131: {  	[tilespmem:s30], [sflag:$0x2] =	stream.indirect.gather [hbm4b:s4+s29], $0x80, s12, s29, $0xb8;
	[tilespmem:$0x1E800] =	vst v63  }
0x132: {  	_ =	swait.ge [sflag:s31], $0x4000  }
0x133: {  	[sflag:s31] =	ssyncset.done $0x0  }
0x134: {  	s12 =	sadd.s32 $0x1400, s13;
	[sflag:s31] =	ssyncadd.s32 $0xFFFFC000  }
0x135: {  	[spmem:s1] =	stream.indirect.scatter.add.f32 [tilespmem:s25], [sflag:$0x3], $0x80, s12, s29, $0xb8;
	[tilespmem:$0x1E800] =	vst v63  }
0x136: {  	_ =	swait.ge [sflag:s26], $0x4000  }
0x137: {  	[sflag:s26] =	ssyncset.done $0x0  }
0x138: {  	[sflag:s26] =	ssyncadd.s32 $0xFFFFC000  }
0x139: {  	_ =	swait.ge [sflag:s0], $0x4000  }
.Ltmp7:
0x13a: {  	[sflag:s0] =	ssyncset.done $0x0;
	(pc) =	sbr.rel @!p1 .LBB2_7-.Ltmp7, $4  }
0x13b: {  	s12 =	sadd.s32 $0x1480, s13;
	[sflag:s0] =	ssyncadd.s32 $0xFFFFC000  }
0x13c: {  	[spmem:s1] =	stream.indirect.scatter.add.f32 [tilespmem:s30], [sflag:$0x3], $0x80, s12, s29, $0xb8;
	[tilespmem:$0x1E800] =	vst v63  }
0x13d: {  	_ =	swait.ge [sflag:s26], $0x4000  }
0x13e: {  	s12 =	smov.u32 s14;
	[sflag:s26] =	ssyncset.done $0x0  }
0x13f: {  	s11 =	sshra.s32 s11, $0x2;
	[sflag:s26] =	ssyncadd.s32 $0xFFFFC000  }
0x140: {  	[tilespmem:s25], [sflag:$0x1] =	stream.indirect.gather [hbm4b:s4+s29], $0x80, s11, s29, $0xb8;
	[tilespmem:$0x1E800] =	vst v63  }
0x141: {  	s12 =	sadd.s32 $0x80, s11  }
0x142: {  	[tilespmem:s30], [sflag:$0x2] =	stream.indirect.gather [hbm4b:s4+s29], $0x80, s12, s29, $0xb8;
	[tilespmem:$0x1E800] =	vst v63  }
0x143: {  	_ =	swait.ge [sflag:s31], $0x4000  }
0x144: {  	[sflag:s31] =	ssyncset.done $0x0  }
0x145: {  	s14 =	sadd.s32 $0x1400, s11;
	[sflag:s31] =	ssyncadd.s32 $0xFFFFC000  }
0x146: {  	[spmem:s1] =	stream.indirect.scatter.add.f32 [tilespmem:s25], [sflag:$0x3], $0x80, s14, s29, $0xb8;
	[tilespmem:$0x1E800] =	vst v63  }
0x147: {  	_ =	swait.ge [sflag:s26], $0x4000  }
0x148: {  	[sflag:s26] =	ssyncset.done $0x0  }
0x149: {  	[sflag:s26] =	ssyncadd.s32 $0xFFFFC000  }
0x14a: {  	_ =	swait.ge [sflag:s0], $0x4000  }
0x14b: {  	[sflag:s0] =	ssyncset.done $0x0  }
.Ltmp8:
0x14c: {  	s11 =	sadd.s32 $0x1480, s11;
	[sflag:s0] =	ssyncadd.s32 $0xFFFFC000;
	(pc) =	sbr.rel .LBB2_12-.Ltmp8, $4  }
0x14d: {  	[spmem:s1] =	stream.indirect.scatter.add.f32 [tilespmem:s30], [sflag:$0x3], $0x80, s11, s29, $0xb8;
	[tilespmem:$0x1E800] =	vst v63  }
0x14e: {  	_ =	swait.ge [sflag:s26], $0x4000  }
0x14f: {  	[sflag:s26] =	ssyncset.done $0x0  }
0x150: {  	[sflag:s26] =	ssyncadd.s32 $0xFFFFC000  }
.LBB2_13:
0x151: {  	_ =	sfence.sel $0x180000  }
0x152: {  	[bflag:$0x0] =	sbarrier.arrive $0xFFFF  }
0x153: {  	_ =	strace $0x9000004A  }
0x154: {  	s0 =	stileid.u32;
	[bflag:$0x2] =	sbarrier.arrive $0xFFFF  }
0x155: {  	p0 =	sne.s32 s0, $0x0;
	s0 =	rddreg [dreg:$0x2]  }
0x156: {  	s0 =	sadd.s32 @!p0 $0x100000, s0  }
0x157: {  	[sflag:s0] =	ssyncadd.tile.s32 @!p0 $0x1;
	_ =	shalt  }
.Lfunc_end2:
_tile_overlayer_lowered:
.L_overlay_start_2:
0x158: {  	(tag) =	ssettag $0x2  }
0x159: {  	s0 =	rddreg [dreg:$0x0];
	s2 =	stileid.u32  }
0x15a: {  	s1 =	rddreg [dreg:$0x1];
	p0 =	sne.s32 s2, $0x0  }
0x15b: {  	s3 =	rddreg [dreg:$0x2];
	[bflag:$0x3] =	sbarrier.arrive $0xFFFF;
	s2 =	simm.s32 @!p0 $0x1C03  }
0x15c: {  	[timem:s3], [sflag:s2] =	dma.local @!p0 [hbm:s0], s1  }
0x15d: {  	s0 =	simm.s32 @!p0 $0x3  }
0x15e: {  	_ =	swait.ge @!p0 [sflag:s0], s1  }
0x15f: {  	s1 =	ssub.s32 @!p0 $0x0, s1;
	[sflag:s0] =	ssyncset.done @!p0 $0x0  }
0x160: {  	[sflag:s0] =	ssyncadd.s32 @!p0 s1  }
0x161: {  	[bflag:$0x3] =	sbarrier.arrive $0xFFFF  }
0x162: {  	_ =	shalt  }

</sc_bundles>
